<compile_context>
chip_gen: v7x
topology: tpu7x:2x2x1
jax: 0.10.2.dev20260603
libtpu: 0.0.44.dev20260713+nightly
codegen_flags: <defaults>
</compile_context>

<pallas_src>
import functools
import jax
import jax.numpy as jnp
from jax import lax
from jax.experimental import pallas as pl
from jax.experimental.pallas import tpu as pltpu
from jax.experimental.pallas import tpu_sc as plsc

NN = 10000
EE = 320000
DD = 128
HH = 256
NP = 10240
NB = NP // 128
NC = 2
NS = 16
NT = NC * NS
CH = 128
EPT = ((EE + NT - 1) // NT + CH - 1) // CH * CH
EP = EPT * NT
NCHUNK = EPT // CH
RPT = NP // NS
NCH0 = 96
NCH1 = 2 * NCHUNK - NCH0
NCHMAX = max(NCH0, NCH1)
CACC = 1152

_f32 = jnp.float32
_i32 = jnp.int32

@functools.cache
def _sc_mesh():
    return plsc.VectorSubcoreMesh(core_axis_name="c", subcore_axis_name="s",
                                  num_cores=NC, num_subcores=NS)


def _tile_ids():
    return lax.axis_index("c"), lax.axis_index("s")


def _fill_f32(ref, n, value):
    def body(i, _):
        ref[pl.ds(i * 16, 16)] = jnp.full((16,), value, _f32)
        return 0
    lax.fori_loop(0, n // 16, body, 0)


def _fill_i32(ref, n, value):
    def body(i, _):
        ref[pl.ds(i * 16, 16)] = jnp.full((16,), value, _i32)
        return 0
    lax.fori_loop(0, n // 16, body, 0)


def _k1_body(src_hbm, dst_hbm, out_hbm, ones_v, sidx_v, didx_v, zero_v,
             semo, semi, acc_o, acc_i):
    c, s = _tile_ids()
    tid = c * NS + s
    _fill_f32(zero_v, RPT, 0.0)
    pltpu.sync_copy(zero_v, acc_o.at[pl.ds(s * RPT, RPT)])
    pltpu.sync_copy(zero_v, acc_i.at[pl.ds(s * RPT, RPT)])
    _fill_f32(ones_v, CH, 1.0)
    pltpu.sync_copy(src_hbm.at[tid], sidx_v)
    pltpu.sync_copy(dst_hbm.at[tid], didx_v)
    plsc.subcore_barrier()

    def chunk(k, _):
        pltpu.async_copy(ones_v, acc_o.at[sidx_v.at[k]], semo, add=True)
        pltpu.async_copy(ones_v, acc_i.at[didx_v.at[k]], semi, add=True)
        return 0

    lax.fori_loop(0, NCHUNK, chunk, 0)

    def drain(k, _):
        pltpu.make_async_copy(ones_v, acc_o.at[sidx_v.at[k]], semo).wait()
        pltpu.make_async_copy(ones_v, acc_i.at[didx_v.at[k]], semi).wait()
        return 0

    lax.fori_loop(0, NCHUNK, drain, 0)
    plsc.subcore_barrier()
    pltpu.sync_copy(acc_o.at[pl.ds(s * RPT, RPT)],
                    out_hbm.at[c, 0, pl.ds(s * RPT, RPT)])
    pltpu.sync_copy(acc_i.at[pl.ds(s * RPT, RPT)],
                    out_hbm.at[c, 1, pl.ds(s * RPT, RPT)])


@functools.cache
def _k1():
  return pl.kernel(
    _k1_body,
    out_type=jax.ShapeDtypeStruct((NC, 2, NP), _f32),
    mesh=_sc_mesh(),
    compiler_params=pltpu.CompilerParams(needs_layout_passes=False),
    scratch_types=[
        pltpu.VMEM((CH,), _f32),
        pltpu.VMEM((NCHUNK, CH), _i32),
        pltpu.VMEM((NCHUNK, CH), _i32),
        pltpu.VMEM((RPT,), _f32),
        pltpu.SemaphoreType.DMA,
        pltpu.SemaphoreType.DMA,
        pltpu.VMEM_SHARED((NP,), _f32),
        pltpu.VMEM_SHARED((NP,), _f32),
    ],
)


def _k3_body(src_hbm, dst_hbm, xs_hbm, out_hbm, sidx_v, didx_v, rows_v,
             semg, semd, semsc, agg_s):
    c, s = _tile_ids()
    tid = c * NS + s
    ncht = jnp.where(c == 0, NCH0, NCH1)
    pltpu.sync_copy(src_hbm.at[tid], sidx_v)

    def zfill(i, _):
        for j in range(8):
            rows_v[0, i, pl.ds(j * 16, 16)] = jnp.zeros((16,), _f32)
        return 0

    lax.fori_loop(0, 128, zfill, 0)

    def zcopy(r, _):
        pltpu.sync_copy(rows_v.at[0], agg_s.at[pl.ds(s * RPT + r * 128, 128)])
        return 0

    lax.fori_loop(0, RPT // 128, zcopy, 0)
    plsc.subcore_barrier()

    pltpu.async_copy(dst_hbm.at[tid, 0], didx_v.at[0], semd)
    pltpu.async_copy(xs_hbm.at[sidx_v.at[0]], rows_v.at[0], semg)

    def chunk(k, _):
        @pl.when(k < ncht)
        def _():
            @pl.when(k >= 2)
            def _():
                pltpu.make_async_copy(
                    rows_v.at[k % 2], agg_s.at[didx_v.at[k % 2]],
                    semsc).wait()
            pltpu.async_copy(dst_hbm.at[tid, k], didx_v.at[k % 2], semd)
            pltpu.async_copy(xs_hbm.at[sidx_v.at[k]], rows_v.at[k % 2], semg)
        pltpu.make_async_copy(xs_hbm.at[sidx_v.at[k - 1]],
                              rows_v.at[(k - 1) % 2], semg).wait()
        pltpu.make_async_copy(dst_hbm.at[tid, k - 1],
                              didx_v.at[(k - 1) % 2], semd).wait()
        pltpu.async_copy(rows_v.at[(k - 1) % 2],
                         agg_s.at[didx_v.at[(k - 1) % 2]], semsc, add=True)
        return 0

    lax.fori_loop(1, ncht + 1, chunk, 0)
    pltpu.make_async_copy(rows_v.at[(ncht - 2) % 2],
                          agg_s.at[didx_v.at[(ncht - 2) % 2]], semsc).wait()
    pltpu.make_async_copy(rows_v.at[(ncht - 1) % 2],
                          agg_s.at[didx_v.at[(ncht - 1) % 2]], semsc).wait()
    plsc.subcore_barrier()
    pltpu.sync_copy(agg_s.at[pl.ds(s * RPT, RPT)],
                    out_hbm.at[c, pl.ds(s * RPT, RPT)])


@functools.cache
def _k3():
  return pl.kernel(
    _k3_body,
    out_type=jax.ShapeDtypeStruct((NC, NP, DD), _f32),
    mesh=_sc_mesh(),
    compiler_params=pltpu.CompilerParams(needs_layout_passes=False),
    scratch_types=[
        pltpu.VMEM((NCHMAX, CH), _i32),
        pltpu.VMEM((2, CH), _i32),
        pltpu.VMEM((2, CH, DD), _f32),
        pltpu.SemaphoreType.DMA,
        pltpu.SemaphoreType.DMA,
        pltpu.SemaphoreType.DMA,
        pltpu.VMEM_SHARED((NP, DD), _f32),
    ],
)


def _k5_body(src_hbm, dst_hbm, s_hbm, out_hbm, s_tab, sidx_v, didx_v,
             vals_v, zero_v, sem, acc):
    c, s = _tile_ids()
    tid = c * NS + s
    _fill_f32(zero_v, RPT, 0.0)
    pltpu.sync_copy(zero_v, acc.at[pl.ds(s * RPT, RPT)])
    pltpu.sync_copy(s_hbm, s_tab)
    pltpu.sync_copy(src_hbm.at[tid], sidx_v)
    pltpu.sync_copy(dst_hbm.at[tid], didx_v)

    def gath(i, _):
        k = i // (CH // 16)
        j = i % (CH // 16)
        sv = sidx_v[k, pl.ds(j * 16, 16)]
        vals_v[k, pl.ds(j * 16, 16)] = plsc.load_gather(s_tab, [sv])
        return 0

    lax.fori_loop(0, EPT // 16, gath, 0)
    plsc.subcore_barrier()

    def chunk(k, _):
        pltpu.async_copy(vals_v.at[k], acc.at[didx_v.at[k]], sem, add=True)
        return 0

    lax.fori_loop(0, NCHUNK, chunk, 0)

    def drain(k, _):
        pltpu.make_async_copy(vals_v.at[k], acc.at[didx_v.at[k]], sem).wait()
        return 0

    lax.fori_loop(0, NCHUNK, drain, 0)
    plsc.subcore_barrier()
    pltpu.sync_copy(acc.at[pl.ds(s * RPT, RPT)],
                    out_hbm.at[c, pl.ds(s * RPT, RPT)])


@functools.cache
def _k5():
  return pl.kernel(
    _k5_body,
    out_type=jax.ShapeDtypeStruct((NC, NP), _f32),
    mesh=_sc_mesh(),
    compiler_params=pltpu.CompilerParams(needs_layout_passes=False),
    scratch_types=[
        pltpu.VMEM((NP,), _f32),
        pltpu.VMEM((NCHUNK, CH), _i32),
        pltpu.VMEM((NCHUNK, CH), _i32),
        pltpu.VMEM((NCHUNK, CH), _f32),
        pltpu.VMEM((RPT,), _f32),
        pltpu.SemaphoreType.DMA,
        pltpu.VMEM_SHARED((NP,), _f32),
    ],
)


def _k7_body(idx32_hbm, src_hbm, dst_hbm, agg0_hbm, agg1_hbm, nd_hbm, ns_hbm,
             c_out, agg32_out, nd32_out, ns32_out,
             map_tab, val_tab, idx32_v, idxs_v, idxd_v, cidx_v, ones_v,
             zero_v, rows32_v, vec32_v, sem, sem2, cacc):
    c, s = _tile_ids()
    _fill_f32(zero_v, CACC, 0.0)
    _fill_f32(ones_v, CH, 1.0)

    @pl.when(s == 0)
    def _():
        pltpu.sync_copy(zero_v, cacc)

    _fill_i32(map_tab, NP, 32)
    pltpu.sync_copy(idx32_hbm, idx32_v)
    for j in range(2):
        iv = idx32_v[pl.ds(j * 16, 16)]
        plsc.store_scatter(map_tab, [iv],
                           lax.iota(_i32, 16) + jnp.int32(j * 16))
    tid = c * NS + s
    pltpu.sync_copy(src_hbm.at[tid], idxs_v)
    pltpu.sync_copy(dst_hbm.at[tid], idxd_v)

    def cchunk(k, nfired):
        def gath(j, cnt):
            s16 = idxs_v[k, pl.ds(j * 16, 16)]
            d16 = idxd_v[k, pl.ds(j * 16, 16)]
            ms = plsc.load_gather(map_tab, [s16])
            md = plsc.load_gather(map_tab, [d16])
            valid = (ms < 32) & (md < 32)
            dump = jnp.int32(1024 + j * 16) + lax.iota(_i32, 16)
            flat = jnp.where(valid, ms * 32 + md, dump)
            cidx_v[k, pl.ds(j * 16, 16)] = flat
            return cnt + jnp.sum(valid.astype(_i32))

        nval = lax.fori_loop(0, CH // 16, gath, jnp.int32(0))

        @pl.when(nval > 0)
        def _():
            pltpu.async_copy(ones_v, cacc.at[cidx_v.at[k]], sem2, add=True)

        return nfired + jnp.where(nval > 0, 1, 0)

    nfired = lax.fori_loop(0, NCHUNK, cchunk, jnp.int32(0))

    def drain(k, _):
        @pl.when(k < nfired)
        def _():
            pltpu.make_async_copy(ones_v, cacc.at[cidx_v.at[0]], sem2).wait()
        return 0

    lax.fori_loop(0, NCHUNK, drain, 0)
    plsc.subcore_barrier()

    @pl.when(s == 0)
    def _():
        pltpu.sync_copy(cacc.at[pl.ds(0, 1024)], c_out.at[c])

    @pl.when((c == 0) & (s == 4))
    def _():
        pltpu.async_copy(agg0_hbm.at[idx32_v], rows32_v, sem).wait()
        pltpu.sync_copy(rows32_v, agg32_out.at[0])

    @pl.when((c == 0) & (s == 5))
    def _():
        pltpu.async_copy(agg1_hbm.at[idx32_v], rows32_v, sem).wait()
        pltpu.sync_copy(rows32_v, agg32_out.at[1])

    @pl.when((c == 0) & (s == 6))
    def _():
        pltpu.sync_copy(nd_hbm, val_tab)
        for j in range(2):
            iv = idx32_v[pl.ds(j * 16, 16)]
            vec32_v[pl.ds(j * 16, 16)] = plsc.load_gather(val_tab, [iv])
        pltpu.sync_copy(vec32_v, nd32_out)

    @pl.when((c == 0) & (s == 7))
    def _():
        pltpu.sync_copy(ns_hbm, val_tab)
        for j in range(2):
            iv = idx32_v[pl.ds(j * 16, 16)]
            vec32_v[pl.ds(j * 16, 16)] = plsc.load_gather(val_tab, [iv])
        pltpu.sync_copy(vec32_v, ns32_out)


@functools.cache
def _k7():
  return pl.kernel(
    _k7_body,
    out_type=(
        jax.ShapeDtypeStruct((NC, 1024), _f32),
        jax.ShapeDtypeStruct((2, 32, DD), _f32),
        jax.ShapeDtypeStruct((32,), _f32),
        jax.ShapeDtypeStruct((32,), _f32),
    ),
    mesh=_sc_mesh(),
    compiler_params=pltpu.CompilerParams(needs_layout_passes=False),
    scratch_types=[
        pltpu.VMEM((NP,), _i32),
        pltpu.VMEM((NP,), _f32),
        pltpu.VMEM((32,), _i32),
        pltpu.VMEM((NCHUNK, CH), _i32),
        pltpu.VMEM((NCHUNK, CH), _i32),
        pltpu.VMEM((NCHUNK, CH), _i32),
        pltpu.VMEM((CH,), _f32),
        pltpu.VMEM((CACC,), _f32),
        pltpu.VMEM((32, DD), _f32),
        pltpu.VMEM((32,), _f32),
        pltpu.SemaphoreType.DMA,
        pltpu.SemaphoreType.DMA,
        pltpu.VMEM_SHARED((CACC,), _f32),
    ],
)


def _leaky(z):
    return jnp.where(z >= 0, z, 0.01 * z)


def _k2_body(degh_ref, x_ref, xs_ref, ns_ref, nd_ref):
    dh = degh_ref[...]
    dego = dh[0, 0] + dh[1, 0]
    degi = dh[0, 1] + dh[1, 1]
    ns = lax.rsqrt(jnp.maximum(dego, 1.0))
    nd = lax.rsqrt(jnp.maximum(degi, 1.0))
    xs_ref[...] = x_ref[...] * ns
    ns_ref[...] = ns
    nd_ref[...] = nd


_k2 = pl.pallas_call(
    _k2_body,
    grid=(NB,),
    in_specs=[
        pl.BlockSpec((NC, 2, 128, 1), lambda i: (0, 0, i, 0)),
        pl.BlockSpec((128, DD), lambda i: (i, 0)),
    ],
    out_specs=[
        pl.BlockSpec((128, DD), lambda i: (i, 0)),
        pl.BlockSpec((128, 1), lambda i: (i, 0)),
        pl.BlockSpec((128, 1), lambda i: (i, 0)),
    ],
    out_shape=[
        jax.ShapeDtypeStruct((NP, DD), _f32),
        jax.ShapeDtypeStruct((NP, 1), _f32),
        jax.ShapeDtypeStruct((NP, 1), _f32),
    ],
)


def _k4_body(agg_ref, nd_ref, ns_ref, w1_ref, b1_ref, s1_ref, s_ref):
    a = agg_ref[0] + agg_ref[1]
    z = jnp.dot(a * nd_ref[...], w1_ref[...],
                preferred_element_type=_f32) + b1_ref[...]
    h = _leaky(z)
    s_ref[...] = ns_ref[...] * jnp.dot(h, s1_ref[...],
                                       preferred_element_type=_f32)


_k4 = pl.pallas_call(
    _k4_body,
    grid=(NB,),
    in_specs=[
        pl.BlockSpec((NC, 128, DD), lambda i: (0, i, 0)),
        pl.BlockSpec((128, 1), lambda i: (i, 0)),
        pl.BlockSpec((128, 1), lambda i: (i, 0)),
        pl.BlockSpec((DD, HH), lambda i: (0, 0)),
        pl.BlockSpec((1, HH), lambda i: (0, 0)),
        pl.BlockSpec((HH, 1), lambda i: (0, 0)),
    ],
    out_specs=pl.BlockSpec((128, 1), lambda i: (i, 0)),
    out_shape=jax.ShapeDtypeStruct((NP, 1), _f32),
)


def _k6_body(shist_ref, nd_ref, sb1_ref, topi_ref, topv_ref):
    sh = shist_ref[...]
    sc = (sh[0] + sh[1]) * nd_ref[...] + sb1_ref[0, 0]
    flat = (lax.broadcasted_iota(_i32, (NB, 128), 0) * 128
            + lax.broadcasted_iota(_i32, (NB, 128), 1))
    sc = jnp.where(flat < NN, sc, -jnp.inf)
    lane = lax.broadcasted_iota(_i32, (1, 128), 1)

    def step(j, carry):
        scv, iv, vv = carry
        m = jnp.max(scv)
        am = jnp.min(jnp.where(scv == m, flat, jnp.int32(2 ** 30)))
        iv = jnp.where(lane == j, am, iv)
        vv = jnp.where(lane == j, m, vv)
        scv = jnp.where(flat == am, -jnp.inf, scv)
        return scv, iv, vv

    _, iv, vv = lax.fori_loop(
        0, 32, step,
        (sc, jnp.zeros((1, 128), _i32), jnp.zeros((1, 128), _f32)))
    topi_ref[...] = iv
    topv_ref[...] = vv


_k6 = pl.pallas_call(
    _k6_body,
    out_shape=[
        jax.ShapeDtypeStruct((1, 128), _i32),
        jax.ShapeDtypeStruct((1, 128), _f32),
    ],
)


def _topk_small(score_col, n, k):
    rid = lax.broadcasted_iota(_i32, (n, 1), 0)
    rowk = lax.broadcasted_iota(_i32, (k, n), 0)
    colk = lax.broadcasted_iota(_i32, (k, n), 1)
    rowk1 = lax.broadcasted_iota(_i32, (k, 1), 0)
    P = jnp.zeros((k, n), _f32)
    tv = jnp.zeros((k, 1), _f32)
    sc = score_col
    for j in range(k):
        m = jnp.max(sc)
        am = jnp.min(jnp.where(sc == m, rid, jnp.int32(2 ** 30)))
        P = jnp.where((rowk == j) & (colk == am), 1.0, P)
        tv = jnp.where(rowk1 == j, m, tv)
        sc = jnp.where(rid == am, -jnp.inf, sc)
    return P, tv


def _colsum(Cm, n):
    ones = jnp.ones((n, 1), _f32)
    return lax.dot_general(Cm, ones, (((0,), (0,)), ((), ())),
                           preferred_element_type=_f32)


def _k8_body(cp_ref, agg32_ref, nd32_ref, ns32_ref, topv32_ref,
             w1_ref, b1_ref, w2_ref, b2_ref, w3_ref, b3_ref,
             s2_ref, sb2_ref, s3_ref, sb3_ref,
             wd1_ref, bd1_ref, wd2_ref, bd2_ref, out_ref):
    C = cp_ref[0] + cp_ref[1]
    agg32 = agg32_ref[0] + agg32_ref[1]
    nd32 = nd32_ref[...]
    ns32 = ns32_ref[...]

    h1 = _leaky(jnp.dot(agg32 * nd32, w1_ref[...],
                        preferred_element_type=_f32) + b1_ref[...])
    x1 = h1 * jnp.tanh(topv32_ref[...])
    r1 = jnp.concatenate(
        [jnp.sum(x1, axis=0, keepdims=True),
         jnp.max(x1, axis=0, keepdims=True)], axis=1)

    def level(xk, Cm, n, k, W, b, S, sb):
        dego = jnp.sum(Cm, axis=1, keepdims=True)
        degi = _colsum(Cm, n)
        ns_ = lax.rsqrt(jnp.maximum(dego, 1.0))
        nd_ = lax.rsqrt(jnp.maximum(degi, 1.0))
        agg = lax.dot_general(Cm, xk * ns_, (((0,), (0,)), ((), ())),
                              preferred_element_type=_f32) * nd_
        h = _leaky(jnp.dot(agg, W, preferred_element_type=_f32) + b)
        s_node = ns_ * jnp.dot(h, S, preferred_element_type=_f32)
        score = nd_ * lax.dot_general(Cm, s_node, (((0,), (0,)), ((), ())),
                                      preferred_element_type=_f32) + sb
        P, tv = _topk_small(score, n, k)
        xnext = jnp.dot(P, h, preferred_element_type=_f32) * jnp.tanh(tv)
        t = jnp.dot(P, Cm, preferred_element_type=_f32)
        Cnext = lax.dot_general(t, P, (((1,), (1,)), ((), ())),
                                preferred_element_type=_f32)
        r = jnp.concatenate(
            [jnp.sum(xnext, axis=0, keepdims=True),
             jnp.max(xnext, axis=0, keepdims=True)], axis=1)
        return xnext, Cnext, r

    x2, C3, r2 = level(x1, C, 32, 16, w2_ref[...], b2_ref[...],
                       s2_ref[...], sb2_ref[0, 0])
    _, _, r3 = level(x2, C3, 16, 8, w3_ref[...], b3_ref[...],
                     s3_ref[...], sb3_ref[0, 0])

    merged = jnp.concatenate([r1, r2, r3], axis=1)
    d1 = _leaky(jnp.dot(merged, wd1_ref[...],
                        preferred_element_type=_f32) + bd1_ref[...])
    logits = jnp.dot(d1, wd2_ref[...], preferred_element_type=_f32) \
        + bd2_ref[...]
    out_ref[...] = 1.0 / (1.0 + jnp.exp(-logits))


_k8 = pl.pallas_call(
    _k8_body,
    out_shape=jax.ShapeDtypeStruct((1, 2), _f32),
)


def kernel(x, edge_index, W1, b1, W2, b2, W3, b3, S1, sb1, S2, sb2, S3, sb3,
           Wd1, bd1, Wd2, bd2):
    src = edge_index[0].astype(_i32)
    dst = edge_index[1].astype(_i32)
    pad = jnp.full((EP - EE,), NN, _i32)
    src_p = jnp.concatenate([src, pad])
    dst_p = jnp.concatenate([dst, pad])
    x_pad = jnp.concatenate([x, jnp.zeros((NP - NN, DD), _f32)], axis=0)

    src_t = src_p.reshape(NT, NCHUNK, CH)
    dst_t = dst_p.reshape(NT, NCHUNK, CH)
    degh = _k1()(src_t, dst_t)
    xs, ns_col, nd_col = _k2(degh.reshape(NC, 2, NP, 1), x_pad)
    def split3(a):
        p0 = a[:16 * NCH0 * CH].reshape(16, NCH0, CH)
        p0 = jnp.concatenate(
            [p0, jnp.full((16, NCHMAX - NCH0, CH), NN, _i32)], axis=1)
        p1 = a[16 * NCH0 * CH:].reshape(16, NCH1, CH)
        p1 = jnp.concatenate(
            [p1, jnp.full((16, NCHMAX - NCH1, CH), NN, _i32)], axis=1)
        return jnp.concatenate([p0, p1], axis=0)

    aggp = _k3()(split3(src_p), split3(dst_p), xs)
    s_col = _k4(aggp, nd_col, ns_col, W1, b1.reshape(1, HH),
                S1)
    shist = _k5()(src_t, dst_t, s_col.reshape(NP))
    topi, topv = _k6(shist.reshape(NC, NB, 128),
                     nd_col.reshape(NB, 128),
                     sb1.reshape(1, 1))
    idx32 = topi[0, :32]
    cp, agg32p, nd32, ns32 = _k7()(idx32, src_t, dst_t, aggp[0], aggp[1],
                                   nd_col.reshape(NP), ns_col.reshape(NP))
    out = _k8(cp.reshape(NC, 32, 32), agg32p, nd32.reshape(32, 1),
              ns32.reshape(32, 1), topv[0, :32].reshape(32, 1),
              W1, b1.reshape(1, HH), W2, b2.reshape(1, HH),
              W3, b3.reshape(1, HH), S2, sb2.reshape(1, 1),
              S3, sb3.reshape(1, 1), Wd1, bd1.reshape(1, 128),
              Wd2, bd2.reshape(1, 2))
    return out

# --- scband reference (transcript-rebuilt; emitter-appended) ---
"""Pipeline reference for scband-sagpool-classifier-7275674599564 (READ-ONLY COPY).

The authoritative reference and input builder live on the scoring server;
editing this copy changes nothing except your own understanding.
"""

import jax, jax.numpy as jnp
import numpy as np

N = 10000
E = 320000
D = 128
H = 256


def _graph_conv(x, src, dst, valid, n, W, b):
    # DGL GraphConv with norm='both': D_out^{-1/2} A D_in^{-1/2} x W + b
    deg_out = jnp.zeros((n + 1,), jnp.float32).at[src].add(valid)[:n]
    deg_in = jnp.zeros((n + 1,), jnp.float32).at[dst].add(valid)[:n]
    ns = 1.0 / jnp.sqrt(jnp.maximum(deg_out, 1.0))
    nd = 1.0 / jnp.sqrt(jnp.maximum(deg_in, 1.0))
    xs = x * ns[:, None]
    xp = jnp.concatenate([xs, jnp.zeros((1, x.shape[1]), x.dtype)], axis=0)
    msg = xp[src] * valid[:, None]
    agg = jnp.zeros((n + 1, x.shape[1]), x.dtype).at[dst].add(msg)[:n]
    agg = agg * nd[:, None]
    return agg @ W + b


def _sag_pool(x, src, dst, valid, n, k, Ws, bs):
    # SAGPool: scalar score via GraphConv, select top-k nodes, gate by tanh(score),
    # keep edges whose endpoints both survive (mask + remap, static shapes)
    score = _graph_conv(x, src, dst, valid, n, Ws, bs)[:, 0]
    topv, idx = jax.lax.top_k(score, k)
    newx = x[idx] * jnp.tanh(topv)[:, None]
    mapping = jnp.full((n + 1,), k, dtype=src.dtype).at[idx].set(jnp.arange(k, dtype=src.dtype))
    nsrc = mapping[src]
    ndst = mapping[dst]
    nvalid = valid * (nsrc < k).astype(jnp.float32) * (ndst < k).astype(jnp.float32)
    return newx, nsrc, ndst, nvalid


def _readout(x):
    # SumMaxPooling: concat(sum over nodes, max over nodes)
    return jnp.concatenate([jnp.sum(x, axis=0), jnp.max(x, axis=0)])[None, :]


def setup_inputs(seed: int = 0):
    key = jax.random.key(seed)
    ks = jax.random.split(key, 12)

    def w(k, shp, fan):
        return jax.random.normal(k, shp, dtype=jnp.float32) * (1.0 / np.sqrt(fan))

    inp = {}
    inp["x"] = jax.random.normal(ks[0], (N, D), dtype=jnp.float32)
    inp["edge_index"] = jax.random.randint(ks[1], (2, E), 0, N, dtype=jnp.int32)
    inp["W1"] = w(ks[2], (D, H), D); inp["b1"] = jnp.zeros((H,), jnp.float32)
    inp["W2"] = w(ks[3], (H, H), H); inp["b2"] = jnp.zeros((H,), jnp.float32)
    inp["W3"] = w(ks[4], (H, H), H); inp["b3"] = jnp.zeros((H,), jnp.float32)
    inp["S1"] = w(ks[5], (H, 1), H); inp["sb1"] = jnp.zeros((1,), jnp.float32)
    inp["S2"] = w(ks[6], (H, 1), H); inp["sb2"] = jnp.zeros((1,), jnp.float32)
    inp["S3"] = w(ks[7], (H, 1), H); inp["sb3"] = jnp.zeros((1,), jnp.float32)
    inp["Wd1"] = w(ks[8], (2 * 3 * H, 128), 2 * 3 * H); inp["bd1"] = jnp.zeros((128,), jnp.float32)
    inp["Wd2"] = w(ks[9], (128, 2), 128); inp["bd2"] = jnp.zeros((2,), jnp.float32)
    return inp


def reference(x, edge_index, W1, b1, W2, b2, W3, b3, S1, sb1, S2, sb2, S3, sb3, Wd1, bd1, Wd2, bd2):
    src = edge_index[0].astype(jnp.int32)
    dst = edge_index[1].astype(jnp.int32)
    valid = jnp.ones((src.shape[0],), jnp.float32)
    act = lambda t: jax.nn.leaky_relu(t, negative_slope=0.01)

    h = act(_graph_conv(x, src, dst, valid, N, W1, b1))
    x1, s1, d1, v1 = _sag_pool(h, src, dst, valid, N, 32, S1, sb1)
    r1 = _readout(x1)

    h = act(_graph_conv(x1, s1, d1, v1, 32, W2, b2))
    x2, s2, d2, v2 = _sag_pool(h, s1, d1, v1, 32, 16, S2, sb2)
    r2 = _readout(x2)

    h = act(_graph_conv(x2, s2, d2, v2, 16, W3, b3))
    x3, s3, d3, v3 = _sag_pool(h, s2, d2, v2, 16, 8, S3, sb3)
    r3 = _readout(x3)

    merged = jnp.concatenate([r1, r2, r3], axis=1)  # [1, 1536]
    # dropout is identity in eval mode
    dense1 = act(merged @ Wd1 + bd1)
    out = jax.nn.sigmoid(dense1 @ Wd2 + bd2)
    return out

if __name__ == "__main__":
    import jax
    _d = setup_inputs()
    print(jax.jit(kernel)(*tuple(_d.values())))

</pallas_src>

<mosaic_0001>
#map = affine_map<(d0, d1) -> (0, 0, 0)>
#map1 = affine_map<(d0, d1) -> (0)>
#map2 = affine_map<(d0, d1) -> (0, 0)>
module attributes {stable_mosaic.version = 14 : i64} {
  func.func @_k5_body(%arg0: i32, %arg1: i32, %arg2: memref<32x79x128xi32, #tpu.memory_space<hbm>>, %arg3: memref<32x79x128xi32, #tpu.memory_space<hbm>>, %arg4: memref<10240xf32, #tpu.memory_space<hbm>>, %arg5: memref<2x10240xf32, #tpu.memory_space<hbm>>, %arg6: memref<10240xf32, #tpu.memory_space<vmem>>, %arg7: memref<79x128xi32, #tpu.memory_space<vmem>>, %arg8: memref<79x128xi32, #tpu.memory_space<vmem>>, %arg9: memref<79x128xf32, #tpu.memory_space<vmem>>, %arg10: memref<640xf32, #tpu.memory_space<vmem>>, %arg11: memref<!tpu.dma_semaphore, #tpu.memory_space<semaphore_mem>>, %arg12: memref<10240xf32, #tpu.memory_space<vmem_shared>>) attributes {dimension_semantics = [#tpu.dimension_semantics<core_parallel>, #tpu.dimension_semantics<subcore_parallel>], iteration_bounds = array<i64: 2, 16>, scalar_prefetch = 0 : i64, scratch_operands = 7 : i64, tpu.core_type = #tpu.core_type<sc_vector_subcore>, window_params = [{transform_indices = #map}, {transform_indices = #map}, {transform_indices = #map1}, {transform_indices = #map2}]} {
    %mul3A = arith.constant 16 : i32
    %mul3A_0 = arith.muli %arg0, %mul3A : i32
    %add3A = arith.addi %mul3A_0, %arg1 : i32
    %scan3A = arith.constant 0 : i32
    %scan3A_1 = arith.constant 0 : i32
    %scan3A_2 = arith.constant 40 : i32
    %scan3A_3 = arith.addi %scan3A_1, %scan3A_2 : i32
    %scan3A_4 = arith.constant 1 : i32
    %scan3A_5 = scf.for %scan3A_35 = %scan3A_1 to %scan3A_3 step %scan3A_4 iter_args(%scan3A_36 = %scan3A) -> (i32)  : i32 {
      %broadcast_in_dim3A = arith.constant 0.000000e+00 : f32
      %broadcast_in_dim3A_37 = vector.broadcast %broadcast_in_dim3A : f32 to vector<16xf32>
      %mul3A_38 = arith.constant 16 : i32
      %mul3A_39 = arith.muli %scan3A_35, %mul3A_38 : i32
      %swap3A = arith.index_cast %mul3A_39 : i32 to index
      %swap3A_40 = tpu.vector_load %arg10[%swap3A] {strides = array<i32>} : memref<640xf32, #tpu.memory_space<vmem>>, vector<16xf32>,
      tpu.vector_store %arg10[%swap3A], %broadcast_in_dim3A_37 {strides = array<i32>} : memref<640xf32, #tpu.memory_space<vmem>>, vector<16xf32>,
      %scan3A_41 = arith.constant 0 : i32
      scf.yield %scan3A_41 : i32
    }
    %scan3A_6 = arith.constant 40 : i32
    %mul3A_7 = arith.constant 640 : i32
    %mul3A_8 = arith.muli %arg1, %mul3A_7 : i32
    "tpu.region"() ({
      %run_scoped3A = tpu.sem_alloc : memref<!tpu.dma_semaphore, #tpu.memory_space<semaphore_mem>>
      %dma_start3A = tpu.memref_slice %arg12[%mul3A_8] : memref<10240xf32, #tpu.memory_space<vmem_shared>> -> memref<640xf32, #tpu.memory_space<vmem_shared>>
      %dma_start3A_35 = tpu.memref_slice %arg12[%mul3A_8] : memref<10240xf32, #tpu.memory_space<vmem_shared>> -> memref<640xf32, #tpu.memory_space<vmem_shared>>
      tpu.enqueue_dma source(%arg10 : memref<640xf32, #tpu.memory_space<vmem>>) target(%dma_start3A_35 : memref<640xf32, #tpu.memory_space<vmem_shared>>) target_semaphore(%run_scoped3A : memref<!tpu.dma_semaphore, #tpu.memory_space<semaphore_mem>>)
      %dma_wait3A = tpu.memref_slice %arg12[%mul3A_8] : memref<10240xf32, #tpu.memory_space<vmem_shared>> -> memref<640xf32, #tpu.memory_space<vmem_shared>>
      %dma_wait3A_36 = tpu.memref_slice %arg12[%mul3A_8] : memref<10240xf32, #tpu.memory_space<vmem_shared>> -> memref<640xf32, #tpu.memory_space<vmem_shared>>
      tpu.wait_dma2 semaphore(%run_scoped3A : memref<!tpu.dma_semaphore, #tpu.memory_space<semaphore_mem>>) src(%arg10 : memref<640xf32, #tpu.memory_space<vmem>>) dst(%dma_wait3A_36 : memref<640xf32, #tpu.memory_space<vmem_shared>>)
      tpu.yield
    }) : () -> ()
    "tpu.region"() ({
      %run_scoped3A = tpu.sem_alloc : memref<!tpu.dma_semaphore, #tpu.memory_space<semaphore_mem>>
      tpu.enqueue_dma source(%arg4 : memref<10240xf32, #tpu.memory_space<hbm>>) target(%arg6 : memref<10240xf32, #tpu.memory_space<vmem>>) target_semaphore(%run_scoped3A : memref<!tpu.dma_semaphore, #tpu.memory_space<semaphore_mem>>)
      tpu.wait_dma2 semaphore(%run_scoped3A : memref<!tpu.dma_semaphore, #tpu.memory_space<semaphore_mem>>) src(%arg4 : memref<10240xf32, #tpu.memory_space<hbm>>) dst(%arg6 : memref<10240xf32, #tpu.memory_space<vmem>>)
      tpu.yield
    }) : () -> ()
    "tpu.region"() ({
      %run_scoped3A = tpu.sem_alloc : memref<!tpu.dma_semaphore, #tpu.memory_space<semaphore_mem>>
      %dma_start3A = arith.constant 0 : i32
      %dma_start3A_35 = arith.constant 0 : i32
      %dma_start3A_36 = tpu.memref_slice %arg2[%add3A, %dma_start3A, %dma_start3A_35] : memref<32x79x128xi32, #tpu.memory_space<hbm>> -> memref<1x79x128xi32, #tpu.memory_space<hbm>>
      %dma_start3A_37 = tpu.memref_squeeze %dma_start3A_36 : memref<1x79x128xi32, #tpu.memory_space<hbm>> -> memref<79x128xi32, #tpu.memory_space<hbm>>
      %dma_start3A_38 = arith.constant 0 : i32
      %dma_start3A_39 = arith.constant 0 : i32
      %dma_start3A_40 = tpu.memref_slice %arg2[%add3A, %dma_start3A_38, %dma_start3A_39] : memref<32x79x128xi32, #tpu.memory_space<hbm>> -> memref<1x79x128xi32, #tpu.memory_space<hbm>>
      %dma_start3A_41 = tpu.memref_squeeze %dma_start3A_40 : memref<1x79x128xi32, #tpu.memory_space<hbm>> -> memref<79x128xi32, #tpu.memory_space<hbm>>
      tpu.enqueue_dma source(%dma_start3A_41 : memref<79x128xi32, #tpu.memory_space<hbm>>) target(%arg7 : memref<79x128xi32, #tpu.memory_space<vmem>>) target_semaphore(%run_scoped3A : memref<!tpu.dma_semaphore, #tpu.memory_space<semaphore_mem>>)
      %dma_wait3A = arith.constant 0 : i32
      %dma_wait3A_42 = arith.constant 0 : i32
      %dma_wait3A_43 = tpu.memref_slice %arg2[%add3A, %dma_wait3A, %dma_wait3A_42] : memref<32x79x128xi32, #tpu.memory_space<hbm>> -> memref<1x79x128xi32, #tpu.memory_space<hbm>>
      %dma_wait3A_44 = tpu.memref_squeeze %dma_wait3A_43 : memref<1x79x128xi32, #tpu.memory_space<hbm>> -> memref<79x128xi32, #tpu.memory_space<hbm>>
      %dma_wait3A_45 = arith.constant 0 : i32
      %dma_wait3A_46 = arith.constant 0 : i32
      %dma_wait3A_47 = tpu.memref_slice %arg2[%add3A, %dma_wait3A_45, %dma_wait3A_46] : memref<32x79x128xi32, #tpu.memory_space<hbm>> -> memref<1x79x128xi32, #tpu.memory_space<hbm>>
      %dma_wait3A_48 = tpu.memref_squeeze %dma_wait3A_47 : memref<1x79x128xi32, #tpu.memory_space<hbm>> -> memref<79x128xi32, #tpu.memory_space<hbm>>
      tpu.wait_dma2 semaphore(%run_scoped3A : memref<!tpu.dma_semaphore, #tpu.memory_space<semaphore_mem>>) src(%dma_wait3A_48 : memref<79x128xi32, #tpu.memory_space<hbm>>) dst(%arg7 : memref<79x128xi32, #tpu.memory_space<vmem>>)
      tpu.yield
    }) : () -> ()
    "tpu.region"() ({
      %run_scoped3A = tpu.sem_alloc : memref<!tpu.dma_semaphore, #tpu.memory_space<semaphore_mem>>
      %dma_start3A = arith.constant 0 : i32
      %dma_start3A_35 = arith.constant 0 : i32
      %dma_start3A_36 = tpu.memref_slice %arg3[%add3A, %dma_start3A, %dma_start3A_35] : memref<32x79x128xi32, #tpu.memory_space<hbm>> -> memref<1x79x128xi32, #tpu.memory_space<hbm>>
      %dma_start3A_37 = tpu.memref_squeeze %dma_start3A_36 : memref<1x79x128xi32, #tpu.memory_space<hbm>> -> memref<79x128xi32, #tpu.memory_space<hbm>>
      %dma_start3A_38 = arith.constant 0 : i32
      %dma_start3A_39 = arith.constant 0 : i32
      %dma_start3A_40 = tpu.memref_slice %arg3[%add3A, %dma_start3A_38, %dma_start3A_39] : memref<32x79x128xi32, #tpu.memory_space<hbm>> -> memref<1x79x128xi32, #tpu.memory_space<hbm>>
      %dma_start3A_41 = tpu.memref_squeeze %dma_start3A_40 : memref<1x79x128xi32, #tpu.memory_space<hbm>> -> memref<79x128xi32, #tpu.memory_space<hbm>>
      tpu.enqueue_dma source(%dma_start3A_41 : memref<79x128xi32, #tpu.memory_space<hbm>>) target(%arg8 : memref<79x128xi32, #tpu.memory_space<vmem>>) target_semaphore(%run_scoped3A : memref<!tpu.dma_semaphore, #tpu.memory_space<semaphore_mem>>)
      %dma_wait3A = arith.constant 0 : i32
      %dma_wait3A_42 = arith.constant 0 : i32
      %dma_wait3A_43 = tpu.memref_slice %arg3[%add3A, %dma_wait3A, %dma_wait3A_42] : memref<32x79x128xi32, #tpu.memory_space<hbm>> -> memref<1x79x128xi32, #tpu.memory_space<hbm>>
      %dma_wait3A_44 = tpu.memref_squeeze %dma_wait3A_43 : memref<1x79x128xi32, #tpu.memory_space<hbm>> -> memref<79x128xi32, #tpu.memory_space<hbm>>
      %dma_wait3A_45 = arith.constant 0 : i32
      %dma_wait3A_46 = arith.constant 0 : i32
      %dma_wait3A_47 = tpu.memref_slice %arg3[%add3A, %dma_wait3A_45, %dma_wait3A_46] : memref<32x79x128xi32, #tpu.memory_space<hbm>> -> memref<1x79x128xi32, #tpu.memory_space<hbm>>
      %dma_wait3A_48 = tpu.memref_squeeze %dma_wait3A_47 : memref<1x79x128xi32, #tpu.memory_space<hbm>> -> memref<79x128xi32, #tpu.memory_space<hbm>>
      tpu.wait_dma2 semaphore(%run_scoped3A : memref<!tpu.dma_semaphore, #tpu.memory_space<semaphore_mem>>) src(%dma_wait3A_48 : memref<79x128xi32, #tpu.memory_space<hbm>>) dst(%arg8 : memref<79x128xi32, #tpu.memory_space<vmem>>)
      tpu.yield
    }) : () -> ()
    %scan3A_9 = arith.constant 0 : i32
    %scan3A_10 = arith.constant 0 : i32
    %scan3A_11 = arith.constant 632 : i32
    %scan3A_12 = arith.addi %scan3A_10, %scan3A_11 : i32
    %scan3A_13 = arith.constant 1 : i32
    %scan3A_14 = scf.for %scan3A_35 = %scan3A_10 to %scan3A_12 step %scan3A_13 iter_args(%scan3A_36 = %scan3A_9) -> (i32)  : i32 {
      %jit3A = arith.constant 8 : i32
      %div3A = arith.divsi %scan3A_35, %jit3A : i32
      %sign3A = arith.constant 0 : i32
      %sign3A_37 = arith.cmpi sgt, %scan3A_35, %sign3A : i32
      %sign3A_38 = arith.extui %sign3A_37 : i1 to i32
      %sign3A_39 = arith.constant 0 : i32
      %sign3A_40 = arith.cmpi slt, %scan3A_35, %sign3A_39 : i32
      %sign3A_41 = arith.extui %sign3A_40 : i1 to i32
      %sign3A_42 = arith.subi %sign3A_38, %sign3A_41 : i32
      %sign3A_43 = arith.constant 0 : i32
      %sign3A_44 = arith.cmpi sgt, %jit3A, %sign3A_43 : i32
      %sign3A_45 = arith.extui %sign3A_44 : i1 to i32
      %sign3A_46 = arith.constant 0 : i32
      %sign3A_47 = arith.cmpi slt, %jit3A, %sign3A_46 : i32
      %sign3A_48 = arith.extui %sign3A_47 : i1 to i32
      %sign3A_49 = arith.subi %sign3A_45, %sign3A_48 : i32
      %ne3A = arith.cmpi ne, %sign3A_42, %sign3A_49 : i32
      %rem3A = arith.remsi %scan3A_35, %jit3A : i32
      %ne3A_50 = arith.constant 0 : i32
      %ne3A_51 = arith.cmpi ne, %rem3A, %ne3A_50 : i32
      %and3A = arith.andi %ne3A, %ne3A_51 : i1
      %sub3A = arith.constant 1 : i32
      %sub3A_52 = arith.subi %div3A, %sub3A : i32
      %select_n3A = arith.select %and3A, %sub3A_52, %div3A : i32
      %jit3A_53 = arith.constant 8 : i32
      %eq3A = arith.constant 0 : i32
      %eq3A_54 = arith.cmpi eq, %jit3A_53, %eq3A : i32
      %jit3A_55 = arith.constant 1 : i32
      %select_n3A_56 = arith.select %eq3A_54, %jit3A_55, %jit3A_53 : i32
      %rem3A_57 = arith.remsi %scan3A_35, %select_n3A_56 : i32
      %ne3A_58 = arith.constant 0 : i32
      %ne3A_59 = arith.cmpi ne, %rem3A_57, %ne3A_58 : i32
      %lt3A = arith.constant 0 : i32
      %lt3A_60 = arith.cmpi slt, %rem3A_57, %lt3A : i32
      %lt3A_61 = arith.constant 0 : i32
      %lt3A_62 = arith.cmpi slt, %select_n3A_56, %lt3A_61 : i32
      %ne3A_63 = arith.xori %lt3A_60, %lt3A_62 : i1
      %and3A_64 = arith.andi %ne3A_63, %ne3A_59 : i1
      %add3A_65 = arith.addi %rem3A_57, %select_n3A_56 : i32
      %select_n3A_66 = arith.select %and3A_64, %add3A_65, %rem3A_57 : i32
      %mul3A_67 = arith.constant 16 : i32
      %mul3A_68 = arith.muli %select_n3A_66, %mul3A_67 : i32
      %get3A = arith.index_cast %select_n3A : i32 to index
      %get3A_69 = arith.index_cast %mul3A_68 : i32 to index
      %get3A_70 = tpu.vector_load %arg7[%get3A, %get3A_69] {strides = array<i32>} : memref<79x128xi32, #tpu.memory_space<vmem>>, vector<16xi32>,
      %gather3A = tpu.vector_load_idx %arg6[%get3A_70] : memref<10240xf32, #tpu.memory_space<vmem>>[vector<16xi32>], vector<16xf32>,
      %mul3A_71 = arith.constant 16 : i32
      %mul3A_72 = arith.muli %select_n3A_66, %mul3A_71 : i32
      %swap3A = arith.index_cast %select_n3A : i32 to index
      %swap3A_73 = arith.index_cast %mul3A_72 : i32 to index
      %swap3A_74 = tpu.vector_load %arg9[%swap3A, %swap3A_73] {strides = array<i32>} : memref<79x128xf32, #tpu.memory_space<vmem>>, vector<16xf32>,
      tpu.vector_store %arg9[%swap3A, %swap3A_73], %gather3A {strides = array<i32>} : memref<79x128xf32, #tpu.memory_space<vmem>>, vector<16xf32>,
      %scan3A_75 = arith.constant 0 : i32
      scf.yield %scan3A_75 : i32
    }
    %scan3A_15 = arith.constant 632 : i32
    %barrier3A = arith.constant 0 : index
    tpu.barrier barrier_id(%barrier3A)
    %scan3A_16 = arith.constant 0 : i32
    %scan3A_17 = arith.constant 0 : i32
    %scan3A_18 = arith.constant 79 : i32
    %scan3A_19 = arith.addi %scan3A_17, %scan3A_18 : i32
    %scan3A_20 = arith.constant 1 : i32
    %scan3A_21 = scf.for %scan3A_35 = %scan3A_17 to %scan3A_19 step %scan3A_20 iter_args(%scan3A_36 = %scan3A_16) -> (i32)  : i32 {
      %dma_start3A = arith.constant 0 : i32
      %dma_start3A_37 = tpu.memref_slice %arg9[%scan3A_35, %dma_start3A] : memref<79x128xf32, #tpu.memory_space<vmem>> -> memref<1x128xf32, #tpu.memory_space<vmem>>
      %dma_start3A_38 = tpu.memref_squeeze %dma_start3A_37 : memref<1x128xf32, #tpu.memory_space<vmem>> -> memref<128xf32, #tpu.memory_space<vmem>>
      %dma_start3A_39 = arith.constant 0 : i32
      %dma_start3A_40 = tpu.memref_slice %arg8[%scan3A_35, %dma_start3A_39] : memref<79x128xi32, #tpu.memory_space<vmem>> -> memref<1x128xi32, #tpu.memory_space<vmem>>
      %dma_start3A_41 = tpu.memref_squeeze %dma_start3A_40 : memref<1x128xi32, #tpu.memory_space<vmem>> -> memref<128xi32, #tpu.memory_space<vmem>>
      %dma_start3A_42 = arith.constant 0 : i32
      %dma_start3A_43 = tpu.memref_slice %arg12[%dma_start3A_42] : memref<10240xf32, #tpu.memory_space<vmem_shared>> -> memref<10240xf32, #tpu.memory_space<vmem_shared>>
      tpu.enqueue_indirect_dma source(%dma_start3A_38 : memref<128xf32, #tpu.memory_space<vmem>>) target(%dma_start3A_43 : memref<10240xf32, #tpu.memory_space<vmem_shared>>) offsets(%dma_start3A_41 : memref<128xi32, #tpu.memory_space<vmem>>) semaphore(%arg11 : memref<!tpu.dma_semaphore, #tpu.memory_space<semaphore_mem>>) {add = true}
      %scan3A_44 = arith.constant 0 : i32
      scf.yield %scan3A_44 : i32
    }
    %scan3A_22 = arith.constant 79 : i32
    %scan3A_23 = arith.constant 0 : i32
    %scan3A_24 = arith.constant 0 : i32
    %scan3A_25 = arith.constant 79 : i32
    %scan3A_26 = arith.addi %scan3A_24, %scan3A_25 : i32
    %scan3A_27 = arith.constant 1 : i32
    %scan3A_28 = scf.for %scan3A_35 = %scan3A_24 to %scan3A_26 step %scan3A_27 iter_args(%scan3A_36 = %scan3A_23) -> (i32)  : i32 {
      %dma_wait3A = arith.constant 0 : i32
      %dma_wait3A_37 = tpu.memref_slice %arg9[%scan3A_35, %dma_wait3A] : memref<79x128xf32, #tpu.memory_space<vmem>> -> memref<1x128xf32, #tpu.memory_space<vmem>>
      %dma_wait3A_38 = tpu.memref_squeeze %dma_wait3A_37 : memref<1x128xf32, #tpu.memory_space<vmem>> -> memref<128xf32, #tpu.memory_space<vmem>>
      %dma_wait3A_39 = arith.constant 0 : i32
      %dma_wait3A_40 = tpu.memref_slice %arg8[%scan3A_35, %dma_wait3A_39] : memref<79x128xi32, #tpu.memory_space<vmem>> -> memref<1x128xi32, #tpu.memory_space<vmem>>
      %dma_wait3A_41 = tpu.memref_squeeze %dma_wait3A_40 : memref<1x128xi32, #tpu.memory_space<vmem>> -> memref<128xi32, #tpu.memory_space<vmem>>
      %dma_wait3A_42 = arith.constant 0 : i32
      %dma_wait3A_43 = tpu.memref_slice %arg12[%dma_wait3A_42] : memref<10240xf32, #tpu.memory_space<vmem_shared>> -> memref<10240xf32, #tpu.memory_space<vmem_shared>>
      tpu.wait_indirect_dma semaphore(%arg11 : memref<!tpu.dma_semaphore, #tpu.memory_space<semaphore_mem>>) src(%dma_wait3A_38 : memref<128xf32, #tpu.memory_space<vmem>>) dst(%dma_wait3A_43 : memref<10240xf32, #tpu.memory_space<vmem_shared>>)
      %scan3A_44 = arith.constant 0 : i32
      scf.yield %scan3A_44 : i32
    }
    %scan3A_29 = arith.constant 79 : i32
    %barrier3A_30 = arith.constant 0 : index
    tpu.barrier barrier_id(%barrier3A_30)
    %mul3A_31 = arith.constant 640 : i32
    %mul3A_32 = arith.muli %arg1, %mul3A_31 : i32
    %mul3A_33 = arith.constant 640 : i32
    %mul3A_34 = arith.muli %arg1, %mul3A_33 : i32
    "tpu.region"() ({
      %run_scoped3A = tpu.sem_alloc : memref<!tpu.dma_semaphore, #tpu.memory_space<semaphore_mem>>
      %dma_start3A = tpu.memref_slice %arg5[%arg0, %mul3A_34] : memref<2x10240xf32, #tpu.memory_space<hbm>> -> memref<1x640xf32, #tpu.memory_space<hbm>>
      %dma_start3A_35 = tpu.memref_squeeze %dma_start3A : memref<1x640xf32, #tpu.memory_space<hbm>> -> memref<640xf32, #tpu.memory_space<hbm>>
      %dma_start3A_36 = tpu.memref_slice %arg12[%mul3A_32] : memref<10240xf32, #tpu.memory_space<vmem_shared>> -> memref<640xf32, #tpu.memory_space<vmem_shared>>
      tpu.enqueue_dma source(%dma_start3A_36 : memref<640xf32, #tpu.memory_space<vmem_shared>>) target(%dma_start3A_35 : memref<640xf32, #tpu.memory_space<hbm>>) target_semaphore(%run_scoped3A : memref<!tpu.dma_semaphore, #tpu.memory_space<semaphore_mem>>)
      %dma_wait3A = tpu.memref_slice %arg5[%arg0, %mul3A_34] : memref<2x10240xf32, #tpu.memory_space<hbm>> -> memref<1x640xf32, #tpu.memory_space<hbm>>
      %dma_wait3A_37 = tpu.memref_squeeze %dma_wait3A : memref<1x640xf32, #tpu.memory_space<hbm>> -> memref<640xf32, #tpu.memory_space<hbm>>
      %dma_wait3A_38 = tpu.memref_slice %arg12[%mul3A_32] : memref<10240xf32, #tpu.memory_space<vmem_shared>> -> memref<640xf32, #tpu.memory_space<vmem_shared>>
      tpu.wait_dma2 semaphore(%run_scoped3A : memref<!tpu.dma_semaphore, #tpu.memory_space<semaphore_mem>>) src(%dma_wait3A_38 : memref<640xf32, #tpu.memory_space<vmem_shared>>) dst(%dma_wait3A_37 : memref<640xf32, #tpu.memory_space<hbm>>)
      tpu.yield
    }) : () -> ()
    return
  }
}

#map = affine_map<(d0, d1) -> (0, 0, 0)>
#map1 = affine_map<(d0, d1) -> (0, 0)>
module attributes {stable_mosaic.version = 14 : i64} {
  func.func @_k3_body(%arg0: i32, %arg1: i32, %arg2: memref<32x96x128xi32, #tpu.memory_space<hbm>>, %arg3: memref<32x96x128xi32, #tpu.memory_space<hbm>>, %arg4: memref<10240x128xf32, #tpu.memory_space<hbm>>, %arg5: memref<2x10240x128xf32, #tpu.memory_space<hbm>>, %arg6: memref<96x128xi32, #tpu.memory_space<vmem>>, %arg7: memref<2x128xi32, #tpu.memory_space<vmem>>, %arg8: memref<2x128x128xf32, #tpu.memory_space<vmem>>, %arg9: memref<!tpu.dma_semaphore, #tpu.memory_space<semaphore_mem>>, %arg10: memref<!tpu.dma_semaphore, #tpu.memory_space<semaphore_mem>>, %arg11: memref<!tpu.dma_semaphore, #tpu.memory_space<semaphore_mem>>, %arg12: memref<10240x128xf32, #tpu.memory_space<vmem_shared>>) attributes {dimension_semantics = [#tpu.dimension_semantics<core_parallel>, #tpu.dimension_semantics<subcore_parallel>], iteration_bounds = array<i64: 2, 16>, scalar_prefetch = 0 : i64, scratch_operands = 7 : i64, tpu.core_type = #tpu.core_type<sc_vector_subcore>, window_params = [{transform_indices = #map}, {transform_indices = #map}, {transform_indices = #map1}, {transform_indices = #map}]} {
    %mul3A = arith.constant 16 : i32
    %mul3A_0 = arith.muli %arg0, %mul3A : i32
    %add3A = arith.addi %mul3A_0, %arg1 : i32
    %eq3A = arith.constant 0 : i32
    %eq3A_1 = arith.cmpi eq, %arg0, %eq3A : i32
    %jit3A = arith.constant 96 : i32
    %jit3A_2 = arith.constant 62 : i32
    %select_n3A = arith.select %eq3A_1, %jit3A, %jit3A_2 : i32
    "tpu.region"() ({
      %run_scoped3A = tpu.sem_alloc : memref<!tpu.dma_semaphore, #tpu.memory_space<semaphore_mem>>
      %dma_start3A_145 = arith.constant 0 : i32
      %dma_start3A_146 = arith.constant 0 : i32
      %dma_start3A_147 = tpu.memref_slice %arg2[%add3A, %dma_start3A_145, %dma_start3A_146] : memref<32x96x128xi32, #tpu.memory_space<hbm>> -> memref<1x96x128xi32, #tpu.memory_space<hbm>>
      %dma_start3A_148 = tpu.memref_squeeze %dma_start3A_147 : memref<1x96x128xi32, #tpu.memory_space<hbm>> -> memref<96x128xi32, #tpu.memory_space<hbm>>
      %dma_start3A_149 = arith.constant 0 : i32
      %dma_start3A_150 = arith.constant 0 : i32
      %dma_start3A_151 = tpu.memref_slice %arg2[%add3A, %dma_start3A_149, %dma_start3A_150] : memref<32x96x128xi32, #tpu.memory_space<hbm>> -> memref<1x96x128xi32, #tpu.memory_space<hbm>>
      %dma_start3A_152 = tpu.memref_squeeze %dma_start3A_151 : memref<1x96x128xi32, #tpu.memory_space<hbm>> -> memref<96x128xi32, #tpu.memory_space<hbm>>
      tpu.enqueue_dma source(%dma_start3A_152 : memref<96x128xi32, #tpu.memory_space<hbm>>) target(%arg6 : memref<96x128xi32, #tpu.memory_space<vmem>>) target_semaphore(%run_scoped3A : memref<!tpu.dma_semaphore, #tpu.memory_space<semaphore_mem>>)
      %dma_wait3A_153 = arith.constant 0 : i32
      %dma_wait3A_154 = arith.constant 0 : i32
      %dma_wait3A_155 = tpu.memref_slice %arg2[%add3A, %dma_wait3A_153, %dma_wait3A_154] : memref<32x96x128xi32, #tpu.memory_space<hbm>> -> memref<1x96x128xi32, #tpu.memory_space<hbm>>
      %dma_wait3A_156 = tpu.memref_squeeze %dma_wait3A_155 : memref<1x96x128xi32, #tpu.memory_space<hbm>> -> memref<96x128xi32, #tpu.memory_space<hbm>>
      %dma_wait3A_157 = arith.constant 0 : i32
      %dma_wait3A_158 = arith.constant 0 : i32
      %dma_wait3A_159 = tpu.memref_slice %arg2[%add3A, %dma_wait3A_157, %dma_wait3A_158] : memref<32x96x128xi32, #tpu.memory_space<hbm>> -> memref<1x96x128xi32, #tpu.memory_space<hbm>>
      %dma_wait3A_160 = tpu.memref_squeeze %dma_wait3A_159 : memref<1x96x128xi32, #tpu.memory_space<hbm>> -> memref<96x128xi32, #tpu.memory_space<hbm>>
      tpu.wait_dma2 semaphore(%run_scoped3A : memref<!tpu.dma_semaphore, #tpu.memory_space<semaphore_mem>>) src(%dma_wait3A_160 : memref<96x128xi32, #tpu.memory_space<hbm>>) dst(%arg6 : memref<96x128xi32, #tpu.memory_space<vmem>>)
      tpu.yield
    }) : () -> ()
    %scan3A = arith.constant 0 : i32
    %scan3A_3 = arith.constant 0 : i32
    %scan3A_4 = arith.constant 128 : i32
    %scan3A_5 = arith.addi %scan3A_3, %scan3A_4 : i32
    %scan3A_6 = arith.constant 1 : i32
    %scan3A_7 = scf.for %scan3A_145 = %scan3A_3 to %scan3A_5 step %scan3A_6 iter_args(%scan3A_146 = %scan3A) -> (i32)  : i32 {
      %broadcast_in_dim3A = arith.constant 0.000000e+00 : f32
      %broadcast_in_dim3A_147 = vector.broadcast %broadcast_in_dim3A : f32 to vector<16xf32>
      %swap3A = arith.constant 0 : i32
      %swap3A_148 = arith.index_cast %swap3A : i32 to index
      %swap3A_149 = arith.index_cast %scan3A_145 : i32 to index
      %swap3A_150 = arith.constant 0 : index
      %swap3A_151 = tpu.vector_load %arg8[%swap3A_148, %swap3A_149, %swap3A_150] {strides = array<i32>} : memref<2x128x128xf32, #tpu.memory_space<vmem>>, vector<16xf32>,
      tpu.vector_store %arg8[%swap3A_148, %swap3A_149, %swap3A_150], %broadcast_in_dim3A_147 {strides = array<i32>} : memref<2x128x128xf32, #tpu.memory_space<vmem>>, vector<16xf32>,
      %broadcast_in_dim3A_152 = arith.constant 0.000000e+00 : f32
      %broadcast_in_dim3A_153 = vector.broadcast %broadcast_in_dim3A_152 : f32 to vector<16xf32>
      %swap3A_154 = arith.constant 0 : i32
      %swap3A_155 = arith.index_cast %swap3A_154 : i32 to index
      %swap3A_156 = arith.index_cast %scan3A_145 : i32 to index
      %swap3A_157 = arith.constant 16 : index
      %swap3A_158 = tpu.vector_load %arg8[%swap3A_155, %swap3A_156, %swap3A_157] {strides = array<i32>} : memref<2x128x128xf32, #tpu.memory_space<vmem>>, vector<16xf32>,
      tpu.vector_store %arg8[%swap3A_155, %swap3A_156, %swap3A_157], %broadcast_in_dim3A_153 {strides = array<i32>} : memref<2x128x128xf32, #tpu.memory_space<vmem>>, vector<16xf32>,
      %broadcast_in_dim3A_159 = arith.constant 0.000000e+00 : f32
      %broadcast_in_dim3A_160 = vector.broadcast %broadcast_in_dim3A_159 : f32 to vector<16xf32>
      %swap3A_161 = arith.constant 0 : i32
      %swap3A_162 = arith.index_cast %swap3A_161 : i32 to index
      %swap3A_163 = arith.index_cast %scan3A_145 : i32 to index
      %swap3A_164 = arith.constant 32 : index
      %swap3A_165 = tpu.vector_load %arg8[%swap3A_162, %swap3A_163, %swap3A_164] {strides = array<i32>} : memref<2x128x128xf32, #tpu.memory_space<vmem>>, vector<16xf32>,
      tpu.vector_store %arg8[%swap3A_162, %swap3A_163, %swap3A_164], %broadcast_in_dim3A_160 {strides = array<i32>} : memref<2x128x128xf32, #tpu.memory_space<vmem>>, vector<16xf32>,
      %broadcast_in_dim3A_166 = arith.constant 0.000000e+00 : f32
      %broadcast_in_dim3A_167 = vector.broadcast %broadcast_in_dim3A_166 : f32 to vector<16xf32>
      %swap3A_168 = arith.constant 0 : i32
      %swap3A_169 = arith.index_cast %swap3A_168 : i32 to index
      %swap3A_170 = arith.index_cast %scan3A_145 : i32 to index
      %swap3A_171 = arith.constant 48 : index
      %swap3A_172 = tpu.vector_load %arg8[%swap3A_169, %swap3A_170, %swap3A_171] {strides = array<i32>} : memref<2x128x128xf32, #tpu.memory_space<vmem>>, vector<16xf32>,
      tpu.vector_store %arg8[%swap3A_169, %swap3A_170, %swap3A_171], %broadcast_in_dim3A_167 {strides = array<i32>} : memref<2x128x128xf32, #tpu.memory_space<vmem>>, vector<16xf32>,
      %broadcast_in_dim3A_173 = arith.constant 0.000000e+00 : f32
      %broadcast_in_dim3A_174 = vector.broadcast %broadcast_in_dim3A_173 : f32 to vector<16xf32>
      %swap3A_175 = arith.constant 0 : i32
      %swap3A_176 = arith.index_cast %swap3A_175 : i32 to index
      %swap3A_177 = arith.index_cast %scan3A_145 : i32 to index
      %swap3A_178 = arith.constant 64 : index
      %swap3A_179 = tpu.vector_load %arg8[%swap3A_176, %swap3A_177, %swap3A_178] {strides = array<i32>} : memref<2x128x128xf32, #tpu.memory_space<vmem>>, vector<16xf32>,
      tpu.vector_store %arg8[%swap3A_176, %swap3A_177, %swap3A_178], %broadcast_in_dim3A_174 {strides = array<i32>} : memref<2x128x128xf32, #tpu.memory_space<vmem>>, vector<16xf32>,
      %broadcast_in_dim3A_180 = arith.constant 0.000000e+00 : f32
      %broadcast_in_dim3A_181 = vector.broadcast %broadcast_in_dim3A_180 : f32 to vector<16xf32>
      %swap3A_182 = arith.constant 0 : i32
      %swap3A_183 = arith.index_cast %swap3A_182 : i32 to index
      %swap3A_184 = arith.index_cast %scan3A_145 : i32 to index
      %swap3A_185 = arith.constant 80 : index
      %swap3A_186 = tpu.vector_load %arg8[%swap3A_183, %swap3A_184, %swap3A_185] {strides = array<i32>} : memref<2x128x128xf32, #tpu.memory_space<vmem>>, vector<16xf32>,
      tpu.vector_store %arg8[%swap3A_183, %swap3A_184, %swap3A_185], %broadcast_in_dim3A_181 {strides = array<i32>} : memref<2x128x128xf32, #tpu.memory_space<vmem>>, vector<16xf32>,
      %broadcast_in_dim3A_187 = arith.constant 0.000000e+00 : f32
      %broadcast_in_dim3A_188 = vector.broadcast %broadcast_in_dim3A_187 : f32 to vector<16xf32>
      %swap3A_189 = arith.constant 0 : i32
      %swap3A_190 = arith.index_cast %swap3A_189 : i32 to index
      %swap3A_191 = arith.index_cast %scan3A_145 : i32 to index
      %swap3A_192 = arith.constant 96 : index
      %swap3A_193 = tpu.vector_load %arg8[%swap3A_190, %swap3A_191, %swap3A_192] {strides = array<i32>} : memref<2x128x128xf32, #tpu.memory_space<vmem>>, vector<16xf32>,
      tpu.vector_store %arg8[%swap3A_190, %swap3A_191, %swap3A_192], %broadcast_in_dim3A_188 {strides = array<i32>} : memref<2x128x128xf32, #tpu.memory_space<vmem>>, vector<16xf32>,
      %broadcast_in_dim3A_194 = arith.constant 0.000000e+00 : f32
      %broadcast_in_dim3A_195 = vector.broadcast %broadcast_in_dim3A_194 : f32 to vector<16xf32>
      %swap3A_196 = arith.constant 0 : i32
      %swap3A_197 = arith.index_cast %swap3A_196 : i32 to index
      %swap3A_198 = arith.index_cast %scan3A_145 : i32 to index
      %swap3A_199 = arith.constant 112 : index
      %swap3A_200 = tpu.vector_load %arg8[%swap3A_197, %swap3A_198, %swap3A_199] {strides = array<i32>} : memref<2x128x128xf32, #tpu.memory_space<vmem>>, vector<16xf32>,
      tpu.vector_store %arg8[%swap3A_197, %swap3A_198, %swap3A_199], %broadcast_in_dim3A_195 {strides = array<i32>} : memref<2x128x128xf32, #tpu.memory_space<vmem>>, vector<16xf32>,
      %scan3A_201 = arith.constant 0 : i32
      scf.yield %scan3A_201 : i32
    }
    %scan3A_8 = arith.constant 128 : i32
    %scan3A_9 = arith.constant 0 : i32
    %scan3A_10 = arith.constant 0 : i32
    %scan3A_11 = arith.constant 5 : i32
    %scan3A_12 = arith.addi %scan3A_10, %scan3A_11 : i32
    %scan3A_13 = arith.constant 1 : i32
    %scan3A_14 = scf.for %scan3A_145 = %scan3A_10 to %scan3A_12 step %scan3A_13 iter_args(%scan3A_146 = %scan3A_9) -> (i32)  : i32 {
      %mul3A_147 = arith.constant 640 : i32
      %mul3A_148 = arith.muli %arg1, %mul3A_147 : i32
      %mul3A_149 = arith.constant 128 : i32
      %mul3A_150 = arith.muli %scan3A_145, %mul3A_149 : i32
      %add3A_151 = arith.addi %mul3A_148, %mul3A_150 : i32
      %run_scoped3A = arith.constant 0 : i32
      "tpu.region"() ({
        %run_scoped3A_153 = tpu.sem_alloc : memref<!tpu.dma_semaphore, #tpu.memory_space<semaphore_mem>>
        %dma_start3A_154 = arith.constant 0 : i32
        %dma_start3A_155 = arith.constant 0 : i32
        %dma_start3A_156 = tpu.memref_slice %arg8[%run_scoped3A, %dma_start3A_154, %dma_start3A_155] : memref<2x128x128xf32, #tpu.memory_space<vmem>> -> memref<1x128x128xf32, #tpu.memory_space<vmem>>
        %dma_start3A_157 = tpu.memref_squeeze %dma_start3A_156 : memref<1x128x128xf32, #tpu.memory_space<vmem>> -> memref<128x128xf32, #tpu.memory_space<vmem>>
        %dma_start3A_158 = arith.constant 0 : i32
        %dma_start3A_159 = tpu.memref_slice %arg12[%add3A_151, %dma_start3A_158] : memref<10240x128xf32, #tpu.memory_space<vmem_shared>> -> memref<128x128xf32, #tpu.memory_space<vmem_shared>>
        %dma_start3A_160 = arith.constant 0 : i32
        %dma_start3A_161 = tpu.memref_slice %arg12[%add3A_151, %dma_start3A_160] : memref<10240x128xf32, #tpu.memory_space<vmem_shared>> -> memref<128x128xf32, #tpu.memory_space<vmem_shared>>
        %dma_start3A_162 = arith.constant 0 : i32
        %dma_start3A_163 = arith.constant 0 : i32
        %dma_start3A_164 = tpu.memref_slice %arg8[%run_scoped3A, %dma_start3A_162, %dma_start3A_163] : memref<2x128x128xf32, #tpu.memory_space<vmem>> -> memref<1x128x128xf32, #tpu.memory_space<vmem>>
        %dma_start3A_165 = tpu.memref_squeeze %dma_start3A_164 : memref<1x128x128xf32, #tpu.memory_space<vmem>> -> memref<128x128xf32, #tpu.memory_space<vmem>>
        tpu.enqueue_dma source(%dma_start3A_165 : memref<128x128xf32, #tpu.memory_space<vmem>>) target(%dma_start3A_161 : memref<128x128xf32, #tpu.memory_space<vmem_shared>>) target_semaphore(%run_scoped3A_153 : memref<!tpu.dma_semaphore, #tpu.memory_space<semaphore_mem>>)
        %dma_wait3A_166 = arith.constant 0 : i32
        %dma_wait3A_167 = arith.constant 0 : i32
        %dma_wait3A_168 = tpu.memref_slice %arg8[%run_scoped3A, %dma_wait3A_166, %dma_wait3A_167] : memref<2x128x128xf32, #tpu.memory_space<vmem>> -> memref<1x128x128xf32, #tpu.memory_space<vmem>>
        %dma_wait3A_169 = tpu.memref_squeeze %dma_wait3A_168 : memref<1x128x128xf32, #tpu.memory_space<vmem>> -> memref<128x128xf32, #tpu.memory_space<vmem>>
        %dma_wait3A_170 = arith.constant 0 : i32
        %dma_wait3A_171 = tpu.memref_slice %arg12[%add3A_151, %dma_wait3A_170] : memref<10240x128xf32, #tpu.memory_space<vmem_shared>> -> memref<128x128xf32, #tpu.memory_space<vmem_shared>>
        %dma_wait3A_172 = arith.constant 0 : i32
        %dma_wait3A_173 = tpu.memref_slice %arg12[%add3A_151, %dma_wait3A_172] : memref<10240x128xf32, #tpu.memory_space<vmem_shared>> -> memref<128x128xf32, #tpu.memory_space<vmem_shared>>
        %dma_wait3A_174 = arith.constant 0 : i32
        %dma_wait3A_175 = arith.constant 0 : i32
        %dma_wait3A_176 = tpu.memref_slice %arg8[%run_scoped3A, %dma_wait3A_174, %dma_wait3A_175] : memref<2x128x128xf32, #tpu.memory_space<vmem>> -> memref<1x128x128xf32, #tpu.memory_space<vmem>>
        %dma_wait3A_177 = tpu.memref_squeeze %dma_wait3A_176 : memref<1x128x128xf32, #tpu.memory_space<vmem>> -> memref<128x128xf32, #tpu.memory_space<vmem>>
        tpu.wait_dma2 semaphore(%run_scoped3A_153 : memref<!tpu.dma_semaphore, #tpu.memory_space<semaphore_mem>>) src(%dma_wait3A_177 : memref<128x128xf32, #tpu.memory_space<vmem>>) dst(%dma_wait3A_173 : memref<128x128xf32, #tpu.memory_space<vmem_shared>>)
        tpu.yield
      }) : () -> ()
      %scan3A_152 = arith.constant 0 : i32
      scf.yield %scan3A_152 : i32
    }
    %scan3A_15 = arith.constant 5 : i32
    %barrier3A = arith.constant 0 : index
    tpu.barrier barrier_id(%barrier3A)
    %dma_start3A = arith.constant 0 : i32
    %dma_start3A_16 = arith.constant 0 : i32
    %dma_start3A_17 = arith.constant 0 : i32
    %dma_start3A_18 = tpu.memref_slice %arg7[%dma_start3A_16, %dma_start3A_17] : memref<2x128xi32, #tpu.memory_space<vmem>> -> memref<1x128xi32, #tpu.memory_space<vmem>>
    %dma_start3A_19 = tpu.memref_squeeze %dma_start3A_18 : memref<1x128xi32, #tpu.memory_space<vmem>> -> memref<128xi32, #tpu.memory_space<vmem>>
    %dma_start3A_20 = arith.constant 0 : i32
    %dma_start3A_21 = tpu.memref_slice %arg3[%add3A, %dma_start3A, %dma_start3A_20] : memref<32x96x128xi32, #tpu.memory_space<hbm>> -> memref<1x1x128xi32, #tpu.memory_space<hbm>>
    %dma_start3A_22 = tpu.memref_squeeze %dma_start3A_21 : memref<1x1x128xi32, #tpu.memory_space<hbm>> -> memref<128xi32, #tpu.memory_space<hbm>>
    %dma_start3A_23 = arith.constant 0 : i32
    %dma_start3A_24 = tpu.memref_slice %arg7[%dma_start3A_16, %dma_start3A_23] : memref<2x128xi32, #tpu.memory_space<vmem>> -> memref<1x128xi32, #tpu.memory_space<vmem>>
    %dma_start3A_25 = tpu.memref_squeeze %dma_start3A_24 : memref<1x128xi32, #tpu.memory_space<vmem>> -> memref<128xi32, #tpu.memory_space<vmem>>
    %dma_start3A_26 = arith.constant 0 : i32
    %dma_start3A_27 = tpu.memref_slice %arg3[%add3A, %dma_start3A, %dma_start3A_26] : memref<32x96x128xi32, #tpu.memory_space<hbm>> -> memref<1x1x128xi32, #tpu.memory_space<hbm>>
    %dma_start3A_28 = tpu.memref_squeeze %dma_start3A_27 : memref<1x1x128xi32, #tpu.memory_space<hbm>> -> memref<128xi32, #tpu.memory_space<hbm>>
    tpu.enqueue_dma source(%dma_start3A_28 : memref<128xi32, #tpu.memory_space<hbm>>) target(%dma_start3A_25 : memref<128xi32, #tpu.memory_space<vmem>>) target_semaphore(%arg10 : memref<!tpu.dma_semaphore, #tpu.memory_space<semaphore_mem>>)
    %dma_start3A_29 = arith.constant 0 : i32
    %dma_start3A_30 = arith.constant 0 : i32
    %dma_start3A_31 = arith.constant 0 : i32
    %dma_start3A_32 = arith.constant 0 : i32
    %dma_start3A_33 = tpu.memref_slice %arg8[%dma_start3A_30, %dma_start3A_31, %dma_start3A_32] : memref<2x128x128xf32, #tpu.memory_space<vmem>> -> memref<1x128x128xf32, #tpu.memory_space<vmem>>
    %dma_start3A_34 = tpu.memref_squeeze %dma_start3A_33 : memref<1x128x128xf32, #tpu.memory_space<vmem>> -> memref<128x128xf32, #tpu.memory_space<vmem>>
    %dma_start3A_35 = arith.constant 0 : i32
    %dma_start3A_36 = tpu.memref_slice %arg6[%dma_start3A_29, %dma_start3A_35] : memref<96x128xi32, #tpu.memory_space<vmem>> -> memref<1x128xi32, #tpu.memory_space<vmem>>
    %dma_start3A_37 = tpu.memref_squeeze %dma_start3A_36 : memref<1x128xi32, #tpu.memory_space<vmem>> -> memref<128xi32, #tpu.memory_space<vmem>>
    %dma_start3A_38 = arith.constant 0 : i32
    %dma_start3A_39 = arith.constant 0 : i32
    %dma_start3A_40 = tpu.memref_slice %arg4[%dma_start3A_38, %dma_start3A_39] : memref<10240x128xf32, #tpu.memory_space<hbm>> -> memref<10240x128xf32, #tpu.memory_space<hbm>>
    tpu.enqueue_indirect_dma source(%dma_start3A_40 : memref<10240x128xf32, #tpu.memory_space<hbm>>) target(%dma_start3A_34 : memref<128x128xf32, #tpu.memory_space<vmem>>) offsets(%dma_start3A_37 : memref<128xi32, #tpu.memory_space<vmem>>) semaphore(%arg9 : memref<!tpu.dma_semaphore, #tpu.memory_space<semaphore_mem>>)
    %add3A_41 = arith.constant 1 : i32
    %add3A_42 = arith.addi %select_n3A, %add3A_41 : i32
    %while3A = arith.constant 1 : i32
    %while3A_43 = arith.constant 0 : i32
    %while3A_44 = arith.subi %add3A_42, %while3A : i32
    %while3A_45 = arith.addi %while3A, %while3A_44 : i32
    %while3A_46 = arith.constant 1 : i32
    %while3A_47 = arith.divsi %while3A_44, %while3A_46 : i32
    %while3A_48 = arith.muli %while3A_47, %while3A_46 : i32
    %while3A_49 = arith.addi %while3A, %while3A_48 : i32
    %while3A_50 = arith.constant 1 : i32
    %while3A_51 = scf.for %while3A_145 = %while3A to %while3A_49 step %while3A_50 iter_args(%while3A_146 = %while3A_43) -> (i32)  : i32 {
      %lt3A_147 = arith.cmpi slt, %while3A_145, %select_n3A : i32
      %convert_element_type3A = arith.extui %lt3A_147 : i1 to i32
      %cond3A = arith.constant 0 : i32
      %cond3A_148 = arith.cmpi ne, %convert_element_type3A, %cond3A : i32
      scf.if %cond3A_148 {
        %ge3A = arith.constant 2 : i32
        %ge3A_258 = arith.cmpi sge, %while3A_145, %ge3A : i32
        %convert_element_type3A_259 = arith.extui %ge3A_258 : i1 to i32
        %cond3A_260 = arith.constant 0 : i32
        %cond3A_261 = arith.cmpi ne, %convert_element_type3A_259, %cond3A_260 : i32
        scf.if %cond3A_261 {
          %jit3A_316 = arith.constant 2 : i32
          %eq3A_317 = arith.constant 0 : i32
          %eq3A_318 = arith.cmpi eq, %jit3A_316, %eq3A_317 : i32
          %jit3A_319 = arith.constant 1 : i32
          %select_n3A_320 = arith.select %eq3A_318, %jit3A_319, %jit3A_316 : i32
          %rem3A_321 = arith.remsi %while3A_145, %select_n3A_320 : i32
          %ne3A_322 = arith.constant 0 : i32
          %ne3A_323 = arith.cmpi ne, %rem3A_321, %ne3A_322 : i32
          %lt3A_324 = arith.constant 0 : i32
          %lt3A_325 = arith.cmpi slt, %rem3A_321, %lt3A_324 : i32
          %lt3A_326 = arith.constant 0 : i32
          %lt3A_327 = arith.cmpi slt, %select_n3A_320, %lt3A_326 : i32
          %ne3A_328 = arith.xori %lt3A_325, %lt3A_327 : i1
          %and3A_329 = arith.andi %ne3A_328, %ne3A_323 : i1
          %add3A_330 = arith.addi %rem3A_321, %select_n3A_320 : i32
          %select_n3A_331 = arith.select %and3A_329, %add3A_330, %rem3A_321 : i32
          %jit3A_332 = arith.constant 2 : i32
          %eq3A_333 = arith.constant 0 : i32
          %eq3A_334 = arith.cmpi eq, %jit3A_332, %eq3A_333 : i32
          %jit3A_335 = arith.constant 1 : i32
          %select_n3A_336 = arith.select %eq3A_334, %jit3A_335, %jit3A_332 : i32
          %rem3A_337 = arith.remsi %while3A_145, %select_n3A_336 : i32
          %ne3A_338 = arith.constant 0 : i32
          %ne3A_339 = arith.cmpi ne, %rem3A_337, %ne3A_338 : i32
          %lt3A_340 = arith.constant 0 : i32
          %lt3A_341 = arith.cmpi slt, %rem3A_337, %lt3A_340 : i32
          %lt3A_342 = arith.constant 0 : i32
          %lt3A_343 = arith.cmpi slt, %select_n3A_336, %lt3A_342 : i32
          %ne3A_344 = arith.xori %lt3A_341, %lt3A_343 : i1
          %and3A_345 = arith.andi %ne3A_344, %ne3A_339 : i1
          %add3A_346 = arith.addi %rem3A_337, %select_n3A_336 : i32
          %select_n3A_347 = arith.select %and3A_345, %add3A_346, %rem3A_337 : i32
          %dma_wait3A_348 = arith.constant 0 : i32
          %dma_wait3A_349 = arith.constant 0 : i32
          %dma_wait3A_350 = tpu.memref_slice %arg8[%select_n3A_331, %dma_wait3A_348, %dma_wait3A_349] : memref<2x128x128xf32, #tpu.memory_space<vmem>> -> memref<1x128x128xf32, #tpu.memory_space<vmem>>
          %dma_wait3A_351 = tpu.memref_squeeze %dma_wait3A_350 : memref<1x128x128xf32, #tpu.memory_space<vmem>> -> memref<128x128xf32, #tpu.memory_space<vmem>>
          %dma_wait3A_352 = arith.constant 0 : i32
          %dma_wait3A_353 = tpu.memref_slice %arg7[%select_n3A_347, %dma_wait3A_352] : memref<2x128xi32, #tpu.memory_space<vmem>> -> memref<1x128xi32, #tpu.memory_space<vmem>>
          %dma_wait3A_354 = tpu.memref_squeeze %dma_wait3A_353 : memref<1x128xi32, #tpu.memory_space<vmem>> -> memref<128xi32, #tpu.memory_space<vmem>>
          %dma_wait3A_355 = arith.constant 0 : i32
          %dma_wait3A_356 = arith.constant 0 : i32
          %dma_wait3A_357 = tpu.memref_slice %arg12[%dma_wait3A_355, %dma_wait3A_356] : memref<10240x128xf32, #tpu.memory_space<vmem_shared>> -> memref<10240x128xf32, #tpu.memory_space<vmem_shared>>
          tpu.wait_indirect_dma semaphore(%arg11 : memref<!tpu.dma_semaphore, #tpu.memory_space<semaphore_mem>>) src(%dma_wait3A_351 : memref<128x128xf32, #tpu.memory_space<vmem>>) dst(%dma_wait3A_357 : memref<10240x128xf32, #tpu.memory_space<vmem_shared>>)
        } else {
        }
        %jit3A_262 = arith.constant 2 : i32
        %eq3A_263 = arith.constant 0 : i32
        %eq3A_264 = arith.cmpi eq, %jit3A_262, %eq3A_263 : i32
        %jit3A_265 = arith.constant 1 : i32
        %select_n3A_266 = arith.select %eq3A_264, %jit3A_265, %jit3A_262 : i32
        %rem3A_267 = arith.remsi %while3A_145, %select_n3A_266 : i32
        %ne3A_268 = arith.constant 0 : i32
        %ne3A_269 = arith.cmpi ne, %rem3A_267, %ne3A_268 : i32
        %lt3A_270 = arith.constant 0 : i32
        %lt3A_271 = arith.cmpi slt, %rem3A_267, %lt3A_270 : i32
        %lt3A_272 = arith.constant 0 : i32
        %lt3A_273 = arith.cmpi slt, %select_n3A_266, %lt3A_272 : i32
        %ne3A_274 = arith.xori %lt3A_271, %lt3A_273 : i1
        %and3A_275 = arith.andi %ne3A_274, %ne3A_269 : i1
        %add3A_276 = arith.addi %rem3A_267, %select_n3A_266 : i32
        %select_n3A_277 = arith.select %and3A_275, %add3A_276, %rem3A_267 : i32
        %dma_start3A_278 = arith.constant 0 : i32
        %dma_start3A_279 = tpu.memref_slice %arg7[%select_n3A_277, %dma_start3A_278] : memref<2x128xi32, #tpu.memory_space<vmem>> -> memref<1x128xi32, #tpu.memory_space<vmem>>
        %dma_start3A_280 = tpu.memref_squeeze %dma_start3A_279 : memref<1x128xi32, #tpu.memory_space<vmem>> -> memref<128xi32, #tpu.memory_space<vmem>>
        %dma_start3A_281 = arith.constant 0 : i32
        %dma_start3A_282 = tpu.memref_slice %arg3[%add3A, %while3A_145, %dma_start3A_281] : memref<32x96x128xi32, #tpu.memory_space<hbm>> -> memref<1x1x128xi32, #tpu.memory_space<hbm>>
        %dma_start3A_283 = tpu.memref_squeeze %dma_start3A_282 : memref<1x1x128xi32, #tpu.memory_space<hbm>> -> memref<128xi32, #tpu.memory_space<hbm>>
        %dma_start3A_284 = arith.constant 0 : i32
        %dma_start3A_285 = tpu.memref_slice %arg7[%select_n3A_277, %dma_start3A_284] : memref<2x128xi32, #tpu.memory_space<vmem>> -> memref<1x128xi32, #tpu.memory_space<vmem>>
        %dma_start3A_286 = tpu.memref_squeeze %dma_start3A_285 : memref<1x128xi32, #tpu.memory_space<vmem>> -> memref<128xi32, #tpu.memory_space<vmem>>
        %dma_start3A_287 = arith.constant 0 : i32
        %dma_start3A_288 = tpu.memref_slice %arg3[%add3A, %while3A_145, %dma_start3A_287] : memref<32x96x128xi32, #tpu.memory_space<hbm>> -> memref<1x1x128xi32, #tpu.memory_space<hbm>>
        %dma_start3A_289 = tpu.memref_squeeze %dma_start3A_288 : memref<1x1x128xi32, #tpu.memory_space<hbm>> -> memref<128xi32, #tpu.memory_space<hbm>>
        tpu.enqueue_dma source(%dma_start3A_289 : memref<128xi32, #tpu.memory_space<hbm>>) target(%dma_start3A_286 : memref<128xi32, #tpu.memory_space<vmem>>) target_semaphore(%arg10 : memref<!tpu.dma_semaphore, #tpu.memory_space<semaphore_mem>>)
        %jit3A_290 = arith.constant 2 : i32
        %eq3A_291 = arith.constant 0 : i32
        %eq3A_292 = arith.cmpi eq, %jit3A_290, %eq3A_291 : i32
        %jit3A_293 = arith.constant 1 : i32
        %select_n3A_294 = arith.select %eq3A_292, %jit3A_293, %jit3A_290 : i32
        %rem3A_295 = arith.remsi %while3A_145, %select_n3A_294 : i32
        %ne3A_296 = arith.constant 0 : i32
        %ne3A_297 = arith.cmpi ne, %rem3A_295, %ne3A_296 : i32
        %lt3A_298 = arith.constant 0 : i32
        %lt3A_299 = arith.cmpi slt, %rem3A_295, %lt3A_298 : i32
        %lt3A_300 = arith.constant 0 : i32
        %lt3A_301 = arith.cmpi slt, %select_n3A_294, %lt3A_300 : i32
        %ne3A_302 = arith.xori %lt3A_299, %lt3A_301 : i1
        %and3A_303 = arith.andi %ne3A_302, %ne3A_297 : i1
        %add3A_304 = arith.addi %rem3A_295, %select_n3A_294 : i32
        %select_n3A_305 = arith.select %and3A_303, %add3A_304, %rem3A_295 : i32
        %dma_start3A_306 = arith.constant 0 : i32
        %dma_start3A_307 = arith.constant 0 : i32
        %dma_start3A_308 = tpu.memref_slice %arg8[%select_n3A_305, %dma_start3A_306, %dma_start3A_307] : memref<2x128x128xf32, #tpu.memory_space<vmem>> -> memref<1x128x128xf32, #tpu.memory_space<vmem>>
        %dma_start3A_309 = tpu.memref_squeeze %dma_start3A_308 : memref<1x128x128xf32, #tpu.memory_space<vmem>> -> memref<128x128xf32, #tpu.memory_space<vmem>>
        %dma_start3A_310 = arith.constant 0 : i32
        %dma_start3A_311 = tpu.memref_slice %arg6[%while3A_145, %dma_start3A_310] : memref<96x128xi32, #tpu.memory_space<vmem>> -> memref<1x128xi32, #tpu.memory_space<vmem>>
        %dma_start3A_312 = tpu.memref_squeeze %dma_start3A_311 : memref<1x128xi32, #tpu.memory_space<vmem>> -> memref<128xi32, #tpu.memory_space<vmem>>
        %dma_start3A_313 = arith.constant 0 : i32
        %dma_start3A_314 = arith.constant 0 : i32
        %dma_start3A_315 = tpu.memref_slice %arg4[%dma_start3A_313, %dma_start3A_314] : memref<10240x128xf32, #tpu.memory_space<hbm>> -> memref<10240x128xf32, #tpu.memory_space<hbm>>
        tpu.enqueue_indirect_dma source(%dma_start3A_315 : memref<10240x128xf32, #tpu.memory_space<hbm>>) target(%dma_start3A_309 : memref<128x128xf32, #tpu.memory_space<vmem>>) offsets(%dma_start3A_312 : memref<128xi32, #tpu.memory_space<vmem>>) semaphore(%arg9 : memref<!tpu.dma_semaphore, #tpu.memory_space<semaphore_mem>>)
      } else {
      }
      %sub3A_149 = arith.constant 1 : i32
      %sub3A_150 = arith.subi %while3A_145, %sub3A_149 : i32
      %sub3A_151 = arith.constant 1 : i32
      %sub3A_152 = arith.subi %while3A_145, %sub3A_151 : i32
      %jit3A_153 = arith.constant 2 : i32
      %eq3A_154 = arith.constant 0 : i32
      %eq3A_155 = arith.cmpi eq, %jit3A_153, %eq3A_154 : i32
      %jit3A_156 = arith.constant 1 : i32
      %select_n3A_157 = arith.select %eq3A_155, %jit3A_156, %jit3A_153 : i32
      %rem3A_158 = arith.remsi %sub3A_152, %select_n3A_157 : i32
      %ne3A_159 = arith.constant 0 : i32
      %ne3A_160 = arith.cmpi ne, %rem3A_158, %ne3A_159 : i32
      %lt3A_161 = arith.constant 0 : i32
      %lt3A_162 = arith.cmpi slt, %rem3A_158, %lt3A_161 : i32
      %lt3A_163 = arith.constant 0 : i32
      %lt3A_164 = arith.cmpi slt, %select_n3A_157, %lt3A_163 : i32
      %ne3A_165 = arith.xori %lt3A_162, %lt3A_164 : i1
      %and3A_166 = arith.andi %ne3A_165, %ne3A_160 : i1
      %add3A_167 = arith.addi %rem3A_158, %select_n3A_157 : i32
      %select_n3A_168 = arith.select %and3A_166, %add3A_167, %rem3A_158 : i32
      %dma_wait3A_169 = arith.constant 0 : i32
      %dma_wait3A_170 = arith.constant 0 : i32
      %dma_wait3A_171 = tpu.memref_slice %arg8[%select_n3A_168, %dma_wait3A_169, %dma_wait3A_170] : memref<2x128x128xf32, #tpu.memory_space<vmem>> -> memref<1x128x128xf32, #tpu.memory_space<vmem>>
      %dma_wait3A_172 = tpu.memref_squeeze %dma_wait3A_171 : memref<1x128x128xf32, #tpu.memory_space<vmem>> -> memref<128x128xf32, #tpu.memory_space<vmem>>
      %dma_wait3A_173 = arith.constant 0 : i32
      %dma_wait3A_174 = tpu.memref_slice %arg6[%sub3A_150, %dma_wait3A_173] : memref<96x128xi32, #tpu.memory_space<vmem>> -> memref<1x128xi32, #tpu.memory_space<vmem>>
      %dma_wait3A_175 = tpu.memref_squeeze %dma_wait3A_174 : memref<1x128xi32, #tpu.memory_space<vmem>> -> memref<128xi32, #tpu.memory_space<vmem>>
      %dma_wait3A_176 = arith.constant 0 : i32
      %dma_wait3A_177 = arith.constant 0 : i32
      %dma_wait3A_178 = tpu.memref_slice %arg4[%dma_wait3A_176, %dma_wait3A_177] : memref<10240x128xf32, #tpu.memory_space<hbm>> -> memref<10240x128xf32, #tpu.memory_space<hbm>>
      tpu.wait_indirect_dma semaphore(%arg9 : memref<!tpu.dma_semaphore, #tpu.memory_space<semaphore_mem>>) src(%dma_wait3A_178 : memref<10240x128xf32, #tpu.memory_space<hbm>>) dst(%dma_wait3A_172 : memref<128x128xf32, #tpu.memory_space<vmem>>)
      %sub3A_179 = arith.constant 1 : i32
      %sub3A_180 = arith.subi %while3A_145, %sub3A_179 : i32
      %sub3A_181 = arith.constant 1 : i32
      %sub3A_182 = arith.subi %while3A_145, %sub3A_181 : i32
      %jit3A_183 = arith.constant 2 : i32
      %eq3A_184 = arith.constant 0 : i32
      %eq3A_185 = arith.cmpi eq, %jit3A_183, %eq3A_184 : i32
      %jit3A_186 = arith.constant 1 : i32
      %select_n3A_187 = arith.select %eq3A_185, %jit3A_186, %jit3A_183 : i32
      %rem3A_188 = arith.remsi %sub3A_182, %select_n3A_187 : i32
      %ne3A_189 = arith.constant 0 : i32
      %ne3A_190 = arith.cmpi ne, %rem3A_188, %ne3A_189 : i32
      %lt3A_191 = arith.constant 0 : i32
      %lt3A_192 = arith.cmpi slt, %rem3A_188, %lt3A_191 : i32
      %lt3A_193 = arith.constant 0 : i32
      %lt3A_194 = arith.cmpi slt, %select_n3A_187, %lt3A_193 : i32
      %ne3A_195 = arith.xori %lt3A_192, %lt3A_194 : i1
      %and3A_196 = arith.andi %ne3A_195, %ne3A_190 : i1
      %add3A_197 = arith.addi %rem3A_188, %select_n3A_187 : i32
      %select_n3A_198 = arith.select %and3A_196, %add3A_197, %rem3A_188 : i32
      %dma_wait3A_199 = arith.constant 0 : i32
      %dma_wait3A_200 = tpu.memref_slice %arg7[%select_n3A_198, %dma_wait3A_199] : memref<2x128xi32, #tpu.memory_space<vmem>> -> memref<1x128xi32, #tpu.memory_space<vmem>>
      %dma_wait3A_201 = tpu.memref_squeeze %dma_wait3A_200 : memref<1x128xi32, #tpu.memory_space<vmem>> -> memref<128xi32, #tpu.memory_space<vmem>>
      %dma_wait3A_202 = arith.constant 0 : i32
      %dma_wait3A_203 = tpu.memref_slice %arg3[%add3A, %sub3A_180, %dma_wait3A_202] : memref<32x96x128xi32, #tpu.memory_space<hbm>> -> memref<1x1x128xi32, #tpu.memory_space<hbm>>
      %dma_wait3A_204 = tpu.memref_squeeze %dma_wait3A_203 : memref<1x1x128xi32, #tpu.memory_space<hbm>> -> memref<128xi32, #tpu.memory_space<hbm>>
      %dma_wait3A_205 = arith.constant 0 : i32
      %dma_wait3A_206 = tpu.memref_slice %arg7[%select_n3A_198, %dma_wait3A_205] : memref<2x128xi32, #tpu.memory_space<vmem>> -> memref<1x128xi32, #tpu.memory_space<vmem>>
      %dma_wait3A_207 = tpu.memref_squeeze %dma_wait3A_206 : memref<1x128xi32, #tpu.memory_space<vmem>> -> memref<128xi32, #tpu.memory_space<vmem>>
      %dma_wait3A_208 = arith.constant 0 : i32
      %dma_wait3A_209 = tpu.memref_slice %arg3[%add3A, %sub3A_180, %dma_wait3A_208] : memref<32x96x128xi32, #tpu.memory_space<hbm>> -> memref<1x1x128xi32, #tpu.memory_space<hbm>>
      %dma_wait3A_210 = tpu.memref_squeeze %dma_wait3A_209 : memref<1x1x128xi32, #tpu.memory_space<hbm>> -> memref<128xi32, #tpu.memory_space<hbm>>
      tpu.wait_dma2 semaphore(%arg10 : memref<!tpu.dma_semaphore, #tpu.memory_space<semaphore_mem>>) src(%dma_wait3A_210 : memref<128xi32, #tpu.memory_space<hbm>>) dst(%dma_wait3A_207 : memref<128xi32, #tpu.memory_space<vmem>>)
      %sub3A_211 = arith.constant 1 : i32
      %sub3A_212 = arith.subi %while3A_145, %sub3A_211 : i32
      %jit3A_213 = arith.constant 2 : i32
      %eq3A_214 = arith.constant 0 : i32
      %eq3A_215 = arith.cmpi eq, %jit3A_213, %eq3A_214 : i32
      %jit3A_216 = arith.constant 1 : i32
      %select_n3A_217 = arith.select %eq3A_215, %jit3A_216, %jit3A_213 : i32
      %rem3A_218 = arith.remsi %sub3A_212, %select_n3A_217 : i32
      %ne3A_219 = arith.constant 0 : i32
      %ne3A_220 = arith.cmpi ne, %rem3A_218, %ne3A_219 : i32
      %lt3A_221 = arith.constant 0 : i32
      %lt3A_222 = arith.cmpi slt, %rem3A_218, %lt3A_221 : i32
      %lt3A_223 = arith.constant 0 : i32
      %lt3A_224 = arith.cmpi slt, %select_n3A_217, %lt3A_223 : i32
      %ne3A_225 = arith.xori %lt3A_222, %lt3A_224 : i1
      %and3A_226 = arith.andi %ne3A_225, %ne3A_220 : i1
      %add3A_227 = arith.addi %rem3A_218, %select_n3A_217 : i32
      %select_n3A_228 = arith.select %and3A_226, %add3A_227, %rem3A_218 : i32
      %sub3A_229 = arith.constant 1 : i32
      %sub3A_230 = arith.subi %while3A_145, %sub3A_229 : i32
      %jit3A_231 = arith.constant 2 : i32
      %eq3A_232 = arith.constant 0 : i32
      %eq3A_233 = arith.cmpi eq, %jit3A_231, %eq3A_232 : i32
      %jit3A_234 = arith.constant 1 : i32
      %select_n3A_235 = arith.select %eq3A_233, %jit3A_234, %jit3A_231 : i32
      %rem3A_236 = arith.remsi %sub3A_230, %select_n3A_235 : i32
      %ne3A_237 = arith.constant 0 : i32
      %ne3A_238 = arith.cmpi ne, %rem3A_236, %ne3A_237 : i32
      %lt3A_239 = arith.constant 0 : i32
      %lt3A_240 = arith.cmpi slt, %rem3A_236, %lt3A_239 : i32
      %lt3A_241 = arith.constant 0 : i32
      %lt3A_242 = arith.cmpi slt, %select_n3A_235, %lt3A_241 : i32
      %ne3A_243 = arith.xori %lt3A_240, %lt3A_242 : i1
      %and3A_244 = arith.andi %ne3A_243, %ne3A_238 : i1
      %add3A_245 = arith.addi %rem3A_236, %select_n3A_235 : i32
      %select_n3A_246 = arith.select %and3A_244, %add3A_245, %rem3A_236 : i32
      %dma_start3A_247 = arith.constant 0 : i32
      %dma_start3A_248 = arith.constant 0 : i32
      %dma_start3A_249 = tpu.memref_slice %arg8[%select_n3A_228, %dma_start3A_247, %dma_start3A_248] : memref<2x128x128xf32, #tpu.memory_space<vmem>> -> memref<1x128x128xf32, #tpu.memory_space<vmem>>
      %dma_start3A_250 = tpu.memref_squeeze %dma_start3A_249 : memref<1x128x128xf32, #tpu.memory_space<vmem>> -> memref<128x128xf32, #tpu.memory_space<vmem>>
      %dma_start3A_251 = arith.constant 0 : i32
      %dma_start3A_252 = tpu.memref_slice %arg7[%select_n3A_246, %dma_start3A_251] : memref<2x128xi32, #tpu.memory_space<vmem>> -> memref<1x128xi32, #tpu.memory_space<vmem>>
      %dma_start3A_253 = tpu.memref_squeeze %dma_start3A_252 : memref<1x128xi32, #tpu.memory_space<vmem>> -> memref<128xi32, #tpu.memory_space<vmem>>
      %dma_start3A_254 = arith.constant 0 : i32
      %dma_start3A_255 = arith.constant 0 : i32
      %dma_start3A_256 = tpu.memref_slice %arg12[%dma_start3A_254, %dma_start3A_255] : memref<10240x128xf32, #tpu.memory_space<vmem_shared>> -> memref<10240x128xf32, #tpu.memory_space<vmem_shared>>
      tpu.enqueue_indirect_dma source(%dma_start3A_250 : memref<128x128xf32, #tpu.memory_space<vmem>>) target(%dma_start3A_256 : memref<10240x128xf32, #tpu.memory_space<vmem_shared>>) offsets(%dma_start3A_253 : memref<128xi32, #tpu.memory_space<vmem>>) semaphore(%arg11 : memref<!tpu.dma_semaphore, #tpu.memory_space<semaphore_mem>>) {add = true}
      %while3A_257 = arith.constant 0 : i32
      scf.yield %while3A_257 : i32
    }
    %while3A_52 = arith.constant 1 : i32
    %while3A_53 = scf.for %while3A_145 = %while3A_49 to %while3A_45 step %while3A_52 iter_args(%while3A_146 = %while3A_51) -> (i32)  : i32 {
      %lt3A_147 = arith.cmpi slt, %while3A_145, %select_n3A : i32
      %convert_element_type3A = arith.extui %lt3A_147 : i1 to i32
      %cond3A = arith.constant 0 : i32
      %cond3A_148 = arith.cmpi ne, %convert_element_type3A, %cond3A : i32
      scf.if %cond3A_148 {
        %ge3A = arith.constant 2 : i32
        %ge3A_258 = arith.cmpi sge, %while3A_145, %ge3A : i32
        %convert_element_type3A_259 = arith.extui %ge3A_258 : i1 to i32
        %cond3A_260 = arith.constant 0 : i32
        %cond3A_261 = arith.cmpi ne, %convert_element_type3A_259, %cond3A_260 : i32
        scf.if %cond3A_261 {
          %jit3A_316 = arith.constant 2 : i32
          %eq3A_317 = arith.constant 0 : i32
          %eq3A_318 = arith.cmpi eq, %jit3A_316, %eq3A_317 : i32
          %jit3A_319 = arith.constant 1 : i32
          %select_n3A_320 = arith.select %eq3A_318, %jit3A_319, %jit3A_316 : i32
          %rem3A_321 = arith.remsi %while3A_145, %select_n3A_320 : i32
          %ne3A_322 = arith.constant 0 : i32
          %ne3A_323 = arith.cmpi ne, %rem3A_321, %ne3A_322 : i32
          %lt3A_324 = arith.constant 0 : i32
          %lt3A_325 = arith.cmpi slt, %rem3A_321, %lt3A_324 : i32
          %lt3A_326 = arith.constant 0 : i32
          %lt3A_327 = arith.cmpi slt, %select_n3A_320, %lt3A_326 : i32
          %ne3A_328 = arith.xori %lt3A_325, %lt3A_327 : i1
          %and3A_329 = arith.andi %ne3A_328, %ne3A_323 : i1
          %add3A_330 = arith.addi %rem3A_321, %select_n3A_320 : i32
          %select_n3A_331 = arith.select %and3A_329, %add3A_330, %rem3A_321 : i32
          %jit3A_332 = arith.constant 2 : i32
          %eq3A_333 = arith.constant 0 : i32
          %eq3A_334 = arith.cmpi eq, %jit3A_332, %eq3A_333 : i32
          %jit3A_335 = arith.constant 1 : i32
          %select_n3A_336 = arith.select %eq3A_334, %jit3A_335, %jit3A_332 : i32
          %rem3A_337 = arith.remsi %while3A_145, %select_n3A_336 : i32
          %ne3A_338 = arith.constant 0 : i32
          %ne3A_339 = arith.cmpi ne, %rem3A_337, %ne3A_338 : i32
          %lt3A_340 = arith.constant 0 : i32
          %lt3A_341 = arith.cmpi slt, %rem3A_337, %lt3A_340 : i32
          %lt3A_342 = arith.constant 0 : i32
          %lt3A_343 = arith.cmpi slt, %select_n3A_336, %lt3A_342 : i32
          %ne3A_344 = arith.xori %lt3A_341, %lt3A_343 : i1
          %and3A_345 = arith.andi %ne3A_344, %ne3A_339 : i1
          %add3A_346 = arith.addi %rem3A_337, %select_n3A_336 : i32
          %select_n3A_347 = arith.select %and3A_345, %add3A_346, %rem3A_337 : i32
          %dma_wait3A_348 = arith.constant 0 : i32
          %dma_wait3A_349 = arith.constant 0 : i32
          %dma_wait3A_350 = tpu.memref_slice %arg8[%select_n3A_331, %dma_wait3A_348, %dma_wait3A_349] : memref<2x128x128xf32, #tpu.memory_space<vmem>> -> memref<1x128x128xf32, #tpu.memory_space<vmem>>
          %dma_wait3A_351 = tpu.memref_squeeze %dma_wait3A_350 : memref<1x128x128xf32, #tpu.memory_space<vmem>> -> memref<128x128xf32, #tpu.memory_space<vmem>>
          %dma_wait3A_352 = arith.constant 0 : i32
          %dma_wait3A_353 = tpu.memref_slice %arg7[%select_n3A_347, %dma_wait3A_352] : memref<2x128xi32, #tpu.memory_space<vmem>> -> memref<1x128xi32, #tpu.memory_space<vmem>>
          %dma_wait3A_354 = tpu.memref_squeeze %dma_wait3A_353 : memref<1x128xi32, #tpu.memory_space<vmem>> -> memref<128xi32, #tpu.memory_space<vmem>>
          %dma_wait3A_355 = arith.constant 0 : i32
          %dma_wait3A_356 = arith.constant 0 : i32
          %dma_wait3A_357 = tpu.memref_slice %arg12[%dma_wait3A_355, %dma_wait3A_356] : memref<10240x128xf32, #tpu.memory_space<vmem_shared>> -> memref<10240x128xf32, #tpu.memory_space<vmem_shared>>
          tpu.wait_indirect_dma semaphore(%arg11 : memref<!tpu.dma_semaphore, #tpu.memory_space<semaphore_mem>>) src(%dma_wait3A_351 : memref<128x128xf32, #tpu.memory_space<vmem>>) dst(%dma_wait3A_357 : memref<10240x128xf32, #tpu.memory_space<vmem_shared>>)
        } else {
        }
        %jit3A_262 = arith.constant 2 : i32
        %eq3A_263 = arith.constant 0 : i32
        %eq3A_264 = arith.cmpi eq, %jit3A_262, %eq3A_263 : i32
        %jit3A_265 = arith.constant 1 : i32
        %select_n3A_266 = arith.select %eq3A_264, %jit3A_265, %jit3A_262 : i32
        %rem3A_267 = arith.remsi %while3A_145, %select_n3A_266 : i32
        %ne3A_268 = arith.constant 0 : i32
        %ne3A_269 = arith.cmpi ne, %rem3A_267, %ne3A_268 : i32
        %lt3A_270 = arith.constant 0 : i32
        %lt3A_271 = arith.cmpi slt, %rem3A_267, %lt3A_270 : i32
        %lt3A_272 = arith.constant 0 : i32
        %lt3A_273 = arith.cmpi slt, %select_n3A_266, %lt3A_272 : i32
        %ne3A_274 = arith.xori %lt3A_271, %lt3A_273 : i1
        %and3A_275 = arith.andi %ne3A_274, %ne3A_269 : i1
        %add3A_276 = arith.addi %rem3A_267, %select_n3A_266 : i32
        %select_n3A_277 = arith.select %and3A_275, %add3A_276, %rem3A_267 : i32
        %dma_start3A_278 = arith.constant 0 : i32
        %dma_start3A_279 = tpu.memref_slice %arg7[%select_n3A_277, %dma_start3A_278] : memref<2x128xi32, #tpu.memory_space<vmem>> -> memref<1x128xi32, #tpu.memory_space<vmem>>
        %dma_start3A_280 = tpu.memref_squeeze %dma_start3A_279 : memref<1x128xi32, #tpu.memory_space<vmem>> -> memref<128xi32, #tpu.memory_space<vmem>>
        %dma_start3A_281 = arith.constant 0 : i32
        %dma_start3A_282 = tpu.memref_slice %arg3[%add3A, %while3A_145, %dma_start3A_281] : memref<32x96x128xi32, #tpu.memory_space<hbm>> -> memref<1x1x128xi32, #tpu.memory_space<hbm>>
        %dma_start3A_283 = tpu.memref_squeeze %dma_start3A_282 : memref<1x1x128xi32, #tpu.memory_space<hbm>> -> memref<128xi32, #tpu.memory_space<hbm>>
        %dma_start3A_284 = arith.constant 0 : i32
        %dma_start3A_285 = tpu.memref_slice %arg7[%select_n3A_277, %dma_start3A_284] : memref<2x128xi32, #tpu.memory_space<vmem>> -> memref<1x128xi32, #tpu.memory_space<vmem>>
        %dma_start3A_286 = tpu.memref_squeeze %dma_start3A_285 : memref<1x128xi32, #tpu.memory_space<vmem>> -> memref<128xi32, #tpu.memory_space<vmem>>
        %dma_start3A_287 = arith.constant 0 : i32
        %dma_start3A_288 = tpu.memref_slice %arg3[%add3A, %while3A_145, %dma_start3A_287] : memref<32x96x128xi32, #tpu.memory_space<hbm>> -> memref<1x1x128xi32, #tpu.memory_space<hbm>>
        %dma_start3A_289 = tpu.memref_squeeze %dma_start3A_288 : memref<1x1x128xi32, #tpu.memory_space<hbm>> -> memref<128xi32, #tpu.memory_space<hbm>>
        tpu.enqueue_dma source(%dma_start3A_289 : memref<128xi32, #tpu.memory_space<hbm>>) target(%dma_start3A_286 : memref<128xi32, #tpu.memory_space<vmem>>) target_semaphore(%arg10 : memref<!tpu.dma_semaphore, #tpu.memory_space<semaphore_mem>>)
        %jit3A_290 = arith.constant 2 : i32
        %eq3A_291 = arith.constant 0 : i32
        %eq3A_292 = arith.cmpi eq, %jit3A_290, %eq3A_291 : i32
        %jit3A_293 = arith.constant 1 : i32
        %select_n3A_294 = arith.select %eq3A_292, %jit3A_293, %jit3A_290 : i32
        %rem3A_295 = arith.remsi %while3A_145, %select_n3A_294 : i32
        %ne3A_296 = arith.constant 0 : i32
        %ne3A_297 = arith.cmpi ne, %rem3A_295, %ne3A_296 : i32
        %lt3A_298 = arith.constant 0 : i32
        %lt3A_299 = arith.cmpi slt, %rem3A_295, %lt3A_298 : i32
        %lt3A_300 = arith.constant 0 : i32
        %lt3A_301 = arith.cmpi slt, %select_n3A_294, %lt3A_300 : i32
        %ne3A_302 = arith.xori %lt3A_299, %lt3A_301 : i1
        %and3A_303 = arith.andi %ne3A_302, %ne3A_297 : i1
        %add3A_304 = arith.addi %rem3A_295, %select_n3A_294 : i32
        %select_n3A_305 = arith.select %and3A_303, %add3A_304, %rem3A_295 : i32
        %dma_start3A_306 = arith.constant 0 : i32
        %dma_start3A_307 = arith.constant 0 : i32
        %dma_start3A_308 = tpu.memref_slice %arg8[%select_n3A_305, %dma_start3A_306, %dma_start3A_307] : memref<2x128x128xf32, #tpu.memory_space<vmem>> -> memref<1x128x128xf32, #tpu.memory_space<vmem>>
        %dma_start3A_309 = tpu.memref_squeeze %dma_start3A_308 : memref<1x128x128xf32, #tpu.memory_space<vmem>> -> memref<128x128xf32, #tpu.memory_space<vmem>>
        %dma_start3A_310 = arith.constant 0 : i32
        %dma_start3A_311 = tpu.memref_slice %arg6[%while3A_145, %dma_start3A_310] : memref<96x128xi32, #tpu.memory_space<vmem>> -> memref<1x128xi32, #tpu.memory_space<vmem>>
        %dma_start3A_312 = tpu.memref_squeeze %dma_start3A_311 : memref<1x128xi32, #tpu.memory_space<vmem>> -> memref<128xi32, #tpu.memory_space<vmem>>
        %dma_start3A_313 = arith.constant 0 : i32
        %dma_start3A_314 = arith.constant 0 : i32
        %dma_start3A_315 = tpu.memref_slice %arg4[%dma_start3A_313, %dma_start3A_314] : memref<10240x128xf32, #tpu.memory_space<hbm>> -> memref<10240x128xf32, #tpu.memory_space<hbm>>
        tpu.enqueue_indirect_dma source(%dma_start3A_315 : memref<10240x128xf32, #tpu.memory_space<hbm>>) target(%dma_start3A_309 : memref<128x128xf32, #tpu.memory_space<vmem>>) offsets(%dma_start3A_312 : memref<128xi32, #tpu.memory_space<vmem>>) semaphore(%arg9 : memref<!tpu.dma_semaphore, #tpu.memory_space<semaphore_mem>>)
      } else {
      }
      %sub3A_149 = arith.constant 1 : i32
      %sub3A_150 = arith.subi %while3A_145, %sub3A_149 : i32
      %sub3A_151 = arith.constant 1 : i32
      %sub3A_152 = arith.subi %while3A_145, %sub3A_151 : i32
      %jit3A_153 = arith.constant 2 : i32
      %eq3A_154 = arith.constant 0 : i32
      %eq3A_155 = arith.cmpi eq, %jit3A_153, %eq3A_154 : i32
      %jit3A_156 = arith.constant 1 : i32
      %select_n3A_157 = arith.select %eq3A_155, %jit3A_156, %jit3A_153 : i32
      %rem3A_158 = arith.remsi %sub3A_152, %select_n3A_157 : i32
      %ne3A_159 = arith.constant 0 : i32
      %ne3A_160 = arith.cmpi ne, %rem3A_158, %ne3A_159 : i32
      %lt3A_161 = arith.constant 0 : i32
      %lt3A_162 = arith.cmpi slt, %rem3A_158, %lt3A_161 : i32
      %lt3A_163 = arith.constant 0 : i32
      %lt3A_164 = arith.cmpi slt, %select_n3A_157, %lt3A_163 : i32
      %ne3A_165 = arith.xori %lt3A_162, %lt3A_164 : i1
      %and3A_166 = arith.andi %ne3A_165, %ne3A_160 : i1
      %add3A_167 = arith.addi %rem3A_158, %select_n3A_157 : i32
      %select_n3A_168 = arith.select %and3A_166, %add3A_167, %rem3A_158 : i32
      %dma_wait3A_169 = arith.constant 0 : i32
      %dma_wait3A_170 = arith.constant 0 : i32
      %dma_wait3A_171 = tpu.memref_slice %arg8[%select_n3A_168, %dma_wait3A_169, %dma_wait3A_170] : memref<2x128x128xf32, #tpu.memory_space<vmem>> -> memref<1x128x128xf32, #tpu.memory_space<vmem>>
      %dma_wait3A_172 = tpu.memref_squeeze %dma_wait3A_171 : memref<1x128x128xf32, #tpu.memory_space<vmem>> -> memref<128x128xf32, #tpu.memory_space<vmem>>
      %dma_wait3A_173 = arith.constant 0 : i32
      %dma_wait3A_174 = tpu.memref_slice %arg6[%sub3A_150, %dma_wait3A_173] : memref<96x128xi32, #tpu.memory_space<vmem>> -> memref<1x128xi32, #tpu.memory_space<vmem>>
      %dma_wait3A_175 = tpu.memref_squeeze %dma_wait3A_174 : memref<1x128xi32, #tpu.memory_space<vmem>> -> memref<128xi32, #tpu.memory_space<vmem>>
      %dma_wait3A_176 = arith.constant 0 : i32
      %dma_wait3A_177 = arith.constant 0 : i32
      %dma_wait3A_178 = tpu.memref_slice %arg4[%dma_wait3A_176, %dma_wait3A_177] : memref<10240x128xf32, #tpu.memory_space<hbm>> -> memref<10240x128xf32, #tpu.memory_space<hbm>>
      tpu.wait_indirect_dma semaphore(%arg9 : memref<!tpu.dma_semaphore, #tpu.memory_space<semaphore_mem>>) src(%dma_wait3A_178 : memref<10240x128xf32, #tpu.memory_space<hbm>>) dst(%dma_wait3A_172 : memref<128x128xf32, #tpu.memory_space<vmem>>)
      %sub3A_179 = arith.constant 1 : i32
      %sub3A_180 = arith.subi %while3A_145, %sub3A_179 : i32
      %sub3A_181 = arith.constant 1 : i32
      %sub3A_182 = arith.subi %while3A_145, %sub3A_181 : i32
      %jit3A_183 = arith.constant 2 : i32
      %eq3A_184 = arith.constant 0 : i32
      %eq3A_185 = arith.cmpi eq, %jit3A_183, %eq3A_184 : i32
      %jit3A_186 = arith.constant 1 : i32
      %select_n3A_187 = arith.select %eq3A_185, %jit3A_186, %jit3A_183 : i32
      %rem3A_188 = arith.remsi %sub3A_182, %select_n3A_187 : i32
      %ne3A_189 = arith.constant 0 : i32
      %ne3A_190 = arith.cmpi ne, %rem3A_188, %ne3A_189 : i32
      %lt3A_191 = arith.constant 0 : i32
      %lt3A_192 = arith.cmpi slt, %rem3A_188, %lt3A_191 : i32
      %lt3A_193 = arith.constant 0 : i32
      %lt3A_194 = arith.cmpi slt, %select_n3A_187, %lt3A_193 : i32
      %ne3A_195 = arith.xori %lt3A_192, %lt3A_194 : i1
      %and3A_196 = arith.andi %ne3A_195, %ne3A_190 : i1
      %add3A_197 = arith.addi %rem3A_188, %select_n3A_187 : i32
      %select_n3A_198 = arith.select %and3A_196, %add3A_197, %rem3A_188 : i32
      %dma_wait3A_199 = arith.constant 0 : i32
      %dma_wait3A_200 = tpu.memref_slice %arg7[%select_n3A_198, %dma_wait3A_199] : memref<2x128xi32, #tpu.memory_space<vmem>> -> memref<1x128xi32, #tpu.memory_space<vmem>>
      %dma_wait3A_201 = tpu.memref_squeeze %dma_wait3A_200 : memref<1x128xi32, #tpu.memory_space<vmem>> -> memref<128xi32, #tpu.memory_space<vmem>>
      %dma_wait3A_202 = arith.constant 0 : i32
      %dma_wait3A_203 = tpu.memref_slice %arg3[%add3A, %sub3A_180, %dma_wait3A_202] : memref<32x96x128xi32, #tpu.memory_space<hbm>> -> memref<1x1x128xi32, #tpu.memory_space<hbm>>
      %dma_wait3A_204 = tpu.memref_squeeze %dma_wait3A_203 : memref<1x1x128xi32, #tpu.memory_space<hbm>> -> memref<128xi32, #tpu.memory_space<hbm>>
      %dma_wait3A_205 = arith.constant 0 : i32
      %dma_wait3A_206 = tpu.memref_slice %arg7[%select_n3A_198, %dma_wait3A_205] : memref<2x128xi32, #tpu.memory_space<vmem>> -> memref<1x128xi32, #tpu.memory_space<vmem>>
      %dma_wait3A_207 = tpu.memref_squeeze %dma_wait3A_206 : memref<1x128xi32, #tpu.memory_space<vmem>> -> memref<128xi32, #tpu.memory_space<vmem>>
      %dma_wait3A_208 = arith.constant 0 : i32
      %dma_wait3A_209 = tpu.memref_slice %arg3[%add3A, %sub3A_180, %dma_wait3A_208] : memref<32x96x128xi32, #tpu.memory_space<hbm>> -> memref<1x1x128xi32, #tpu.memory_space<hbm>>
      %dma_wait3A_210 = tpu.memref_squeeze %dma_wait3A_209 : memref<1x1x128xi32, #tpu.memory_space<hbm>> -> memref<128xi32, #tpu.memory_space<hbm>>
      tpu.wait_dma2 semaphore(%arg10 : memref<!tpu.dma_semaphore, #tpu.memory_space<semaphore_mem>>) src(%dma_wait3A_210 : memref<128xi32, #tpu.memory_space<hbm>>) dst(%dma_wait3A_207 : memref<128xi32, #tpu.memory_space<vmem>>)
      %sub3A_211 = arith.constant 1 : i32
      %sub3A_212 = arith.subi %while3A_145, %sub3A_211 : i32
      %jit3A_213 = arith.constant 2 : i32
      %eq3A_214 = arith.constant 0 : i32
      %eq3A_215 = arith.cmpi eq, %jit3A_213, %eq3A_214 : i32
      %jit3A_216 = arith.constant 1 : i32
      %select_n3A_217 = arith.select %eq3A_215, %jit3A_216, %jit3A_213 : i32
      %rem3A_218 = arith.remsi %sub3A_212, %select_n3A_217 : i32
      %ne3A_219 = arith.constant 0 : i32
      %ne3A_220 = arith.cmpi ne, %rem3A_218, %ne3A_219 : i32
      %lt3A_221 = arith.constant 0 : i32
      %lt3A_222 = arith.cmpi slt, %rem3A_218, %lt3A_221 : i32
      %lt3A_223 = arith.constant 0 : i32
      %lt3A_224 = arith.cmpi slt, %select_n3A_217, %lt3A_223 : i32
      %ne3A_225 = arith.xori %lt3A_222, %lt3A_224 : i1
      %and3A_226 = arith.andi %ne3A_225, %ne3A_220 : i1
      %add3A_227 = arith.addi %rem3A_218, %select_n3A_217 : i32
      %select_n3A_228 = arith.select %and3A_226, %add3A_227, %rem3A_218 : i32
      %sub3A_229 = arith.constant 1 : i32
      %sub3A_230 = arith.subi %while3A_145, %sub3A_229 : i32
      %jit3A_231 = arith.constant 2 : i32
      %eq3A_232 = arith.constant 0 : i32
      %eq3A_233 = arith.cmpi eq, %jit3A_231, %eq3A_232 : i32
      %jit3A_234 = arith.constant 1 : i32
      %select_n3A_235 = arith.select %eq3A_233, %jit3A_234, %jit3A_231 : i32
      %rem3A_236 = arith.remsi %sub3A_230, %select_n3A_235 : i32
      %ne3A_237 = arith.constant 0 : i32
      %ne3A_238 = arith.cmpi ne, %rem3A_236, %ne3A_237 : i32
      %lt3A_239 = arith.constant 0 : i32
      %lt3A_240 = arith.cmpi slt, %rem3A_236, %lt3A_239 : i32
      %lt3A_241 = arith.constant 0 : i32
      %lt3A_242 = arith.cmpi slt, %select_n3A_235, %lt3A_241 : i32
      %ne3A_243 = arith.xori %lt3A_240, %lt3A_242 : i1
      %and3A_244 = arith.andi %ne3A_243, %ne3A_238 : i1
      %add3A_245 = arith.addi %rem3A_236, %select_n3A_235 : i32
      %select_n3A_246 = arith.select %and3A_244, %add3A_245, %rem3A_236 : i32
      %dma_start3A_247 = arith.constant 0 : i32
      %dma_start3A_248 = arith.constant 0 : i32
      %dma_start3A_249 = tpu.memref_slice %arg8[%select_n3A_228, %dma_start3A_247, %dma_start3A_248] : memref<2x128x128xf32, #tpu.memory_space<vmem>> -> memref<1x128x128xf32, #tpu.memory_space<vmem>>
      %dma_start3A_250 = tpu.memref_squeeze %dma_start3A_249 : memref<1x128x128xf32, #tpu.memory_space<vmem>> -> memref<128x128xf32, #tpu.memory_space<vmem>>
      %dma_start3A_251 = arith.constant 0 : i32
      %dma_start3A_252 = tpu.memref_slice %arg7[%select_n3A_246, %dma_start3A_251] : memref<2x128xi32, #tpu.memory_space<vmem>> -> memref<1x128xi32, #tpu.memory_space<vmem>>
      %dma_start3A_253 = tpu.memref_squeeze %dma_start3A_252 : memref<1x128xi32, #tpu.memory_space<vmem>> -> memref<128xi32, #tpu.memory_space<vmem>>
      %dma_start3A_254 = arith.constant 0 : i32
      %dma_start3A_255 = arith.constant 0 : i32
      %dma_start3A_256 = tpu.memref_slice %arg12[%dma_start3A_254, %dma_start3A_255] : memref<10240x128xf32, #tpu.memory_space<vmem_shared>> -> memref<10240x128xf32, #tpu.memory_space<vmem_shared>>
      tpu.enqueue_indirect_dma source(%dma_start3A_250 : memref<128x128xf32, #tpu.memory_space<vmem>>) target(%dma_start3A_256 : memref<10240x128xf32, #tpu.memory_space<vmem_shared>>) offsets(%dma_start3A_253 : memref<128xi32, #tpu.memory_space<vmem>>) semaphore(%arg11 : memref<!tpu.dma_semaphore, #tpu.memory_space<semaphore_mem>>) {add = true}
      %while3A_257 = arith.constant 0 : i32
      scf.yield %while3A_257 : i32
    }
    %sub3A = arith.constant 2 : i32
    %sub3A_54 = arith.subi %select_n3A, %sub3A : i32
    %jit3A_55 = arith.constant 2 : i32
    %eq3A_56 = arith.constant 0 : i32
    %eq3A_57 = arith.cmpi eq, %jit3A_55, %eq3A_56 : i32
    %jit3A_58 = arith.constant 1 : i32
    %select_n3A_59 = arith.select %eq3A_57, %jit3A_58, %jit3A_55 : i32
    %rem3A = arith.remsi %sub3A_54, %select_n3A_59 : i32
    %ne3A = arith.constant 0 : i32
    %ne3A_60 = arith.cmpi ne, %rem3A, %ne3A : i32
    %lt3A = arith.constant 0 : i32
    %lt3A_61 = arith.cmpi slt, %rem3A, %lt3A : i32
    %lt3A_62 = arith.constant 0 : i32
    %lt3A_63 = arith.cmpi slt, %select_n3A_59, %lt3A_62 : i32
    %ne3A_64 = arith.xori %lt3A_61, %lt3A_63 : i1
    %and3A = arith.andi %ne3A_64, %ne3A_60 : i1
    %add3A_65 = arith.addi %rem3A, %select_n3A_59 : i32
    %select_n3A_66 = arith.select %and3A, %add3A_65, %rem3A : i32
    %sub3A_67 = arith.constant 2 : i32
    %sub3A_68 = arith.subi %select_n3A, %sub3A_67 : i32
    %jit3A_69 = arith.constant 2 : i32
    %eq3A_70 = arith.constant 0 : i32
    %eq3A_71 = arith.cmpi eq, %jit3A_69, %eq3A_70 : i32
    %jit3A_72 = arith.constant 1 : i32
    %select_n3A_73 = arith.select %eq3A_71, %jit3A_72, %jit3A_69 : i32
    %rem3A_74 = arith.remsi %sub3A_68, %select_n3A_73 : i32
    %ne3A_75 = arith.constant 0 : i32
    %ne3A_76 = arith.cmpi ne, %rem3A_74, %ne3A_75 : i32
    %lt3A_77 = arith.constant 0 : i32
    %lt3A_78 = arith.cmpi slt, %rem3A_74, %lt3A_77 : i32
    %lt3A_79 = arith.constant 0 : i32
    %lt3A_80 = arith.cmpi slt, %select_n3A_73, %lt3A_79 : i32
    %ne3A_81 = arith.xori %lt3A_78, %lt3A_80 : i1
    %and3A_82 = arith.andi %ne3A_81, %ne3A_76 : i1
    %add3A_83 = arith.addi %rem3A_74, %select_n3A_73 : i32
    %select_n3A_84 = arith.select %and3A_82, %add3A_83, %rem3A_74 : i32
    %dma_wait3A = arith.constant 0 : i32
    %dma_wait3A_85 = arith.constant 0 : i32
    %dma_wait3A_86 = tpu.memref_slice %arg8[%select_n3A_66, %dma_wait3A, %dma_wait3A_85] : memref<2x128x128xf32, #tpu.memory_space<vmem>> -> memref<1x128x128xf32, #tpu.memory_space<vmem>>
    %dma_wait3A_87 = tpu.memref_squeeze %dma_wait3A_86 : memref<1x128x128xf32, #tpu.memory_space<vmem>> -> memref<128x128xf32, #tpu.memory_space<vmem>>
    %dma_wait3A_88 = arith.constant 0 : i32
    %dma_wait3A_89 = tpu.memref_slice %arg7[%select_n3A_84, %dma_wait3A_88] : memref<2x128xi32, #tpu.memory_space<vmem>> -> memref<1x128xi32, #tpu.memory_space<vmem>>
    %dma_wait3A_90 = tpu.memref_squeeze %dma_wait3A_89 : memref<1x128xi32, #tpu.memory_space<vmem>> -> memref<128xi32, #tpu.memory_space<vmem>>
    %dma_wait3A_91 = arith.constant 0 : i32
    %dma_wait3A_92 = arith.constant 0 : i32
    %dma_wait3A_93 = tpu.memref_slice %arg12[%dma_wait3A_91, %dma_wait3A_92] : memref<10240x128xf32, #tpu.memory_space<vmem_shared>> -> memref<10240x128xf32, #tpu.memory_space<vmem_shared>>
    tpu.wait_indirect_dma semaphore(%arg11 : memref<!tpu.dma_semaphore, #tpu.memory_space<semaphore_mem>>) src(%dma_wait3A_87 : memref<128x128xf32, #tpu.memory_space<vmem>>) dst(%dma_wait3A_93 : memref<10240x128xf32, #tpu.memory_space<vmem_shared>>)
    %sub3A_94 = arith.constant 1 : i32
    %sub3A_95 = arith.subi %select_n3A, %sub3A_94 : i32
    %jit3A_96 = arith.constant 2 : i32
    %eq3A_97 = arith.constant 0 : i32
    %eq3A_98 = arith.cmpi eq, %jit3A_96, %eq3A_97 : i32
    %jit3A_99 = arith.constant 1 : i32
    %select_n3A_100 = arith.select %eq3A_98, %jit3A_99, %jit3A_96 : i32
    %rem3A_101 = arith.remsi %sub3A_95, %select_n3A_100 : i32
    %ne3A_102 = arith.constant 0 : i32
    %ne3A_103 = arith.cmpi ne, %rem3A_101, %ne3A_102 : i32
    %lt3A_104 = arith.constant 0 : i32
    %lt3A_105 = arith.cmpi slt, %rem3A_101, %lt3A_104 : i32
    %lt3A_106 = arith.constant 0 : i32
    %lt3A_107 = arith.cmpi slt, %select_n3A_100, %lt3A_106 : i32
    %ne3A_108 = arith.xori %lt3A_105, %lt3A_107 : i1
    %and3A_109 = arith.andi %ne3A_108, %ne3A_103 : i1
    %add3A_110 = arith.addi %rem3A_101, %select_n3A_100 : i32
    %select_n3A_111 = arith.select %and3A_109, %add3A_110, %rem3A_101 : i32
    %sub3A_112 = arith.constant 1 : i32
    %sub3A_113 = arith.subi %select_n3A, %sub3A_112 : i32
    %jit3A_114 = arith.constant 2 : i32
    %eq3A_115 = arith.constant 0 : i32
    %eq3A_116 = arith.cmpi eq, %jit3A_114, %eq3A_115 : i32
    %jit3A_117 = arith.constant 1 : i32
    %select_n3A_118 = arith.select %eq3A_116, %jit3A_117, %jit3A_114 : i32
    %rem3A_119 = arith.remsi %sub3A_113, %select_n3A_118 : i32
    %ne3A_120 = arith.constant 0 : i32
    %ne3A_121 = arith.cmpi ne, %rem3A_119, %ne3A_120 : i32
    %lt3A_122 = arith.constant 0 : i32
    %lt3A_123 = arith.cmpi slt, %rem3A_119, %lt3A_122 : i32
    %lt3A_124 = arith.constant 0 : i32
    %lt3A_125 = arith.cmpi slt, %select_n3A_118, %lt3A_124 : i32
    %ne3A_126 = arith.xori %lt3A_123, %lt3A_125 : i1
    %and3A_127 = arith.andi %ne3A_126, %ne3A_121 : i1
    %add3A_128 = arith.addi %rem3A_119, %select_n3A_118 : i32
    %select_n3A_129 = arith.select %and3A_127, %add3A_128, %rem3A_119 : i32
    %dma_wait3A_130 = arith.constant 0 : i32
    %dma_wait3A_131 = arith.constant 0 : i32
    %dma_wait3A_132 = tpu.memref_slice %arg8[%select_n3A_111, %dma_wait3A_130, %dma_wait3A_131] : memref<2x128x128xf32, #tpu.memory_space<vmem>> -> memref<1x128x128xf32, #tpu.memory_space<vmem>>
    %dma_wait3A_133 = tpu.memref_squeeze %dma_wait3A_132 : memref<1x128x128xf32, #tpu.memory_space<vmem>> -> memref<128x128xf32, #tpu.memory_space<vmem>>
    %dma_wait3A_134 = arith.constant 0 : i32
    %dma_wait3A_135 = tpu.memref_slice %arg7[%select_n3A_129, %dma_wait3A_134] : memref<2x128xi32, #tpu.memory_space<vmem>> -> memref<1x128xi32, #tpu.memory_space<vmem>>
    %dma_wait3A_136 = tpu.memref_squeeze %dma_wait3A_135 : memref<1x128xi32, #tpu.memory_space<vmem>> -> memref<128xi32, #tpu.memory_space<vmem>>
    %dma_wait3A_137 = arith.constant 0 : i32
    %dma_wait3A_138 = arith.constant 0 : i32
    %dma_wait3A_139 = tpu.memref_slice %arg12[%dma_wait3A_137, %dma_wait3A_138] : memref<10240x128xf32, #tpu.memory_space<vmem_shared>> -> memref<10240x128xf32, #tpu.memory_space<vmem_shared>>
    tpu.wait_indirect_dma semaphore(%arg11 : memref<!tpu.dma_semaphore, #tpu.memory_space<semaphore_mem>>) src(%dma_wait3A_133 : memref<128x128xf32, #tpu.memory_space<vmem>>) dst(%dma_wait3A_139 : memref<10240x128xf32, #tpu.memory_space<vmem_shared>>)
    %barrier3A_140 = arith.constant 0 : index
    tpu.barrier barrier_id(%barrier3A_140)
    %mul3A_141 = arith.constant 640 : i32
    %mul3A_142 = arith.muli %arg1, %mul3A_141 : i32
    %mul3A_143 = arith.constant 640 : i32
    %mul3A_144 = arith.muli %arg1, %mul3A_143 : i32
    "tpu.region"() ({
      %run_scoped3A = tpu.sem_alloc : memref<!tpu.dma_semaphore, #tpu.memory_space<semaphore_mem>>
      %dma_start3A_145 = arith.constant 0 : i32
      %dma_start3A_146 = tpu.memref_slice %arg5[%arg0, %mul3A_144, %dma_start3A_145] : memref<2x10240x128xf32, #tpu.memory_space<hbm>> -> memref<1x640x128xf32, #tpu.memory_space<hbm>>
      %dma_start3A_147 = tpu.memref_squeeze %dma_start3A_146 : memref<1x640x128xf32, #tpu.memory_space<hbm>> -> memref<640x128xf32, #tpu.memory_space<hbm>>
      %dma_start3A_148 = arith.constant 0 : i32
      %dma_start3A_149 = tpu.memref_slice %arg12[%mul3A_142, %dma_start3A_148] : memref<10240x128xf32, #tpu.memory_space<vmem_shared>> -> memref<640x128xf32, #tpu.memory_space<vmem_shared>>
      tpu.enqueue_dma source(%dma_start3A_149 : memref<640x128xf32, #tpu.memory_space<vmem_shared>>) target(%dma_start3A_147 : memref<640x128xf32, #tpu.memory_space<hbm>>) target_semaphore(%run_scoped3A : memref<!tpu.dma_semaphore, #tpu.memory_space<semaphore_mem>>)
      %dma_wait3A_150 = arith.constant 0 : i32
      %dma_wait3A_151 = tpu.memref_slice %arg5[%arg0, %mul3A_144, %dma_wait3A_150] : memref<2x10240x128xf32, #tpu.memory_space<hbm>> -> memref<1x640x128xf32, #tpu.memory_space<hbm>>
      %dma_wait3A_152 = tpu.memref_squeeze %dma_wait3A_151 : memref<1x640x128xf32, #tpu.memory_space<hbm>> -> memref<640x128xf32, #tpu.memory_space<hbm>>
      %dma_wait3A_153 = arith.constant 0 : i32
      %dma_wait3A_154 = tpu.memref_slice %arg12[%mul3A_142, %dma_wait3A_153] : memref<10240x128xf32, #tpu.memory_space<vmem_shared>> -> memref<640x128xf32, #tpu.memory_space<vmem_shared>>
      tpu.wait_dma2 semaphore(%run_scoped3A : memref<!tpu.dma_semaphore, #tpu.memory_space<semaphore_mem>>) src(%dma_wait3A_154 : memref<640x128xf32, #tpu.memory_space<vmem_shared>>) dst(%dma_wait3A_152 : memref<640x128xf32, #tpu.memory_space<hbm>>)
      tpu.yield
    }) : () -> ()
    return
  }
}

#map = affine_map<(d0, d1) -> (0, 0, 0)>
module attributes {stable_mosaic.version = 14 : i64} {
  func.func @_k1_body(%arg0: i32, %arg1: i32, %arg2: memref<32x79x128xi32, #tpu.memory_space<hbm>>, %arg3: memref<32x79x128xi32, #tpu.memory_space<hbm>>, %arg4: memref<2x2x10240xf32, #tpu.memory_space<hbm>>, %arg5: memref<128xf32, #tpu.memory_space<vmem>>, %arg6: memref<79x128xi32, #tpu.memory_space<vmem>>, %arg7: memref<79x128xi32, #tpu.memory_space<vmem>>, %arg8: memref<640xf32, #tpu.memory_space<vmem>>, %arg9: memref<!tpu.dma_semaphore, #tpu.memory_space<semaphore_mem>>, %arg10: memref<!tpu.dma_semaphore, #tpu.memory_space<semaphore_mem>>, %arg11: memref<10240xf32, #tpu.memory_space<vmem_shared>>, %arg12: memref<10240xf32, #tpu.memory_space<vmem_shared>>) attributes {dimension_semantics = [#tpu.dimension_semantics<core_parallel>, #tpu.dimension_semantics<subcore_parallel>], iteration_bounds = array<i64: 2, 16>, scalar_prefetch = 0 : i64, scratch_operands = 8 : i64, tpu.core_type = #tpu.core_type<sc_vector_subcore>, window_params = [{transform_indices = #map}, {transform_indices = #map}, {transform_indices = #map}]} {
    %mul3A = arith.constant 16 : i32
    %mul3A_0 = arith.muli %arg0, %mul3A : i32
    %add3A = arith.addi %mul3A_0, %arg1 : i32
    %scan3A = arith.constant 0 : i32
    %scan3A_1 = arith.constant 0 : i32
    %scan3A_2 = arith.constant 40 : i32
    %scan3A_3 = arith.addi %scan3A_1, %scan3A_2 : i32
    %scan3A_4 = arith.constant 1 : i32
    %scan3A_5 = scf.for %scan3A_42 = %scan3A_1 to %scan3A_3 step %scan3A_4 iter_args(%scan3A_43 = %scan3A) -> (i32)  : i32 {
      %broadcast_in_dim3A = arith.constant 0.000000e+00 : f32
      %broadcast_in_dim3A_44 = vector.broadcast %broadcast_in_dim3A : f32 to vector<16xf32>
      %mul3A_45 = arith.constant 16 : i32
      %mul3A_46 = arith.muli %scan3A_42, %mul3A_45 : i32
      %swap3A = arith.index_cast %mul3A_46 : i32 to index
      %swap3A_47 = tpu.vector_load %arg8[%swap3A] {strides = array<i32>} : memref<640xf32, #tpu.memory_space<vmem>>, vector<16xf32>,
      tpu.vector_store %arg8[%swap3A], %broadcast_in_dim3A_44 {strides = array<i32>} : memref<640xf32, #tpu.memory_space<vmem>>, vector<16xf32>,
      %scan3A_48 = arith.constant 0 : i32
      scf.yield %scan3A_48 : i32
    }
    %scan3A_6 = arith.constant 40 : i32
    %mul3A_7 = arith.constant 640 : i32
    %mul3A_8 = arith.muli %arg1, %mul3A_7 : i32
    "tpu.region"() ({
      %run_scoped3A_42 = tpu.sem_alloc : memref<!tpu.dma_semaphore, #tpu.memory_space<semaphore_mem>>
      %dma_start3A = tpu.memref_slice %arg11[%mul3A_8] : memref<10240xf32, #tpu.memory_space<vmem_shared>> -> memref<640xf32, #tpu.memory_space<vmem_shared>>
      %dma_start3A_43 = tpu.memref_slice %arg11[%mul3A_8] : memref<10240xf32, #tpu.memory_space<vmem_shared>> -> memref<640xf32, #tpu.memory_space<vmem_shared>>
      tpu.enqueue_dma source(%arg8 : memref<640xf32, #tpu.memory_space<vmem>>) target(%dma_start3A_43 : memref<640xf32, #tpu.memory_space<vmem_shared>>) target_semaphore(%run_scoped3A_42 : memref<!tpu.dma_semaphore, #tpu.memory_space<semaphore_mem>>)
      %dma_wait3A = tpu.memref_slice %arg11[%mul3A_8] : memref<10240xf32, #tpu.memory_space<vmem_shared>> -> memref<640xf32, #tpu.memory_space<vmem_shared>>
      %dma_wait3A_44 = tpu.memref_slice %arg11[%mul3A_8] : memref<10240xf32, #tpu.memory_space<vmem_shared>> -> memref<640xf32, #tpu.memory_space<vmem_shared>>
      tpu.wait_dma2 semaphore(%run_scoped3A_42 : memref<!tpu.dma_semaphore, #tpu.memory_space<semaphore_mem>>) src(%arg8 : memref<640xf32, #tpu.memory_space<vmem>>) dst(%dma_wait3A_44 : memref<640xf32, #tpu.memory_space<vmem_shared>>)
      tpu.yield
    }) : () -> ()
    %mul3A_9 = arith.constant 640 : i32
    %mul3A_10 = arith.muli %arg1, %mul3A_9 : i32
    "tpu.region"() ({
      %run_scoped3A_42 = tpu.sem_alloc : memref<!tpu.dma_semaphore, #tpu.memory_space<semaphore_mem>>
      %dma_start3A = tpu.memref_slice %arg12[%mul3A_10] : memref<10240xf32, #tpu.memory_space<vmem_shared>> -> memref<640xf32, #tpu.memory_space<vmem_shared>>
      %dma_start3A_43 = tpu.memref_slice %arg12[%mul3A_10] : memref<10240xf32, #tpu.memory_space<vmem_shared>> -> memref<640xf32, #tpu.memory_space<vmem_shared>>
      tpu.enqueue_dma source(%arg8 : memref<640xf32, #tpu.memory_space<vmem>>) target(%dma_start3A_43 : memref<640xf32, #tpu.memory_space<vmem_shared>>) target_semaphore(%run_scoped3A_42 : memref<!tpu.dma_semaphore, #tpu.memory_space<semaphore_mem>>)
      %dma_wait3A = tpu.memref_slice %arg12[%mul3A_10] : memref<10240xf32, #tpu.memory_space<vmem_shared>> -> memref<640xf32, #tpu.memory_space<vmem_shared>>
      %dma_wait3A_44 = tpu.memref_slice %arg12[%mul3A_10] : memref<10240xf32, #tpu.memory_space<vmem_shared>> -> memref<640xf32, #tpu.memory_space<vmem_shared>>
      tpu.wait_dma2 semaphore(%run_scoped3A_42 : memref<!tpu.dma_semaphore, #tpu.memory_space<semaphore_mem>>) src(%arg8 : memref<640xf32, #tpu.memory_space<vmem>>) dst(%dma_wait3A_44 : memref<640xf32, #tpu.memory_space<vmem_shared>>)
      tpu.yield
    }) : () -> ()
    %scan3A_11 = arith.constant 0 : i32
    %scan3A_12 = arith.constant 0 : i32
    %scan3A_13 = arith.constant 8 : i32
    %scan3A_14 = arith.addi %scan3A_12, %scan3A_13 : i32
    %scan3A_15 = arith.constant 1 : i32
    %scan3A_16 = scf.for %scan3A_42 = %scan3A_12 to %scan3A_14 step %scan3A_15 iter_args(%scan3A_43 = %scan3A_11) -> (i32)  : i32 {
      %broadcast_in_dim3A = arith.constant 1.000000e+00 : f32
      %broadcast_in_dim3A_44 = vector.broadcast %broadcast_in_dim3A : f32 to vector<16xf32>
      %mul3A_45 = arith.constant 16 : i32
      %mul3A_46 = arith.muli %scan3A_42, %mul3A_45 : i32
      %swap3A = arith.index_cast %mul3A_46 : i32 to index
      %swap3A_47 = tpu.vector_load %arg5[%swap3A] {strides = array<i32>} : memref<128xf32, #tpu.memory_space<vmem>>, vector<16xf32>,
      tpu.vector_store %arg5[%swap3A], %broadcast_in_dim3A_44 {strides = array<i32>} : memref<128xf32, #tpu.memory_space<vmem>>, vector<16xf32>,
      %scan3A_48 = arith.constant 0 : i32
      scf.yield %scan3A_48 : i32
    }
    %scan3A_17 = arith.constant 8 : i32
    "tpu.region"() ({
      %run_scoped3A_42 = tpu.sem_alloc : memref<!tpu.dma_semaphore, #tpu.memory_space<semaphore_mem>>
      %dma_start3A = arith.constant 0 : i32
      %dma_start3A_43 = arith.constant 0 : i32
      %dma_start3A_44 = tpu.memref_slice %arg2[%add3A, %dma_start3A, %dma_start3A_43] : memref<32x79x128xi32, #tpu.memory_space<hbm>> -> memref<1x79x128xi32, #tpu.memory_space<hbm>>
      %dma_start3A_45 = tpu.memref_squeeze %dma_start3A_44 : memref<1x79x128xi32, #tpu.memory_space<hbm>> -> memref<79x128xi32, #tpu.memory_space<hbm>>
      %dma_start3A_46 = arith.constant 0 : i32
      %dma_start3A_47 = arith.constant 0 : i32
      %dma_start3A_48 = tpu.memref_slice %arg2[%add3A, %dma_start3A_46, %dma_start3A_47] : memref<32x79x128xi32, #tpu.memory_space<hbm>> -> memref<1x79x128xi32, #tpu.memory_space<hbm>>
      %dma_start3A_49 = tpu.memref_squeeze %dma_start3A_48 : memref<1x79x128xi32, #tpu.memory_space<hbm>> -> memref<79x128xi32, #tpu.memory_space<hbm>>
      tpu.enqueue_dma source(%dma_start3A_49 : memref<79x128xi32, #tpu.memory_space<hbm>>) target(%arg6 : memref<79x128xi32, #tpu.memory_space<vmem>>) target_semaphore(%run_scoped3A_42 : memref<!tpu.dma_semaphore, #tpu.memory_space<semaphore_mem>>)
      %dma_wait3A = arith.constant 0 : i32
      %dma_wait3A_50 = arith.constant 0 : i32
      %dma_wait3A_51 = tpu.memref_slice %arg2[%add3A, %dma_wait3A, %dma_wait3A_50] : memref<32x79x128xi32, #tpu.memory_space<hbm>> -> memref<1x79x128xi32, #tpu.memory_space<hbm>>
      %dma_wait3A_52 = tpu.memref_squeeze %dma_wait3A_51 : memref<1x79x128xi32, #tpu.memory_space<hbm>> -> memref<79x128xi32, #tpu.memory_space<hbm>>
      %dma_wait3A_53 = arith.constant 0 : i32
      %dma_wait3A_54 = arith.constant 0 : i32
      %dma_wait3A_55 = tpu.memref_slice %arg2[%add3A, %dma_wait3A_53, %dma_wait3A_54] : memref<32x79x128xi32, #tpu.memory_space<hbm>> -> memref<1x79x128xi32, #tpu.memory_space<hbm>>
      %dma_wait3A_56 = tpu.memref_squeeze %dma_wait3A_55 : memref<1x79x128xi32, #tpu.memory_space<hbm>> -> memref<79x128xi32, #tpu.memory_space<hbm>>
      tpu.wait_dma2 semaphore(%run_scoped3A_42 : memref<!tpu.dma_semaphore, #tpu.memory_space<semaphore_mem>>) src(%dma_wait3A_56 : memref<79x128xi32, #tpu.memory_space<hbm>>) dst(%arg6 : memref<79x128xi32, #tpu.memory_space<vmem>>)
      tpu.yield
    }) : () -> ()
    "tpu.region"() ({
      %run_scoped3A_42 = tpu.sem_alloc : memref<!tpu.dma_semaphore, #tpu.memory_space<semaphore_mem>>
      %dma_start3A = arith.constant 0 : i32
      %dma_start3A_43 = arith.constant 0 : i32
      %dma_start3A_44 = tpu.memref_slice %arg3[%add3A, %dma_start3A, %dma_start3A_43] : memref<32x79x128xi32, #tpu.memory_space<hbm>> -> memref<1x79x128xi32, #tpu.memory_space<hbm>>
      %dma_start3A_45 = tpu.memref_squeeze %dma_start3A_44 : memref<1x79x128xi32, #tpu.memory_space<hbm>> -> memref<79x128xi32, #tpu.memory_space<hbm>>
      %dma_start3A_46 = arith.constant 0 : i32
      %dma_start3A_47 = arith.constant 0 : i32
      %dma_start3A_48 = tpu.memref_slice %arg3[%add3A, %dma_start3A_46, %dma_start3A_47] : memref<32x79x128xi32, #tpu.memory_space<hbm>> -> memref<1x79x128xi32, #tpu.memory_space<hbm>>
      %dma_start3A_49 = tpu.memref_squeeze %dma_start3A_48 : memref<1x79x128xi32, #tpu.memory_space<hbm>> -> memref<79x128xi32, #tpu.memory_space<hbm>>
      tpu.enqueue_dma source(%dma_start3A_49 : memref<79x128xi32, #tpu.memory_space<hbm>>) target(%arg7 : memref<79x128xi32, #tpu.memory_space<vmem>>) target_semaphore(%run_scoped3A_42 : memref<!tpu.dma_semaphore, #tpu.memory_space<semaphore_mem>>)
      %dma_wait3A = arith.constant 0 : i32
      %dma_wait3A_50 = arith.constant 0 : i32
      %dma_wait3A_51 = tpu.memref_slice %arg3[%add3A, %dma_wait3A, %dma_wait3A_50] : memref<32x79x128xi32, #tpu.memory_space<hbm>> -> memref<1x79x128xi32, #tpu.memory_space<hbm>>
      %dma_wait3A_52 = tpu.memref_squeeze %dma_wait3A_51 : memref<1x79x128xi32, #tpu.memory_space<hbm>> -> memref<79x128xi32, #tpu.memory_space<hbm>>
      %dma_wait3A_53 = arith.constant 0 : i32
      %dma_wait3A_54 = arith.constant 0 : i32
      %dma_wait3A_55 = tpu.memref_slice %arg3[%add3A, %dma_wait3A_53, %dma_wait3A_54] : memref<32x79x128xi32, #tpu.memory_space<hbm>> -> memref<1x79x128xi32, #tpu.memory_space<hbm>>
      %dma_wait3A_56 = tpu.memref_squeeze %dma_wait3A_55 : memref<1x79x128xi32, #tpu.memory_space<hbm>> -> memref<79x128xi32, #tpu.memory_space<hbm>>
      tpu.wait_dma2 semaphore(%run_scoped3A_42 : memref<!tpu.dma_semaphore, #tpu.memory_space<semaphore_mem>>) src(%dma_wait3A_56 : memref<79x128xi32, #tpu.memory_space<hbm>>) dst(%arg7 : memref<79x128xi32, #tpu.memory_space<vmem>>)
      tpu.yield
    }) : () -> ()
    %barrier3A = arith.constant 0 : index
    tpu.barrier barrier_id(%barrier3A)
    %scan3A_18 = arith.constant 0 : i32
    %scan3A_19 = arith.constant 0 : i32
    %scan3A_20 = arith.constant 79 : i32
    %scan3A_21 = arith.addi %scan3A_19, %scan3A_20 : i32
    %scan3A_22 = arith.constant 1 : i32
    %scan3A_23 = scf.for %scan3A_42 = %scan3A_19 to %scan3A_21 step %scan3A_22 iter_args(%scan3A_43 = %scan3A_18) -> (i32)  : i32 {
      %dma_start3A = arith.constant 0 : i32
      %dma_start3A_44 = tpu.memref_slice %arg6[%scan3A_42, %dma_start3A] : memref<79x128xi32, #tpu.memory_space<vmem>> -> memref<1x128xi32, #tpu.memory_space<vmem>>
      %dma_start3A_45 = tpu.memref_squeeze %dma_start3A_44 : memref<1x128xi32, #tpu.memory_space<vmem>> -> memref<128xi32, #tpu.memory_space<vmem>>
      %dma_start3A_46 = arith.constant 0 : i32
      %dma_start3A_47 = tpu.memref_slice %arg11[%dma_start3A_46] : memref<10240xf32, #tpu.memory_space<vmem_shared>> -> memref<10240xf32, #tpu.memory_space<vmem_shared>>
      tpu.enqueue_indirect_dma source(%arg5 : memref<128xf32, #tpu.memory_space<vmem>>) target(%dma_start3A_47 : memref<10240xf32, #tpu.memory_space<vmem_shared>>) offsets(%dma_start3A_45 : memref<128xi32, #tpu.memory_space<vmem>>) semaphore(%arg9 : memref<!tpu.dma_semaphore, #tpu.memory_space<semaphore_mem>>) {add = true}
      %dma_start3A_48 = arith.constant 0 : i32
      %dma_start3A_49 = tpu.memref_slice %arg7[%scan3A_42, %dma_start3A_48] : memref<79x128xi32, #tpu.memory_space<vmem>> -> memref<1x128xi32, #tpu.memory_space<vmem>>
      %dma_start3A_50 = tpu.memref_squeeze %dma_start3A_49 : memref<1x128xi32, #tpu.memory_space<vmem>> -> memref<128xi32, #tpu.memory_space<vmem>>
      %dma_start3A_51 = arith.constant 0 : i32
      %dma_start3A_52 = tpu.memref_slice %arg12[%dma_start3A_51] : memref<10240xf32, #tpu.memory_space<vmem_shared>> -> memref<10240xf32, #tpu.memory_space<vmem_shared>>
      tpu.enqueue_indirect_dma source(%arg5 : memref<128xf32, #tpu.memory_space<vmem>>) target(%dma_start3A_52 : memref<10240xf32, #tpu.memory_space<vmem_shared>>) offsets(%dma_start3A_50 : memref<128xi32, #tpu.memory_space<vmem>>) semaphore(%arg10 : memref<!tpu.dma_semaphore, #tpu.memory_space<semaphore_mem>>) {add = true}
      %scan3A_53 = arith.constant 0 : i32
      scf.yield %scan3A_53 : i32
    }
    %scan3A_24 = arith.constant 79 : i32
    %scan3A_25 = arith.constant 0 : i32
    %scan3A_26 = arith.constant 0 : i32
    %scan3A_27 = arith.constant 79 : i32
    %scan3A_28 = arith.addi %scan3A_26, %scan3A_27 : i32
    %scan3A_29 = arith.constant 1 : i32
    %scan3A_30 = scf.for %scan3A_42 = %scan3A_26 to %scan3A_28 step %scan3A_29 iter_args(%scan3A_43 = %scan3A_25) -> (i32)  : i32 {
      %dma_wait3A = arith.constant 0 : i32
      %dma_wait3A_44 = tpu.memref_slice %arg6[%scan3A_42, %dma_wait3A] : memref<79x128xi32, #tpu.memory_space<vmem>> -> memref<1x128xi32, #tpu.memory_space<vmem>>
      %dma_wait3A_45 = tpu.memref_squeeze %dma_wait3A_44 : memref<1x128xi32, #tpu.memory_space<vmem>> -> memref<128xi32, #tpu.memory_space<vmem>>
      %dma_wait3A_46 = arith.constant 0 : i32
      %dma_wait3A_47 = tpu.memref_slice %arg11[%dma_wait3A_46] : memref<10240xf32, #tpu.memory_space<vmem_shared>> -> memref<10240xf32, #tpu.memory_space<vmem_shared>>
      tpu.wait_indirect_dma semaphore(%arg9 : memref<!tpu.dma_semaphore, #tpu.memory_space<semaphore_mem>>) src(%arg5 : memref<128xf32, #tpu.memory_space<vmem>>) dst(%dma_wait3A_47 : memref<10240xf32, #tpu.memory_space<vmem_shared>>)
      %dma_wait3A_48 = arith.constant 0 : i32
      %dma_wait3A_49 = tpu.memref_slice %arg7[%scan3A_42, %dma_wait3A_48] : memref<79x128xi32, #tpu.memory_space<vmem>> -> memref<1x128xi32, #tpu.memory_space<vmem>>
      %dma_wait3A_50 = tpu.memref_squeeze %dma_wait3A_49 : memref<1x128xi32, #tpu.memory_space<vmem>> -> memref<128xi32, #tpu.memory_space<vmem>>
      %dma_wait3A_51 = arith.constant 0 : i32
      %dma_wait3A_52 = tpu.memref_slice %arg12[%dma_wait3A_51] : memref<10240xf32, #tpu.memory_space<vmem_shared>> -> memref<10240xf32, #tpu.memory_space<vmem_shared>>
      tpu.wait_indirect_dma semaphore(%arg10 : memref<!tpu.dma_semaphore, #tpu.memory_space<semaphore_mem>>) src(%arg5 : memref<128xf32, #tpu.memory_space<vmem>>) dst(%dma_wait3A_52 : memref<10240xf32, #tpu.memory_space<vmem_shared>>)
      %scan3A_53 = arith.constant 0 : i32
      scf.yield %scan3A_53 : i32
    }
    %scan3A_31 = arith.constant 79 : i32
    %barrier3A_32 = arith.constant 0 : index
    tpu.barrier barrier_id(%barrier3A_32)
    %mul3A_33 = arith.constant 640 : i32
    %mul3A_34 = arith.muli %arg1, %mul3A_33 : i32
    %mul3A_35 = arith.constant 640 : i32
    %mul3A_36 = arith.muli %arg1, %mul3A_35 : i32
    %run_scoped3A = arith.constant 0 : i32
    "tpu.region"() ({
      %run_scoped3A_42 = tpu.sem_alloc : memref<!tpu.dma_semaphore, #tpu.memory_space<semaphore_mem>>
      %dma_start3A = tpu.memref_slice %arg4[%arg0, %run_scoped3A, %mul3A_36] : memref<2x2x10240xf32, #tpu.memory_space<hbm>> -> memref<1x1x640xf32, #tpu.memory_space<hbm>>
      %dma_start3A_43 = tpu.memref_squeeze %dma_start3A : memref<1x1x640xf32, #tpu.memory_space<hbm>> -> memref<640xf32, #tpu.memory_space<hbm>>
      %dma_start3A_44 = tpu.memref_slice %arg11[%mul3A_34] : memref<10240xf32, #tpu.memory_space<vmem_shared>> -> memref<640xf32, #tpu.memory_space<vmem_shared>>
      tpu.enqueue_dma source(%dma_start3A_44 : memref<640xf32, #tpu.memory_space<vmem_shared>>) target(%dma_start3A_43 : memref<640xf32, #tpu.memory_space<hbm>>) target_semaphore(%run_scoped3A_42 : memref<!tpu.dma_semaphore, #tpu.memory_space<semaphore_mem>>)
      %dma_wait3A = tpu.memref_slice %arg4[%arg0, %run_scoped3A, %mul3A_36] : memref<2x2x10240xf32, #tpu.memory_space<hbm>> -> memref<1x1x640xf32, #tpu.memory_space<hbm>>
      %dma_wait3A_45 = tpu.memref_squeeze %dma_wait3A : memref<1x1x640xf32, #tpu.memory_space<hbm>> -> memref<640xf32, #tpu.memory_space<hbm>>
      %dma_wait3A_46 = tpu.memref_slice %arg11[%mul3A_34] : memref<10240xf32, #tpu.memory_space<vmem_shared>> -> memref<640xf32, #tpu.memory_space<vmem_shared>>
      tpu.wait_dma2 semaphore(%run_scoped3A_42 : memref<!tpu.dma_semaphore, #tpu.memory_space<semaphore_mem>>) src(%dma_wait3A_46 : memref<640xf32, #tpu.memory_space<vmem_shared>>) dst(%dma_wait3A_45 : memref<640xf32, #tpu.memory_space<hbm>>)
      tpu.yield
    }) : () -> ()
    %mul3A_37 = arith.constant 640 : i32
    %mul3A_38 = arith.muli %arg1, %mul3A_37 : i32
    %mul3A_39 = arith.constant 640 : i32
    %mul3A_40 = arith.muli %arg1, %mul3A_39 : i32
    %run_scoped3A_41 = arith.constant 1 : i32
    "tpu.region"() ({
      %run_scoped3A_42 = tpu.sem_alloc : memref<!tpu.dma_semaphore, #tpu.memory_space<semaphore_mem>>
      %dma_start3A = tpu.memref_slice %arg4[%arg0, %run_scoped3A_41, %mul3A_40] : memref<2x2x10240xf32, #tpu.memory_space<hbm>> -> memref<1x1x640xf32, #tpu.memory_space<hbm>>
      %dma_start3A_43 = tpu.memref_squeeze %dma_start3A : memref<1x1x640xf32, #tpu.memory_space<hbm>> -> memref<640xf32, #tpu.memory_space<hbm>>
      %dma_start3A_44 = tpu.memref_slice %arg12[%mul3A_38] : memref<10240xf32, #tpu.memory_space<vmem_shared>> -> memref<640xf32, #tpu.memory_space<vmem_shared>>
      tpu.enqueue_dma source(%dma_start3A_44 : memref<640xf32, #tpu.memory_space<vmem_shared>>) target(%dma_start3A_43 : memref<640xf32, #tpu.memory_space<hbm>>) target_semaphore(%run_scoped3A_42 : memref<!tpu.dma_semaphore, #tpu.memory_space<semaphore_mem>>)
      %dma_wait3A = tpu.memref_slice %arg4[%arg0, %run_scoped3A_41, %mul3A_40] : memref<2x2x10240xf32, #tpu.memory_space<hbm>> -> memref<1x1x640xf32, #tpu.memory_space<hbm>>
      %dma_wait3A_45 = tpu.memref_squeeze %dma_wait3A : memref<1x1x640xf32, #tpu.memory_space<hbm>> -> memref<640xf32, #tpu.memory_space<hbm>>
      %dma_wait3A_46 = tpu.memref_slice %arg12[%mul3A_38] : memref<10240xf32, #tpu.memory_space<vmem_shared>> -> memref<640xf32, #tpu.memory_space<vmem_shared>>
      tpu.wait_dma2 semaphore(%run_scoped3A_42 : memref<!tpu.dma_semaphore, #tpu.memory_space<semaphore_mem>>) src(%dma_wait3A_46 : memref<640xf32, #tpu.memory_space<vmem_shared>>) dst(%dma_wait3A_45 : memref<640xf32, #tpu.memory_space<hbm>>)
      tpu.yield
    }) : () -> ()
    return
  }
}

#map = affine_map<(d0, d1) -> (0)>
#map1 = affine_map<(d0, d1) -> (0, 0, 0)>
#map2 = affine_map<(d0, d1) -> (0, 0)>
module attributes {stable_mosaic.version = 14 : i64} {
  func.func @_k7_body(%arg0: i32, %arg1: i32, %arg2: memref<32xi32, #tpu.memory_space<hbm>>, %arg3: memref<32x79x128xi32, #tpu.memory_space<hbm>>, %arg4: memref<32x79x128xi32, #tpu.memory_space<hbm>>, %arg5: memref<10240x128xf32, #tpu.memory_space<hbm>>, %arg6: memref<10240x128xf32, #tpu.memory_space<hbm>>, %arg7: memref<10240xf32, #tpu.memory_space<hbm>>, %arg8: memref<10240xf32, #tpu.memory_space<hbm>>, %arg9: memref<2x1024xf32, #tpu.memory_space<hbm>>, %arg10: memref<2x32x128xf32, #tpu.memory_space<hbm>>, %arg11: memref<32xf32, #tpu.memory_space<hbm>>, %arg12: memref<32xf32, #tpu.memory_space<hbm>>, %arg13: memref<10240xi32, #tpu.memory_space<vmem>>, %arg14: memref<10240xf32, #tpu.memory_space<vmem>>, %arg15: memref<32xi32, #tpu.memory_space<vmem>>, %arg16: memref<79x128xi32, #tpu.memory_space<vmem>>, %arg17: memref<79x128xi32, #tpu.memory_space<vmem>>, %arg18: memref<79x128xi32, #tpu.memory_space<vmem>>, %arg19: memref<128xf32, #tpu.memory_space<vmem>>, %arg20: memref<1152xf32, #tpu.memory_space<vmem>>, %arg21: memref<32x128xf32, #tpu.memory_space<vmem>>, %arg22: memref<32xf32, #tpu.memory_space<vmem>>, %arg23: memref<!tpu.dma_semaphore, #tpu.memory_space<semaphore_mem>>, %arg24: memref<!tpu.dma_semaphore, #tpu.memory_space<semaphore_mem>>, %arg25: memref<1152xf32, #tpu.memory_space<vmem_shared>>) attributes {dimension_semantics = [#tpu.dimension_semantics<core_parallel>, #tpu.dimension_semantics<subcore_parallel>], iteration_bounds = array<i64: 2, 16>, scalar_prefetch = 0 : i64, scratch_operands = 13 : i64, tpu.core_type = #tpu.core_type<sc_vector_subcore>, window_params = [{transform_indices = #map}, {transform_indices = #map1}, {transform_indices = #map1}, {transform_indices = #map2}, {transform_indices = #map2}, {transform_indices = #map}, {transform_indices = #map}, {transform_indices = #map2}, {transform_indices = #map1}, {transform_indices = #map}, {transform_indices = #map}]} {
    %scan3A = arith.constant 0 : i32
    %scan3A_0 = arith.constant 0 : i32
    %scan3A_1 = arith.constant 72 : i32
    %scan3A_2 = arith.addi %scan3A_0, %scan3A_1 : i32
    %scan3A_3 = arith.constant 1 : i32
    %scan3A_4 = scf.for %scan3A_83 = %scan3A_0 to %scan3A_2 step %scan3A_3 iter_args(%scan3A_84 = %scan3A) -> (i32)  : i32 {
      %broadcast_in_dim3A = arith.constant 0.000000e+00 : f32
      %broadcast_in_dim3A_85 = vector.broadcast %broadcast_in_dim3A : f32 to vector<16xf32>
      %mul3A_86 = arith.constant 16 : i32
      %mul3A_87 = arith.muli %scan3A_83, %mul3A_86 : i32
      %swap3A = arith.index_cast %mul3A_87 : i32 to index
      %swap3A_88 = tpu.vector_load %arg20[%swap3A] {strides = array<i32>} : memref<1152xf32, #tpu.memory_space<vmem>>, vector<16xf32>,
      tpu.vector_store %arg20[%swap3A], %broadcast_in_dim3A_85 {strides = array<i32>} : memref<1152xf32, #tpu.memory_space<vmem>>, vector<16xf32>,
      %scan3A_89 = arith.constant 0 : i32
      scf.yield %scan3A_89 : i32
    }
    %scan3A_5 = arith.constant 72 : i32
    %scan3A_6 = arith.constant 0 : i32
    %scan3A_7 = arith.constant 0 : i32
    %scan3A_8 = arith.constant 8 : i32
    %scan3A_9 = arith.addi %scan3A_7, %scan3A_8 : i32
    %scan3A_10 = arith.constant 1 : i32
    %scan3A_11 = scf.for %scan3A_83 = %scan3A_7 to %scan3A_9 step %scan3A_10 iter_args(%scan3A_84 = %scan3A_6) -> (i32)  : i32 {
      %broadcast_in_dim3A = arith.constant 1.000000e+00 : f32
      %broadcast_in_dim3A_85 = vector.broadcast %broadcast_in_dim3A : f32 to vector<16xf32>
      %mul3A_86 = arith.constant 16 : i32
      %mul3A_87 = arith.muli %scan3A_83, %mul3A_86 : i32
      %swap3A = arith.index_cast %mul3A_87 : i32 to index
      %swap3A_88 = tpu.vector_load %arg19[%swap3A] {strides = array<i32>} : memref<128xf32, #tpu.memory_space<vmem>>, vector<16xf32>,
      tpu.vector_store %arg19[%swap3A], %broadcast_in_dim3A_85 {strides = array<i32>} : memref<128xf32, #tpu.memory_space<vmem>>, vector<16xf32>,
      %scan3A_89 = arith.constant 0 : i32
      scf.yield %scan3A_89 : i32
    }
    %scan3A_12 = arith.constant 8 : i32
    %eq3A = arith.constant 0 : i32
    %eq3A_13 = arith.cmpi eq, %arg1, %eq3A : i32
    %convert_element_type3A = arith.extui %eq3A_13 : i1 to i32
    %cond3A = arith.constant 0 : i32
    %cond3A_14 = arith.cmpi ne, %convert_element_type3A, %cond3A : i32
    scf.if %cond3A_14 {
      "tpu.region"() ({
        %run_scoped3A = tpu.sem_alloc : memref<!tpu.dma_semaphore, #tpu.memory_space<semaphore_mem>>
        tpu.enqueue_dma source(%arg20 : memref<1152xf32, #tpu.memory_space<vmem>>) target(%arg25 : memref<1152xf32, #tpu.memory_space<vmem_shared>>) target_semaphore(%run_scoped3A : memref<!tpu.dma_semaphore, #tpu.memory_space<semaphore_mem>>)
        tpu.wait_dma2 semaphore(%run_scoped3A : memref<!tpu.dma_semaphore, #tpu.memory_space<semaphore_mem>>) src(%arg20 : memref<1152xf32, #tpu.memory_space<vmem>>) dst(%arg25 : memref<1152xf32, #tpu.memory_space<vmem_shared>>)
        tpu.yield
      }) : () -> ()
    } else {
    }
    %scan3A_15 = arith.constant 0 : i32
    %scan3A_16 = arith.constant 0 : i32
    %scan3A_17 = arith.constant 640 : i32
    %scan3A_18 = arith.addi %scan3A_16, %scan3A_17 : i32
    %scan3A_19 = arith.constant 1 : i32
    %scan3A_20 = scf.for %scan3A_83 = %scan3A_16 to %scan3A_18 step %scan3A_19 iter_args(%scan3A_84 = %scan3A_15) -> (i32)  : i32 {
      %broadcast_in_dim3A = arith.constant 32 : i32
      %broadcast_in_dim3A_85 = vector.broadcast %broadcast_in_dim3A : i32 to vector<16xi32>
      %mul3A_86 = arith.constant 16 : i32
      %mul3A_87 = arith.muli %scan3A_83, %mul3A_86 : i32
      %swap3A = arith.index_cast %mul3A_87 : i32 to index
      %swap3A_88 = tpu.vector_load %arg13[%swap3A] {strides = array<i32>} : memref<10240xi32, #tpu.memory_space<vmem>>, vector<16xi32>,
      tpu.vector_store %arg13[%swap3A], %broadcast_in_dim3A_85 {strides = array<i32>} : memref<10240xi32, #tpu.memory_space<vmem>>, vector<16xi32>,
      %scan3A_89 = arith.constant 0 : i32
      scf.yield %scan3A_89 : i32
    }
    %scan3A_21 = arith.constant 640 : i32
    "tpu.region"() ({
      %run_scoped3A = tpu.sem_alloc : memref<!tpu.dma_semaphore, #tpu.memory_space<semaphore_mem>>
      tpu.enqueue_dma source(%arg2 : memref<32xi32, #tpu.memory_space<hbm>>) target(%arg15 : memref<32xi32, #tpu.memory_space<vmem>>) target_semaphore(%run_scoped3A : memref<!tpu.dma_semaphore, #tpu.memory_space<semaphore_mem>>)
      tpu.wait_dma2 semaphore(%run_scoped3A : memref<!tpu.dma_semaphore, #tpu.memory_space<semaphore_mem>>) src(%arg2 : memref<32xi32, #tpu.memory_space<hbm>>) dst(%arg15 : memref<32xi32, #tpu.memory_space<vmem>>)
      tpu.yield
    }) : () -> ()
    %get3A = arith.constant 0 : index
    %get3A_22 = tpu.vector_load %arg15[%get3A] {strides = array<i32>} : memref<32xi32, #tpu.memory_space<vmem>>, vector<16xi32>,
    %iota3A = tpu.iota {dimensions = array<i32: 0>} : vector<16xi32>
    %add3A = arith.constant 0 : i32
    %add3A_23 = vector.broadcast %add3A : i32 to vector<16xi32>
    %add3A_24 = arith.addi %iota3A, %add3A_23 : vector<16xi32>
    tpu.vector_store_idx %arg13[%get3A_22], %add3A_24 : memref<10240xi32, #tpu.memory_space<vmem>>[vector<16xi32>], vector<16xi32>,
    %get3A_25 = arith.constant 16 : index
    %get3A_26 = tpu.vector_load %arg15[%get3A_25] {strides = array<i32>} : memref<32xi32, #tpu.memory_space<vmem>>, vector<16xi32>,
    %iota3A_27 = tpu.iota {dimensions = array<i32: 0>} : vector<16xi32>
    %add3A_28 = arith.constant 16 : i32
    %add3A_29 = vector.broadcast %add3A_28 : i32 to vector<16xi32>
    %add3A_30 = arith.addi %iota3A_27, %add3A_29 : vector<16xi32>
    tpu.vector_store_idx %arg13[%get3A_26], %add3A_30 : memref<10240xi32, #tpu.memory_space<vmem>>[vector<16xi32>], vector<16xi32>,
    %mul3A = arith.constant 16 : i32
    %mul3A_31 = arith.muli %arg0, %mul3A : i32
    %add3A_32 = arith.addi %mul3A_31, %arg1 : i32
    "tpu.region"() ({
      %run_scoped3A = tpu.sem_alloc : memref<!tpu.dma_semaphore, #tpu.memory_space<semaphore_mem>>
      %dma_start3A = arith.constant 0 : i32
      %dma_start3A_83 = arith.constant 0 : i32
      %dma_start3A_84 = tpu.memref_slice %arg3[%add3A_32, %dma_start3A, %dma_start3A_83] : memref<32x79x128xi32, #tpu.memory_space<hbm>> -> memref<1x79x128xi32, #tpu.memory_space<hbm>>
      %dma_start3A_85 = tpu.memref_squeeze %dma_start3A_84 : memref<1x79x128xi32, #tpu.memory_space<hbm>> -> memref<79x128xi32, #tpu.memory_space<hbm>>
      %dma_start3A_86 = arith.constant 0 : i32
      %dma_start3A_87 = arith.constant 0 : i32
      %dma_start3A_88 = tpu.memref_slice %arg3[%add3A_32, %dma_start3A_86, %dma_start3A_87] : memref<32x79x128xi32, #tpu.memory_space<hbm>> -> memref<1x79x128xi32, #tpu.memory_space<hbm>>
      %dma_start3A_89 = tpu.memref_squeeze %dma_start3A_88 : memref<1x79x128xi32, #tpu.memory_space<hbm>> -> memref<79x128xi32, #tpu.memory_space<hbm>>
      tpu.enqueue_dma source(%dma_start3A_89 : memref<79x128xi32, #tpu.memory_space<hbm>>) target(%arg16 : memref<79x128xi32, #tpu.memory_space<vmem>>) target_semaphore(%run_scoped3A : memref<!tpu.dma_semaphore, #tpu.memory_space<semaphore_mem>>)
      %dma_wait3A = arith.constant 0 : i32
      %dma_wait3A_90 = arith.constant 0 : i32
      %dma_wait3A_91 = tpu.memref_slice %arg3[%add3A_32, %dma_wait3A, %dma_wait3A_90] : memref<32x79x128xi32, #tpu.memory_space<hbm>> -> memref<1x79x128xi32, #tpu.memory_space<hbm>>
      %dma_wait3A_92 = tpu.memref_squeeze %dma_wait3A_91 : memref<1x79x128xi32, #tpu.memory_space<hbm>> -> memref<79x128xi32, #tpu.memory_space<hbm>>
      %dma_wait3A_93 = arith.constant 0 : i32
      %dma_wait3A_94 = arith.constant 0 : i32
      %dma_wait3A_95 = tpu.memref_slice %arg3[%add3A_32, %dma_wait3A_93, %dma_wait3A_94] : memref<32x79x128xi32, #tpu.memory_space<hbm>> -> memref<1x79x128xi32, #tpu.memory_space<hbm>>
      %dma_wait3A_96 = tpu.memref_squeeze %dma_wait3A_95 : memref<1x79x128xi32, #tpu.memory_space<hbm>> -> memref<79x128xi32, #tpu.memory_space<hbm>>
      tpu.wait_dma2 semaphore(%run_scoped3A : memref<!tpu.dma_semaphore, #tpu.memory_space<semaphore_mem>>) src(%dma_wait3A_96 : memref<79x128xi32, #tpu.memory_space<hbm>>) dst(%arg16 : memref<79x128xi32, #tpu.memory_space<vmem>>)
      tpu.yield
    }) : () -> ()
    "tpu.region"() ({
      %run_scoped3A = tpu.sem_alloc : memref<!tpu.dma_semaphore, #tpu.memory_space<semaphore_mem>>
      %dma_start3A = arith.constant 0 : i32
      %dma_start3A_83 = arith.constant 0 : i32
      %dma_start3A_84 = tpu.memref_slice %arg4[%add3A_32, %dma_start3A, %dma_start3A_83] : memref<32x79x128xi32, #tpu.memory_space<hbm>> -> memref<1x79x128xi32, #tpu.memory_space<hbm>>
      %dma_start3A_85 = tpu.memref_squeeze %dma_start3A_84 : memref<1x79x128xi32, #tpu.memory_space<hbm>> -> memref<79x128xi32, #tpu.memory_space<hbm>>
      %dma_start3A_86 = arith.constant 0 : i32
      %dma_start3A_87 = arith.constant 0 : i32
      %dma_start3A_88 = tpu.memref_slice %arg4[%add3A_32, %dma_start3A_86, %dma_start3A_87] : memref<32x79x128xi32, #tpu.memory_space<hbm>> -> memref<1x79x128xi32, #tpu.memory_space<hbm>>
      %dma_start3A_89 = tpu.memref_squeeze %dma_start3A_88 : memref<1x79x128xi32, #tpu.memory_space<hbm>> -> memref<79x128xi32, #tpu.memory_space<hbm>>
      tpu.enqueue_dma source(%dma_start3A_89 : memref<79x128xi32, #tpu.memory_space<hbm>>) target(%arg17 : memref<79x128xi32, #tpu.memory_space<vmem>>) target_semaphore(%run_scoped3A : memref<!tpu.dma_semaphore, #tpu.memory_space<semaphore_mem>>)
      %dma_wait3A = arith.constant 0 : i32
      %dma_wait3A_90 = arith.constant 0 : i32
      %dma_wait3A_91 = tpu.memref_slice %arg4[%add3A_32, %dma_wait3A, %dma_wait3A_90] : memref<32x79x128xi32, #tpu.memory_space<hbm>> -> memref<1x79x128xi32, #tpu.memory_space<hbm>>
      %dma_wait3A_92 = tpu.memref_squeeze %dma_wait3A_91 : memref<1x79x128xi32, #tpu.memory_space<hbm>> -> memref<79x128xi32, #tpu.memory_space<hbm>>
      %dma_wait3A_93 = arith.constant 0 : i32
      %dma_wait3A_94 = arith.constant 0 : i32
      %dma_wait3A_95 = tpu.memref_slice %arg4[%add3A_32, %dma_wait3A_93, %dma_wait3A_94] : memref<32x79x128xi32, #tpu.memory_space<hbm>> -> memref<1x79x128xi32, #tpu.memory_space<hbm>>
      %dma_wait3A_96 = tpu.memref_squeeze %dma_wait3A_95 : memref<1x79x128xi32, #tpu.memory_space<hbm>> -> memref<79x128xi32, #tpu.memory_space<hbm>>
      tpu.wait_dma2 semaphore(%run_scoped3A : memref<!tpu.dma_semaphore, #tpu.memory_space<semaphore_mem>>) src(%dma_wait3A_96 : memref<79x128xi32, #tpu.memory_space<hbm>>) dst(%arg17 : memref<79x128xi32, #tpu.memory_space<vmem>>)
      tpu.yield
    }) : () -> ()
    %scan3A_33 = arith.constant 0 : i32
    %scan3A_34 = arith.constant 0 : i32
    %scan3A_35 = arith.constant 79 : i32
    %scan3A_36 = arith.addi %scan3A_34, %scan3A_35 : i32
    %scan3A_37 = arith.constant 1 : i32
    %scan3A_38 = scf.for %scan3A_83 = %scan3A_34 to %scan3A_36 step %scan3A_37 iter_args(%scan3A_84 = %scan3A_33) -> (i32)  : i32 {
      %scan3A_85 = arith.constant 0 : i32
      %scan3A_86 = arith.constant 0 : i32
      %scan3A_87 = arith.constant 8 : i32
      %scan3A_88 = arith.addi %scan3A_86, %scan3A_87 : i32
      %scan3A_89 = arith.constant 1 : i32
      %scan3A_90 = scf.for %scan3A_100 = %scan3A_86 to %scan3A_88 step %scan3A_89 iter_args(%scan3A_101 = %scan3A_85) -> (i32)  : i32 {
        %mul3A_102 = arith.constant 16 : i32
        %mul3A_103 = arith.muli %scan3A_100, %mul3A_102 : i32
        %get3A_104 = arith.index_cast %scan3A_83 : i32 to index
        %get3A_105 = arith.index_cast %mul3A_103 : i32 to index
        %get3A_106 = tpu.vector_load %arg16[%get3A_104, %get3A_105] {strides = array<i32>} : memref<79x128xi32, #tpu.memory_space<vmem>>, vector<16xi32>,
        %mul3A_107 = arith.constant 16 : i32
        %mul3A_108 = arith.muli %scan3A_100, %mul3A_107 : i32
        %get3A_109 = arith.index_cast %scan3A_83 : i32 to index
        %get3A_110 = arith.index_cast %mul3A_108 : i32 to index
        %get3A_111 = tpu.vector_load %arg17[%get3A_109, %get3A_110] {strides = array<i32>} : memref<79x128xi32, #tpu.memory_space<vmem>>, vector<16xi32>,
        %gather3A = tpu.vector_load_idx %arg13[%get3A_106] : memref<10240xi32, #tpu.memory_space<vmem>>[vector<16xi32>], vector<16xi32>,
        %gather3A_112 = tpu.vector_load_idx %arg13[%get3A_111] : memref<10240xi32, #tpu.memory_space<vmem>>[vector<16xi32>], vector<16xi32>,
        %lt3A = arith.constant 32 : i32
        %lt3A_113 = vector.broadcast %lt3A : i32 to vector<16xi32>
        %lt3A_114 = arith.cmpi slt, %gather3A, %lt3A_113 : vector<16xi32>
        %lt3A_115 = arith.constant 32 : i32
        %lt3A_116 = vector.broadcast %lt3A_115 : i32 to vector<16xi32>
        %lt3A_117 = arith.cmpi slt, %gather3A_112, %lt3A_116 : vector<16xi32>
        %and3A_118 = arith.andi %lt3A_114, %lt3A_117 : vector<16xi1>
        %mul3A_119 = arith.constant 16 : i32
        %mul3A_120 = arith.muli %scan3A_100, %mul3A_119 : i32
        %add3A_121 = arith.constant 1024 : i32
        %add3A_122 = arith.addi %add3A_121, %mul3A_120 : i32
        %iota3A_123 = tpu.iota {dimensions = array<i32: 0>} : vector<16xi32>
        %add3A_124 = vector.broadcast %add3A_122 : i32 to vector<16xi32>
        %add3A_125 = arith.addi %add3A_124, %iota3A_123 : vector<16xi32>
        %mul3A_126 = arith.constant 32 : i32
        %mul3A_127 = vector.broadcast %mul3A_126 : i32 to vector<16xi32>
        %mul3A_128 = arith.muli %gather3A, %mul3A_127 : vector<16xi32>
        %add3A_129 = arith.addi %mul3A_128, %gather3A_112 : vector<16xi32>
        %select_n3A_130 = arith.select %and3A_118, %add3A_129, %add3A_125 : vector<16xi1>, vector<16xi32>
        %mul3A_131 = arith.constant 16 : i32
        %mul3A_132 = arith.muli %scan3A_100, %mul3A_131 : i32
        %swap3A = arith.index_cast %scan3A_83 : i32 to index
        %swap3A_133 = arith.index_cast %mul3A_132 : i32 to index
        %swap3A_134 = tpu.vector_load %arg18[%swap3A, %swap3A_133] {strides = array<i32>} : memref<79x128xi32, #tpu.memory_space<vmem>>, vector<16xi32>,
        tpu.vector_store %arg18[%swap3A, %swap3A_133], %select_n3A_130 {strides = array<i32>} : memref<79x128xi32, #tpu.memory_space<vmem>>, vector<16xi32>,
        %convert_element_type3A_135 = arith.extui %and3A_118 : vector<16xi1> to vector<16xi32>
        %reduce_sum3A = arith.constant true
        %reduce_sum3A_136 = vector.broadcast %reduce_sum3A : i1 to vector<16xi1>
        %reduce_sum3A_137 = tpu.scan <sum>, %convert_element_type3A_135 masked %reduce_sum3A_136 : vector<16xi32>, vector<16xi1> -> vector<16xi32>
        %reduce_sum3A_138 = vector.extract %reduce_sum3A_137[15] : i32 from vector<16xi32>
        %add3A_139 = arith.addi %scan3A_101, %reduce_sum3A_138 : i32
        scf.yield %add3A_139 : i32
      }
      %scan3A_91 = arith.constant 8 : i32
      %gt3A = arith.constant 0 : i32
      %gt3A_92 = arith.cmpi sgt, %scan3A_90, %gt3A : i32
      %convert_element_type3A_93 = arith.extui %gt3A_92 : i1 to i32
      %cond3A_94 = arith.constant 0 : i32
      %cond3A_95 = arith.cmpi ne, %convert_element_type3A_93, %cond3A_94 : i32
      scf.if %cond3A_95 {
        %dma_start3A = arith.constant 0 : i32
        %dma_start3A_100 = tpu.memref_slice %arg18[%scan3A_83, %dma_start3A] : memref<79x128xi32, #tpu.memory_space<vmem>> -> memref<1x128xi32, #tpu.memory_space<vmem>>
        %dma_start3A_101 = tpu.memref_squeeze %dma_start3A_100 : memref<1x128xi32, #tpu.memory_space<vmem>> -> memref<128xi32, #tpu.memory_space<vmem>>
        %dma_start3A_102 = arith.constant 0 : i32
        %dma_start3A_103 = tpu.memref_slice %arg25[%dma_start3A_102] : memref<1152xf32, #tpu.memory_space<vmem_shared>> -> memref<1152xf32, #tpu.memory_space<vmem_shared>>
        tpu.enqueue_indirect_dma source(%arg19 : memref<128xf32, #tpu.memory_space<vmem>>) target(%dma_start3A_103 : memref<1152xf32, #tpu.memory_space<vmem_shared>>) offsets(%dma_start3A_101 : memref<128xi32, #tpu.memory_space<vmem>>) semaphore(%arg24 : memref<!tpu.dma_semaphore, #tpu.memory_space<semaphore_mem>>) {add = true}
      } else {
      }
      %gt3A_96 = arith.constant 0 : i32
      %gt3A_97 = arith.cmpi sgt, %scan3A_90, %gt3A_96 : i32
      %jit3A = arith.constant 1 : i32
      %jit3A_98 = arith.constant 0 : i32
      %select_n3A = arith.select %gt3A_97, %jit3A, %jit3A_98 : i32
      %add3A_99 = arith.addi %scan3A_84, %select_n3A : i32
      scf.yield %add3A_99 : i32
    }
    %scan3A_39 = arith.constant 79 : i32
    %scan3A_40 = arith.constant 0 : i32
    %scan3A_41 = arith.constant 0 : i32
    %scan3A_42 = arith.constant 79 : i32
    %scan3A_43 = arith.addi %scan3A_41, %scan3A_42 : i32
    %scan3A_44 = arith.constant 1 : i32
    %scan3A_45 = scf.for %scan3A_83 = %scan3A_41 to %scan3A_43 step %scan3A_44 iter_args(%scan3A_84 = %scan3A_40) -> (i32)  : i32 {
      %lt3A = arith.cmpi slt, %scan3A_83, %scan3A_38 : i32
      %convert_element_type3A_85 = arith.extui %lt3A : i1 to i32
      %cond3A_86 = arith.constant 0 : i32
      %cond3A_87 = arith.cmpi ne, %convert_element_type3A_85, %cond3A_86 : i32
      scf.if %cond3A_87 {
        %dma_wait3A = arith.constant 0 : i32
        %dma_wait3A_89 = arith.constant 0 : i32
        %dma_wait3A_90 = tpu.memref_slice %arg18[%dma_wait3A, %dma_wait3A_89] : memref<79x128xi32, #tpu.memory_space<vmem>> -> memref<1x128xi32, #tpu.memory_space<vmem>>
        %dma_wait3A_91 = tpu.memref_squeeze %dma_wait3A_90 : memref<1x128xi32, #tpu.memory_space<vmem>> -> memref<128xi32, #tpu.memory_space<vmem>>
        %dma_wait3A_92 = arith.constant 0 : i32
        %dma_wait3A_93 = tpu.memref_slice %arg25[%dma_wait3A_92] : memref<1152xf32, #tpu.memory_space<vmem_shared>> -> memref<1152xf32, #tpu.memory_space<vmem_shared>>
        tpu.wait_indirect_dma semaphore(%arg24 : memref<!tpu.dma_semaphore, #tpu.memory_space<semaphore_mem>>) src(%arg19 : memref<128xf32, #tpu.memory_space<vmem>>) dst(%dma_wait3A_93 : memref<1152xf32, #tpu.memory_space<vmem_shared>>)
      } else {
      }
      %scan3A_88 = arith.constant 0 : i32
      scf.yield %scan3A_88 : i32
    }
    %scan3A_46 = arith.constant 79 : i32
    %barrier3A = arith.constant 0 : index
    tpu.barrier barrier_id(%barrier3A)
    %eq3A_47 = arith.constant 0 : i32
    %eq3A_48 = arith.cmpi eq, %arg1, %eq3A_47 : i32
    %convert_element_type3A_49 = arith.extui %eq3A_48 : i1 to i32
    %cond3A_50 = arith.constant 0 : i32
    %cond3A_51 = arith.cmpi ne, %convert_element_type3A_49, %cond3A_50 : i32
    scf.if %cond3A_51 {
      "tpu.region"() ({
        %run_scoped3A = tpu.sem_alloc : memref<!tpu.dma_semaphore, #tpu.memory_space<semaphore_mem>>
        %dma_start3A = arith.constant 0 : i32
        %dma_start3A_83 = tpu.memref_slice %arg9[%arg0, %dma_start3A] : memref<2x1024xf32, #tpu.memory_space<hbm>> -> memref<1x1024xf32, #tpu.memory_space<hbm>>
        %dma_start3A_84 = tpu.memref_squeeze %dma_start3A_83 : memref<1x1024xf32, #tpu.memory_space<hbm>> -> memref<1024xf32, #tpu.memory_space<hbm>>
        %dma_start3A_85 = arith.constant 0 : i32
        %dma_start3A_86 = tpu.memref_slice %arg25[%dma_start3A_85] : memref<1152xf32, #tpu.memory_space<vmem_shared>> -> memref<1024xf32, #tpu.memory_space<vmem_shared>>
        tpu.enqueue_dma source(%dma_start3A_86 : memref<1024xf32, #tpu.memory_space<vmem_shared>>) target(%dma_start3A_84 : memref<1024xf32, #tpu.memory_space<hbm>>) target_semaphore(%run_scoped3A : memref<!tpu.dma_semaphore, #tpu.memory_space<semaphore_mem>>)
        %dma_wait3A = arith.constant 0 : i32
        %dma_wait3A_87 = tpu.memref_slice %arg9[%arg0, %dma_wait3A] : memref<2x1024xf32, #tpu.memory_space<hbm>> -> memref<1x1024xf32, #tpu.memory_space<hbm>>
        %dma_wait3A_88 = tpu.memref_squeeze %dma_wait3A_87 : memref<1x1024xf32, #tpu.memory_space<hbm>> -> memref<1024xf32, #tpu.memory_space<hbm>>
        %dma_wait3A_89 = arith.constant 0 : i32
        %dma_wait3A_90 = tpu.memref_slice %arg25[%dma_wait3A_89] : memref<1152xf32, #tpu.memory_space<vmem_shared>> -> memref<1024xf32, #tpu.memory_space<vmem_shared>>
        tpu.wait_dma2 semaphore(%run_scoped3A : memref<!tpu.dma_semaphore, #tpu.memory_space<semaphore_mem>>) src(%dma_wait3A_90 : memref<1024xf32, #tpu.memory_space<vmem_shared>>) dst(%dma_wait3A_88 : memref<1024xf32, #tpu.memory_space<hbm>>)
        tpu.yield
      }) : () -> ()
    } else {
    }
    %eq3A_52 = arith.constant 0 : i32
    %eq3A_53 = arith.cmpi eq, %arg0, %eq3A_52 : i32
    %eq3A_54 = arith.constant 4 : i32
    %eq3A_55 = arith.cmpi eq, %arg1, %eq3A_54 : i32
    %and3A = arith.andi %eq3A_53, %eq3A_55 : i1
    %convert_element_type3A_56 = arith.extui %and3A : i1 to i32
    %cond3A_57 = arith.constant 0 : i32
    %cond3A_58 = arith.cmpi ne, %convert_element_type3A_56, %cond3A_57 : i32
    scf.if %cond3A_58 {
      %dma_start3A = arith.constant 0 : i32
      %dma_start3A_83 = arith.constant 0 : i32
      %dma_start3A_84 = tpu.memref_slice %arg5[%dma_start3A, %dma_start3A_83] : memref<10240x128xf32, #tpu.memory_space<hbm>> -> memref<10240x128xf32, #tpu.memory_space<hbm>>
      tpu.enqueue_indirect_dma source(%dma_start3A_84 : memref<10240x128xf32, #tpu.memory_space<hbm>>) target(%arg21 : memref<32x128xf32, #tpu.memory_space<vmem>>) offsets(%arg15 : memref<32xi32, #tpu.memory_space<vmem>>) semaphore(%arg23 : memref<!tpu.dma_semaphore, #tpu.memory_space<semaphore_mem>>)
      %dma_wait3A = arith.constant 0 : i32
      %dma_wait3A_85 = arith.constant 0 : i32
      %dma_wait3A_86 = tpu.memref_slice %arg5[%dma_wait3A, %dma_wait3A_85] : memref<10240x128xf32, #tpu.memory_space<hbm>> -> memref<10240x128xf32, #tpu.memory_space<hbm>>
      tpu.wait_indirect_dma semaphore(%arg23 : memref<!tpu.dma_semaphore, #tpu.memory_space<semaphore_mem>>) src(%dma_wait3A_86 : memref<10240x128xf32, #tpu.memory_space<hbm>>) dst(%arg21 : memref<32x128xf32, #tpu.memory_space<vmem>>)
      %run_scoped3A = arith.constant 0 : i32
      "tpu.region"() ({
        %run_scoped3A_87 = tpu.sem_alloc : memref<!tpu.dma_semaphore, #tpu.memory_space<semaphore_mem>>
        %dma_start3A_88 = arith.constant 0 : i32
        %dma_start3A_89 = arith.constant 0 : i32
        %dma_start3A_90 = tpu.memref_slice %arg10[%run_scoped3A, %dma_start3A_88, %dma_start3A_89] : memref<2x32x128xf32, #tpu.memory_space<hbm>> -> memref<1x32x128xf32, #tpu.memory_space<hbm>>
        %dma_start3A_91 = tpu.memref_squeeze %dma_start3A_90 : memref<1x32x128xf32, #tpu.memory_space<hbm>> -> memref<32x128xf32, #tpu.memory_space<hbm>>
        %dma_start3A_92 = arith.constant 0 : i32
        %dma_start3A_93 = arith.constant 0 : i32
        %dma_start3A_94 = tpu.memref_slice %arg10[%run_scoped3A, %dma_start3A_92, %dma_start3A_93] : memref<2x32x128xf32, #tpu.memory_space<hbm>> -> memref<1x32x128xf32, #tpu.memory_space<hbm>>
        %dma_start3A_95 = tpu.memref_squeeze %dma_start3A_94 : memref<1x32x128xf32, #tpu.memory_space<hbm>> -> memref<32x128xf32, #tpu.memory_space<hbm>>
        tpu.enqueue_dma source(%arg21 : memref<32x128xf32, #tpu.memory_space<vmem>>) target(%dma_start3A_95 : memref<32x128xf32, #tpu.memory_space<hbm>>) target_semaphore(%run_scoped3A_87 : memref<!tpu.dma_semaphore, #tpu.memory_space<semaphore_mem>>)
        %dma_wait3A_96 = arith.constant 0 : i32
        %dma_wait3A_97 = arith.constant 0 : i32
        %dma_wait3A_98 = tpu.memref_slice %arg10[%run_scoped3A, %dma_wait3A_96, %dma_wait3A_97] : memref<2x32x128xf32, #tpu.memory_space<hbm>> -> memref<1x32x128xf32, #tpu.memory_space<hbm>>
        %dma_wait3A_99 = tpu.memref_squeeze %dma_wait3A_98 : memref<1x32x128xf32, #tpu.memory_space<hbm>> -> memref<32x128xf32, #tpu.memory_space<hbm>>
        %dma_wait3A_100 = arith.constant 0 : i32
        %dma_wait3A_101 = arith.constant 0 : i32
        %dma_wait3A_102 = tpu.memref_slice %arg10[%run_scoped3A, %dma_wait3A_100, %dma_wait3A_101] : memref<2x32x128xf32, #tpu.memory_space<hbm>> -> memref<1x32x128xf32, #tpu.memory_space<hbm>>
        %dma_wait3A_103 = tpu.memref_squeeze %dma_wait3A_102 : memref<1x32x128xf32, #tpu.memory_space<hbm>> -> memref<32x128xf32, #tpu.memory_space<hbm>>
        tpu.wait_dma2 semaphore(%run_scoped3A_87 : memref<!tpu.dma_semaphore, #tpu.memory_space<semaphore_mem>>) src(%arg21 : memref<32x128xf32, #tpu.memory_space<vmem>>) dst(%dma_wait3A_103 : memref<32x128xf32, #tpu.memory_space<hbm>>)
        tpu.yield
      }) : () -> ()
    } else {
    }
    %eq3A_59 = arith.constant 0 : i32
    %eq3A_60 = arith.cmpi eq, %arg0, %eq3A_59 : i32
    %eq3A_61 = arith.constant 5 : i32
    %eq3A_62 = arith.cmpi eq, %arg1, %eq3A_61 : i32
    %and3A_63 = arith.andi %eq3A_60, %eq3A_62 : i1
    %convert_element_type3A_64 = arith.extui %and3A_63 : i1 to i32
    %cond3A_65 = arith.constant 0 : i32
    %cond3A_66 = arith.cmpi ne, %convert_element_type3A_64, %cond3A_65 : i32
    scf.if %cond3A_66 {
      %dma_start3A = arith.constant 0 : i32
      %dma_start3A_83 = arith.constant 0 : i32
      %dma_start3A_84 = tpu.memref_slice %arg6[%dma_start3A, %dma_start3A_83] : memref<10240x128xf32, #tpu.memory_space<hbm>> -> memref<10240x128xf32, #tpu.memory_space<hbm>>
      tpu.enqueue_indirect_dma source(%dma_start3A_84 : memref<10240x128xf32, #tpu.memory_space<hbm>>) target(%arg21 : memref<32x128xf32, #tpu.memory_space<vmem>>) offsets(%arg15 : memref<32xi32, #tpu.memory_space<vmem>>) semaphore(%arg23 : memref<!tpu.dma_semaphore, #tpu.memory_space<semaphore_mem>>)
      %dma_wait3A = arith.constant 0 : i32
      %dma_wait3A_85 = arith.constant 0 : i32
      %dma_wait3A_86 = tpu.memref_slice %arg6[%dma_wait3A, %dma_wait3A_85] : memref<10240x128xf32, #tpu.memory_space<hbm>> -> memref<10240x128xf32, #tpu.memory_space<hbm>>
      tpu.wait_indirect_dma semaphore(%arg23 : memref<!tpu.dma_semaphore, #tpu.memory_space<semaphore_mem>>) src(%dma_wait3A_86 : memref<10240x128xf32, #tpu.memory_space<hbm>>) dst(%arg21 : memref<32x128xf32, #tpu.memory_space<vmem>>)
      %run_scoped3A = arith.constant 1 : i32
      "tpu.region"() ({
        %run_scoped3A_87 = tpu.sem_alloc : memref<!tpu.dma_semaphore, #tpu.memory_space<semaphore_mem>>
        %dma_start3A_88 = arith.constant 0 : i32
        %dma_start3A_89 = arith.constant 0 : i32
        %dma_start3A_90 = tpu.memref_slice %arg10[%run_scoped3A, %dma_start3A_88, %dma_start3A_89] : memref<2x32x128xf32, #tpu.memory_space<hbm>> -> memref<1x32x128xf32, #tpu.memory_space<hbm>>
        %dma_start3A_91 = tpu.memref_squeeze %dma_start3A_90 : memref<1x32x128xf32, #tpu.memory_space<hbm>> -> memref<32x128xf32, #tpu.memory_space<hbm>>
        %dma_start3A_92 = arith.constant 0 : i32
        %dma_start3A_93 = arith.constant 0 : i32
        %dma_start3A_94 = tpu.memref_slice %arg10[%run_scoped3A, %dma_start3A_92, %dma_start3A_93] : memref<2x32x128xf32, #tpu.memory_space<hbm>> -> memref<1x32x128xf32, #tpu.memory_space<hbm>>
        %dma_start3A_95 = tpu.memref_squeeze %dma_start3A_94 : memref<1x32x128xf32, #tpu.memory_space<hbm>> -> memref<32x128xf32, #tpu.memory_space<hbm>>
        tpu.enqueue_dma source(%arg21 : memref<32x128xf32, #tpu.memory_space<vmem>>) target(%dma_start3A_95 : memref<32x128xf32, #tpu.memory_space<hbm>>) target_semaphore(%run_scoped3A_87 : memref<!tpu.dma_semaphore, #tpu.memory_space<semaphore_mem>>)
        %dma_wait3A_96 = arith.constant 0 : i32
        %dma_wait3A_97 = arith.constant 0 : i32
        %dma_wait3A_98 = tpu.memref_slice %arg10[%run_scoped3A, %dma_wait3A_96, %dma_wait3A_97] : memref<2x32x128xf32, #tpu.memory_space<hbm>> -> memref<1x32x128xf32, #tpu.memory_space<hbm>>
        %dma_wait3A_99 = tpu.memref_squeeze %dma_wait3A_98 : memref<1x32x128xf32, #tpu.memory_space<hbm>> -> memref<32x128xf32, #tpu.memory_space<hbm>>
        %dma_wait3A_100 = arith.constant 0 : i32
        %dma_wait3A_101 = arith.constant 0 : i32
        %dma_wait3A_102 = tpu.memref_slice %arg10[%run_scoped3A, %dma_wait3A_100, %dma_wait3A_101] : memref<2x32x128xf32, #tpu.memory_space<hbm>> -> memref<1x32x128xf32, #tpu.memory_space<hbm>>
        %dma_wait3A_103 = tpu.memref_squeeze %dma_wait3A_102 : memref<1x32x128xf32, #tpu.memory_space<hbm>> -> memref<32x128xf32, #tpu.memory_space<hbm>>
        tpu.wait_dma2 semaphore(%run_scoped3A_87 : memref<!tpu.dma_semaphore, #tpu.memory_space<semaphore_mem>>) src(%arg21 : memref<32x128xf32, #tpu.memory_space<vmem>>) dst(%dma_wait3A_103 : memref<32x128xf32, #tpu.memory_space<hbm>>)
        tpu.yield
      }) : () -> ()
    } else {
    }
    %eq3A_67 = arith.constant 0 : i32
    %eq3A_68 = arith.cmpi eq, %arg0, %eq3A_67 : i32
    %eq3A_69 = arith.constant 6 : i32
    %eq3A_70 = arith.cmpi eq, %arg1, %eq3A_69 : i32
    %and3A_71 = arith.andi %eq3A_68, %eq3A_70 : i1
    %convert_element_type3A_72 = arith.extui %and3A_71 : i1 to i32
    %cond3A_73 = arith.constant 0 : i32
    %cond3A_74 = arith.cmpi ne, %convert_element_type3A_72, %cond3A_73 : i32
    scf.if %cond3A_74 {
      "tpu.region"() ({
        %run_scoped3A = tpu.sem_alloc : memref<!tpu.dma_semaphore, #tpu.memory_space<semaphore_mem>>
        tpu.enqueue_dma source(%arg7 : memref<10240xf32, #tpu.memory_space<hbm>>) target(%arg14 : memref<10240xf32, #tpu.memory_space<vmem>>) target_semaphore(%run_scoped3A : memref<!tpu.dma_semaphore, #tpu.memory_space<semaphore_mem>>)
        tpu.wait_dma2 semaphore(%run_scoped3A : memref<!tpu.dma_semaphore, #tpu.memory_space<semaphore_mem>>) src(%arg7 : memref<10240xf32, #tpu.memory_space<hbm>>) dst(%arg14 : memref<10240xf32, #tpu.memory_space<vmem>>)
        tpu.yield
      }) : () -> ()
      %get3A_83 = arith.constant 0 : index
      %get3A_84 = tpu.vector_load %arg15[%get3A_83] {strides = array<i32>} : memref<32xi32, #tpu.memory_space<vmem>>, vector<16xi32>,
      %gather3A = tpu.vector_load_idx %arg14[%get3A_84] : memref<10240xf32, #tpu.memory_space<vmem>>[vector<16xi32>], vector<16xf32>,
      %swap3A = arith.constant 0 : index
      %swap3A_85 = tpu.vector_load %arg22[%swap3A] {strides = array<i32>} : memref<32xf32, #tpu.memory_space<vmem>>, vector<16xf32>,
      tpu.vector_store %arg22[%swap3A], %gather3A {strides = array<i32>} : memref<32xf32, #tpu.memory_space<vmem>>, vector<16xf32>,
      %get3A_86 = arith.constant 16 : index
      %get3A_87 = tpu.vector_load %arg15[%get3A_86] {strides = array<i32>} : memref<32xi32, #tpu.memory_space<vmem>>, vector<16xi32>,
      %gather3A_88 = tpu.vector_load_idx %arg14[%get3A_87] : memref<10240xf32, #tpu.memory_space<vmem>>[vector<16xi32>], vector<16xf32>,
      %swap3A_89 = arith.constant 16 : index
      %swap3A_90 = tpu.vector_load %arg22[%swap3A_89] {strides = array<i32>} : memref<32xf32, #tpu.memory_space<vmem>>, vector<16xf32>,
      tpu.vector_store %arg22[%swap3A_89], %gather3A_88 {strides = array<i32>} : memref<32xf32, #tpu.memory_space<vmem>>, vector<16xf32>,
      "tpu.region"() ({
        %run_scoped3A = tpu.sem_alloc : memref<!tpu.dma_semaphore, #tpu.memory_space<semaphore_mem>>
        tpu.enqueue_dma source(%arg22 : memref<32xf32, #tpu.memory_space<vmem>>) target(%arg11 : memref<32xf32, #tpu.memory_space<hbm>>) target_semaphore(%run_scoped3A : memref<!tpu.dma_semaphore, #tpu.memory_space<semaphore_mem>>)
        tpu.wait_dma2 semaphore(%run_scoped3A : memref<!tpu.dma_semaphore, #tpu.memory_space<semaphore_mem>>) src(%arg22 : memref<32xf32, #tpu.memory_space<vmem>>) dst(%arg11 : memref<32xf32, #tpu.memory_space<hbm>>)
        tpu.yield
      }) : () -> ()
    } else {
    }
    %eq3A_75 = arith.constant 0 : i32
    %eq3A_76 = arith.cmpi eq, %arg0, %eq3A_75 : i32
    %eq3A_77 = arith.constant 7 : i32
    %eq3A_78 = arith.cmpi eq, %arg1, %eq3A_77 : i32
    %and3A_79 = arith.andi %eq3A_76, %eq3A_78 : i1
    %convert_element_type3A_80 = arith.extui %and3A_79 : i1 to i32
    %cond3A_81 = arith.constant 0 : i32
    %cond3A_82 = arith.cmpi ne, %convert_element_type3A_80, %cond3A_81 : i32
    scf.if %cond3A_82 {
      "tpu.region"() ({
        %run_scoped3A = tpu.sem_alloc : memref<!tpu.dma_semaphore, #tpu.memory_space<semaphore_mem>>
        tpu.enqueue_dma source(%arg8 : memref<10240xf32, #tpu.memory_space<hbm>>) target(%arg14 : memref<10240xf32, #tpu.memory_space<vmem>>) target_semaphore(%run_scoped3A : memref<!tpu.dma_semaphore, #tpu.memory_space<semaphore_mem>>)
        tpu.wait_dma2 semaphore(%run_scoped3A : memref<!tpu.dma_semaphore, #tpu.memory_space<semaphore_mem>>) src(%arg8 : memref<10240xf32, #tpu.memory_space<hbm>>) dst(%arg14 : memref<10240xf32, #tpu.memory_space<vmem>>)
        tpu.yield
      }) : () -> ()
      %get3A_83 = arith.constant 0 : index
      %get3A_84 = tpu.vector_load %arg15[%get3A_83] {strides = array<i32>} : memref<32xi32, #tpu.memory_space<vmem>>, vector<16xi32>,
      %gather3A = tpu.vector_load_idx %arg14[%get3A_84] : memref<10240xf32, #tpu.memory_space<vmem>>[vector<16xi32>], vector<16xf32>,
      %swap3A = arith.constant 0 : index
      %swap3A_85 = tpu.vector_load %arg22[%swap3A] {strides = array<i32>} : memref<32xf32, #tpu.memory_space<vmem>>, vector<16xf32>,
      tpu.vector_store %arg22[%swap3A], %gather3A {strides = array<i32>} : memref<32xf32, #tpu.memory_space<vmem>>, vector<16xf32>,
      %get3A_86 = arith.constant 16 : index
      %get3A_87 = tpu.vector_load %arg15[%get3A_86] {strides = array<i32>} : memref<32xi32, #tpu.memory_space<vmem>>, vector<16xi32>,
      %gather3A_88 = tpu.vector_load_idx %arg14[%get3A_87] : memref<10240xf32, #tpu.memory_space<vmem>>[vector<16xi32>], vector<16xf32>,
      %swap3A_89 = arith.constant 16 : index
      %swap3A_90 = tpu.vector_load %arg22[%swap3A_89] {strides = array<i32>} : memref<32xf32, #tpu.memory_space<vmem>>, vector<16xf32>,
      tpu.vector_store %arg22[%swap3A_89], %gather3A_88 {strides = array<i32>} : memref<32xf32, #tpu.memory_space<vmem>>, vector<16xf32>,
      "tpu.region"() ({
        %run_scoped3A = tpu.sem_alloc : memref<!tpu.dma_semaphore, #tpu.memory_space<semaphore_mem>>
        tpu.enqueue_dma source(%arg22 : memref<32xf32, #tpu.memory_space<vmem>>) target(%arg12 : memref<32xf32, #tpu.memory_space<hbm>>) target_semaphore(%run_scoped3A : memref<!tpu.dma_semaphore, #tpu.memory_space<semaphore_mem>>)
        tpu.wait_dma2 semaphore(%run_scoped3A : memref<!tpu.dma_semaphore, #tpu.memory_space<semaphore_mem>>) src(%arg22 : memref<32xf32, #tpu.memory_space<vmem>>) dst(%arg12 : memref<32xf32, #tpu.memory_space<hbm>>)
        tpu.yield
      }) : () -> ()
    } else {
    }
    return
  }
}

module attributes {stable_mosaic.version = 14 : i64} {
  func.func @_k2_body(%arg0: i32, %arg1: memref<2x2x128x1xf32, #tpu.memory_space<vmem>>, %arg2: memref<128x128xf32, #tpu.memory_space<vmem>>, %arg3: memref<128x128xf32, #tpu.memory_space<vmem>>, %arg4: memref<128x1xf32, #tpu.memory_space<vmem>>, %arg5: memref<128x1xf32, #tpu.memory_space<vmem>>) attributes {dimension_semantics = [#tpu.dimension_semantics<arbitrary>], iteration_bounds = array<i64: 80>, scalar_prefetch = 0 : i64, scratch_operands = 0 : i64, tpu.core_type = #tpu.core_type<tc>, window_params = [{transform_indices = @transform_0, window_bounds = array<i64: 2, 2, 128, 1>}, {transform_indices = @transform_1, window_bounds = array<i64: 128, 128>}, {transform_indices = @transform_2, window_bounds = array<i64: 128, 128>}, {transform_indices = @transform_3, window_bounds = array<i64: 128, 1>}, {transform_indices = @transform_4, window_bounds = array<i64: 128, 1>}]} {
    %get3A = arith.constant 0 : index
    %get3A_0 = arith.constant 0 : index
    %get3A_1 = arith.constant 0 : index
    %get3A_2 = arith.constant 0 : index
    %get3A_3 = vector.load %arg1[%get3A, %get3A_0, %get3A_1, %get3A_2] : memref<2x2x128x1xf32, #tpu.memory_space<vmem>>, vector<2x2x128x1xf32>
    %slice3A = vector.extract_strided_slice %get3A_3 {offsets = [0, 0, 0, 0], sizes = [1, 1, 128, 1], strides = [1, 1, 1, 1]} : vector<2x2x128x1xf32> to vector<1x1x128x1xf32>
    %squeeze3A = vector.shape_cast %slice3A : vector<1x1x128x1xf32> to vector<128x1xf32>
    %slice3A_4 = vector.extract_strided_slice %get3A_3 {offsets = [1, 0, 0, 0], sizes = [1, 1, 128, 1], strides = [1, 1, 1, 1]} : vector<2x2x128x1xf32> to vector<1x1x128x1xf32>
    %squeeze3A_5 = vector.shape_cast %slice3A_4 : vector<1x1x128x1xf32> to vector<128x1xf32>
    %add3A = arith.addf %squeeze3A, %squeeze3A_5 : vector<128x1xf32>
    %slice3A_6 = vector.extract_strided_slice %get3A_3 {offsets = [0, 1, 0, 0], sizes = [1, 1, 128, 1], strides = [1, 1, 1, 1]} : vector<2x2x128x1xf32> to vector<1x1x128x1xf32>
    %squeeze3A_7 = vector.shape_cast %slice3A_6 : vector<1x1x128x1xf32> to vector<128x1xf32>
    %slice3A_8 = vector.extract_strided_slice %get3A_3 {offsets = [1, 1, 0, 0], sizes = [1, 1, 128, 1], strides = [1, 1, 1, 1]} : vector<2x2x128x1xf32> to vector<1x1x128x1xf32>
    %squeeze3A_9 = vector.shape_cast %slice3A_8 : vector<1x1x128x1xf32> to vector<128x1xf32>
    %add3A_10 = arith.addf %squeeze3A_7, %squeeze3A_9 : vector<128x1xf32>
    %max3A = arith.constant 1.000000e+00 : f32
    %max3A_11 = vector.broadcast %max3A : f32 to vector<128x1xf32>
    %max3A_12 = arith.maximumf %add3A, %max3A_11 : vector<128x1xf32>
    %rsqrt3A = math.rsqrt %max3A_12 : vector<128x1xf32>
    %max3A_13 = arith.constant 1.000000e+00 : f32
    %max3A_14 = vector.broadcast %max3A_13 : f32 to vector<128x1xf32>
    %max3A_15 = arith.maximumf %add3A_10, %max3A_14 : vector<128x1xf32>
    %rsqrt3A_16 = math.rsqrt %max3A_15 : vector<128x1xf32>
    %get3A_17 = arith.constant 0 : index
    %get3A_18 = arith.constant 0 : index
    %get3A_19 = vector.load %arg2[%get3A_17, %get3A_18] : memref<128x128xf32, #tpu.memory_space<vmem>>, vector<128x128xf32>
    %mul3A = vector.broadcast %rsqrt3A : vector<128x1xf32> to vector<128x128xf32>
    %mul3A_20 = arith.mulf %get3A_19, %mul3A : vector<128x128xf32>
    %swap3A = arith.constant 0 : index
    %swap3A_21 = arith.constant 0 : index
    %swap3A_22 = vector.load %arg3[%swap3A, %swap3A_21] : memref<128x128xf32, #tpu.memory_space<vmem>>, vector<128x128xf32>
    tpu.vector_store %arg3[%swap3A, %swap3A_21], %mul3A_20 {strides = array<i32>} : memref<128x128xf32, #tpu.memory_space<vmem>>, vector<128x128xf32>,
    %swap3A_23 = arith.constant 0 : index
    %swap3A_24 = arith.constant 0 : index
    %swap3A_25 = vector.load %arg4[%swap3A_23, %swap3A_24] : memref<128x1xf32, #tpu.memory_space<vmem>>, vector<128x1xf32>
    tpu.vector_store %arg4[%swap3A_23, %swap3A_24], %rsqrt3A {strides = array<i32>} : memref<128x1xf32, #tpu.memory_space<vmem>>, vector<128x1xf32>,
    %swap3A_26 = arith.constant 0 : index
    %swap3A_27 = arith.constant 0 : index
    %swap3A_28 = vector.load %arg5[%swap3A_26, %swap3A_27] : memref<128x1xf32, #tpu.memory_space<vmem>>, vector<128x1xf32>
    tpu.vector_store %arg5[%swap3A_26, %swap3A_27], %rsqrt3A_16 {strides = array<i32>} : memref<128x1xf32, #tpu.memory_space<vmem>>, vector<128x1xf32>,
    return
  }
  func.func @transform_0(%arg0: i32) -> (i32, i32, i32, i32) {
    %c0_i32 = arith.constant 0 : i32
    %c0_i32_0 = arith.constant 0 : i32
    %c0_i32_1 = arith.constant 0 : i32
    %c0_i32_2 = arith.constant 0 : i32
    return %c0_i32, %c0_i32_0, %arg0, %c0_i32_1 : i32, i32, i32, i32
  }
  func.func @transform_1(%arg0: i32) -> (i32, i32) {
    %c0_i32 = arith.constant 0 : i32
    %c0_i32_0 = arith.constant 0 : i32
    return %arg0, %c0_i32 : i32, i32
  }
  func.func @transform_2(%arg0: i32) -> (i32, i32) {
    %c0_i32 = arith.constant 0 : i32
    %c0_i32_0 = arith.constant 0 : i32
    return %arg0, %c0_i32 : i32, i32
  }
  func.func @transform_3(%arg0: i32) -> (i32, i32) {
    %c0_i32 = arith.constant 0 : i32
    %c0_i32_0 = arith.constant 0 : i32
    return %arg0, %c0_i32 : i32, i32
  }
  func.func @transform_4(%arg0: i32) -> (i32, i32) {
    %c0_i32 = arith.constant 0 : i32
    %c0_i32_0 = arith.constant 0 : i32
    return %arg0, %c0_i32 : i32, i32
  }
}

module attributes {stable_mosaic.version = 14 : i64} {
  func.func @_k4_body(%arg0: i32, %arg1: memref<2x128x128xf32, #tpu.memory_space<vmem>>, %arg2: memref<128x1xf32, #tpu.memory_space<vmem>>, %arg3: memref<128x1xf32, #tpu.memory_space<vmem>>, %arg4: memref<128x256xf32, #tpu.memory_space<vmem>>, %arg5: memref<1x256xf32, #tpu.memory_space<vmem>>, %arg6: memref<256x1xf32, #tpu.memory_space<vmem>>, %arg7: memref<128x1xf32, #tpu.memory_space<vmem>>) attributes {dimension_semantics = [#tpu.dimension_semantics<arbitrary>], iteration_bounds = array<i64: 80>, scalar_prefetch = 0 : i64, scratch_operands = 0 : i64, tpu.core_type = #tpu.core_type<tc>, window_params = [{transform_indices = @transform_0, window_bounds = array<i64: 2, 128, 128>}, {transform_indices = @transform_1, window_bounds = array<i64: 128, 1>}, {transform_indices = @transform_2, window_bounds = array<i64: 128, 1>}, {pipeline_mode = #tpu.pipeline_mode<synchronous>, transform_indices = @transform_3, window_bounds = array<i64: 128, 256>}, {pipeline_mode = #tpu.pipeline_mode<synchronous>, transform_indices = @transform_4, window_bounds = array<i64: 1, 256>}, {pipeline_mode = #tpu.pipeline_mode<synchronous>, transform_indices = @transform_5, window_bounds = array<i64: 256, 1>}, {transform_indices = @transform_6, window_bounds = array<i64: 128, 1>}]} {
    %get3A = arith.constant 0 : index
    %get3A_0 = arith.constant 0 : index
    %get3A_1 = arith.constant 0 : index
    %get3A_2 = vector.load %arg1[%get3A, %get3A_0, %get3A_1] : memref<2x128x128xf32, #tpu.memory_space<vmem>>, vector<1x128x128xf32>
    %get3A_3 = vector.shape_cast %get3A_2 : vector<1x128x128xf32> to vector<128x128xf32>
    %get3A_4 = arith.constant 1 : index
    %get3A_5 = arith.constant 0 : index
    %get3A_6 = arith.constant 0 : index
    %get3A_7 = vector.load %arg1[%get3A_4, %get3A_5, %get3A_6] : memref<2x128x128xf32, #tpu.memory_space<vmem>>, vector<1x128x128xf32>
    %get3A_8 = vector.shape_cast %get3A_7 : vector<1x128x128xf32> to vector<128x128xf32>
    %add3A = arith.addf %get3A_3, %get3A_8 : vector<128x128xf32>
    %get3A_9 = arith.constant 0 : index
    %get3A_10 = arith.constant 0 : index
    %get3A_11 = vector.load %arg2[%get3A_9, %get3A_10] : memref<128x1xf32, #tpu.memory_space<vmem>>, vector<128x1xf32>
    %mul3A = vector.broadcast %get3A_11 : vector<128x1xf32> to vector<128x128xf32>
    %mul3A_12 = arith.mulf %add3A, %mul3A : vector<128x128xf32>
    %get3A_13 = arith.constant 0 : index
    %get3A_14 = arith.constant 0 : index
    %get3A_15 = vector.load %arg4[%get3A_13, %get3A_14] : memref<128x256xf32, #tpu.memory_space<vmem>>, vector<128x256xf32>
    %dot_general3A = arith.constant dense<0.000000e+00> : vector<128x256xf32>
    %dot_general3A_16 = tpu.matmul %mul3A_12, %get3A_15, %dot_general3A {dimension_numbers = #tpu.dot_dimension_numbers<[1], [0], [0], [1], [0, 0, 1, 1], [], []>, transpose_lhs_hint = false} : vector<128x128xf32>, vector<128x256xf32>, vector<128x256xf32> -> vector<128x256xf32>
    %get3A_17 = arith.constant 0 : index
    %get3A_18 = arith.constant 0 : index
    %get3A_19 = vector.load %arg5[%get3A_17, %get3A_18] : memref<1x256xf32, #tpu.memory_space<vmem>>, vector<1x256xf32>
    %add3A_20 = vector.broadcast %get3A_19 : vector<1x256xf32> to vector<128x256xf32>
    %add3A_21 = arith.addf %dot_general3A_16, %add3A_20 : vector<128x256xf32>
    %ge3A = arith.constant 0.000000e+00 : f32
    %ge3A_22 = vector.broadcast %ge3A : f32 to vector<128x256xf32>
    %ge3A_23 = arith.cmpf oge, %add3A_21, %ge3A_22 : vector<128x256xf32>
    %mul3A_24 = arith.constant 0.00999999977 : f32
    %mul3A_25 = vector.broadcast %mul3A_24 : f32 to vector<128x256xf32>
    %mul3A_26 = arith.mulf %mul3A_25, %add3A_21 : vector<128x256xf32>
    %select_n3A = arith.select %ge3A_23, %add3A_21, %mul3A_26 : vector<128x256xi1>, vector<128x256xf32>
    %get3A_27 = arith.constant 0 : index
    %get3A_28 = arith.constant 0 : index
    %get3A_29 = vector.load %arg3[%get3A_27, %get3A_28] : memref<128x1xf32, #tpu.memory_space<vmem>>, vector<128x1xf32>
    %get3A_30 = arith.constant 0 : index
    %get3A_31 = arith.constant 0 : index
    %get3A_32 = vector.load %arg6[%get3A_30, %get3A_31] : memref<256x1xf32, #tpu.memory_space<vmem>>, vector<256x1xf32>
    %dot_general3A_33 = arith.constant dense<0.000000e+00> : vector<128x1xf32>
    %dot_general3A_34 = tpu.matmul %select_n3A, %get3A_32, %dot_general3A_33 {dimension_numbers = #tpu.dot_dimension_numbers<[1], [0], [0], [1], [0, 0, 1, 1], [], []>, transpose_lhs_hint = false} : vector<128x256xf32>, vector<256x1xf32>, vector<128x1xf32> -> vector<128x1xf32>
    %mul3A_35 = arith.mulf %get3A_29, %dot_general3A_34 : vector<128x1xf32>
    %swap3A = arith.constant 0 : index
    %swap3A_36 = arith.constant 0 : index
    %swap3A_37 = vector.load %arg7[%swap3A, %swap3A_36] : memref<128x1xf32, #tpu.memory_space<vmem>>, vector<128x1xf32>
    tpu.vector_store %arg7[%swap3A, %swap3A_36], %mul3A_35 {strides = array<i32>} : memref<128x1xf32, #tpu.memory_space<vmem>>, vector<128x1xf32>,
    return
  }
  func.func @transform_0(%arg0: i32) -> (i32, i32, i32) {
    %c0_i32 = arith.constant 0 : i32
    %c0_i32_0 = arith.constant 0 : i32
    %c0_i32_1 = arith.constant 0 : i32
    return %c0_i32, %arg0, %c0_i32_0 : i32, i32, i32
  }
  func.func @transform_1(%arg0: i32) -> (i32, i32) {
    %c0_i32 = arith.constant 0 : i32
    %c0_i32_0 = arith.constant 0 : i32
    return %arg0, %c0_i32 : i32, i32
  }
  func.func @transform_2(%arg0: i32) -> (i32, i32) {
    %c0_i32 = arith.constant 0 : i32
    %c0_i32_0 = arith.constant 0 : i32
    return %arg0, %c0_i32 : i32, i32
  }
  func.func @transform_3(%arg0: i32) -> (i32, i32) {
    %c0_i32 = arith.constant 0 : i32
    %c0_i32_0 = arith.constant 0 : i32
    %c0_i32_1 = arith.constant 0 : i32
    return %c0_i32, %c0_i32_0 : i32, i32
  }
  func.func @transform_4(%arg0: i32) -> (i32, i32) {
    %c0_i32 = arith.constant 0 : i32
    %c0_i32_0 = arith.constant 0 : i32
    %c0_i32_1 = arith.constant 0 : i32
    return %c0_i32, %c0_i32_0 : i32, i32
  }
  func.func @transform_5(%arg0: i32) -> (i32, i32) {
    %c0_i32 = arith.constant 0 : i32
    %c0_i32_0 = arith.constant 0 : i32
    %c0_i32_1 = arith.constant 0 : i32
    return %c0_i32, %c0_i32_0 : i32, i32
  }
  func.func @transform_6(%arg0: i32) -> (i32, i32) {
    %c0_i32 = arith.constant 0 : i32
    %c0_i32_0 = arith.constant 0 : i32
    return %arg0, %c0_i32 : i32, i32
  }
}

module attributes {stable_mosaic.version = 14 : i64} {
  func.func @_k6_body(%arg0: memref<2x80x128xf32, #tpu.memory_space<vmem>>, %arg1: memref<80x128xf32, #tpu.memory_space<vmem>>, %arg2: memref<1x1xf32, #tpu.memory_space<vmem>>, %arg3: memref<1x128xi32, #tpu.memory_space<vmem>>, %arg4: memref<1x128xf32, #tpu.memory_space<vmem>>) attributes {dimension_semantics = [], scalar_prefetch = 0 : i64, scratch_operands = 0 : i64, tpu.core_type = #tpu.core_type<tc>} {
    %get3A = arith.constant 0 : index
    %get3A_0 = arith.constant 0 : index
    %get3A_1 = arith.constant 0 : index
    %get3A_2 = vector.load %arg0[%get3A, %get3A_0, %get3A_1] : memref<2x80x128xf32, #tpu.memory_space<vmem>>, vector<2x80x128xf32>
    %slice3A = vector.extract_strided_slice %get3A_2 {offsets = [0, 0, 0], sizes = [1, 80, 128], strides = [1, 1, 1]} : vector<2x80x128xf32> to vector<1x80x128xf32>
    %squeeze3A = vector.shape_cast %slice3A : vector<1x80x128xf32> to vector<80x128xf32>
    %slice3A_3 = vector.extract_strided_slice %get3A_2 {offsets = [1, 0, 0], sizes = [1, 80, 128], strides = [1, 1, 1]} : vector<2x80x128xf32> to vector<1x80x128xf32>
    %squeeze3A_4 = vector.shape_cast %slice3A_3 : vector<1x80x128xf32> to vector<80x128xf32>
    %add3A = arith.addf %squeeze3A, %squeeze3A_4 : vector<80x128xf32>
    %get3A_5 = arith.constant 0 : index
    %get3A_6 = arith.constant 0 : index
    %get3A_7 = vector.load %arg1[%get3A_5, %get3A_6] : memref<80x128xf32, #tpu.memory_space<vmem>>, vector<80x128xf32>
    %mul3A = arith.mulf %add3A, %get3A_7 : vector<80x128xf32>
    %get3A_8 = arith.constant 0 : index
    %get3A_9 = arith.constant 0 : index
    %get3A_10 = vector.load %arg2[%get3A_8, %get3A_9] : memref<1x1xf32, #tpu.memory_space<vmem>>, vector<1x1xf32>
    %get3A_11 = vector.extract %get3A_10[0, 0] : f32 from vector<1x1xf32>
    %add3A_12 = vector.broadcast %get3A_11 : f32 to vector<80x128xf32>
    %add3A_13 = arith.addf %mul3A, %add3A_12 : vector<80x128xf32>
    %iota3A = tpu.iota {dimensions = array<i32: 0>} : vector<80x128xi32>
    %mul3A_14 = arith.constant 128 : i32
    %mul3A_15 = vector.broadcast %mul3A_14 : i32 to vector<80x128xi32>
    %mul3A_16 = arith.muli %iota3A, %mul3A_15 : vector<80x128xi32>
    %iota3A_17 = tpu.iota {dimensions = array<i32: 1>} : vector<80x128xi32>
    %add3A_18 = arith.addi %mul3A_16, %iota3A_17 : vector<80x128xi32>
    %lt3A = arith.constant 10000 : i32
    %lt3A_19 = vector.broadcast %lt3A : i32 to vector<80x128xi32>
    %lt3A_20 = arith.cmpi slt, %add3A_18, %lt3A_19 : vector<80x128xi32>
    %jit3A = arith.constant 0xFF800000 : f32
    %broadcast_in_dim3A = vector.broadcast %jit3A : f32 to vector<80x128xf32>
    %select_n3A = arith.select %lt3A_20, %add3A_13, %broadcast_in_dim3A : vector<80x128xi1>, vector<80x128xf32>
    %iota3A_21 = tpu.iota {dimensions = array<i32: 1>} : vector<1x128xi32>
    %broadcast_in_dim3A_22 = arith.constant 0 : i32
    %broadcast_in_dim3A_23 = vector.broadcast %broadcast_in_dim3A_22 : i32 to vector<1x128xi32>
    %broadcast_in_dim3A_24 = arith.constant 0.000000e+00 : f32
    %broadcast_in_dim3A_25 = vector.broadcast %broadcast_in_dim3A_24 : f32 to vector<1x128xf32>
    %scan3A = arith.constant 0 : i32
    %scan3A_26 = arith.constant 32 : i32
    %scan3A_27 = arith.addi %scan3A, %scan3A_26 : i32
    %scan3A_28 = arith.constant 1 : i32
    %scan3A_29:3 = scf.for %scan3A_36 = %scan3A to %scan3A_27 step %scan3A_28 iter_args(%scan3A_37 = %select_n3A, %scan3A_38 = %broadcast_in_dim3A_23, %scan3A_39 = %broadcast_in_dim3A_25) -> (vector<80x128xf32>, vector<1x128xi32>, vector<1x128xf32>)  : i32 {
      %reduce_max3A = vector.shape_cast %scan3A_37 : vector<80x128xf32> to vector<1x80x128xf32>
      %reduce_max3A_40 = arith.constant dense<0xFF800000> : vector<1xf32>
      %reduce_max3A_41 = vector.multi_reduction <maximumf>, %reduce_max3A, %reduce_max3A_40 [1, 2] : vector<1x80x128xf32> to vector<1xf32>
      %reduce_max3A_42 = vector.shape_cast %reduce_max3A_41 : vector<1xf32> to vector<1x1x1xf32>
      %reduce_max3A_43 = vector.extract %reduce_max3A_42[0, 0, 0] : f32 from vector<1x1x1xf32>
      %eq3A = vector.broadcast %reduce_max3A_43 : f32 to vector<80x128xf32>
      %eq3A_44 = arith.cmpf oeq, %scan3A_37, %eq3A : vector<80x128xf32>
      %jit3A_45 = arith.constant 1073741824 : i32
      %broadcast_in_dim3A_46 = vector.broadcast %jit3A_45 : i32 to vector<80x128xi32>
      %select_n3A_47 = arith.select %eq3A_44, %add3A_18, %broadcast_in_dim3A_46 : vector<80x128xi1>, vector<80x128xi32>
      %reduce_min3A = vector.shape_cast %select_n3A_47 : vector<80x128xi32> to vector<1x80x128xi32>
      %reduce_min3A_48 = arith.constant dense<2147483647> : vector<1xi32>
      %reduce_min3A_49 = vector.multi_reduction <minsi>, %reduce_min3A, %reduce_min3A_48 [1, 2] : vector<1x80x128xi32> to vector<1xi32>
      %reduce_min3A_50 = vector.shape_cast %reduce_min3A_49 : vector<1xi32> to vector<1x1x1xi32>
      %reduce_min3A_51 = vector.extract %reduce_min3A_50[0, 0, 0] : i32 from vector<1x1x1xi32>
      %eq3A_52 = vector.broadcast %scan3A_36 : i32 to vector<1x128xi32>
      %eq3A_53 = arith.cmpi eq, %iota3A_21, %eq3A_52 : vector<1x128xi32>
      %broadcast_in_dim3A_54 = vector.broadcast %reduce_min3A_51 : i32 to vector<1x128xi32>
      %select_n3A_55 = arith.select %eq3A_53, %broadcast_in_dim3A_54, %scan3A_38 : vector<1x128xi1>, vector<1x128xi32>
      %eq3A_56 = vector.broadcast %scan3A_36 : i32 to vector<1x128xi32>
      %eq3A_57 = arith.cmpi eq, %iota3A_21, %eq3A_56 : vector<1x128xi32>
      %broadcast_in_dim3A_58 = vector.broadcast %reduce_max3A_43 : f32 to vector<1x128xf32>
      %select_n3A_59 = arith.select %eq3A_57, %broadcast_in_dim3A_58, %scan3A_39 : vector<1x128xi1>, vector<1x128xf32>
      %eq3A_60 = vector.broadcast %reduce_min3A_51 : i32 to vector<80x128xi32>
      %eq3A_61 = arith.cmpi eq, %add3A_18, %eq3A_60 : vector<80x128xi32>
      %jit3A_62 = arith.constant 0xFF800000 : f32
      %broadcast_in_dim3A_63 = vector.broadcast %jit3A_62 : f32 to vector<80x128xf32>
      %select_n3A_64 = arith.select %eq3A_61, %broadcast_in_dim3A_63, %scan3A_37 : vector<80x128xi1>, vector<80x128xf32>
      scf.yield %select_n3A_64, %select_n3A_55, %select_n3A_59 : vector<80x128xf32>, vector<1x128xi32>, vector<1x128xf32>
    }
    %scan3A_30 = arith.constant 32 : i32
    %swap3A = arith.constant 0 : index
    %swap3A_31 = arith.constant 0 : index
    %swap3A_32 = vector.load %arg3[%swap3A, %swap3A_31] : memref<1x128xi32, #tpu.memory_space<vmem>>, vector<1x128xi32>
    tpu.vector_store %arg3[%swap3A, %swap3A_31], %scan3A_29#1 {strides = array<i32>} : memref<1x128xi32, #tpu.memory_space<vmem>>, vector<1x128xi32>,
    %swap3A_33 = arith.constant 0 : index
    %swap3A_34 = arith.constant 0 : index
    %swap3A_35 = vector.load %arg4[%swap3A_33, %swap3A_34] : memref<1x128xf32, #tpu.memory_space<vmem>>, vector<1x128xf32>
    tpu.vector_store %arg4[%swap3A_33, %swap3A_34], %scan3A_29#2 {strides = array<i32>} : memref<1x128xf32, #tpu.memory_space<vmem>>, vector<1x128xf32>,
    return
  }
}

module attributes {stable_mosaic.version = 14 : i64} {
  func.func @_k8_body(%arg0: memref<2x32x32xf32, #tpu.memory_space<vmem>>, %arg1: memref<2x32x128xf32, #tpu.memory_space<vmem>>, %arg2: memref<32x1xf32, #tpu.memory_space<vmem>>, %arg3: memref<32x1xf32, #tpu.memory_space<vmem>>, %arg4: memref<32x1xf32, #tpu.memory_space<vmem>>, %arg5: memref<128x256xf32, #tpu.memory_space<vmem>>, %arg6: memref<1x256xf32, #tpu.memory_space<vmem>>, %arg7: memref<256x256xf32, #tpu.memory_space<vmem>>, %arg8: memref<1x256xf32, #tpu.memory_space<vmem>>, %arg9: memref<256x256xf32, #tpu.memory_space<vmem>>, %arg10: memref<1x256xf32, #tpu.memory_space<vmem>>, %arg11: memref<256x1xf32, #tpu.memory_space<vmem>>, %arg12: memref<1x1xf32, #tpu.memory_space<vmem>>, %arg13: memref<256x1xf32, #tpu.memory_space<vmem>>, %arg14: memref<1x1xf32, #tpu.memory_space<vmem>>, %arg15: memref<1536x128xf32, #tpu.memory_space<vmem>>, %arg16: memref<1x128xf32, #tpu.memory_space<vmem>>, %arg17: memref<128x2xf32, #tpu.memory_space<vmem>>, %arg18: memref<1x2xf32, #tpu.memory_space<vmem>>, %arg19: memref<1x2xf32, #tpu.memory_space<vmem>>) attributes {dimension_semantics = [], scalar_prefetch = 0 : i64, scratch_operands = 0 : i64, tpu.core_type = #tpu.core_type<tc>} {
    %get3A = arith.constant 0 : index
    %get3A_0 = arith.constant 0 : index
    %get3A_1 = arith.constant 0 : index
    %get3A_2 = vector.load %arg0[%get3A, %get3A_0, %get3A_1] : memref<2x32x32xf32, #tpu.memory_space<vmem>>, vector<1x32x32xf32>
    %get3A_3 = vector.shape_cast %get3A_2 : vector<1x32x32xf32> to vector<32x32xf32>
    %get3A_4 = arith.constant 1 : index
    %get3A_5 = arith.constant 0 : index
    %get3A_6 = arith.constant 0 : index
    %get3A_7 = vector.load %arg0[%get3A_4, %get3A_5, %get3A_6] : memref<2x32x32xf32, #tpu.memory_space<vmem>>, vector<1x32x32xf32>
    %get3A_8 = vector.shape_cast %get3A_7 : vector<1x32x32xf32> to vector<32x32xf32>
    %add3A = arith.addf %get3A_3, %get3A_8 : vector<32x32xf32>
    %get3A_9 = arith.constant 0 : index
    %get3A_10 = arith.constant 0 : index
    %get3A_11 = arith.constant 0 : index
    %get3A_12 = vector.load %arg1[%get3A_9, %get3A_10, %get3A_11] : memref<2x32x128xf32, #tpu.memory_space<vmem>>, vector<1x32x128xf32>
    %get3A_13 = vector.shape_cast %get3A_12 : vector<1x32x128xf32> to vector<32x128xf32>
    %get3A_14 = arith.constant 1 : index
    %get3A_15 = arith.constant 0 : index
    %get3A_16 = arith.constant 0 : index
    %get3A_17 = vector.load %arg1[%get3A_14, %get3A_15, %get3A_16] : memref<2x32x128xf32, #tpu.memory_space<vmem>>, vector<1x32x128xf32>
    %get3A_18 = vector.shape_cast %get3A_17 : vector<1x32x128xf32> to vector<32x128xf32>
    %add3A_19 = arith.addf %get3A_13, %get3A_18 : vector<32x128xf32>
    %get3A_20 = arith.constant 0 : index
    %get3A_21 = arith.constant 0 : index
    %get3A_22 = vector.load %arg2[%get3A_20, %get3A_21] : memref<32x1xf32, #tpu.memory_space<vmem>>, vector<32x1xf32>
    %mul3A = vector.broadcast %get3A_22 : vector<32x1xf32> to vector<32x128xf32>
    %mul3A_23 = arith.mulf %add3A_19, %mul3A : vector<32x128xf32>
    %get3A_24 = arith.constant 0 : index
    %get3A_25 = arith.constant 0 : index
    %get3A_26 = vector.load %arg5[%get3A_24, %get3A_25] : memref<128x256xf32, #tpu.memory_space<vmem>>, vector<128x256xf32>
    %dot_general3A = arith.constant dense<0.000000e+00> : vector<32x256xf32>
    %dot_general3A_27 = tpu.matmul %mul3A_23, %get3A_26, %dot_general3A {dimension_numbers = #tpu.dot_dimension_numbers<[1], [0], [0], [1], [0, 0, 1, 1], [], []>, transpose_lhs_hint = false} : vector<32x128xf32>, vector<128x256xf32>, vector<32x256xf32> -> vector<32x256xf32>
    %get3A_28 = arith.constant 0 : index
    %get3A_29 = arith.constant 0 : index
    %get3A_30 = vector.load %arg6[%get3A_28, %get3A_29] : memref<1x256xf32, #tpu.memory_space<vmem>>, vector<1x256xf32>
    %add3A_31 = vector.broadcast %get3A_30 : vector<1x256xf32> to vector<32x256xf32>
    %add3A_32 = arith.addf %dot_general3A_27, %add3A_31 : vector<32x256xf32>
    %ge3A = arith.constant 0.000000e+00 : f32
    %ge3A_33 = vector.broadcast %ge3A : f32 to vector<32x256xf32>
    %ge3A_34 = arith.cmpf oge, %add3A_32, %ge3A_33 : vector<32x256xf32>
    %mul3A_35 = arith.constant 0.00999999977 : f32
    %mul3A_36 = vector.broadcast %mul3A_35 : f32 to vector<32x256xf32>
    %mul3A_37 = arith.mulf %mul3A_36, %add3A_32 : vector<32x256xf32>
    %select_n3A = arith.select %ge3A_34, %add3A_32, %mul3A_37 : vector<32x256xi1>, vector<32x256xf32>
    %get3A_38 = arith.constant 0 : index
    %get3A_39 = arith.constant 0 : index
    %get3A_40 = vector.load %arg4[%get3A_38, %get3A_39] : memref<32x1xf32, #tpu.memory_space<vmem>>, vector<32x1xf32>
    %tanh3A = math.tanh %get3A_40 : vector<32x1xf32>
    %mul3A_41 = vector.broadcast %tanh3A : vector<32x1xf32> to vector<32x256xf32>
    %mul3A_42 = arith.mulf %select_n3A, %mul3A_41 : vector<32x256xf32>
    %reduce_sum3A = arith.constant dense<0.000000e+00> : vector<256xf32>
    %reduce_sum3A_43 = vector.multi_reduction <add>, %mul3A_42, %reduce_sum3A [0] : vector<32x256xf32> to vector<256xf32>
    %broadcast_in_dim3A = vector.shape_cast %reduce_sum3A_43 : vector<256xf32> to vector<1x256xf32>
    %reduce_max3A = arith.constant dense<0xFF800000> : vector<256xf32>
    %reduce_max3A_44 = vector.multi_reduction <maximumf>, %mul3A_42, %reduce_max3A [0] : vector<32x256xf32> to vector<256xf32>
    %broadcast_in_dim3A_45 = vector.shape_cast %reduce_max3A_44 : vector<256xf32> to vector<1x256xf32>
    %concatenate3A = tpu.concatenate %broadcast_in_dim3A, %broadcast_in_dim3A_45 in 1 : vector<1x256xf32>, vector<1x256xf32> -> vector<1x512xf32>
    %get3A_46 = arith.constant 0 : index
    %get3A_47 = arith.constant 0 : index
    %get3A_48 = vector.load %arg7[%get3A_46, %get3A_47] : memref<256x256xf32, #tpu.memory_space<vmem>>, vector<256x256xf32>
    %get3A_49 = arith.constant 0 : index
    %get3A_50 = arith.constant 0 : index
    %get3A_51 = vector.load %arg8[%get3A_49, %get3A_50] : memref<1x256xf32, #tpu.memory_space<vmem>>, vector<1x256xf32>
    %get3A_52 = arith.constant 0 : index
    %get3A_53 = arith.constant 0 : index
    %get3A_54 = vector.load %arg11[%get3A_52, %get3A_53] : memref<256x1xf32, #tpu.memory_space<vmem>>, vector<256x1xf32>
    %get3A_55 = arith.constant 0 : index
    %get3A_56 = arith.constant 0 : index
    %get3A_57 = vector.load %arg12[%get3A_55, %get3A_56] : memref<1x1xf32, #tpu.memory_space<vmem>>, vector<1x1xf32>
    %get3A_58 = vector.extract %get3A_57[0, 0] : f32 from vector<1x1xf32>
    %reduce_sum3A_59 = arith.constant dense<0.000000e+00> : vector<32xf32>
    %reduce_sum3A_60 = vector.multi_reduction <add>, %add3A, %reduce_sum3A_59 [1] : vector<32x32xf32> to vector<32xf32>
    %broadcast_in_dim3A_61 = vector.shape_cast %reduce_sum3A_60 : vector<32xf32> to vector<32x1xf32>
    %broadcast_in_dim3A_62 = arith.constant 1.000000e+00 : f32
    %broadcast_in_dim3A_63 = vector.broadcast %broadcast_in_dim3A_62 : f32 to vector<32x1xf32>
    %dot_general3A_64 = arith.constant dense<0.000000e+00> : vector<32x1xf32>
    %dot_general3A_65 = tpu.matmul %add3A, %broadcast_in_dim3A_63, %dot_general3A_64 {dimension_numbers = #tpu.dot_dimension_numbers<[0], [0], [1], [1], [0, 1, 1, 1], [], []>, transpose_lhs_hint = false} : vector<32x32xf32>, vector<32x1xf32>, vector<32x1xf32> -> vector<32x1xf32>
    %max3A = arith.constant 1.000000e+00 : f32
    %max3A_66 = vector.broadcast %max3A : f32 to vector<32x1xf32>
    %max3A_67 = arith.maximumf %broadcast_in_dim3A_61, %max3A_66 : vector<32x1xf32>
    %rsqrt3A = math.rsqrt %max3A_67 : vector<32x1xf32>
    %max3A_68 = arith.constant 1.000000e+00 : f32
    %max3A_69 = vector.broadcast %max3A_68 : f32 to vector<32x1xf32>
    %max3A_70 = arith.maximumf %dot_general3A_65, %max3A_69 : vector<32x1xf32>
    %rsqrt3A_71 = math.rsqrt %max3A_70 : vector<32x1xf32>
    %mul3A_72 = vector.broadcast %rsqrt3A : vector<32x1xf32> to vector<32x256xf32>
    %mul3A_73 = arith.mulf %mul3A_42, %mul3A_72 : vector<32x256xf32>
    %dot_general3A_74 = arith.constant dense<0.000000e+00> : vector<32x256xf32>
    %dot_general3A_75 = tpu.matmul %add3A, %mul3A_73, %dot_general3A_74 {dimension_numbers = #tpu.dot_dimension_numbers<[0], [0], [1], [1], [0, 1, 1, 1], [], []>, transpose_lhs_hint = false} : vector<32x32xf32>, vector<32x256xf32>, vector<32x256xf32> -> vector<32x256xf32>
    %mul3A_76 = vector.broadcast %rsqrt3A_71 : vector<32x1xf32> to vector<32x256xf32>
    %mul3A_77 = arith.mulf %dot_general3A_75, %mul3A_76 : vector<32x256xf32>
    %dot_general3A_78 = arith.constant dense<0.000000e+00> : vector<32x256xf32>
    %dot_general3A_79 = tpu.matmul %mul3A_77, %get3A_48, %dot_general3A_78 {dimension_numbers = #tpu.dot_dimension_numbers<[1], [0], [0], [1], [0, 0, 1, 1], [], []>, transpose_lhs_hint = false} : vector<32x256xf32>, vector<256x256xf32>, vector<32x256xf32> -> vector<32x256xf32>
    %add3A_80 = vector.broadcast %get3A_51 : vector<1x256xf32> to vector<32x256xf32>
    %add3A_81 = arith.addf %dot_general3A_79, %add3A_80 : vector<32x256xf32>
    %ge3A_82 = arith.constant 0.000000e+00 : f32
    %ge3A_83 = vector.broadcast %ge3A_82 : f32 to vector<32x256xf32>
    %ge3A_84 = arith.cmpf oge, %add3A_81, %ge3A_83 : vector<32x256xf32>
    %mul3A_85 = arith.constant 0.00999999977 : f32
    %mul3A_86 = vector.broadcast %mul3A_85 : f32 to vector<32x256xf32>
    %mul3A_87 = arith.mulf %mul3A_86, %add3A_81 : vector<32x256xf32>
    %select_n3A_88 = arith.select %ge3A_84, %add3A_81, %mul3A_87 : vector<32x256xi1>, vector<32x256xf32>
    %dot_general3A_89 = arith.constant dense<0.000000e+00> : vector<32x1xf32>
    %dot_general3A_90 = tpu.matmul %select_n3A_88, %get3A_54, %dot_general3A_89 {dimension_numbers = #tpu.dot_dimension_numbers<[1], [0], [0], [1], [0, 0, 1, 1], [], []>, transpose_lhs_hint = false} : vector<32x256xf32>, vector<256x1xf32>, vector<32x1xf32> -> vector<32x1xf32>
    %mul3A_91 = arith.mulf %rsqrt3A, %dot_general3A_90 : vector<32x1xf32>
    %dot_general3A_92 = arith.constant dense<0.000000e+00> : vector<32x1xf32>
    %dot_general3A_93 = tpu.matmul %add3A, %mul3A_91, %dot_general3A_92 {dimension_numbers = #tpu.dot_dimension_numbers<[0], [0], [1], [1], [0, 1, 1, 1], [], []>, transpose_lhs_hint = false} : vector<32x32xf32>, vector<32x1xf32>, vector<32x1xf32> -> vector<32x1xf32>
    %mul3A_94 = arith.mulf %rsqrt3A_71, %dot_general3A_93 : vector<32x1xf32>
    %add3A_95 = vector.broadcast %get3A_58 : f32 to vector<32x1xf32>
    %add3A_96 = arith.addf %mul3A_94, %add3A_95 : vector<32x1xf32>
    %iota3A = tpu.iota {dimensions = array<i32: 0>} : vector<32x1xi32>
    %iota3A_97 = tpu.iota {dimensions = array<i32: 0>} : vector<16x32xi32>
    %iota3A_98 = tpu.iota {dimensions = array<i32: 1>} : vector<16x32xi32>
    %iota3A_99 = tpu.iota {dimensions = array<i32: 0>} : vector<16x1xi32>
    %broadcast_in_dim3A_100 = arith.constant 0.000000e+00 : f32
    %broadcast_in_dim3A_101 = vector.broadcast %broadcast_in_dim3A_100 : f32 to vector<16x32xf32>
    %broadcast_in_dim3A_102 = arith.constant 0.000000e+00 : f32
    %broadcast_in_dim3A_103 = vector.broadcast %broadcast_in_dim3A_102 : f32 to vector<16x1xf32>
    %reduce_max3A_104 = vector.shape_cast %add3A_96 : vector<32x1xf32> to vector<1x32x1xf32>
    %reduce_max3A_105 = arith.constant dense<0xFF800000> : vector<1xf32>
    %reduce_max3A_106 = vector.multi_reduction <maximumf>, %reduce_max3A_104, %reduce_max3A_105 [1, 2] : vector<1x32x1xf32> to vector<1xf32>
    %reduce_max3A_107 = vector.shape_cast %reduce_max3A_106 : vector<1xf32> to vector<1x1x1xf32>
    %reduce_max3A_108 = vector.extract %reduce_max3A_107[0, 0, 0] : f32 from vector<1x1x1xf32>
    %eq3A = vector.broadcast %reduce_max3A_108 : f32 to vector<32x1xf32>
    %eq3A_109 = arith.cmpf oeq, %add3A_96, %eq3A : vector<32x1xf32>
    %jit3A = arith.constant 1073741824 : i32
    %broadcast_in_dim3A_110 = vector.broadcast %jit3A : i32 to vector<32x1xi32>
    %select_n3A_111 = arith.select %eq3A_109, %iota3A, %broadcast_in_dim3A_110 : vector<32x1xi1>, vector<32x1xi32>
    %reduce_min3A = vector.shape_cast %select_n3A_111 : vector<32x1xi32> to vector<1x32x1xi32>
    %reduce_min3A_112 = arith.constant dense<2147483647> : vector<1xi32>
    %reduce_min3A_113 = vector.multi_reduction <minsi>, %reduce_min3A, %reduce_min3A_112 [1, 2] : vector<1x32x1xi32> to vector<1xi32>
    %reduce_min3A_114 = vector.shape_cast %reduce_min3A_113 : vector<1xi32> to vector<1x1x1xi32>
    %reduce_min3A_115 = vector.extract %reduce_min3A_114[0, 0, 0] : i32 from vector<1x1x1xi32>
    %eq3A_116 = arith.constant 0 : i32
    %eq3A_117 = vector.broadcast %eq3A_116 : i32 to vector<16x32xi32>
    %eq3A_118 = arith.cmpi eq, %iota3A_97, %eq3A_117 : vector<16x32xi32>
    %eq3A_119 = vector.broadcast %reduce_min3A_115 : i32 to vector<16x32xi32>
    %eq3A_120 = arith.cmpi eq, %iota3A_98, %eq3A_119 : vector<16x32xi32>
    %and3A = arith.andi %eq3A_118, %eq3A_120 : vector<16x32xi1>
    %jit3A_121 = arith.constant 1.000000e+00 : f32
    %broadcast_in_dim3A_122 = vector.broadcast %jit3A_121 : f32 to vector<16x32xf32>
    %select_n3A_123 = arith.select %and3A, %broadcast_in_dim3A_122, %broadcast_in_dim3A_101 : vector<16x32xi1>, vector<16x32xf32>
    %eq3A_124 = arith.constant 0 : i32
    %eq3A_125 = vector.broadcast %eq3A_124 : i32 to vector<16x1xi32>
    %eq3A_126 = arith.cmpi eq, %iota3A_99, %eq3A_125 : vector<16x1xi32>
    %broadcast_in_dim3A_127 = vector.broadcast %reduce_max3A_108 : f32 to vector<16x1xf32>
    %select_n3A_128 = arith.select %eq3A_126, %broadcast_in_dim3A_127, %broadcast_in_dim3A_103 : vector<16x1xi1>, vector<16x1xf32>
    %eq3A_129 = vector.broadcast %reduce_min3A_115 : i32 to vector<32x1xi32>
    %eq3A_130 = arith.cmpi eq, %iota3A, %eq3A_129 : vector<32x1xi32>
    %jit3A_131 = arith.constant 0xFF800000 : f32
    %broadcast_in_dim3A_132 = vector.broadcast %jit3A_131 : f32 to vector<32x1xf32>
    %select_n3A_133 = arith.select %eq3A_130, %broadcast_in_dim3A_132, %add3A_96 : vector<32x1xi1>, vector<32x1xf32>
    %reduce_max3A_134 = vector.shape_cast %select_n3A_133 : vector<32x1xf32> to vector<1x32x1xf32>
    %reduce_max3A_135 = arith.constant dense<0xFF800000> : vector<1xf32>
    %reduce_max3A_136 = vector.multi_reduction <maximumf>, %reduce_max3A_134, %reduce_max3A_135 [1, 2] : vector<1x32x1xf32> to vector<1xf32>
    %reduce_max3A_137 = vector.shape_cast %reduce_max3A_136 : vector<1xf32> to vector<1x1x1xf32>
    %reduce_max3A_138 = vector.extract %reduce_max3A_137[0, 0, 0] : f32 from vector<1x1x1xf32>
    %eq3A_139 = vector.broadcast %reduce_max3A_138 : f32 to vector<32x1xf32>
    %eq3A_140 = arith.cmpf oeq, %select_n3A_133, %eq3A_139 : vector<32x1xf32>
    %jit3A_141 = arith.constant 1073741824 : i32
    %broadcast_in_dim3A_142 = vector.broadcast %jit3A_141 : i32 to vector<32x1xi32>
    %select_n3A_143 = arith.select %eq3A_140, %iota3A, %broadcast_in_dim3A_142 : vector<32x1xi1>, vector<32x1xi32>
    %reduce_min3A_144 = vector.shape_cast %select_n3A_143 : vector<32x1xi32> to vector<1x32x1xi32>
    %reduce_min3A_145 = arith.constant dense<2147483647> : vector<1xi32>
    %reduce_min3A_146 = vector.multi_reduction <minsi>, %reduce_min3A_144, %reduce_min3A_145 [1, 2] : vector<1x32x1xi32> to vector<1xi32>
    %reduce_min3A_147 = vector.shape_cast %reduce_min3A_146 : vector<1xi32> to vector<1x1x1xi32>
    %reduce_min3A_148 = vector.extract %reduce_min3A_147[0, 0, 0] : i32 from vector<1x1x1xi32>
    %eq3A_149 = arith.constant 1 : i32
    %eq3A_150 = vector.broadcast %eq3A_149 : i32 to vector<16x32xi32>
    %eq3A_151 = arith.cmpi eq, %iota3A_97, %eq3A_150 : vector<16x32xi32>
    %eq3A_152 = vector.broadcast %reduce_min3A_148 : i32 to vector<16x32xi32>
    %eq3A_153 = arith.cmpi eq, %iota3A_98, %eq3A_152 : vector<16x32xi32>
    %and3A_154 = arith.andi %eq3A_151, %eq3A_153 : vector<16x32xi1>
    %jit3A_155 = arith.constant 1.000000e+00 : f32
    %broadcast_in_dim3A_156 = vector.broadcast %jit3A_155 : f32 to vector<16x32xf32>
    %select_n3A_157 = arith.select %and3A_154, %broadcast_in_dim3A_156, %select_n3A_123 : vector<16x32xi1>, vector<16x32xf32>
    %eq3A_158 = arith.constant 1 : i32
    %eq3A_159 = vector.broadcast %eq3A_158 : i32 to vector<16x1xi32>
    %eq3A_160 = arith.cmpi eq, %iota3A_99, %eq3A_159 : vector<16x1xi32>
    %broadcast_in_dim3A_161 = vector.broadcast %reduce_max3A_138 : f32 to vector<16x1xf32>
    %select_n3A_162 = arith.select %eq3A_160, %broadcast_in_dim3A_161, %select_n3A_128 : vector<16x1xi1>, vector<16x1xf32>
    %eq3A_163 = vector.broadcast %reduce_min3A_148 : i32 to vector<32x1xi32>
    %eq3A_164 = arith.cmpi eq, %iota3A, %eq3A_163 : vector<32x1xi32>
    %jit3A_165 = arith.constant 0xFF800000 : f32
    %broadcast_in_dim3A_166 = vector.broadcast %jit3A_165 : f32 to vector<32x1xf32>
    %select_n3A_167 = arith.select %eq3A_164, %broadcast_in_dim3A_166, %select_n3A_133 : vector<32x1xi1>, vector<32x1xf32>
    %reduce_max3A_168 = vector.shape_cast %select_n3A_167 : vector<32x1xf32> to vector<1x32x1xf32>
    %reduce_max3A_169 = arith.constant dense<0xFF800000> : vector<1xf32>
    %reduce_max3A_170 = vector.multi_reduction <maximumf>, %reduce_max3A_168, %reduce_max3A_169 [1, 2] : vector<1x32x1xf32> to vector<1xf32>
    %reduce_max3A_171 = vector.shape_cast %reduce_max3A_170 : vector<1xf32> to vector<1x1x1xf32>
    %reduce_max3A_172 = vector.extract %reduce_max3A_171[0, 0, 0] : f32 from vector<1x1x1xf32>
    %eq3A_173 = vector.broadcast %reduce_max3A_172 : f32 to vector<32x1xf32>
    %eq3A_174 = arith.cmpf oeq, %select_n3A_167, %eq3A_173 : vector<32x1xf32>
    %jit3A_175 = arith.constant 1073741824 : i32
    %broadcast_in_dim3A_176 = vector.broadcast %jit3A_175 : i32 to vector<32x1xi32>
    %select_n3A_177 = arith.select %eq3A_174, %iota3A, %broadcast_in_dim3A_176 : vector<32x1xi1>, vector<32x1xi32>
    %reduce_min3A_178 = vector.shape_cast %select_n3A_177 : vector<32x1xi32> to vector<1x32x1xi32>
    %reduce_min3A_179 = arith.constant dense<2147483647> : vector<1xi32>
    %reduce_min3A_180 = vector.multi_reduction <minsi>, %reduce_min3A_178, %reduce_min3A_179 [1, 2] : vector<1x32x1xi32> to vector<1xi32>
    %reduce_min3A_181 = vector.shape_cast %reduce_min3A_180 : vector<1xi32> to vector<1x1x1xi32>
    %reduce_min3A_182 = vector.extract %reduce_min3A_181[0, 0, 0] : i32 from vector<1x1x1xi32>
    %eq3A_183 = arith.constant 2 : i32
    %eq3A_184 = vector.broadcast %eq3A_183 : i32 to vector<16x32xi32>
    %eq3A_185 = arith.cmpi eq, %iota3A_97, %eq3A_184 : vector<16x32xi32>
    %eq3A_186 = vector.broadcast %reduce_min3A_182 : i32 to vector<16x32xi32>
    %eq3A_187 = arith.cmpi eq, %iota3A_98, %eq3A_186 : vector<16x32xi32>
    %and3A_188 = arith.andi %eq3A_185, %eq3A_187 : vector<16x32xi1>
    %jit3A_189 = arith.constant 1.000000e+00 : f32
    %broadcast_in_dim3A_190 = vector.broadcast %jit3A_189 : f32 to vector<16x32xf32>
    %select_n3A_191 = arith.select %and3A_188, %broadcast_in_dim3A_190, %select_n3A_157 : vector<16x32xi1>, vector<16x32xf32>
    %eq3A_192 = arith.constant 2 : i32
    %eq3A_193 = vector.broadcast %eq3A_192 : i32 to vector<16x1xi32>
    %eq3A_194 = arith.cmpi eq, %iota3A_99, %eq3A_193 : vector<16x1xi32>
    %broadcast_in_dim3A_195 = vector.broadcast %reduce_max3A_172 : f32 to vector<16x1xf32>
    %select_n3A_196 = arith.select %eq3A_194, %broadcast_in_dim3A_195, %select_n3A_162 : vector<16x1xi1>, vector<16x1xf32>
    %eq3A_197 = vector.broadcast %reduce_min3A_182 : i32 to vector<32x1xi32>
    %eq3A_198 = arith.cmpi eq, %iota3A, %eq3A_197 : vector<32x1xi32>
    %jit3A_199 = arith.constant 0xFF800000 : f32
    %broadcast_in_dim3A_200 = vector.broadcast %jit3A_199 : f32 to vector<32x1xf32>
    %select_n3A_201 = arith.select %eq3A_198, %broadcast_in_dim3A_200, %select_n3A_167 : vector<32x1xi1>, vector<32x1xf32>
    %reduce_max3A_202 = vector.shape_cast %select_n3A_201 : vector<32x1xf32> to vector<1x32x1xf32>
    %reduce_max3A_203 = arith.constant dense<0xFF800000> : vector<1xf32>
    %reduce_max3A_204 = vector.multi_reduction <maximumf>, %reduce_max3A_202, %reduce_max3A_203 [1, 2] : vector<1x32x1xf32> to vector<1xf32>
    %reduce_max3A_205 = vector.shape_cast %reduce_max3A_204 : vector<1xf32> to vector<1x1x1xf32>
    %reduce_max3A_206 = vector.extract %reduce_max3A_205[0, 0, 0] : f32 from vector<1x1x1xf32>
    %eq3A_207 = vector.broadcast %reduce_max3A_206 : f32 to vector<32x1xf32>
    %eq3A_208 = arith.cmpf oeq, %select_n3A_201, %eq3A_207 : vector<32x1xf32>
    %jit3A_209 = arith.constant 1073741824 : i32
    %broadcast_in_dim3A_210 = vector.broadcast %jit3A_209 : i32 to vector<32x1xi32>
    %select_n3A_211 = arith.select %eq3A_208, %iota3A, %broadcast_in_dim3A_210 : vector<32x1xi1>, vector<32x1xi32>
    %reduce_min3A_212 = vector.shape_cast %select_n3A_211 : vector<32x1xi32> to vector<1x32x1xi32>
    %reduce_min3A_213 = arith.constant dense<2147483647> : vector<1xi32>
    %reduce_min3A_214 = vector.multi_reduction <minsi>, %reduce_min3A_212, %reduce_min3A_213 [1, 2] : vector<1x32x1xi32> to vector<1xi32>
    %reduce_min3A_215 = vector.shape_cast %reduce_min3A_214 : vector<1xi32> to vector<1x1x1xi32>
    %reduce_min3A_216 = vector.extract %reduce_min3A_215[0, 0, 0] : i32 from vector<1x1x1xi32>
    %eq3A_217 = arith.constant 3 : i32
    %eq3A_218 = vector.broadcast %eq3A_217 : i32 to vector<16x32xi32>
    %eq3A_219 = arith.cmpi eq, %iota3A_97, %eq3A_218 : vector<16x32xi32>
    %eq3A_220 = vector.broadcast %reduce_min3A_216 : i32 to vector<16x32xi32>
    %eq3A_221 = arith.cmpi eq, %iota3A_98, %eq3A_220 : vector<16x32xi32>
    %and3A_222 = arith.andi %eq3A_219, %eq3A_221 : vector<16x32xi1>
    %jit3A_223 = arith.constant 1.000000e+00 : f32
    %broadcast_in_dim3A_224 = vector.broadcast %jit3A_223 : f32 to vector<16x32xf32>
    %select_n3A_225 = arith.select %and3A_222, %broadcast_in_dim3A_224, %select_n3A_191 : vector<16x32xi1>, vector<16x32xf32>
    %eq3A_226 = arith.constant 3 : i32
    %eq3A_227 = vector.broadcast %eq3A_226 : i32 to vector<16x1xi32>
    %eq3A_228 = arith.cmpi eq, %iota3A_99, %eq3A_227 : vector<16x1xi32>
    %broadcast_in_dim3A_229 = vector.broadcast %reduce_max3A_206 : f32 to vector<16x1xf32>
    %select_n3A_230 = arith.select %eq3A_228, %broadcast_in_dim3A_229, %select_n3A_196 : vector<16x1xi1>, vector<16x1xf32>
    %eq3A_231 = vector.broadcast %reduce_min3A_216 : i32 to vector<32x1xi32>
    %eq3A_232 = arith.cmpi eq, %iota3A, %eq3A_231 : vector<32x1xi32>
    %jit3A_233 = arith.constant 0xFF800000 : f32
    %broadcast_in_dim3A_234 = vector.broadcast %jit3A_233 : f32 to vector<32x1xf32>
    %select_n3A_235 = arith.select %eq3A_232, %broadcast_in_dim3A_234, %select_n3A_201 : vector<32x1xi1>, vector<32x1xf32>
    %reduce_max3A_236 = vector.shape_cast %select_n3A_235 : vector<32x1xf32> to vector<1x32x1xf32>
    %reduce_max3A_237 = arith.constant dense<0xFF800000> : vector<1xf32>
    %reduce_max3A_238 = vector.multi_reduction <maximumf>, %reduce_max3A_236, %reduce_max3A_237 [1, 2] : vector<1x32x1xf32> to vector<1xf32>
    %reduce_max3A_239 = vector.shape_cast %reduce_max3A_238 : vector<1xf32> to vector<1x1x1xf32>
    %reduce_max3A_240 = vector.extract %reduce_max3A_239[0, 0, 0] : f32 from vector<1x1x1xf32>
    %eq3A_241 = vector.broadcast %reduce_max3A_240 : f32 to vector<32x1xf32>
    %eq3A_242 = arith.cmpf oeq, %select_n3A_235, %eq3A_241 : vector<32x1xf32>
    %jit3A_243 = arith.constant 1073741824 : i32
    %broadcast_in_dim3A_244 = vector.broadcast %jit3A_243 : i32 to vector<32x1xi32>
    %select_n3A_245 = arith.select %eq3A_242, %iota3A, %broadcast_in_dim3A_244 : vector<32x1xi1>, vector<32x1xi32>
    %reduce_min3A_246 = vector.shape_cast %select_n3A_245 : vector<32x1xi32> to vector<1x32x1xi32>
    %reduce_min3A_247 = arith.constant dense<2147483647> : vector<1xi32>
    %reduce_min3A_248 = vector.multi_reduction <minsi>, %reduce_min3A_246, %reduce_min3A_247 [1, 2] : vector<1x32x1xi32> to vector<1xi32>
    %reduce_min3A_249 = vector.shape_cast %reduce_min3A_248 : vector<1xi32> to vector<1x1x1xi32>
    %reduce_min3A_250 = vector.extract %reduce_min3A_249[0, 0, 0] : i32 from vector<1x1x1xi32>
    %eq3A_251 = arith.constant 4 : i32
    %eq3A_252 = vector.broadcast %eq3A_251 : i32 to vector<16x32xi32>
    %eq3A_253 = arith.cmpi eq, %iota3A_97, %eq3A_252 : vector<16x32xi32>
    %eq3A_254 = vector.broadcast %reduce_min3A_250 : i32 to vector<16x32xi32>
    %eq3A_255 = arith.cmpi eq, %iota3A_98, %eq3A_254 : vector<16x32xi32>
    %and3A_256 = arith.andi %eq3A_253, %eq3A_255 : vector<16x32xi1>
    %jit3A_257 = arith.constant 1.000000e+00 : f32
    %broadcast_in_dim3A_258 = vector.broadcast %jit3A_257 : f32 to vector<16x32xf32>
    %select_n3A_259 = arith.select %and3A_256, %broadcast_in_dim3A_258, %select_n3A_225 : vector<16x32xi1>, vector<16x32xf32>
    %eq3A_260 = arith.constant 4 : i32
    %eq3A_261 = vector.broadcast %eq3A_260 : i32 to vector<16x1xi32>
    %eq3A_262 = arith.cmpi eq, %iota3A_99, %eq3A_261 : vector<16x1xi32>
    %broadcast_in_dim3A_263 = vector.broadcast %reduce_max3A_240 : f32 to vector<16x1xf32>
    %select_n3A_264 = arith.select %eq3A_262, %broadcast_in_dim3A_263, %select_n3A_230 : vector<16x1xi1>, vector<16x1xf32>
    %eq3A_265 = vector.broadcast %reduce_min3A_250 : i32 to vector<32x1xi32>
    %eq3A_266 = arith.cmpi eq, %iota3A, %eq3A_265 : vector<32x1xi32>
    %jit3A_267 = arith.constant 0xFF800000 : f32
    %broadcast_in_dim3A_268 = vector.broadcast %jit3A_267 : f32 to vector<32x1xf32>
    %select_n3A_269 = arith.select %eq3A_266, %broadcast_in_dim3A_268, %select_n3A_235 : vector<32x1xi1>, vector<32x1xf32>
    %reduce_max3A_270 = vector.shape_cast %select_n3A_269 : vector<32x1xf32> to vector<1x32x1xf32>
    %reduce_max3A_271 = arith.constant dense<0xFF800000> : vector<1xf32>
    %reduce_max3A_272 = vector.multi_reduction <maximumf>, %reduce_max3A_270, %reduce_max3A_271 [1, 2] : vector<1x32x1xf32> to vector<1xf32>
    %reduce_max3A_273 = vector.shape_cast %reduce_max3A_272 : vector<1xf32> to vector<1x1x1xf32>
    %reduce_max3A_274 = vector.extract %reduce_max3A_273[0, 0, 0] : f32 from vector<1x1x1xf32>
    %eq3A_275 = vector.broadcast %reduce_max3A_274 : f32 to vector<32x1xf32>
    %eq3A_276 = arith.cmpf oeq, %select_n3A_269, %eq3A_275 : vector<32x1xf32>
    %jit3A_277 = arith.constant 1073741824 : i32
    %broadcast_in_dim3A_278 = vector.broadcast %jit3A_277 : i32 to vector<32x1xi32>
    %select_n3A_279 = arith.select %eq3A_276, %iota3A, %broadcast_in_dim3A_278 : vector<32x1xi1>, vector<32x1xi32>
    %reduce_min3A_280 = vector.shape_cast %select_n3A_279 : vector<32x1xi32> to vector<1x32x1xi32>
    %reduce_min3A_281 = arith.constant dense<2147483647> : vector<1xi32>
    %reduce_min3A_282 = vector.multi_reduction <minsi>, %reduce_min3A_280, %reduce_min3A_281 [1, 2] : vector<1x32x1xi32> to vector<1xi32>
    %reduce_min3A_283 = vector.shape_cast %reduce_min3A_282 : vector<1xi32> to vector<1x1x1xi32>
    %reduce_min3A_284 = vector.extract %reduce_min3A_283[0, 0, 0] : i32 from vector<1x1x1xi32>
    %eq3A_285 = arith.constant 5 : i32
    %eq3A_286 = vector.broadcast %eq3A_285 : i32 to vector<16x32xi32>
    %eq3A_287 = arith.cmpi eq, %iota3A_97, %eq3A_286 : vector<16x32xi32>
    %eq3A_288 = vector.broadcast %reduce_min3A_284 : i32 to vector<16x32xi32>
    %eq3A_289 = arith.cmpi eq, %iota3A_98, %eq3A_288 : vector<16x32xi32>
    %and3A_290 = arith.andi %eq3A_287, %eq3A_289 : vector<16x32xi1>
    %jit3A_291 = arith.constant 1.000000e+00 : f32
    %broadcast_in_dim3A_292 = vector.broadcast %jit3A_291 : f32 to vector<16x32xf32>
    %select_n3A_293 = arith.select %and3A_290, %broadcast_in_dim3A_292, %select_n3A_259 : vector<16x32xi1>, vector<16x32xf32>
    %eq3A_294 = arith.constant 5 : i32
    %eq3A_295 = vector.broadcast %eq3A_294 : i32 to vector<16x1xi32>
    %eq3A_296 = arith.cmpi eq, %iota3A_99, %eq3A_295 : vector<16x1xi32>
    %broadcast_in_dim3A_297 = vector.broadcast %reduce_max3A_274 : f32 to vector<16x1xf32>
    %select_n3A_298 = arith.select %eq3A_296, %broadcast_in_dim3A_297, %select_n3A_264 : vector<16x1xi1>, vector<16x1xf32>
    %eq3A_299 = vector.broadcast %reduce_min3A_284 : i32 to vector<32x1xi32>
    %eq3A_300 = arith.cmpi eq, %iota3A, %eq3A_299 : vector<32x1xi32>
    %jit3A_301 = arith.constant 0xFF800000 : f32
    %broadcast_in_dim3A_302 = vector.broadcast %jit3A_301 : f32 to vector<32x1xf32>
    %select_n3A_303 = arith.select %eq3A_300, %broadcast_in_dim3A_302, %select_n3A_269 : vector<32x1xi1>, vector<32x1xf32>
    %reduce_max3A_304 = vector.shape_cast %select_n3A_303 : vector<32x1xf32> to vector<1x32x1xf32>
    %reduce_max3A_305 = arith.constant dense<0xFF800000> : vector<1xf32>
    %reduce_max3A_306 = vector.multi_reduction <maximumf>, %reduce_max3A_304, %reduce_max3A_305 [1, 2] : vector<1x32x1xf32> to vector<1xf32>
    %reduce_max3A_307 = vector.shape_cast %reduce_max3A_306 : vector<1xf32> to vector<1x1x1xf32>
    %reduce_max3A_308 = vector.extract %reduce_max3A_307[0, 0, 0] : f32 from vector<1x1x1xf32>
    %eq3A_309 = vector.broadcast %reduce_max3A_308 : f32 to vector<32x1xf32>
    %eq3A_310 = arith.cmpf oeq, %select_n3A_303, %eq3A_309 : vector<32x1xf32>
    %jit3A_311 = arith.constant 1073741824 : i32
    %broadcast_in_dim3A_312 = vector.broadcast %jit3A_311 : i32 to vector<32x1xi32>
    %select_n3A_313 = arith.select %eq3A_310, %iota3A, %broadcast_in_dim3A_312 : vector<32x1xi1>, vector<32x1xi32>
    %reduce_min3A_314 = vector.shape_cast %select_n3A_313 : vector<32x1xi32> to vector<1x32x1xi32>
    %reduce_min3A_315 = arith.constant dense<2147483647> : vector<1xi32>
    %reduce_min3A_316 = vector.multi_reduction <minsi>, %reduce_min3A_314, %reduce_min3A_315 [1, 2] : vector<1x32x1xi32> to vector<1xi32>
    %reduce_min3A_317 = vector.shape_cast %reduce_min3A_316 : vector<1xi32> to vector<1x1x1xi32>
    %reduce_min3A_318 = vector.extract %reduce_min3A_317[0, 0, 0] : i32 from vector<1x1x1xi32>
    %eq3A_319 = arith.constant 6 : i32
    %eq3A_320 = vector.broadcast %eq3A_319 : i32 to vector<16x32xi32>
    %eq3A_321 = arith.cmpi eq, %iota3A_97, %eq3A_320 : vector<16x32xi32>
    %eq3A_322 = vector.broadcast %reduce_min3A_318 : i32 to vector<16x32xi32>
    %eq3A_323 = arith.cmpi eq, %iota3A_98, %eq3A_322 : vector<16x32xi32>
    %and3A_324 = arith.andi %eq3A_321, %eq3A_323 : vector<16x32xi1>
    %jit3A_325 = arith.constant 1.000000e+00 : f32
    %broadcast_in_dim3A_326 = vector.broadcast %jit3A_325 : f32 to vector<16x32xf32>
    %select_n3A_327 = arith.select %and3A_324, %broadcast_in_dim3A_326, %select_n3A_293 : vector<16x32xi1>, vector<16x32xf32>
    %eq3A_328 = arith.constant 6 : i32
    %eq3A_329 = vector.broadcast %eq3A_328 : i32 to vector<16x1xi32>
    %eq3A_330 = arith.cmpi eq, %iota3A_99, %eq3A_329 : vector<16x1xi32>
    %broadcast_in_dim3A_331 = vector.broadcast %reduce_max3A_308 : f32 to vector<16x1xf32>
    %select_n3A_332 = arith.select %eq3A_330, %broadcast_in_dim3A_331, %select_n3A_298 : vector<16x1xi1>, vector<16x1xf32>
    %eq3A_333 = vector.broadcast %reduce_min3A_318 : i32 to vector<32x1xi32>
    %eq3A_334 = arith.cmpi eq, %iota3A, %eq3A_333 : vector<32x1xi32>
    %jit3A_335 = arith.constant 0xFF800000 : f32
    %broadcast_in_dim3A_336 = vector.broadcast %jit3A_335 : f32 to vector<32x1xf32>
    %select_n3A_337 = arith.select %eq3A_334, %broadcast_in_dim3A_336, %select_n3A_303 : vector<32x1xi1>, vector<32x1xf32>
    %reduce_max3A_338 = vector.shape_cast %select_n3A_337 : vector<32x1xf32> to vector<1x32x1xf32>
    %reduce_max3A_339 = arith.constant dense<0xFF800000> : vector<1xf32>
    %reduce_max3A_340 = vector.multi_reduction <maximumf>, %reduce_max3A_338, %reduce_max3A_339 [1, 2] : vector<1x32x1xf32> to vector<1xf32>
    %reduce_max3A_341 = vector.shape_cast %reduce_max3A_340 : vector<1xf32> to vector<1x1x1xf32>
    %reduce_max3A_342 = vector.extract %reduce_max3A_341[0, 0, 0] : f32 from vector<1x1x1xf32>
    %eq3A_343 = vector.broadcast %reduce_max3A_342 : f32 to vector<32x1xf32>
    %eq3A_344 = arith.cmpf oeq, %select_n3A_337, %eq3A_343 : vector<32x1xf32>
    %jit3A_345 = arith.constant 1073741824 : i32
    %broadcast_in_dim3A_346 = vector.broadcast %jit3A_345 : i32 to vector<32x1xi32>
    %select_n3A_347 = arith.select %eq3A_344, %iota3A, %broadcast_in_dim3A_346 : vector<32x1xi1>, vector<32x1xi32>
    %reduce_min3A_348 = vector.shape_cast %select_n3A_347 : vector<32x1xi32> to vector<1x32x1xi32>
    %reduce_min3A_349 = arith.constant dense<2147483647> : vector<1xi32>
    %reduce_min3A_350 = vector.multi_reduction <minsi>, %reduce_min3A_348, %reduce_min3A_349 [1, 2] : vector<1x32x1xi32> to vector<1xi32>
    %reduce_min3A_351 = vector.shape_cast %reduce_min3A_350 : vector<1xi32> to vector<1x1x1xi32>
    %reduce_min3A_352 = vector.extract %reduce_min3A_351[0, 0, 0] : i32 from vector<1x1x1xi32>
    %eq3A_353 = arith.constant 7 : i32
    %eq3A_354 = vector.broadcast %eq3A_353 : i32 to vector<16x32xi32>
    %eq3A_355 = arith.cmpi eq, %iota3A_97, %eq3A_354 : vector<16x32xi32>
    %eq3A_356 = vector.broadcast %reduce_min3A_352 : i32 to vector<16x32xi32>
    %eq3A_357 = arith.cmpi eq, %iota3A_98, %eq3A_356 : vector<16x32xi32>
    %and3A_358 = arith.andi %eq3A_355, %eq3A_357 : vector<16x32xi1>
    %jit3A_359 = arith.constant 1.000000e+00 : f32
    %broadcast_in_dim3A_360 = vector.broadcast %jit3A_359 : f32 to vector<16x32xf32>
    %select_n3A_361 = arith.select %and3A_358, %broadcast_in_dim3A_360, %select_n3A_327 : vector<16x32xi1>, vector<16x32xf32>
    %eq3A_362 = arith.constant 7 : i32
    %eq3A_363 = vector.broadcast %eq3A_362 : i32 to vector<16x1xi32>
    %eq3A_364 = arith.cmpi eq, %iota3A_99, %eq3A_363 : vector<16x1xi32>
    %broadcast_in_dim3A_365 = vector.broadcast %reduce_max3A_342 : f32 to vector<16x1xf32>
    %select_n3A_366 = arith.select %eq3A_364, %broadcast_in_dim3A_365, %select_n3A_332 : vector<16x1xi1>, vector<16x1xf32>
    %eq3A_367 = vector.broadcast %reduce_min3A_352 : i32 to vector<32x1xi32>
    %eq3A_368 = arith.cmpi eq, %iota3A, %eq3A_367 : vector<32x1xi32>
    %jit3A_369 = arith.constant 0xFF800000 : f32
    %broadcast_in_dim3A_370 = vector.broadcast %jit3A_369 : f32 to vector<32x1xf32>
    %select_n3A_371 = arith.select %eq3A_368, %broadcast_in_dim3A_370, %select_n3A_337 : vector<32x1xi1>, vector<32x1xf32>
    %reduce_max3A_372 = vector.shape_cast %select_n3A_371 : vector<32x1xf32> to vector<1x32x1xf32>
    %reduce_max3A_373 = arith.constant dense<0xFF800000> : vector<1xf32>
    %reduce_max3A_374 = vector.multi_reduction <maximumf>, %reduce_max3A_372, %reduce_max3A_373 [1, 2] : vector<1x32x1xf32> to vector<1xf32>
    %reduce_max3A_375 = vector.shape_cast %reduce_max3A_374 : vector<1xf32> to vector<1x1x1xf32>
    %reduce_max3A_376 = vector.extract %reduce_max3A_375[0, 0, 0] : f32 from vector<1x1x1xf32>
    %eq3A_377 = vector.broadcast %reduce_max3A_376 : f32 to vector<32x1xf32>
    %eq3A_378 = arith.cmpf oeq, %select_n3A_371, %eq3A_377 : vector<32x1xf32>
    %jit3A_379 = arith.constant 1073741824 : i32
    %broadcast_in_dim3A_380 = vector.broadcast %jit3A_379 : i32 to vector<32x1xi32>
    %select_n3A_381 = arith.select %eq3A_378, %iota3A, %broadcast_in_dim3A_380 : vector<32x1xi1>, vector<32x1xi32>
    %reduce_min3A_382 = vector.shape_cast %select_n3A_381 : vector<32x1xi32> to vector<1x32x1xi32>
    %reduce_min3A_383 = arith.constant dense<2147483647> : vector<1xi32>
    %reduce_min3A_384 = vector.multi_reduction <minsi>, %reduce_min3A_382, %reduce_min3A_383 [1, 2] : vector<1x32x1xi32> to vector<1xi32>
    %reduce_min3A_385 = vector.shape_cast %reduce_min3A_384 : vector<1xi32> to vector<1x1x1xi32>
    %reduce_min3A_386 = vector.extract %reduce_min3A_385[0, 0, 0] : i32 from vector<1x1x1xi32>
    %eq3A_387 = arith.constant 8 : i32
    %eq3A_388 = vector.broadcast %eq3A_387 : i32 to vector<16x32xi32>
    %eq3A_389 = arith.cmpi eq, %iota3A_97, %eq3A_388 : vector<16x32xi32>
    %eq3A_390 = vector.broadcast %reduce_min3A_386 : i32 to vector<16x32xi32>
    %eq3A_391 = arith.cmpi eq, %iota3A_98, %eq3A_390 : vector<16x32xi32>
    %and3A_392 = arith.andi %eq3A_389, %eq3A_391 : vector<16x32xi1>
    %jit3A_393 = arith.constant 1.000000e+00 : f32
    %broadcast_in_dim3A_394 = vector.broadcast %jit3A_393 : f32 to vector<16x32xf32>
    %select_n3A_395 = arith.select %and3A_392, %broadcast_in_dim3A_394, %select_n3A_361 : vector<16x32xi1>, vector<16x32xf32>
    %eq3A_396 = arith.constant 8 : i32
    %eq3A_397 = vector.broadcast %eq3A_396 : i32 to vector<16x1xi32>
    %eq3A_398 = arith.cmpi eq, %iota3A_99, %eq3A_397 : vector<16x1xi32>
    %broadcast_in_dim3A_399 = vector.broadcast %reduce_max3A_376 : f32 to vector<16x1xf32>
    %select_n3A_400 = arith.select %eq3A_398, %broadcast_in_dim3A_399, %select_n3A_366 : vector<16x1xi1>, vector<16x1xf32>
    %eq3A_401 = vector.broadcast %reduce_min3A_386 : i32 to vector<32x1xi32>
    %eq3A_402 = arith.cmpi eq, %iota3A, %eq3A_401 : vector<32x1xi32>
    %jit3A_403 = arith.constant 0xFF800000 : f32
    %broadcast_in_dim3A_404 = vector.broadcast %jit3A_403 : f32 to vector<32x1xf32>
    %select_n3A_405 = arith.select %eq3A_402, %broadcast_in_dim3A_404, %select_n3A_371 : vector<32x1xi1>, vector<32x1xf32>
    %reduce_max3A_406 = vector.shape_cast %select_n3A_405 : vector<32x1xf32> to vector<1x32x1xf32>
    %reduce_max3A_407 = arith.constant dense<0xFF800000> : vector<1xf32>
    %reduce_max3A_408 = vector.multi_reduction <maximumf>, %reduce_max3A_406, %reduce_max3A_407 [1, 2] : vector<1x32x1xf32> to vector<1xf32>
    %reduce_max3A_409 = vector.shape_cast %reduce_max3A_408 : vector<1xf32> to vector<1x1x1xf32>
    %reduce_max3A_410 = vector.extract %reduce_max3A_409[0, 0, 0] : f32 from vector<1x1x1xf32>
    %eq3A_411 = vector.broadcast %reduce_max3A_410 : f32 to vector<32x1xf32>
    %eq3A_412 = arith.cmpf oeq, %select_n3A_405, %eq3A_411 : vector<32x1xf32>
    %jit3A_413 = arith.constant 1073741824 : i32
    %broadcast_in_dim3A_414 = vector.broadcast %jit3A_413 : i32 to vector<32x1xi32>
    %select_n3A_415 = arith.select %eq3A_412, %iota3A, %broadcast_in_dim3A_414 : vector<32x1xi1>, vector<32x1xi32>
    %reduce_min3A_416 = vector.shape_cast %select_n3A_415 : vector<32x1xi32> to vector<1x32x1xi32>
    %reduce_min3A_417 = arith.constant dense<2147483647> : vector<1xi32>
    %reduce_min3A_418 = vector.multi_reduction <minsi>, %reduce_min3A_416, %reduce_min3A_417 [1, 2] : vector<1x32x1xi32> to vector<1xi32>
    %reduce_min3A_419 = vector.shape_cast %reduce_min3A_418 : vector<1xi32> to vector<1x1x1xi32>
    %reduce_min3A_420 = vector.extract %reduce_min3A_419[0, 0, 0] : i32 from vector<1x1x1xi32>
    %eq3A_421 = arith.constant 9 : i32
    %eq3A_422 = vector.broadcast %eq3A_421 : i32 to vector<16x32xi32>
    %eq3A_423 = arith.cmpi eq, %iota3A_97, %eq3A_422 : vector<16x32xi32>
    %eq3A_424 = vector.broadcast %reduce_min3A_420 : i32 to vector<16x32xi32>
    %eq3A_425 = arith.cmpi eq, %iota3A_98, %eq3A_424 : vector<16x32xi32>
    %and3A_426 = arith.andi %eq3A_423, %eq3A_425 : vector<16x32xi1>
    %jit3A_427 = arith.constant 1.000000e+00 : f32
    %broadcast_in_dim3A_428 = vector.broadcast %jit3A_427 : f32 to vector<16x32xf32>
    %select_n3A_429 = arith.select %and3A_426, %broadcast_in_dim3A_428, %select_n3A_395 : vector<16x32xi1>, vector<16x32xf32>
    %eq3A_430 = arith.constant 9 : i32
    %eq3A_431 = vector.broadcast %eq3A_430 : i32 to vector<16x1xi32>
    %eq3A_432 = arith.cmpi eq, %iota3A_99, %eq3A_431 : vector<16x1xi32>
    %broadcast_in_dim3A_433 = vector.broadcast %reduce_max3A_410 : f32 to vector<16x1xf32>
    %select_n3A_434 = arith.select %eq3A_432, %broadcast_in_dim3A_433, %select_n3A_400 : vector<16x1xi1>, vector<16x1xf32>
    %eq3A_435 = vector.broadcast %reduce_min3A_420 : i32 to vector<32x1xi32>
    %eq3A_436 = arith.cmpi eq, %iota3A, %eq3A_435 : vector<32x1xi32>
    %jit3A_437 = arith.constant 0xFF800000 : f32
    %broadcast_in_dim3A_438 = vector.broadcast %jit3A_437 : f32 to vector<32x1xf32>
    %select_n3A_439 = arith.select %eq3A_436, %broadcast_in_dim3A_438, %select_n3A_405 : vector<32x1xi1>, vector<32x1xf32>
    %reduce_max3A_440 = vector.shape_cast %select_n3A_439 : vector<32x1xf32> to vector<1x32x1xf32>
    %reduce_max3A_441 = arith.constant dense<0xFF800000> : vector<1xf32>
    %reduce_max3A_442 = vector.multi_reduction <maximumf>, %reduce_max3A_440, %reduce_max3A_441 [1, 2] : vector<1x32x1xf32> to vector<1xf32>
    %reduce_max3A_443 = vector.shape_cast %reduce_max3A_442 : vector<1xf32> to vector<1x1x1xf32>
    %reduce_max3A_444 = vector.extract %reduce_max3A_443[0, 0, 0] : f32 from vector<1x1x1xf32>
    %eq3A_445 = vector.broadcast %reduce_max3A_444 : f32 to vector<32x1xf32>
    %eq3A_446 = arith.cmpf oeq, %select_n3A_439, %eq3A_445 : vector<32x1xf32>
    %jit3A_447 = arith.constant 1073741824 : i32
    %broadcast_in_dim3A_448 = vector.broadcast %jit3A_447 : i32 to vector<32x1xi32>
    %select_n3A_449 = arith.select %eq3A_446, %iota3A, %broadcast_in_dim3A_448 : vector<32x1xi1>, vector<32x1xi32>
    %reduce_min3A_450 = vector.shape_cast %select_n3A_449 : vector<32x1xi32> to vector<1x32x1xi32>
    %reduce_min3A_451 = arith.constant dense<2147483647> : vector<1xi32>
    %reduce_min3A_452 = vector.multi_reduction <minsi>, %reduce_min3A_450, %reduce_min3A_451 [1, 2] : vector<1x32x1xi32> to vector<1xi32>
    %reduce_min3A_453 = vector.shape_cast %reduce_min3A_452 : vector<1xi32> to vector<1x1x1xi32>
    %reduce_min3A_454 = vector.extract %reduce_min3A_453[0, 0, 0] : i32 from vector<1x1x1xi32>
    %eq3A_455 = arith.constant 10 : i32
    %eq3A_456 = vector.broadcast %eq3A_455 : i32 to vector<16x32xi32>
    %eq3A_457 = arith.cmpi eq, %iota3A_97, %eq3A_456 : vector<16x32xi32>
    %eq3A_458 = vector.broadcast %reduce_min3A_454 : i32 to vector<16x32xi32>
    %eq3A_459 = arith.cmpi eq, %iota3A_98, %eq3A_458 : vector<16x32xi32>
    %and3A_460 = arith.andi %eq3A_457, %eq3A_459 : vector<16x32xi1>
    %jit3A_461 = arith.constant 1.000000e+00 : f32
    %broadcast_in_dim3A_462 = vector.broadcast %jit3A_461 : f32 to vector<16x32xf32>
    %select_n3A_463 = arith.select %and3A_460, %broadcast_in_dim3A_462, %select_n3A_429 : vector<16x32xi1>, vector<16x32xf32>
    %eq3A_464 = arith.constant 10 : i32
    %eq3A_465 = vector.broadcast %eq3A_464 : i32 to vector<16x1xi32>
    %eq3A_466 = arith.cmpi eq, %iota3A_99, %eq3A_465 : vector<16x1xi32>
    %broadcast_in_dim3A_467 = vector.broadcast %reduce_max3A_444 : f32 to vector<16x1xf32>
    %select_n3A_468 = arith.select %eq3A_466, %broadcast_in_dim3A_467, %select_n3A_434 : vector<16x1xi1>, vector<16x1xf32>
    %eq3A_469 = vector.broadcast %reduce_min3A_454 : i32 to vector<32x1xi32>
    %eq3A_470 = arith.cmpi eq, %iota3A, %eq3A_469 : vector<32x1xi32>
    %jit3A_471 = arith.constant 0xFF800000 : f32
    %broadcast_in_dim3A_472 = vector.broadcast %jit3A_471 : f32 to vector<32x1xf32>
    %select_n3A_473 = arith.select %eq3A_470, %broadcast_in_dim3A_472, %select_n3A_439 : vector<32x1xi1>, vector<32x1xf32>
    %reduce_max3A_474 = vector.shape_cast %select_n3A_473 : vector<32x1xf32> to vector<1x32x1xf32>
    %reduce_max3A_475 = arith.constant dense<0xFF800000> : vector<1xf32>
    %reduce_max3A_476 = vector.multi_reduction <maximumf>, %reduce_max3A_474, %reduce_max3A_475 [1, 2] : vector<1x32x1xf32> to vector<1xf32>
    %reduce_max3A_477 = vector.shape_cast %reduce_max3A_476 : vector<1xf32> to vector<1x1x1xf32>
    %reduce_max3A_478 = vector.extract %reduce_max3A_477[0, 0, 0] : f32 from vector<1x1x1xf32>
    %eq3A_479 = vector.broadcast %reduce_max3A_478 : f32 to vector<32x1xf32>
    %eq3A_480 = arith.cmpf oeq, %select_n3A_473, %eq3A_479 : vector<32x1xf32>
    %jit3A_481 = arith.constant 1073741824 : i32
    %broadcast_in_dim3A_482 = vector.broadcast %jit3A_481 : i32 to vector<32x1xi32>
    %select_n3A_483 = arith.select %eq3A_480, %iota3A, %broadcast_in_dim3A_482 : vector<32x1xi1>, vector<32x1xi32>
    %reduce_min3A_484 = vector.shape_cast %select_n3A_483 : vector<32x1xi32> to vector<1x32x1xi32>
    %reduce_min3A_485 = arith.constant dense<2147483647> : vector<1xi32>
    %reduce_min3A_486 = vector.multi_reduction <minsi>, %reduce_min3A_484, %reduce_min3A_485 [1, 2] : vector<1x32x1xi32> to vector<1xi32>
    %reduce_min3A_487 = vector.shape_cast %reduce_min3A_486 : vector<1xi32> to vector<1x1x1xi32>
    %reduce_min3A_488 = vector.extract %reduce_min3A_487[0, 0, 0] : i32 from vector<1x1x1xi32>
    %eq3A_489 = arith.constant 11 : i32
    %eq3A_490 = vector.broadcast %eq3A_489 : i32 to vector<16x32xi32>
    %eq3A_491 = arith.cmpi eq, %iota3A_97, %eq3A_490 : vector<16x32xi32>
    %eq3A_492 = vector.broadcast %reduce_min3A_488 : i32 to vector<16x32xi32>
    %eq3A_493 = arith.cmpi eq, %iota3A_98, %eq3A_492 : vector<16x32xi32>
    %and3A_494 = arith.andi %eq3A_491, %eq3A_493 : vector<16x32xi1>
    %jit3A_495 = arith.constant 1.000000e+00 : f32
    %broadcast_in_dim3A_496 = vector.broadcast %jit3A_495 : f32 to vector<16x32xf32>
    %select_n3A_497 = arith.select %and3A_494, %broadcast_in_dim3A_496, %select_n3A_463 : vector<16x32xi1>, vector<16x32xf32>
    %eq3A_498 = arith.constant 11 : i32
    %eq3A_499 = vector.broadcast %eq3A_498 : i32 to vector<16x1xi32>
    %eq3A_500 = arith.cmpi eq, %iota3A_99, %eq3A_499 : vector<16x1xi32>
    %broadcast_in_dim3A_501 = vector.broadcast %reduce_max3A_478 : f32 to vector<16x1xf32>
    %select_n3A_502 = arith.select %eq3A_500, %broadcast_in_dim3A_501, %select_n3A_468 : vector<16x1xi1>, vector<16x1xf32>
    %eq3A_503 = vector.broadcast %reduce_min3A_488 : i32 to vector<32x1xi32>
    %eq3A_504 = arith.cmpi eq, %iota3A, %eq3A_503 : vector<32x1xi32>
    %jit3A_505 = arith.constant 0xFF800000 : f32
    %broadcast_in_dim3A_506 = vector.broadcast %jit3A_505 : f32 to vector<32x1xf32>
    %select_n3A_507 = arith.select %eq3A_504, %broadcast_in_dim3A_506, %select_n3A_473 : vector<32x1xi1>, vector<32x1xf32>
    %reduce_max3A_508 = vector.shape_cast %select_n3A_507 : vector<32x1xf32> to vector<1x32x1xf32>
    %reduce_max3A_509 = arith.constant dense<0xFF800000> : vector<1xf32>
    %reduce_max3A_510 = vector.multi_reduction <maximumf>, %reduce_max3A_508, %reduce_max3A_509 [1, 2] : vector<1x32x1xf32> to vector<1xf32>
    %reduce_max3A_511 = vector.shape_cast %reduce_max3A_510 : vector<1xf32> to vector<1x1x1xf32>
    %reduce_max3A_512 = vector.extract %reduce_max3A_511[0, 0, 0] : f32 from vector<1x1x1xf32>
    %eq3A_513 = vector.broadcast %reduce_max3A_512 : f32 to vector<32x1xf32>
    %eq3A_514 = arith.cmpf oeq, %select_n3A_507, %eq3A_513 : vector<32x1xf32>
    %jit3A_515 = arith.constant 1073741824 : i32
    %broadcast_in_dim3A_516 = vector.broadcast %jit3A_515 : i32 to vector<32x1xi32>
    %select_n3A_517 = arith.select %eq3A_514, %iota3A, %broadcast_in_dim3A_516 : vector<32x1xi1>, vector<32x1xi32>
    %reduce_min3A_518 = vector.shape_cast %select_n3A_517 : vector<32x1xi32> to vector<1x32x1xi32>
    %reduce_min3A_519 = arith.constant dense<2147483647> : vector<1xi32>
    %reduce_min3A_520 = vector.multi_reduction <minsi>, %reduce_min3A_518, %reduce_min3A_519 [1, 2] : vector<1x32x1xi32> to vector<1xi32>
    %reduce_min3A_521 = vector.shape_cast %reduce_min3A_520 : vector<1xi32> to vector<1x1x1xi32>
    %reduce_min3A_522 = vector.extract %reduce_min3A_521[0, 0, 0] : i32 from vector<1x1x1xi32>
    %eq3A_523 = arith.constant 12 : i32
    %eq3A_524 = vector.broadcast %eq3A_523 : i32 to vector<16x32xi32>
    %eq3A_525 = arith.cmpi eq, %iota3A_97, %eq3A_524 : vector<16x32xi32>
    %eq3A_526 = vector.broadcast %reduce_min3A_522 : i32 to vector<16x32xi32>
    %eq3A_527 = arith.cmpi eq, %iota3A_98, %eq3A_526 : vector<16x32xi32>
    %and3A_528 = arith.andi %eq3A_525, %eq3A_527 : vector<16x32xi1>
    %jit3A_529 = arith.constant 1.000000e+00 : f32
    %broadcast_in_dim3A_530 = vector.broadcast %jit3A_529 : f32 to vector<16x32xf32>
    %select_n3A_531 = arith.select %and3A_528, %broadcast_in_dim3A_530, %select_n3A_497 : vector<16x32xi1>, vector<16x32xf32>
    %eq3A_532 = arith.constant 12 : i32
    %eq3A_533 = vector.broadcast %eq3A_532 : i32 to vector<16x1xi32>
    %eq3A_534 = arith.cmpi eq, %iota3A_99, %eq3A_533 : vector<16x1xi32>
    %broadcast_in_dim3A_535 = vector.broadcast %reduce_max3A_512 : f32 to vector<16x1xf32>
    %select_n3A_536 = arith.select %eq3A_534, %broadcast_in_dim3A_535, %select_n3A_502 : vector<16x1xi1>, vector<16x1xf32>
    %eq3A_537 = vector.broadcast %reduce_min3A_522 : i32 to vector<32x1xi32>
    %eq3A_538 = arith.cmpi eq, %iota3A, %eq3A_537 : vector<32x1xi32>
    %jit3A_539 = arith.constant 0xFF800000 : f32
    %broadcast_in_dim3A_540 = vector.broadcast %jit3A_539 : f32 to vector<32x1xf32>
    %select_n3A_541 = arith.select %eq3A_538, %broadcast_in_dim3A_540, %select_n3A_507 : vector<32x1xi1>, vector<32x1xf32>
    %reduce_max3A_542 = vector.shape_cast %select_n3A_541 : vector<32x1xf32> to vector<1x32x1xf32>
    %reduce_max3A_543 = arith.constant dense<0xFF800000> : vector<1xf32>
    %reduce_max3A_544 = vector.multi_reduction <maximumf>, %reduce_max3A_542, %reduce_max3A_543 [1, 2] : vector<1x32x1xf32> to vector<1xf32>
    %reduce_max3A_545 = vector.shape_cast %reduce_max3A_544 : vector<1xf32> to vector<1x1x1xf32>
    %reduce_max3A_546 = vector.extract %reduce_max3A_545[0, 0, 0] : f32 from vector<1x1x1xf32>
    %eq3A_547 = vector.broadcast %reduce_max3A_546 : f32 to vector<32x1xf32>
    %eq3A_548 = arith.cmpf oeq, %select_n3A_541, %eq3A_547 : vector<32x1xf32>
    %jit3A_549 = arith.constant 1073741824 : i32
    %broadcast_in_dim3A_550 = vector.broadcast %jit3A_549 : i32 to vector<32x1xi32>
    %select_n3A_551 = arith.select %eq3A_548, %iota3A, %broadcast_in_dim3A_550 : vector<32x1xi1>, vector<32x1xi32>
    %reduce_min3A_552 = vector.shape_cast %select_n3A_551 : vector<32x1xi32> to vector<1x32x1xi32>
    %reduce_min3A_553 = arith.constant dense<2147483647> : vector<1xi32>
    %reduce_min3A_554 = vector.multi_reduction <minsi>, %reduce_min3A_552, %reduce_min3A_553 [1, 2] : vector<1x32x1xi32> to vector<1xi32>
    %reduce_min3A_555 = vector.shape_cast %reduce_min3A_554 : vector<1xi32> to vector<1x1x1xi32>
    %reduce_min3A_556 = vector.extract %reduce_min3A_555[0, 0, 0] : i32 from vector<1x1x1xi32>
    %eq3A_557 = arith.constant 13 : i32
    %eq3A_558 = vector.broadcast %eq3A_557 : i32 to vector<16x32xi32>
    %eq3A_559 = arith.cmpi eq, %iota3A_97, %eq3A_558 : vector<16x32xi32>
    %eq3A_560 = vector.broadcast %reduce_min3A_556 : i32 to vector<16x32xi32>
    %eq3A_561 = arith.cmpi eq, %iota3A_98, %eq3A_560 : vector<16x32xi32>
    %and3A_562 = arith.andi %eq3A_559, %eq3A_561 : vector<16x32xi1>
    %jit3A_563 = arith.constant 1.000000e+00 : f32
    %broadcast_in_dim3A_564 = vector.broadcast %jit3A_563 : f32 to vector<16x32xf32>
    %select_n3A_565 = arith.select %and3A_562, %broadcast_in_dim3A_564, %select_n3A_531 : vector<16x32xi1>, vector<16x32xf32>
    %eq3A_566 = arith.constant 13 : i32
    %eq3A_567 = vector.broadcast %eq3A_566 : i32 to vector<16x1xi32>
    %eq3A_568 = arith.cmpi eq, %iota3A_99, %eq3A_567 : vector<16x1xi32>
    %broadcast_in_dim3A_569 = vector.broadcast %reduce_max3A_546 : f32 to vector<16x1xf32>
    %select_n3A_570 = arith.select %eq3A_568, %broadcast_in_dim3A_569, %select_n3A_536 : vector<16x1xi1>, vector<16x1xf32>
    %eq3A_571 = vector.broadcast %reduce_min3A_556 : i32 to vector<32x1xi32>
    %eq3A_572 = arith.cmpi eq, %iota3A, %eq3A_571 : vector<32x1xi32>
    %jit3A_573 = arith.constant 0xFF800000 : f32
    %broadcast_in_dim3A_574 = vector.broadcast %jit3A_573 : f32 to vector<32x1xf32>
    %select_n3A_575 = arith.select %eq3A_572, %broadcast_in_dim3A_574, %select_n3A_541 : vector<32x1xi1>, vector<32x1xf32>
    %reduce_max3A_576 = vector.shape_cast %select_n3A_575 : vector<32x1xf32> to vector<1x32x1xf32>
    %reduce_max3A_577 = arith.constant dense<0xFF800000> : vector<1xf32>
    %reduce_max3A_578 = vector.multi_reduction <maximumf>, %reduce_max3A_576, %reduce_max3A_577 [1, 2] : vector<1x32x1xf32> to vector<1xf32>
    %reduce_max3A_579 = vector.shape_cast %reduce_max3A_578 : vector<1xf32> to vector<1x1x1xf32>
    %reduce_max3A_580 = vector.extract %reduce_max3A_579[0, 0, 0] : f32 from vector<1x1x1xf32>
    %eq3A_581 = vector.broadcast %reduce_max3A_580 : f32 to vector<32x1xf32>
    %eq3A_582 = arith.cmpf oeq, %select_n3A_575, %eq3A_581 : vector<32x1xf32>
    %jit3A_583 = arith.constant 1073741824 : i32
    %broadcast_in_dim3A_584 = vector.broadcast %jit3A_583 : i32 to vector<32x1xi32>
    %select_n3A_585 = arith.select %eq3A_582, %iota3A, %broadcast_in_dim3A_584 : vector<32x1xi1>, vector<32x1xi32>
    %reduce_min3A_586 = vector.shape_cast %select_n3A_585 : vector<32x1xi32> to vector<1x32x1xi32>
    %reduce_min3A_587 = arith.constant dense<2147483647> : vector<1xi32>
    %reduce_min3A_588 = vector.multi_reduction <minsi>, %reduce_min3A_586, %reduce_min3A_587 [1, 2] : vector<1x32x1xi32> to vector<1xi32>
    %reduce_min3A_589 = vector.shape_cast %reduce_min3A_588 : vector<1xi32> to vector<1x1x1xi32>
    %reduce_min3A_590 = vector.extract %reduce_min3A_589[0, 0, 0] : i32 from vector<1x1x1xi32>
    %eq3A_591 = arith.constant 14 : i32
    %eq3A_592 = vector.broadcast %eq3A_591 : i32 to vector<16x32xi32>
    %eq3A_593 = arith.cmpi eq, %iota3A_97, %eq3A_592 : vector<16x32xi32>
    %eq3A_594 = vector.broadcast %reduce_min3A_590 : i32 to vector<16x32xi32>
    %eq3A_595 = arith.cmpi eq, %iota3A_98, %eq3A_594 : vector<16x32xi32>
    %and3A_596 = arith.andi %eq3A_593, %eq3A_595 : vector<16x32xi1>
    %jit3A_597 = arith.constant 1.000000e+00 : f32
    %broadcast_in_dim3A_598 = vector.broadcast %jit3A_597 : f32 to vector<16x32xf32>
    %select_n3A_599 = arith.select %and3A_596, %broadcast_in_dim3A_598, %select_n3A_565 : vector<16x32xi1>, vector<16x32xf32>
    %eq3A_600 = arith.constant 14 : i32
    %eq3A_601 = vector.broadcast %eq3A_600 : i32 to vector<16x1xi32>
    %eq3A_602 = arith.cmpi eq, %iota3A_99, %eq3A_601 : vector<16x1xi32>
    %broadcast_in_dim3A_603 = vector.broadcast %reduce_max3A_580 : f32 to vector<16x1xf32>
    %select_n3A_604 = arith.select %eq3A_602, %broadcast_in_dim3A_603, %select_n3A_570 : vector<16x1xi1>, vector<16x1xf32>
    %eq3A_605 = vector.broadcast %reduce_min3A_590 : i32 to vector<32x1xi32>
    %eq3A_606 = arith.cmpi eq, %iota3A, %eq3A_605 : vector<32x1xi32>
    %jit3A_607 = arith.constant 0xFF800000 : f32
    %broadcast_in_dim3A_608 = vector.broadcast %jit3A_607 : f32 to vector<32x1xf32>
    %select_n3A_609 = arith.select %eq3A_606, %broadcast_in_dim3A_608, %select_n3A_575 : vector<32x1xi1>, vector<32x1xf32>
    %reduce_max3A_610 = vector.shape_cast %select_n3A_609 : vector<32x1xf32> to vector<1x32x1xf32>
    %reduce_max3A_611 = arith.constant dense<0xFF800000> : vector<1xf32>
    %reduce_max3A_612 = vector.multi_reduction <maximumf>, %reduce_max3A_610, %reduce_max3A_611 [1, 2] : vector<1x32x1xf32> to vector<1xf32>
    %reduce_max3A_613 = vector.shape_cast %reduce_max3A_612 : vector<1xf32> to vector<1x1x1xf32>
    %reduce_max3A_614 = vector.extract %reduce_max3A_613[0, 0, 0] : f32 from vector<1x1x1xf32>
    %eq3A_615 = vector.broadcast %reduce_max3A_614 : f32 to vector<32x1xf32>
    %eq3A_616 = arith.cmpf oeq, %select_n3A_609, %eq3A_615 : vector<32x1xf32>
    %jit3A_617 = arith.constant 1073741824 : i32
    %broadcast_in_dim3A_618 = vector.broadcast %jit3A_617 : i32 to vector<32x1xi32>
    %select_n3A_619 = arith.select %eq3A_616, %iota3A, %broadcast_in_dim3A_618 : vector<32x1xi1>, vector<32x1xi32>
    %reduce_min3A_620 = vector.shape_cast %select_n3A_619 : vector<32x1xi32> to vector<1x32x1xi32>
    %reduce_min3A_621 = arith.constant dense<2147483647> : vector<1xi32>
    %reduce_min3A_622 = vector.multi_reduction <minsi>, %reduce_min3A_620, %reduce_min3A_621 [1, 2] : vector<1x32x1xi32> to vector<1xi32>
    %reduce_min3A_623 = vector.shape_cast %reduce_min3A_622 : vector<1xi32> to vector<1x1x1xi32>
    %reduce_min3A_624 = vector.extract %reduce_min3A_623[0, 0, 0] : i32 from vector<1x1x1xi32>
    %eq3A_625 = arith.constant 15 : i32
    %eq3A_626 = vector.broadcast %eq3A_625 : i32 to vector<16x32xi32>
    %eq3A_627 = arith.cmpi eq, %iota3A_97, %eq3A_626 : vector<16x32xi32>
    %eq3A_628 = vector.broadcast %reduce_min3A_624 : i32 to vector<16x32xi32>
    %eq3A_629 = arith.cmpi eq, %iota3A_98, %eq3A_628 : vector<16x32xi32>
    %and3A_630 = arith.andi %eq3A_627, %eq3A_629 : vector<16x32xi1>
    %jit3A_631 = arith.constant 1.000000e+00 : f32
    %broadcast_in_dim3A_632 = vector.broadcast %jit3A_631 : f32 to vector<16x32xf32>
    %select_n3A_633 = arith.select %and3A_630, %broadcast_in_dim3A_632, %select_n3A_599 : vector<16x32xi1>, vector<16x32xf32>
    %eq3A_634 = arith.constant 15 : i32
    %eq3A_635 = vector.broadcast %eq3A_634 : i32 to vector<16x1xi32>
    %eq3A_636 = arith.cmpi eq, %iota3A_99, %eq3A_635 : vector<16x1xi32>
    %broadcast_in_dim3A_637 = vector.broadcast %reduce_max3A_614 : f32 to vector<16x1xf32>
    %select_n3A_638 = arith.select %eq3A_636, %broadcast_in_dim3A_637, %select_n3A_604 : vector<16x1xi1>, vector<16x1xf32>
    %dot_general3A_639 = arith.constant dense<0.000000e+00> : vector<16x256xf32>
    %dot_general3A_640 = tpu.matmul %select_n3A_633, %select_n3A_88, %dot_general3A_639 {dimension_numbers = #tpu.dot_dimension_numbers<[1], [0], [0], [1], [0, 0, 1, 1], [], []>, transpose_lhs_hint = false} : vector<16x32xf32>, vector<32x256xf32>, vector<16x256xf32> -> vector<16x256xf32>
    %tanh3A_641 = math.tanh %select_n3A_638 : vector<16x1xf32>
    %mul3A_642 = vector.broadcast %tanh3A_641 : vector<16x1xf32> to vector<16x256xf32>
    %mul3A_643 = arith.mulf %dot_general3A_640, %mul3A_642 : vector<16x256xf32>
    %dot_general3A_644 = arith.constant dense<0.000000e+00> : vector<16x32xf32>
    %dot_general3A_645 = tpu.matmul %select_n3A_633, %add3A, %dot_general3A_644 {dimension_numbers = #tpu.dot_dimension_numbers<[1], [0], [0], [1], [0, 0, 1, 1], [], []>, transpose_lhs_hint = false} : vector<16x32xf32>, vector<32x32xf32>, vector<16x32xf32> -> vector<16x32xf32>
    %dot_general3A_646 = arith.constant dense<0.000000e+00> : vector<16x16xf32>
    %dot_general3A_647 = tpu.matmul %dot_general3A_645, %select_n3A_633, %dot_general3A_646 {dimension_numbers = #tpu.dot_dimension_numbers<[1], [1], [0], [0], [0, 0, 1, 0], [], []>, transpose_lhs_hint = false} : vector<16x32xf32>, vector<16x32xf32>, vector<16x16xf32> -> vector<16x16xf32>
    %reduce_sum3A_648 = arith.constant dense<0.000000e+00> : vector<256xf32>
    %reduce_sum3A_649 = vector.multi_reduction <add>, %mul3A_643, %reduce_sum3A_648 [0] : vector<16x256xf32> to vector<256xf32>
    %broadcast_in_dim3A_650 = vector.shape_cast %reduce_sum3A_649 : vector<256xf32> to vector<1x256xf32>
    %reduce_max3A_651 = arith.constant dense<0xFF800000> : vector<256xf32>
    %reduce_max3A_652 = vector.multi_reduction <maximumf>, %mul3A_643, %reduce_max3A_651 [0] : vector<16x256xf32> to vector<256xf32>
    %broadcast_in_dim3A_653 = vector.shape_cast %reduce_max3A_652 : vector<256xf32> to vector<1x256xf32>
    %concatenate3A_654 = tpu.concatenate %broadcast_in_dim3A_650, %broadcast_in_dim3A_653 in 1 : vector<1x256xf32>, vector<1x256xf32> -> vector<1x512xf32>
    %get3A_655 = arith.constant 0 : index
    %get3A_656 = arith.constant 0 : index
    %get3A_657 = vector.load %arg9[%get3A_655, %get3A_656] : memref<256x256xf32, #tpu.memory_space<vmem>>, vector<256x256xf32>
    %get3A_658 = arith.constant 0 : index
    %get3A_659 = arith.constant 0 : index
    %get3A_660 = vector.load %arg10[%get3A_658, %get3A_659] : memref<1x256xf32, #tpu.memory_space<vmem>>, vector<1x256xf32>
    %get3A_661 = arith.constant 0 : index
    %get3A_662 = arith.constant 0 : index
    %get3A_663 = vector.load %arg13[%get3A_661, %get3A_662] : memref<256x1xf32, #tpu.memory_space<vmem>>, vector<256x1xf32>
    %get3A_664 = arith.constant 0 : index
    %get3A_665 = arith.constant 0 : index
    %get3A_666 = vector.load %arg14[%get3A_664, %get3A_665] : memref<1x1xf32, #tpu.memory_space<vmem>>, vector<1x1xf32>
    %get3A_667 = vector.extract %get3A_666[0, 0] : f32 from vector<1x1xf32>
    %reduce_sum3A_668 = arith.constant dense<0.000000e+00> : vector<16xf32>
    %reduce_sum3A_669 = vector.multi_reduction <add>, %dot_general3A_647, %reduce_sum3A_668 [1] : vector<16x16xf32> to vector<16xf32>
    %broadcast_in_dim3A_670 = vector.shape_cast %reduce_sum3A_669 : vector<16xf32> to vector<16x1xf32>
    %broadcast_in_dim3A_671 = arith.constant 1.000000e+00 : f32
    %broadcast_in_dim3A_672 = vector.broadcast %broadcast_in_dim3A_671 : f32 to vector<16x1xf32>
    %dot_general3A_673 = arith.constant dense<0.000000e+00> : vector<16x1xf32>
    %dot_general3A_674 = tpu.matmul %dot_general3A_647, %broadcast_in_dim3A_672, %dot_general3A_673 {dimension_numbers = #tpu.dot_dimension_numbers<[0], [0], [1], [1], [0, 1, 1, 1], [], []>, transpose_lhs_hint = false} : vector<16x16xf32>, vector<16x1xf32>, vector<16x1xf32> -> vector<16x1xf32>
    %max3A_675 = arith.constant 1.000000e+00 : f32
    %max3A_676 = vector.broadcast %max3A_675 : f32 to vector<16x1xf32>
    %max3A_677 = arith.maximumf %broadcast_in_dim3A_670, %max3A_676 : vector<16x1xf32>
    %rsqrt3A_678 = math.rsqrt %max3A_677 : vector<16x1xf32>
    %max3A_679 = arith.constant 1.000000e+00 : f32
    %max3A_680 = vector.broadcast %max3A_679 : f32 to vector<16x1xf32>
    %max3A_681 = arith.maximumf %dot_general3A_674, %max3A_680 : vector<16x1xf32>
    %rsqrt3A_682 = math.rsqrt %max3A_681 : vector<16x1xf32>
    %mul3A_683 = vector.broadcast %rsqrt3A_678 : vector<16x1xf32> to vector<16x256xf32>
    %mul3A_684 = arith.mulf %mul3A_643, %mul3A_683 : vector<16x256xf32>
    %dot_general3A_685 = arith.constant dense<0.000000e+00> : vector<16x256xf32>
    %dot_general3A_686 = tpu.matmul %dot_general3A_647, %mul3A_684, %dot_general3A_685 {dimension_numbers = #tpu.dot_dimension_numbers<[0], [0], [1], [1], [0, 1, 1, 1], [], []>, transpose_lhs_hint = false} : vector<16x16xf32>, vector<16x256xf32>, vector<16x256xf32> -> vector<16x256xf32>
    %mul3A_687 = vector.broadcast %rsqrt3A_682 : vector<16x1xf32> to vector<16x256xf32>
    %mul3A_688 = arith.mulf %dot_general3A_686, %mul3A_687 : vector<16x256xf32>
    %dot_general3A_689 = arith.constant dense<0.000000e+00> : vector<16x256xf32>
    %dot_general3A_690 = tpu.matmul %mul3A_688, %get3A_657, %dot_general3A_689 {dimension_numbers = #tpu.dot_dimension_numbers<[1], [0], [0], [1], [0, 0, 1, 1], [], []>, transpose_lhs_hint = false} : vector<16x256xf32>, vector<256x256xf32>, vector<16x256xf32> -> vector<16x256xf32>
    %add3A_691 = vector.broadcast %get3A_660 : vector<1x256xf32> to vector<16x256xf32>
    %add3A_692 = arith.addf %dot_general3A_690, %add3A_691 : vector<16x256xf32>
    %ge3A_693 = arith.constant 0.000000e+00 : f32
    %ge3A_694 = vector.broadcast %ge3A_693 : f32 to vector<16x256xf32>
    %ge3A_695 = arith.cmpf oge, %add3A_692, %ge3A_694 : vector<16x256xf32>
    %mul3A_696 = arith.constant 0.00999999977 : f32
    %mul3A_697 = vector.broadcast %mul3A_696 : f32 to vector<16x256xf32>
    %mul3A_698 = arith.mulf %mul3A_697, %add3A_692 : vector<16x256xf32>
    %select_n3A_699 = arith.select %ge3A_695, %add3A_692, %mul3A_698 : vector<16x256xi1>, vector<16x256xf32>
    %dot_general3A_700 = arith.constant dense<0.000000e+00> : vector<16x1xf32>
    %dot_general3A_701 = tpu.matmul %select_n3A_699, %get3A_663, %dot_general3A_700 {dimension_numbers = #tpu.dot_dimension_numbers<[1], [0], [0], [1], [0, 0, 1, 1], [], []>, transpose_lhs_hint = false} : vector<16x256xf32>, vector<256x1xf32>, vector<16x1xf32> -> vector<16x1xf32>
    %mul3A_702 = arith.mulf %rsqrt3A_678, %dot_general3A_701 : vector<16x1xf32>
    %dot_general3A_703 = arith.constant dense<0.000000e+00> : vector<16x1xf32>
    %dot_general3A_704 = tpu.matmul %dot_general3A_647, %mul3A_702, %dot_general3A_703 {dimension_numbers = #tpu.dot_dimension_numbers<[0], [0], [1], [1], [0, 1, 1, 1], [], []>, transpose_lhs_hint = false} : vector<16x16xf32>, vector<16x1xf32>, vector<16x1xf32> -> vector<16x1xf32>
    %mul3A_705 = arith.mulf %rsqrt3A_682, %dot_general3A_704 : vector<16x1xf32>
    %add3A_706 = vector.broadcast %get3A_667 : f32 to vector<16x1xf32>
    %add3A_707 = arith.addf %mul3A_705, %add3A_706 : vector<16x1xf32>
    %iota3A_708 = tpu.iota {dimensions = array<i32: 0>} : vector<16x1xi32>
    %iota3A_709 = tpu.iota {dimensions = array<i32: 0>} : vector<8x16xi32>
    %iota3A_710 = tpu.iota {dimensions = array<i32: 1>} : vector<8x16xi32>
    %iota3A_711 = tpu.iota {dimensions = array<i32: 0>} : vector<8x1xi32>
    %broadcast_in_dim3A_712 = arith.constant 0.000000e+00 : f32
    %broadcast_in_dim3A_713 = vector.broadcast %broadcast_in_dim3A_712 : f32 to vector<8x16xf32>
    %broadcast_in_dim3A_714 = arith.constant 0.000000e+00 : f32
    %broadcast_in_dim3A_715 = vector.broadcast %broadcast_in_dim3A_714 : f32 to vector<8x1xf32>
    %reduce_max3A_716 = vector.shape_cast %add3A_707 : vector<16x1xf32> to vector<1x16x1xf32>
    %reduce_max3A_717 = arith.constant dense<0xFF800000> : vector<1xf32>
    %reduce_max3A_718 = vector.multi_reduction <maximumf>, %reduce_max3A_716, %reduce_max3A_717 [1, 2] : vector<1x16x1xf32> to vector<1xf32>
    %reduce_max3A_719 = vector.shape_cast %reduce_max3A_718 : vector<1xf32> to vector<1x1x1xf32>
    %reduce_max3A_720 = vector.extract %reduce_max3A_719[0, 0, 0] : f32 from vector<1x1x1xf32>
    %eq3A_721 = vector.broadcast %reduce_max3A_720 : f32 to vector<16x1xf32>
    %eq3A_722 = arith.cmpf oeq, %add3A_707, %eq3A_721 : vector<16x1xf32>
    %jit3A_723 = arith.constant 1073741824 : i32
    %broadcast_in_dim3A_724 = vector.broadcast %jit3A_723 : i32 to vector<16x1xi32>
    %select_n3A_725 = arith.select %eq3A_722, %iota3A_708, %broadcast_in_dim3A_724 : vector<16x1xi1>, vector<16x1xi32>
    %reduce_min3A_726 = vector.shape_cast %select_n3A_725 : vector<16x1xi32> to vector<1x16x1xi32>
    %reduce_min3A_727 = arith.constant dense<2147483647> : vector<1xi32>
    %reduce_min3A_728 = vector.multi_reduction <minsi>, %reduce_min3A_726, %reduce_min3A_727 [1, 2] : vector<1x16x1xi32> to vector<1xi32>
    %reduce_min3A_729 = vector.shape_cast %reduce_min3A_728 : vector<1xi32> to vector<1x1x1xi32>
    %reduce_min3A_730 = vector.extract %reduce_min3A_729[0, 0, 0] : i32 from vector<1x1x1xi32>
    %eq3A_731 = arith.constant 0 : i32
    %eq3A_732 = vector.broadcast %eq3A_731 : i32 to vector<8x16xi32>
    %eq3A_733 = arith.cmpi eq, %iota3A_709, %eq3A_732 : vector<8x16xi32>
    %eq3A_734 = vector.broadcast %reduce_min3A_730 : i32 to vector<8x16xi32>
    %eq3A_735 = arith.cmpi eq, %iota3A_710, %eq3A_734 : vector<8x16xi32>
    %and3A_736 = arith.andi %eq3A_733, %eq3A_735 : vector<8x16xi1>
    %jit3A_737 = arith.constant 1.000000e+00 : f32
    %broadcast_in_dim3A_738 = vector.broadcast %jit3A_737 : f32 to vector<8x16xf32>
    %select_n3A_739 = arith.select %and3A_736, %broadcast_in_dim3A_738, %broadcast_in_dim3A_713 : vector<8x16xi1>, vector<8x16xf32>
    %eq3A_740 = arith.constant 0 : i32
    %eq3A_741 = vector.broadcast %eq3A_740 : i32 to vector<8x1xi32>
    %eq3A_742 = arith.cmpi eq, %iota3A_711, %eq3A_741 : vector<8x1xi32>
    %broadcast_in_dim3A_743 = vector.broadcast %reduce_max3A_720 : f32 to vector<8x1xf32>
    %select_n3A_744 = arith.select %eq3A_742, %broadcast_in_dim3A_743, %broadcast_in_dim3A_715 : vector<8x1xi1>, vector<8x1xf32>
    %eq3A_745 = vector.broadcast %reduce_min3A_730 : i32 to vector<16x1xi32>
    %eq3A_746 = arith.cmpi eq, %iota3A_708, %eq3A_745 : vector<16x1xi32>
    %jit3A_747 = arith.constant 0xFF800000 : f32
    %broadcast_in_dim3A_748 = vector.broadcast %jit3A_747 : f32 to vector<16x1xf32>
    %select_n3A_749 = arith.select %eq3A_746, %broadcast_in_dim3A_748, %add3A_707 : vector<16x1xi1>, vector<16x1xf32>
    %reduce_max3A_750 = vector.shape_cast %select_n3A_749 : vector<16x1xf32> to vector<1x16x1xf32>
    %reduce_max3A_751 = arith.constant dense<0xFF800000> : vector<1xf32>
    %reduce_max3A_752 = vector.multi_reduction <maximumf>, %reduce_max3A_750, %reduce_max3A_751 [1, 2] : vector<1x16x1xf32> to vector<1xf32>
    %reduce_max3A_753 = vector.shape_cast %reduce_max3A_752 : vector<1xf32> to vector<1x1x1xf32>
    %reduce_max3A_754 = vector.extract %reduce_max3A_753[0, 0, 0] : f32 from vector<1x1x1xf32>
    %eq3A_755 = vector.broadcast %reduce_max3A_754 : f32 to vector<16x1xf32>
    %eq3A_756 = arith.cmpf oeq, %select_n3A_749, %eq3A_755 : vector<16x1xf32>
    %jit3A_757 = arith.constant 1073741824 : i32
    %broadcast_in_dim3A_758 = vector.broadcast %jit3A_757 : i32 to vector<16x1xi32>
    %select_n3A_759 = arith.select %eq3A_756, %iota3A_708, %broadcast_in_dim3A_758 : vector<16x1xi1>, vector<16x1xi32>
    %reduce_min3A_760 = vector.shape_cast %select_n3A_759 : vector<16x1xi32> to vector<1x16x1xi32>
    %reduce_min3A_761 = arith.constant dense<2147483647> : vector<1xi32>
    %reduce_min3A_762 = vector.multi_reduction <minsi>, %reduce_min3A_760, %reduce_min3A_761 [1, 2] : vector<1x16x1xi32> to vector<1xi32>
    %reduce_min3A_763 = vector.shape_cast %reduce_min3A_762 : vector<1xi32> to vector<1x1x1xi32>
    %reduce_min3A_764 = vector.extract %reduce_min3A_763[0, 0, 0] : i32 from vector<1x1x1xi32>
    %eq3A_765 = arith.constant 1 : i32
    %eq3A_766 = vector.broadcast %eq3A_765 : i32 to vector<8x16xi32>
    %eq3A_767 = arith.cmpi eq, %iota3A_709, %eq3A_766 : vector<8x16xi32>
    %eq3A_768 = vector.broadcast %reduce_min3A_764 : i32 to vector<8x16xi32>
    %eq3A_769 = arith.cmpi eq, %iota3A_710, %eq3A_768 : vector<8x16xi32>
    %and3A_770 = arith.andi %eq3A_767, %eq3A_769 : vector<8x16xi1>
    %jit3A_771 = arith.constant 1.000000e+00 : f32
    %broadcast_in_dim3A_772 = vector.broadcast %jit3A_771 : f32 to vector<8x16xf32>
    %select_n3A_773 = arith.select %and3A_770, %broadcast_in_dim3A_772, %select_n3A_739 : vector<8x16xi1>, vector<8x16xf32>
    %eq3A_774 = arith.constant 1 : i32
    %eq3A_775 = vector.broadcast %eq3A_774 : i32 to vector<8x1xi32>
    %eq3A_776 = arith.cmpi eq, %iota3A_711, %eq3A_775 : vector<8x1xi32>
    %broadcast_in_dim3A_777 = vector.broadcast %reduce_max3A_754 : f32 to vector<8x1xf32>
    %select_n3A_778 = arith.select %eq3A_776, %broadcast_in_dim3A_777, %select_n3A_744 : vector<8x1xi1>, vector<8x1xf32>
    %eq3A_779 = vector.broadcast %reduce_min3A_764 : i32 to vector<16x1xi32>
    %eq3A_780 = arith.cmpi eq, %iota3A_708, %eq3A_779 : vector<16x1xi32>
    %jit3A_781 = arith.constant 0xFF800000 : f32
    %broadcast_in_dim3A_782 = vector.broadcast %jit3A_781 : f32 to vector<16x1xf32>
    %select_n3A_783 = arith.select %eq3A_780, %broadcast_in_dim3A_782, %select_n3A_749 : vector<16x1xi1>, vector<16x1xf32>
    %reduce_max3A_784 = vector.shape_cast %select_n3A_783 : vector<16x1xf32> to vector<1x16x1xf32>
    %reduce_max3A_785 = arith.constant dense<0xFF800000> : vector<1xf32>
    %reduce_max3A_786 = vector.multi_reduction <maximumf>, %reduce_max3A_784, %reduce_max3A_785 [1, 2] : vector<1x16x1xf32> to vector<1xf32>
    %reduce_max3A_787 = vector.shape_cast %reduce_max3A_786 : vector<1xf32> to vector<1x1x1xf32>
    %reduce_max3A_788 = vector.extract %reduce_max3A_787[0, 0, 0] : f32 from vector<1x1x1xf32>
    %eq3A_789 = vector.broadcast %reduce_max3A_788 : f32 to vector<16x1xf32>
    %eq3A_790 = arith.cmpf oeq, %select_n3A_783, %eq3A_789 : vector<16x1xf32>
    %jit3A_791 = arith.constant 1073741824 : i32
    %broadcast_in_dim3A_792 = vector.broadcast %jit3A_791 : i32 to vector<16x1xi32>
    %select_n3A_793 = arith.select %eq3A_790, %iota3A_708, %broadcast_in_dim3A_792 : vector<16x1xi1>, vector<16x1xi32>
    %reduce_min3A_794 = vector.shape_cast %select_n3A_793 : vector<16x1xi32> to vector<1x16x1xi32>
    %reduce_min3A_795 = arith.constant dense<2147483647> : vector<1xi32>
    %reduce_min3A_796 = vector.multi_reduction <minsi>, %reduce_min3A_794, %reduce_min3A_795 [1, 2] : vector<1x16x1xi32> to vector<1xi32>
    %reduce_min3A_797 = vector.shape_cast %reduce_min3A_796 : vector<1xi32> to vector<1x1x1xi32>
    %reduce_min3A_798 = vector.extract %reduce_min3A_797[0, 0, 0] : i32 from vector<1x1x1xi32>
    %eq3A_799 = arith.constant 2 : i32
    %eq3A_800 = vector.broadcast %eq3A_799 : i32 to vector<8x16xi32>
    %eq3A_801 = arith.cmpi eq, %iota3A_709, %eq3A_800 : vector<8x16xi32>
    %eq3A_802 = vector.broadcast %reduce_min3A_798 : i32 to vector<8x16xi32>
    %eq3A_803 = arith.cmpi eq, %iota3A_710, %eq3A_802 : vector<8x16xi32>
    %and3A_804 = arith.andi %eq3A_801, %eq3A_803 : vector<8x16xi1>
    %jit3A_805 = arith.constant 1.000000e+00 : f32
    %broadcast_in_dim3A_806 = vector.broadcast %jit3A_805 : f32 to vector<8x16xf32>
    %select_n3A_807 = arith.select %and3A_804, %broadcast_in_dim3A_806, %select_n3A_773 : vector<8x16xi1>, vector<8x16xf32>
    %eq3A_808 = arith.constant 2 : i32
    %eq3A_809 = vector.broadcast %eq3A_808 : i32 to vector<8x1xi32>
    %eq3A_810 = arith.cmpi eq, %iota3A_711, %eq3A_809 : vector<8x1xi32>
    %broadcast_in_dim3A_811 = vector.broadcast %reduce_max3A_788 : f32 to vector<8x1xf32>
    %select_n3A_812 = arith.select %eq3A_810, %broadcast_in_dim3A_811, %select_n3A_778 : vector<8x1xi1>, vector<8x1xf32>
    %eq3A_813 = vector.broadcast %reduce_min3A_798 : i32 to vector<16x1xi32>
    %eq3A_814 = arith.cmpi eq, %iota3A_708, %eq3A_813 : vector<16x1xi32>
    %jit3A_815 = arith.constant 0xFF800000 : f32
    %broadcast_in_dim3A_816 = vector.broadcast %jit3A_815 : f32 to vector<16x1xf32>
    %select_n3A_817 = arith.select %eq3A_814, %broadcast_in_dim3A_816, %select_n3A_783 : vector<16x1xi1>, vector<16x1xf32>
    %reduce_max3A_818 = vector.shape_cast %select_n3A_817 : vector<16x1xf32> to vector<1x16x1xf32>
    %reduce_max3A_819 = arith.constant dense<0xFF800000> : vector<1xf32>
    %reduce_max3A_820 = vector.multi_reduction <maximumf>, %reduce_max3A_818, %reduce_max3A_819 [1, 2] : vector<1x16x1xf32> to vector<1xf32>
    %reduce_max3A_821 = vector.shape_cast %reduce_max3A_820 : vector<1xf32> to vector<1x1x1xf32>
    %reduce_max3A_822 = vector.extract %reduce_max3A_821[0, 0, 0] : f32 from vector<1x1x1xf32>
    %eq3A_823 = vector.broadcast %reduce_max3A_822 : f32 to vector<16x1xf32>
    %eq3A_824 = arith.cmpf oeq, %select_n3A_817, %eq3A_823 : vector<16x1xf32>
    %jit3A_825 = arith.constant 1073741824 : i32
    %broadcast_in_dim3A_826 = vector.broadcast %jit3A_825 : i32 to vector<16x1xi32>
    %select_n3A_827 = arith.select %eq3A_824, %iota3A_708, %broadcast_in_dim3A_826 : vector<16x1xi1>, vector<16x1xi32>
    %reduce_min3A_828 = vector.shape_cast %select_n3A_827 : vector<16x1xi32> to vector<1x16x1xi32>
    %reduce_min3A_829 = arith.constant dense<2147483647> : vector<1xi32>
    %reduce_min3A_830 = vector.multi_reduction <minsi>, %reduce_min3A_828, %reduce_min3A_829 [1, 2] : vector<1x16x1xi32> to vector<1xi32>
    %reduce_min3A_831 = vector.shape_cast %reduce_min3A_830 : vector<1xi32> to vector<1x1x1xi32>
    %reduce_min3A_832 = vector.extract %reduce_min3A_831[0, 0, 0] : i32 from vector<1x1x1xi32>
    %eq3A_833 = arith.constant 3 : i32
    %eq3A_834 = vector.broadcast %eq3A_833 : i32 to vector<8x16xi32>
    %eq3A_835 = arith.cmpi eq, %iota3A_709, %eq3A_834 : vector<8x16xi32>
    %eq3A_836 = vector.broadcast %reduce_min3A_832 : i32 to vector<8x16xi32>
    %eq3A_837 = arith.cmpi eq, %iota3A_710, %eq3A_836 : vector<8x16xi32>
    %and3A_838 = arith.andi %eq3A_835, %eq3A_837 : vector<8x16xi1>
    %jit3A_839 = arith.constant 1.000000e+00 : f32
    %broadcast_in_dim3A_840 = vector.broadcast %jit3A_839 : f32 to vector<8x16xf32>
    %select_n3A_841 = arith.select %and3A_838, %broadcast_in_dim3A_840, %select_n3A_807 : vector<8x16xi1>, vector<8x16xf32>
    %eq3A_842 = arith.constant 3 : i32
    %eq3A_843 = vector.broadcast %eq3A_842 : i32 to vector<8x1xi32>
    %eq3A_844 = arith.cmpi eq, %iota3A_711, %eq3A_843 : vector<8x1xi32>
    %broadcast_in_dim3A_845 = vector.broadcast %reduce_max3A_822 : f32 to vector<8x1xf32>
    %select_n3A_846 = arith.select %eq3A_844, %broadcast_in_dim3A_845, %select_n3A_812 : vector<8x1xi1>, vector<8x1xf32>
    %eq3A_847 = vector.broadcast %reduce_min3A_832 : i32 to vector<16x1xi32>
    %eq3A_848 = arith.cmpi eq, %iota3A_708, %eq3A_847 : vector<16x1xi32>
    %jit3A_849 = arith.constant 0xFF800000 : f32
    %broadcast_in_dim3A_850 = vector.broadcast %jit3A_849 : f32 to vector<16x1xf32>
    %select_n3A_851 = arith.select %eq3A_848, %broadcast_in_dim3A_850, %select_n3A_817 : vector<16x1xi1>, vector<16x1xf32>
    %reduce_max3A_852 = vector.shape_cast %select_n3A_851 : vector<16x1xf32> to vector<1x16x1xf32>
    %reduce_max3A_853 = arith.constant dense<0xFF800000> : vector<1xf32>
    %reduce_max3A_854 = vector.multi_reduction <maximumf>, %reduce_max3A_852, %reduce_max3A_853 [1, 2] : vector<1x16x1xf32> to vector<1xf32>
    %reduce_max3A_855 = vector.shape_cast %reduce_max3A_854 : vector<1xf32> to vector<1x1x1xf32>
    %reduce_max3A_856 = vector.extract %reduce_max3A_855[0, 0, 0] : f32 from vector<1x1x1xf32>
    %eq3A_857 = vector.broadcast %reduce_max3A_856 : f32 to vector<16x1xf32>
    %eq3A_858 = arith.cmpf oeq, %select_n3A_851, %eq3A_857 : vector<16x1xf32>
    %jit3A_859 = arith.constant 1073741824 : i32
    %broadcast_in_dim3A_860 = vector.broadcast %jit3A_859 : i32 to vector<16x1xi32>
    %select_n3A_861 = arith.select %eq3A_858, %iota3A_708, %broadcast_in_dim3A_860 : vector<16x1xi1>, vector<16x1xi32>
    %reduce_min3A_862 = vector.shape_cast %select_n3A_861 : vector<16x1xi32> to vector<1x16x1xi32>
    %reduce_min3A_863 = arith.constant dense<2147483647> : vector<1xi32>
    %reduce_min3A_864 = vector.multi_reduction <minsi>, %reduce_min3A_862, %reduce_min3A_863 [1, 2] : vector<1x16x1xi32> to vector<1xi32>
    %reduce_min3A_865 = vector.shape_cast %reduce_min3A_864 : vector<1xi32> to vector<1x1x1xi32>
    %reduce_min3A_866 = vector.extract %reduce_min3A_865[0, 0, 0] : i32 from vector<1x1x1xi32>
    %eq3A_867 = arith.constant 4 : i32
    %eq3A_868 = vector.broadcast %eq3A_867 : i32 to vector<8x16xi32>
    %eq3A_869 = arith.cmpi eq, %iota3A_709, %eq3A_868 : vector<8x16xi32>
    %eq3A_870 = vector.broadcast %reduce_min3A_866 : i32 to vector<8x16xi32>
    %eq3A_871 = arith.cmpi eq, %iota3A_710, %eq3A_870 : vector<8x16xi32>
    %and3A_872 = arith.andi %eq3A_869, %eq3A_871 : vector<8x16xi1>
    %jit3A_873 = arith.constant 1.000000e+00 : f32
    %broadcast_in_dim3A_874 = vector.broadcast %jit3A_873 : f32 to vector<8x16xf32>
    %select_n3A_875 = arith.select %and3A_872, %broadcast_in_dim3A_874, %select_n3A_841 : vector<8x16xi1>, vector<8x16xf32>
    %eq3A_876 = arith.constant 4 : i32
    %eq3A_877 = vector.broadcast %eq3A_876 : i32 to vector<8x1xi32>
    %eq3A_878 = arith.cmpi eq, %iota3A_711, %eq3A_877 : vector<8x1xi32>
    %broadcast_in_dim3A_879 = vector.broadcast %reduce_max3A_856 : f32 to vector<8x1xf32>
    %select_n3A_880 = arith.select %eq3A_878, %broadcast_in_dim3A_879, %select_n3A_846 : vector<8x1xi1>, vector<8x1xf32>
    %eq3A_881 = vector.broadcast %reduce_min3A_866 : i32 to vector<16x1xi32>
    %eq3A_882 = arith.cmpi eq, %iota3A_708, %eq3A_881 : vector<16x1xi32>
    %jit3A_883 = arith.constant 0xFF800000 : f32
    %broadcast_in_dim3A_884 = vector.broadcast %jit3A_883 : f32 to vector<16x1xf32>
    %select_n3A_885 = arith.select %eq3A_882, %broadcast_in_dim3A_884, %select_n3A_851 : vector<16x1xi1>, vector<16x1xf32>
    %reduce_max3A_886 = vector.shape_cast %select_n3A_885 : vector<16x1xf32> to vector<1x16x1xf32>
    %reduce_max3A_887 = arith.constant dense<0xFF800000> : vector<1xf32>
    %reduce_max3A_888 = vector.multi_reduction <maximumf>, %reduce_max3A_886, %reduce_max3A_887 [1, 2] : vector<1x16x1xf32> to vector<1xf32>
    %reduce_max3A_889 = vector.shape_cast %reduce_max3A_888 : vector<1xf32> to vector<1x1x1xf32>
    %reduce_max3A_890 = vector.extract %reduce_max3A_889[0, 0, 0] : f32 from vector<1x1x1xf32>
    %eq3A_891 = vector.broadcast %reduce_max3A_890 : f32 to vector<16x1xf32>
    %eq3A_892 = arith.cmpf oeq, %select_n3A_885, %eq3A_891 : vector<16x1xf32>
    %jit3A_893 = arith.constant 1073741824 : i32
    %broadcast_in_dim3A_894 = vector.broadcast %jit3A_893 : i32 to vector<16x1xi32>
    %select_n3A_895 = arith.select %eq3A_892, %iota3A_708, %broadcast_in_dim3A_894 : vector<16x1xi1>, vector<16x1xi32>
    %reduce_min3A_896 = vector.shape_cast %select_n3A_895 : vector<16x1xi32> to vector<1x16x1xi32>
    %reduce_min3A_897 = arith.constant dense<2147483647> : vector<1xi32>
    %reduce_min3A_898 = vector.multi_reduction <minsi>, %reduce_min3A_896, %reduce_min3A_897 [1, 2] : vector<1x16x1xi32> to vector<1xi32>
    %reduce_min3A_899 = vector.shape_cast %reduce_min3A_898 : vector<1xi32> to vector<1x1x1xi32>
    %reduce_min3A_900 = vector.extract %reduce_min3A_899[0, 0, 0] : i32 from vector<1x1x1xi32>
    %eq3A_901 = arith.constant 5 : i32
    %eq3A_902 = vector.broadcast %eq3A_901 : i32 to vector<8x16xi32>
    %eq3A_903 = arith.cmpi eq, %iota3A_709, %eq3A_902 : vector<8x16xi32>
    %eq3A_904 = vector.broadcast %reduce_min3A_900 : i32 to vector<8x16xi32>
    %eq3A_905 = arith.cmpi eq, %iota3A_710, %eq3A_904 : vector<8x16xi32>
    %and3A_906 = arith.andi %eq3A_903, %eq3A_905 : vector<8x16xi1>
    %jit3A_907 = arith.constant 1.000000e+00 : f32
    %broadcast_in_dim3A_908 = vector.broadcast %jit3A_907 : f32 to vector<8x16xf32>
    %select_n3A_909 = arith.select %and3A_906, %broadcast_in_dim3A_908, %select_n3A_875 : vector<8x16xi1>, vector<8x16xf32>
    %eq3A_910 = arith.constant 5 : i32
    %eq3A_911 = vector.broadcast %eq3A_910 : i32 to vector<8x1xi32>
    %eq3A_912 = arith.cmpi eq, %iota3A_711, %eq3A_911 : vector<8x1xi32>
    %broadcast_in_dim3A_913 = vector.broadcast %reduce_max3A_890 : f32 to vector<8x1xf32>
    %select_n3A_914 = arith.select %eq3A_912, %broadcast_in_dim3A_913, %select_n3A_880 : vector<8x1xi1>, vector<8x1xf32>
    %eq3A_915 = vector.broadcast %reduce_min3A_900 : i32 to vector<16x1xi32>
    %eq3A_916 = arith.cmpi eq, %iota3A_708, %eq3A_915 : vector<16x1xi32>
    %jit3A_917 = arith.constant 0xFF800000 : f32
    %broadcast_in_dim3A_918 = vector.broadcast %jit3A_917 : f32 to vector<16x1xf32>
    %select_n3A_919 = arith.select %eq3A_916, %broadcast_in_dim3A_918, %select_n3A_885 : vector<16x1xi1>, vector<16x1xf32>
    %reduce_max3A_920 = vector.shape_cast %select_n3A_919 : vector<16x1xf32> to vector<1x16x1xf32>
    %reduce_max3A_921 = arith.constant dense<0xFF800000> : vector<1xf32>
    %reduce_max3A_922 = vector.multi_reduction <maximumf>, %reduce_max3A_920, %reduce_max3A_921 [1, 2] : vector<1x16x1xf32> to vector<1xf32>
    %reduce_max3A_923 = vector.shape_cast %reduce_max3A_922 : vector<1xf32> to vector<1x1x1xf32>
    %reduce_max3A_924 = vector.extract %reduce_max3A_923[0, 0, 0] : f32 from vector<1x1x1xf32>
    %eq3A_925 = vector.broadcast %reduce_max3A_924 : f32 to vector<16x1xf32>
    %eq3A_926 = arith.cmpf oeq, %select_n3A_919, %eq3A_925 : vector<16x1xf32>
    %jit3A_927 = arith.constant 1073741824 : i32
    %broadcast_in_dim3A_928 = vector.broadcast %jit3A_927 : i32 to vector<16x1xi32>
    %select_n3A_929 = arith.select %eq3A_926, %iota3A_708, %broadcast_in_dim3A_928 : vector<16x1xi1>, vector<16x1xi32>
    %reduce_min3A_930 = vector.shape_cast %select_n3A_929 : vector<16x1xi32> to vector<1x16x1xi32>
    %reduce_min3A_931 = arith.constant dense<2147483647> : vector<1xi32>
    %reduce_min3A_932 = vector.multi_reduction <minsi>, %reduce_min3A_930, %reduce_min3A_931 [1, 2] : vector<1x16x1xi32> to vector<1xi32>
    %reduce_min3A_933 = vector.shape_cast %reduce_min3A_932 : vector<1xi32> to vector<1x1x1xi32>
    %reduce_min3A_934 = vector.extract %reduce_min3A_933[0, 0, 0] : i32 from vector<1x1x1xi32>
    %eq3A_935 = arith.constant 6 : i32
    %eq3A_936 = vector.broadcast %eq3A_935 : i32 to vector<8x16xi32>
    %eq3A_937 = arith.cmpi eq, %iota3A_709, %eq3A_936 : vector<8x16xi32>
    %eq3A_938 = vector.broadcast %reduce_min3A_934 : i32 to vector<8x16xi32>
    %eq3A_939 = arith.cmpi eq, %iota3A_710, %eq3A_938 : vector<8x16xi32>
    %and3A_940 = arith.andi %eq3A_937, %eq3A_939 : vector<8x16xi1>
    %jit3A_941 = arith.constant 1.000000e+00 : f32
    %broadcast_in_dim3A_942 = vector.broadcast %jit3A_941 : f32 to vector<8x16xf32>
    %select_n3A_943 = arith.select %and3A_940, %broadcast_in_dim3A_942, %select_n3A_909 : vector<8x16xi1>, vector<8x16xf32>
    %eq3A_944 = arith.constant 6 : i32
    %eq3A_945 = vector.broadcast %eq3A_944 : i32 to vector<8x1xi32>
    %eq3A_946 = arith.cmpi eq, %iota3A_711, %eq3A_945 : vector<8x1xi32>
    %broadcast_in_dim3A_947 = vector.broadcast %reduce_max3A_924 : f32 to vector<8x1xf32>
    %select_n3A_948 = arith.select %eq3A_946, %broadcast_in_dim3A_947, %select_n3A_914 : vector<8x1xi1>, vector<8x1xf32>
    %eq3A_949 = vector.broadcast %reduce_min3A_934 : i32 to vector<16x1xi32>
    %eq3A_950 = arith.cmpi eq, %iota3A_708, %eq3A_949 : vector<16x1xi32>
    %jit3A_951 = arith.constant 0xFF800000 : f32
    %broadcast_in_dim3A_952 = vector.broadcast %jit3A_951 : f32 to vector<16x1xf32>
    %select_n3A_953 = arith.select %eq3A_950, %broadcast_in_dim3A_952, %select_n3A_919 : vector<16x1xi1>, vector<16x1xf32>
    %reduce_max3A_954 = vector.shape_cast %select_n3A_953 : vector<16x1xf32> to vector<1x16x1xf32>
    %reduce_max3A_955 = arith.constant dense<0xFF800000> : vector<1xf32>
    %reduce_max3A_956 = vector.multi_reduction <maximumf>, %reduce_max3A_954, %reduce_max3A_955 [1, 2] : vector<1x16x1xf32> to vector<1xf32>
    %reduce_max3A_957 = vector.shape_cast %reduce_max3A_956 : vector<1xf32> to vector<1x1x1xf32>
    %reduce_max3A_958 = vector.extract %reduce_max3A_957[0, 0, 0] : f32 from vector<1x1x1xf32>
    %eq3A_959 = vector.broadcast %reduce_max3A_958 : f32 to vector<16x1xf32>
    %eq3A_960 = arith.cmpf oeq, %select_n3A_953, %eq3A_959 : vector<16x1xf32>
    %jit3A_961 = arith.constant 1073741824 : i32
    %broadcast_in_dim3A_962 = vector.broadcast %jit3A_961 : i32 to vector<16x1xi32>
    %select_n3A_963 = arith.select %eq3A_960, %iota3A_708, %broadcast_in_dim3A_962 : vector<16x1xi1>, vector<16x1xi32>
    %reduce_min3A_964 = vector.shape_cast %select_n3A_963 : vector<16x1xi32> to vector<1x16x1xi32>
    %reduce_min3A_965 = arith.constant dense<2147483647> : vector<1xi32>
    %reduce_min3A_966 = vector.multi_reduction <minsi>, %reduce_min3A_964, %reduce_min3A_965 [1, 2] : vector<1x16x1xi32> to vector<1xi32>
    %reduce_min3A_967 = vector.shape_cast %reduce_min3A_966 : vector<1xi32> to vector<1x1x1xi32>
    %reduce_min3A_968 = vector.extract %reduce_min3A_967[0, 0, 0] : i32 from vector<1x1x1xi32>
    %eq3A_969 = arith.constant 7 : i32
    %eq3A_970 = vector.broadcast %eq3A_969 : i32 to vector<8x16xi32>
    %eq3A_971 = arith.cmpi eq, %iota3A_709, %eq3A_970 : vector<8x16xi32>
    %eq3A_972 = vector.broadcast %reduce_min3A_968 : i32 to vector<8x16xi32>
    %eq3A_973 = arith.cmpi eq, %iota3A_710, %eq3A_972 : vector<8x16xi32>
    %and3A_974 = arith.andi %eq3A_971, %eq3A_973 : vector<8x16xi1>
    %jit3A_975 = arith.constant 1.000000e+00 : f32
    %broadcast_in_dim3A_976 = vector.broadcast %jit3A_975 : f32 to vector<8x16xf32>
    %select_n3A_977 = arith.select %and3A_974, %broadcast_in_dim3A_976, %select_n3A_943 : vector<8x16xi1>, vector<8x16xf32>
    %eq3A_978 = arith.constant 7 : i32
    %eq3A_979 = vector.broadcast %eq3A_978 : i32 to vector<8x1xi32>
    %eq3A_980 = arith.cmpi eq, %iota3A_711, %eq3A_979 : vector<8x1xi32>
    %broadcast_in_dim3A_981 = vector.broadcast %reduce_max3A_958 : f32 to vector<8x1xf32>
    %select_n3A_982 = arith.select %eq3A_980, %broadcast_in_dim3A_981, %select_n3A_948 : vector<8x1xi1>, vector<8x1xf32>
    %dot_general3A_983 = arith.constant dense<0.000000e+00> : vector<8x256xf32>
    %dot_general3A_984 = tpu.matmul %select_n3A_977, %select_n3A_699, %dot_general3A_983 {dimension_numbers = #tpu.dot_dimension_numbers<[1], [0], [0], [1], [0, 0, 1, 1], [], []>, transpose_lhs_hint = false} : vector<8x16xf32>, vector<16x256xf32>, vector<8x256xf32> -> vector<8x256xf32>
    %tanh3A_985 = math.tanh %select_n3A_982 : vector<8x1xf32>
    %mul3A_986 = vector.broadcast %tanh3A_985 : vector<8x1xf32> to vector<8x256xf32>
    %mul3A_987 = arith.mulf %dot_general3A_984, %mul3A_986 : vector<8x256xf32>
    %reduce_sum3A_988 = arith.constant dense<0.000000e+00> : vector<256xf32>
    %reduce_sum3A_989 = vector.multi_reduction <add>, %mul3A_987, %reduce_sum3A_988 [0] : vector<8x256xf32> to vector<256xf32>
    %broadcast_in_dim3A_990 = vector.shape_cast %reduce_sum3A_989 : vector<256xf32> to vector<1x256xf32>
    %reduce_max3A_991 = arith.constant dense<0xFF800000> : vector<256xf32>
    %reduce_max3A_992 = vector.multi_reduction <maximumf>, %mul3A_987, %reduce_max3A_991 [0] : vector<8x256xf32> to vector<256xf32>
    %broadcast_in_dim3A_993 = vector.shape_cast %reduce_max3A_992 : vector<256xf32> to vector<1x256xf32>
    %concatenate3A_994 = tpu.concatenate %broadcast_in_dim3A_990, %broadcast_in_dim3A_993 in 1 : vector<1x256xf32>, vector<1x256xf32> -> vector<1x512xf32>
    %concatenate3A_995 = tpu.concatenate %concatenate3A, %concatenate3A_654, %concatenate3A_994 in 1 : vector<1x512xf32>, vector<1x512xf32>, vector<1x512xf32> -> vector<1x1536xf32>
    %get3A_996 = arith.constant 0 : index
    %get3A_997 = arith.constant 0 : index
    %get3A_998 = vector.load %arg15[%get3A_996, %get3A_997] : memref<1536x128xf32, #tpu.memory_space<vmem>>, vector<1536x128xf32>
    %dot_general3A_999 = arith.constant dense<0.000000e+00> : vector<1x128xf32>
    %dot_general3A_1000 = tpu.matmul %concatenate3A_995, %get3A_998, %dot_general3A_999 {dimension_numbers = #tpu.dot_dimension_numbers<[1], [0], [0], [1], [0, 0, 1, 1], [], []>, transpose_lhs_hint = false} : vector<1x1536xf32>, vector<1536x128xf32>, vector<1x128xf32> -> vector<1x128xf32>
    %get3A_1001 = arith.constant 0 : index
    %get3A_1002 = arith.constant 0 : index
    %get3A_1003 = vector.load %arg16[%get3A_1001, %get3A_1002] : memref<1x128xf32, #tpu.memory_space<vmem>>, vector<1x128xf32>
    %add3A_1004 = arith.addf %dot_general3A_1000, %get3A_1003 : vector<1x128xf32>
    %ge3A_1005 = arith.constant 0.000000e+00 : f32
    %ge3A_1006 = vector.broadcast %ge3A_1005 : f32 to vector<1x128xf32>
    %ge3A_1007 = arith.cmpf oge, %add3A_1004, %ge3A_1006 : vector<1x128xf32>
    %mul3A_1008 = arith.constant 0.00999999977 : f32
    %mul3A_1009 = vector.broadcast %mul3A_1008 : f32 to vector<1x128xf32>
    %mul3A_1010 = arith.mulf %mul3A_1009, %add3A_1004 : vector<1x128xf32>
    %select_n3A_1011 = arith.select %ge3A_1007, %add3A_1004, %mul3A_1010 : vector<1x128xi1>, vector<1x128xf32>
    %get3A_1012 = arith.constant 0 : index
    %get3A_1013 = arith.constant 0 : index
    %get3A_1014 = vector.load %arg17[%get3A_1012, %get3A_1013] : memref<128x2xf32, #tpu.memory_space<vmem>>, vector<128x2xf32>
    %dot_general3A_1015 = arith.constant dense<0.000000e+00> : vector<1x2xf32>
    %dot_general3A_1016 = tpu.matmul %select_n3A_1011, %get3A_1014, %dot_general3A_1015 {dimension_numbers = #tpu.dot_dimension_numbers<[1], [0], [0], [1], [0, 0, 1, 1], [], []>, transpose_lhs_hint = false} : vector<1x128xf32>, vector<128x2xf32>, vector<1x2xf32> -> vector<1x2xf32>
    %get3A_1017 = arith.constant 0 : index
    %get3A_1018 = arith.constant 0 : index
    %get3A_1019 = vector.load %arg18[%get3A_1017, %get3A_1018] : memref<1x2xf32, #tpu.memory_space<vmem>>, vector<1x2xf32>
    %add3A_1020 = arith.addf %dot_general3A_1016, %get3A_1019 : vector<1x2xf32>
    %neg3A = arith.constant 0.000000e+00 : f32
    %neg3A_1021 = vector.broadcast %neg3A : f32 to vector<1x2xf32>
    %neg3A_1022 = arith.subf %neg3A_1021, %add3A_1020 : vector<1x2xf32>
    %exp3A = math.exp %neg3A_1022 : vector<1x2xf32>
    %add3A_1023 = arith.constant 1.000000e+00 : f32
    %add3A_1024 = vector.broadcast %add3A_1023 : f32 to vector<1x2xf32>
    %add3A_1025 = arith.addf %add3A_1024, %exp3A : vector<1x2xf32>
    %div3A = arith.constant 1.000000e+00 : f32
    %div3A_1026 = vector.broadcast %div3A : f32 to vector<1x2xf32>
    %div3A_1027 = arith.divf %div3A_1026, %add3A_1025 : vector<1x2xf32>
    %swap3A = arith.constant 0 : index
    %swap3A_1028 = arith.constant 0 : index
    %swap3A_1029 = vector.load %arg19[%swap3A, %swap3A_1028] : memref<1x2xf32, #tpu.memory_space<vmem>>, vector<1x2xf32>
    tpu.vector_store %arg19[%swap3A, %swap3A_1028], %div3A_1027 {strides = array<i32>} : memref<1x2xf32, #tpu.memory_space<vmem>>, vector<1x2xf32>,
    return
  }
}

</mosaic_0001>

<sc_bundles>
// kernel: kernel.10.cloned.1.call-start
scs
__scs_entry_jumppad:
0x0: {  	(pc) =	sbr.rel $0x88, $3  }
0x1: {  	(tag) =	ssettag $0x0;
	lr =	simm.s32 $0x1  }
0x2: {  	[smem:$0x3F8F] =	sst lr;
	_ =	strace $0xD0000000  }
0x3: {  	_ = 	snop  }
0x4: {  	_ = 	snop  }
0x5: {  	_ = 	snop  }
0x6: {  	_ = 	snop  }
0x7: {  	_ = 	snop  }
__scs_overlays_trampoline_lowered:
0x8: {  	[smem:$0x3F9E] =	sst s0  }
0x9: {  	[smem:$0x3F9F] =	sst s1  }
0xa: {  	[smem:$0x3FA0] =	sst s2  }
0xb: {  	[smem:$0x3FA1] =	sst s3  }
0xc: {  	[smem:$0x3FA2] =	sst s4  }
0xd: {  	[smem:$0x3FA3] =	sst s5  }
0xe: {  	[smem:$0x3FA4] =	sst s6  }
0xf: {  	[smem:$0x3FA5] =	sst s7  }
0x10: {  	[smem:$0x3FA6] =	sst s8  }
0x11: {  	[smem:$0x3FA7] =	sst s9;
	s0 =	simm.s32 @!p0 $0x0  }
0x12: {  	s1 =	sld [smem:$0x3F8D];
	s0 =	simm.s32 @p0 $0x1  }
0x13: {  	[smem:$0x3FA8] =	sst s0;
	s0 =	simm.s32 @!p1 $0x0  }
0x14: {  	s2 =	sld [smem:$0x3F8C];
	s0 =	simm.s32 @p1 $0x1  }
0x15: {  	[smem:$0x3FA9] =	sst s0;
	s0 =	simm.s32 @!p2 $0x0  }
0x16: {  	s3 =	sld [smem:$0x3FDB];
	s0 =	simm.s32 @p2 $0x1  }
0x17: {  	s4 =	simm.s32 $0x1BF5;
	[smem:$0x3FAB] =	sst s0  }
0x18: {  	s0 =	sld [smem:$0x3F8E];
	_ =	swait.ge [sflag:s4], $0x0  }
0x19: {  	s7 =	sld [smem:$0x3F8F]  }
0x1a: {  	s8 =	sadd.s32 $0xFFFFE003, lr  }
0x1b: {  	s9 =	sadd.s32 $0xFFFFFEF7, lr;
	s5 =	simm.s32 $0xFFFFFFFF;
	p2 =	slt.u32 s8, $0xFFFFF086  }
0x1c: {  	p1 =	slt.u32 s9, $0xF7A;
	s5 =	simm.s32 @!p2 $0x0  }
0x1d: {  	s5 =	simm.s32 @p1 $0x1;
	p0 =	seq.s32 s7, s2  }
0x1e: {  	s7 =	smul.u32 @!p0 $0xF7A, s2;
	p2 =	seq.s32 @!p0 s5, $0x0  }
0x1f: {  	s9 =	smul.u32 $0xF7A, s1;
	s8 =	simm.s32 @!p0 $0x1BF5;
	p2 =	por !p2, p0  }
0x20: {  	[sflag:s8] =	ssyncset.s32 @!p0 $0xFFFFF086;
	s6 =	sadd.s32 @!p0 s3, s7;
	s7 =	simm.s32 @!p0 $0x108  }
0x21: {  	s3 =	sadd.s32 s3, s9;
	s6 =	sadd.s32 @!p0 $0x88, s6;
	s7 =	simm.s32 @p2 $0x1082  }
0x22: {  	[simem:s7], [sflag:s8] =	dma.local @!p0 [hbm:s6], $0xF7A  }
0x23: {  	s9 =	sor.u32 $0xD0000000, s2;
	s6 =	simm.s32 $0x108;
	_ =	swait.ge @!p0 [sflag:s8], $0x0  }
0x24: {  	s3 =	sadd.s32 $0x88, s3;
	s6 =	simm.s32 @!p1 $0x1082;
	[sflag:s4] =	ssyncset.s32 $0xFFFFF086  }
0x25: {  	[simem:s6], [sflag:s4] =	dma.local [hbm:s3], $0xF7A  }
0x26: {  	[smem:$0x3F8F] =	sst s1;
	(tag) =	ssettag s2;
	_ =	strace s9  }
0x27: {  	s1 =	sld [smem:$0x3F9F]  }
0x28: {  	s2 =	sld [smem:$0x3FA0]  }
0x29: {  	s4 =	sld [smem:$0x3FA2]  }
0x2a: {  	p0 =	seq.s32 s5, $0x0;
	s5 =	sld [smem:$0x3FA3]  }
0x2b: {  	s6 =	sld [smem:$0x3FA4]  }
0x2c: {  	s7 =	sld [smem:$0x3FA5]  }
0x2d: {  	s3 =	simm.s32 $0x108;
	s8 =	sld [smem:$0x3FA6]  }
0x2e: {  	s3 =	simm.s32 @!p0 $0x1082;
	s9 =	sld [smem:$0x3FA7]  }
0x2f: {  	lr =	sadd.s32 s0, s3;
	s0 =	sld [smem:$0x3F9E]  }
0x30: {  	s3 =	sld [smem:$0x3FA1]  }
0x31: {  	[smem:$0x3FAA] =	sst s10  }
0x32: {  	s10 =	sld [smem:$0x3FA8];
	_ =	sdelay $0x3  }
0x33: {  	p0 =	seq.s32 s10, $0x1;
	s10 =	sld [smem:$0x3FAA];
	_ =	sdelay $0x3  }
0x34: {  	[smem:$0x3FAA] =	sst s10  }
0x35: {  	s10 =	sld [smem:$0x3FA9];
	_ =	sdelay $0x3  }
0x36: {  	p1 =	seq.s32 s10, $0x1;
	s10 =	sld [smem:$0x3FAA];
	_ =	sdelay $0x3  }
0x37: {  	[smem:$0x3FAA] =	sst s10  }
0x38: {  	s10 =	sld [smem:$0x3FAB]  }
0x39: {  	_ = 	snop;
	(pc) =	sbr.ind lr, $3  }
0x3a: {  	_ = 	snop  }
0x3b: {  	_ = 	snop  }
0x3c: {  	p2 =	seq.s32 s10, $0x1;
	s10 =	sld [smem:$0x3FAA]  }
0x3d: {  	_ =	shalt  }
0x3e: {  	_ =	shalt  }
0x3f: {  	_ =	shalt  }
0x40: {  	_ =	shalt  }
0x41: {  	_ =	shalt  }
0x42: {  	_ =	shalt  }
0x43: {  	_ =	shalt  }
0x44: {  	_ =	shalt  }
0x45: {  	_ =	shalt  }
0x46: {  	_ =	shalt  }
0x47: {  	_ =	shalt  }
0x48: {  	_ =	shalt  }
0x49: {  	_ =	shalt  }
0x4a: {  	_ =	shalt  }
0x4b: {  	_ =	shalt  }
0x4c: {  	_ =	shalt  }
0x4d: {  	_ =	shalt  }
0x4e: {  	_ =	shalt  }
0x4f: {  	_ =	shalt  }
0x50: {  	_ =	shalt  }
0x51: {  	_ =	shalt  }
0x52: {  	_ =	shalt  }
0x53: {  	_ =	shalt  }
0x54: {  	_ =	shalt  }
0x55: {  	_ =	shalt  }
0x56: {  	_ =	shalt  }
0x57: {  	_ =	shalt  }
0x58: {  	_ =	shalt  }
0x59: {  	_ =	shalt  }
0x5a: {  	_ =	shalt  }
0x5b: {  	_ =	shalt  }
0x5c: {  	_ =	shalt  }
0x5d: {  	_ =	shalt  }
0x5e: {  	_ =	shalt  }
0x5f: {  	_ =	shalt  }
0x60: {  	_ =	shalt  }
0x61: {  	_ =	shalt  }
0x62: {  	_ =	shalt  }
0x63: {  	_ =	shalt  }
0x64: {  	_ =	shalt  }
0x65: {  	_ =	shalt  }
0x66: {  	_ =	shalt  }
0x67: {  	_ =	shalt  }
0x68: {  	_ =	shalt  }
0x69: {  	_ =	shalt  }
0x6a: {  	_ =	shalt  }
0x6b: {  	_ =	shalt  }
0x6c: {  	_ =	shalt  }
0x6d: {  	_ =	shalt  }
0x6e: {  	_ =	shalt  }
0x6f: {  	_ =	shalt  }
0x70: {  	_ =	shalt  }
0x71: {  	_ =	shalt  }
0x72: {  	_ =	shalt  }
0x73: {  	_ =	shalt  }
0x74: {  	_ =	shalt  }
0x75: {  	_ =	shalt  }
0x76: {  	_ =	shalt  }
0x77: {  	_ =	shalt  }
0x78: {  	_ =	shalt  }
0x79: {  	_ =	shalt  }
0x7a: {  	_ =	shalt  }
0x7b: {  	_ =	shalt  }
0x7c: {  	_ =	shalt  }
0x7d: {  	_ =	shalt  }
0x7e: {  	_ =	shalt  }
0x7f: {  	_ =	shalt  }
0x80: {  	_ =	shalt  }
0x81: {  	_ =	shalt  }
0x82: {  	_ =	shalt  }
0x83: {  	_ =	shalt  }
0x84: {  	_ =	shalt  }
0x85: {  	_ =	shalt  }
0x86: {  	_ =	shalt  }
0x87: {  	_ =	shalt  }
.Lfunc_end0:
.L_simem_size_0:
called_computation_lowered:
.L_overlay_start_0:
0x88: {  	s2 =	sld [smem:$0x3FD9]  }
0x89: {  	s3 =	sld [smem:$0x3FFE];
	_ =	sdelay $0x1  }
0x8a: {  	s1 =	srdreg.scid  }
0x8b: {  	s0 =	sand.u32 $0x1, s1  }
0x8c: {  	s16 =	sshll.u32 s0, $0xA;
	s2 =	sadd.s32 s3, s2  }
0x8d: {  	s2 =	sadd.s32 s2, s16  }
0x8e: {  	[smem:$0x3FB6] =	sst s2  }
0x8f: {  	_ = 	snop  }
0x90: {  	(tm) =	ssettm $0x1  }
0x91: {  	s17 =	sld [smem:$0x3FFB];
	_ =	sdelay $0x3  }
0x92: {  	_ =	strace s17  }
0x93: {  	s2 =	sld [smem:$0x3FFC];
	_ =	sdelay $0x3  }
0x94: {  	_ =	strace s2  }
0x95: {  	s2 =	sld [smem:$0x3FFD];
	_ =	sdelay $0x3  }
0x96: {  	_ =	strace s2  }
0x97: {  	_ =	strace $0x8FFFFFFF  }
0x98: {  	s18 =	sld [smem:$0x3FDB];
	_ =	sdelay $0x1  }
0x99: {  	s19 =	simm.s32 $_scs_section_size  }
0x9a: {  	s4 =	simm.s32 $_size__tile_overlayer_lowered;
	s5 =	simm.s32 $_tile_overlayer_lowered  }
0x9b: {  	s22 =	simm.s32 $0x1BFF;
	s21 =	sshll.u32 s5, $0x1;
	s2 =	sadd.s32 s19, s18  }
0x9c: {  	s6 =	simm.s32 $0x0;
	s20 =	sshll.u32 s4, $0x1;
	s4 =	sadd.s32 s21, s2  }
0x9d: {  	[timem:s6], [sflag:s22] =	dma.local [hbm:s4], s20  }
0x9e: {  	_ =	swait.ge [sflag:s22], s20  }
0x9f: {  	s3 =	ssub.s32 $0x0, s20;
	[sflag:s22] =	ssyncset.done $0x0  }
0xa0: {  	[sflag:s22] =	ssyncadd.s32 s3;
	_ =	sdelay $0x1  }
0xa1: {  	s23 =	simm.s32 $0x1B8B  }
0xa2: {  	_ =	swait.ge [sflag:s23], $0x1  }
0xa3: {  	[sflag:s23] =	ssyncset.done $0x0  }
0xa4: {  	s25 =	simm.s32 $0x1B8E;
	s24 =	sld [smem:$0x3FFE];
	[sflag:s23] =	ssyncadd.s32 $0xFFFFFFFF  }
0xa5: {  	s26 =	simm.s32 $execute0_lowered;
	[smem:$0x3FD2] =	sst s25  }
0xa6: {  	s4 =	sshll.u32 s26, $0x1;
	_ =	strace $0x80000046;
	[dreg:$0x1] =	wrdreg $0xFFFFFFFF  }
0xa7: {  	s28 =	simm.s32 $_size_execute0_lowered;
	s2 =	sadd.s32 s2, s4;
	[dreg:$0x0] =	wrdreg $0x0  }
0xa8: {  	s4 =	sshll.u32 s28, $0x1;
	[dreg:$0x2] =	wrdreg s2  }
0xa9: {  	[dreg:$0x3] =	wrdreg s4  }
0xaa: {  	[dreg:$0x4] =	wrdreg $0xC0  }
0xab: {  	_ =	task [dreg:s6], $0x5FFFF  }
0xac: {  	[dreg:$0x1] =	wrdreg $0xFFFFFFFF  }
0xad: {  	[dreg:$0x0] =	wrdreg $0x60  }
0xae: {  	[dreg:$0x2] =	wrdreg s24  }
0xaf: {  	[dreg:$0x3] =	wrdreg $0x53000  }
0xb0: {  	[dreg:$0x4] =	wrdreg $0x55800  }
0xb1: {  	[dreg:$0x5] =	wrdreg $0x9  }
0xb2: {  	_ =	task.clear_ibuf [dreg:s6], $0x6FFFF;
	_ =	strace $0x90000046  }
0xb3: {  	s29 =	simm.s32 $0x9;
	_ =	strace $0x80000048  }
0xb4: {  	_ =	swait.ge [sflag:s29], $0x1  }
0xb5: {  	[sflag:s29] =	ssyncadd.s32 $0xFFFFFFFF  }
0xb6: {  	_ =	strace $0x90000048  }
0xb7: {  	_ =	sfence  }
0xb8: {  	s30 =	sld [smem:$0x0];
	_ =	sdelay $0x2  }
0xb9: {  	s31 =	sshll.u32 s1, $0xD;
	s1 =	sshrl.u32 s1, $0x2  }
0xba: {  	s3 =	sand.u32 $0x4000, s31;
	s1 =	sadd.s32 s1, s30  }
0xbb: {  	s0 =	sor.u32 s3, s0;
	s1 =	sshll.u32 s1, $0x11  }
0xbc: {  	s0 =	sor.u32 s1, s0  }
0xbd: {  	s0 =	sadd.s32 $0x8F2B, s0  }
0xbe: {  	[sflag:s0] =	ssyncadd.remote.s32 $0x1  }
0xbf: {  	_ =	sfence.sel $0xFFFF  }
0xc0: {  	[dreg:$0x0] =	wrdreg $0xFFFFFFFF;
	(pc) =	sbr.abs _section_cstart, $3  }
0xc1: {  	[dreg:$0x1] =	wrdreg $0xFFFFFFFF  }
0xc2: {  	_ =	task.clear_ibuf [dreg:s6], $0x2FFFF;
	_ =	strace $0x9FFFFFFF  }
0xc3: {  	(tm) =	ssettm $0x7FFFFFFF  }
tec
execute0_lowered:
.L_overlay_start_1:
0x0: {  	(tag) =	ssettag $0x1  }
0x1: {  	s5 =	rddreg [dreg:$0x0]  }
0x2: {  	s1 =	rddreg [dreg:$0x1]  }
0x3: {  	s2 =	rddreg [dreg:$0x2]  }
0x4: {  	s3 =	srdreg.scid;
	s0 =	rddreg [dreg:$0x3];
	s4 =	simm.s32 $0x0  }
0x5: {  	s13 =	simm.s32 $0x3;
	s14 =	simm.s32 $0x80;
	s15 =	simm.s32 $0x2880  }
0x6: {  	s16 =	simm.s32 $0x1;
	s17 =	simm.s32 $0x2;
	s20 =	simm.s32 $0x20  }
0x7: {  	s21 =	simm.s32 $0x10;
	s6 =	sand.u32 $0x1, s3;
	s3 =	stileid.u32  }
0x8: {  	s22 =	simm.s32 $0x0;
	[smem:$0x7FF] =	sst s4;
	s8 =	smul.u32 $0x5000, s6  }
0x9: {  	s7 =	sshll.u32 s6, $0x4;
	s9 =	smul.u32 $0x500, s3;
	_ =	strace $0x80000047  }
0xa: {  	s6 =	ssub.s32 $0x2, s6;
	s29 =	smul.u32 $0x280, s3;
	s7 =	sor.u32 s3, s7  }
0xb: {  	s18 =	sshll.u32 s3, $0x6;
	s31 =	sshrl.u32 s6, $0x1;
	s7 =	smul.u32 $0x500, s7  }
0xc: {  	s18 =	sor.u32 $0x1C03, s18;
	s8 =	sadd.s32 s9, s8;
	s12 =	ssub.s32 s6, s31  }
0xd: {  	s6 =	sadd.s32 s29, s2;
	s30 =	sshrl.u32 s8, $0x3;
	s10 =	sadd.s32 s7, s5  }
0xe: {  	s11 =	sadd.s32 s30, s5;
	s5 =	sadd.s32 s29, s1;
	s7 =	sadd.s32 $0x3A00, s10  }
0xf: {  	s8 =	sadd.s32 $0xDA00, s10;
	s9 =	sadd.s32 $0x17A00, s11;
	s10 =	sadd.s32 $0x17A10, s11  }
0x10: {  	v0 =	vimm.f32 $0.0e+00;
	v1 =	vimm.f32 $1.000000000e+00;
	s11 =	smax.u32 s12, $0x1;
	s12 =	simm.s32 $0x5080;
	s19 =	sshrl.u32 s5, $0x3  }
.LBB2_1:
0x11: {  	[tilespmem:$0x5080] =	vst v0  }
0x12: {  	[tilespmem:$0x5090] =	vst v0  }
0x13: {  	[tilespmem:$0x50A0] =	vst v0  }
0x14: {  	[tilespmem:$0x50B0] =	vst v0  }
0x15: {  	[tilespmem:$0x50C0] =	vst v0  }
0x16: {  	[tilespmem:$0x50D0] =	vst v0  }
0x17: {  	[tilespmem:$0x50E0] =	vst v0  }
0x18: {  	[tilespmem:$0x50F0] =	vst v0  }
0x19: {  	[tilespmem:$0x5100] =	vst v0  }
0x1a: {  	[tilespmem:$0x5110] =	vst v0  }
0x1b: {  	[tilespmem:$0x5120] =	vst v0  }
0x1c: {  	[tilespmem:$0x5130] =	vst v0  }
0x1d: {  	[tilespmem:$0x5140] =	vst v0  }
0x1e: {  	[tilespmem:$0x5150] =	vst v0  }
0x1f: {  	[tilespmem:$0x5160] =	vst v0  }
0x20: {  	[tilespmem:$0x5170] =	vst v0  }
0x21: {  	[tilespmem:$0x5180] =	vst v0  }
0x22: {  	[tilespmem:$0x5190] =	vst v0  }
0x23: {  	[tilespmem:$0x51A0] =	vst v0  }
0x24: {  	[tilespmem:$0x51B0] =	vst v0  }
0x25: {  	[tilespmem:$0x51C0] =	vst v0  }
0x26: {  	[tilespmem:$0x51D0] =	vst v0  }
0x27: {  	[tilespmem:$0x51E0] =	vst v0  }
0x28: {  	[tilespmem:$0x51F0] =	vst v0  }
0x29: {  	[tilespmem:$0x5200] =	vst v0  }
0x2a: {  	[tilespmem:$0x5210] =	vst v0  }
0x2b: {  	[tilespmem:$0x5220] =	vst v0  }
0x2c: {  	[tilespmem:$0x5230] =	vst v0  }
0x2d: {  	[tilespmem:$0x5240] =	vst v0  }
0x2e: {  	[tilespmem:$0x5250] =	vst v0  }
0x2f: {  	[tilespmem:$0x5260] =	vst v0  }
0x30: {  	[tilespmem:$0x5270] =	vst v0  }
0x31: {  	[tilespmem:$0x5280] =	vst v0  }
0x32: {  	[tilespmem:$0x5290] =	vst v0  }
0x33: {  	[tilespmem:$0x52A0] =	vst v0  }
0x34: {  	[tilespmem:$0x52B0] =	vst v0  }
0x35: {  	[tilespmem:$0x52C0] =	vst v0  }
0x36: {  	[tilespmem:$0x52D0] =	vst v0  }
0x37: {  	[tilespmem:$0x52E0] =	vst v0  }
0x38: {  	[tilespmem:$0x52F0] =	vst v0  }
0x39: {  	[spmem:s5] =	stream.linear.scatter [tilespmem:s12], [sflag:$0x3], $0x280, $0x38;
	[tilespmem:$0x5800] =	vst v63  }
0x3a: {  	_ =	swait.ge [sflag:s13], $0x280  }
0x3b: {  	[sflag:s13] =	ssyncset.done $0x0  }
0x3c: {  	[sflag:s13] =	ssyncadd.s32 $0xFFFFFD80  }
0x3d: {  	[spmem:s6] =	stream.linear.scatter [tilespmem:s12], [sflag:$0x3], $0x280, $0x38;
	[tilespmem:$0x5800] =	vst v63  }
0x3e: {  	_ =	swait.ge [sflag:s13], $0x280  }
0x3f: {  	[sflag:s13] =	ssyncset.done $0x0  }
0x40: {  	[sflag:s13] =	ssyncadd.s32 $0xFFFFFD80  }
0x41: {  	[tilespmem:$0x0] =	vst v1  }
0x42: {  	[tilespmem:$0x10] =	vst v1  }
0x43: {  	[tilespmem:$0x20] =	vst v1  }
0x44: {  	[tilespmem:$0x30] =	vst v1  }
0x45: {  	[tilespmem:$0x40] =	vst v1  }
0x46: {  	[tilespmem:$0x50] =	vst v1  }
0x47: {  	[tilespmem:$0x60] =	vst v1  }
0x48: {  	[tilespmem:$0x70] =	vst v1  }
0x49: {  	[tilespmem:s14], [sflag:$0x3] =	stream.linear.gather [hbm4b:s7+s4], $0x2780, $0x38;
	[tilespmem:$0x5800] =	vst v63  }
0x4a: {  	_ =	swait.ge [sflag:s13], $0x2780  }
0x4b: {  	[sflag:s13] =	ssyncset.done $0x0  }
0x4c: {  	[sflag:s13] =	ssyncadd.s32 $0xFFFFD880  }
0x4d: {  	[tilespmem:s15], [sflag:$0x3] =	stream.linear.gather [hbm4b:s8+s4], $0x2780, $0x38;
	[tilespmem:$0x5800] =	vst v63  }
0x4e: {  	_ =	swait.ge [sflag:s13], $0x2780  }
0x4f: {  	[sflag:s13] =	ssyncset.done $0x0  }
0x50: {  	[sflag:s13] =	ssyncadd.s32 $0xFFFFD880  }
0x51: {  	s23 =	simm.s32 $0x80;
	[bflag:$0x0] =	sbarrier.arrive $0xFFFF  }
0x52: {  	[spmem:s1] =	stream.indirect.scatter.add.f32 [tilespmem:s4], [sflag:$0x1], $0x1, s23, s14, $0xb8;
	[tilespmem:$0x5800] =	vst v63  }
0x53: {  	s24 =	simm.s32 $0x2880;
	s23 =	simm.s32 $0x200  }
.LBB2_2:
0x54: {  	[spmem:s2] =	stream.indirect.scatter.add.f32 [tilespmem:s4], [sflag:$0x2], $0x1, s24, s14, $0xb8;
	[tilespmem:$0x5800] =	vst v63  }
0x55: {  	s24 =	smov.u32 s23;
	p0 =	sne.s32 s23, $0x9C00  }
.Ltmp0:
0x56: {  	s23 =	sadd.s32 $0x200, s23;
	(pc) =	sbr.rel @p0 .LBB2_2-.Ltmp0, $4  }
0x57: {  	s24 =	sshra.s32 s24, $0x2  }
0x58: {  	s25 =	sadd.s32 $0x80, s24  }
0x59: {  	[spmem:s1] =	stream.indirect.scatter.add.f32 [tilespmem:s4], [sflag:$0x1], $0x1, s25, s14, $0xb8;
	[tilespmem:$0x5800] =	vst v63  }
0x5a: {  	s24 =	sadd.s32 $0x2880, s24  }
0x5b: {  	[spmem:s2] =	stream.indirect.scatter.add.f32 [tilespmem:s4], [sflag:$0x2], $0x1, s24, s14, $0xb8;
	[tilespmem:$0x5800] =	vst v63  }
0x5c: {  	_ =	swait.ge [sflag:s16], $0x80  }
0x5d: {  	[sflag:s16] =	ssyncset.done $0x0  }
0x5e: {  	[sflag:s16] =	ssyncadd.s32 $0xFFFFFF80  }
0x5f: {  	_ =	swait.ge [sflag:s17], $0x80  }
0x60: {  	s23 =	simm.s32 $0x4E;
	[sflag:s17] =	ssyncset.done $0x0  }
.LBB2_4:
0x61: {  	p0 =	sne.s32 s23, $0x1;
	s23 =	sadd.s32 $0xFFFFFFFF, s23;
	[sflag:s17] =	ssyncadd.s32 $0xFFFFFF80  }
.Ltmp1:
0x62: {  	_ =	swait.ge [sflag:s16], $0x80;
	(pc) =	sbr.rel @p0 .LBB2_4-.Ltmp1, $4  }
0x63: {  	[sflag:s16] =	ssyncset.done $0x0  }
0x64: {  	[sflag:s16] =	ssyncadd.s32 $0xFFFFFF80  }
0x65: {  	_ =	swait.ge [sflag:s17], $0x80  }
0x66: {  	[sflag:s17] =	ssyncset.done $0x0  }
0x67: {  	[sflag:s17] =	ssyncadd.s32 $0xFFFFFF80  }
0x68: {  	[bflag:$0x0] =	sbarrier.arrive $0xFFFF  }
0x69: {  	[hbm:s9@s20], [sflag:s18] =	dma.strided [spmem:s19@s21], $0x50, s16, $0x10   }
0x6a: {  	s22 =	sadd.s32 $0x1, s22;
	_ =	swait.ge [sflag:s13], $0x50  }
0x6b: {  	p0 =	sne.s32 s22, s11;
	[sflag:s13] =	ssyncset.done $0x0  }
.Ltmp2:
0x6c: {  	s23 =	sshrl.u32 s6, $0x3;
	[sflag:s13] =	ssyncadd.s32 $0xFFFFFFB0;
	(pc) =	sbr.rel @p0 .LBB2_1-.Ltmp2, $4  }
0x6d: {  	[hbm:s10@s20], [sflag:s18] =	dma.strided [spmem:s23@s21], $0x50, s16, $0x10   }
0x6e: {  	_ =	swait.ge [sflag:s13], $0x50  }
0x6f: {  	[sflag:s13] =	ssyncset.done $0x0  }
0x70: {  	[sflag:s13] =	ssyncadd.s32 $0xFFFFFFB0  }
0x71: {  	_ =	sfence.sel $0x180000  }
0x72: {  	[bflag:$0x0] =	sbarrier.arrive $0xFFFF  }
0x73: {  	p0 =	sne.s32 s3, $0x0;
	_ =	strace $0x90000047  }
0x74: {  	s0 =	sadd.s32 @!p0 $0x100000, s0;
	[bflag:$0x2] =	sbarrier.arrive $0xFFFF  }
0x75: {  	[sflag:s0] =	ssyncadd.tile.s32 @!p0 $0x1;
	_ =	shalt  }
.Lfunc_end2:
_tile_overlayer_lowered:
.L_overlay_start_2:
0x76: {  	(tag) =	ssettag $0x2  }
0x77: {  	s0 =	rddreg [dreg:$0x0];
	s2 =	stileid.u32  }
0x78: {  	s1 =	rddreg [dreg:$0x1];
	p0 =	sne.s32 s2, $0x0  }
0x79: {  	s3 =	rddreg [dreg:$0x2];
	[bflag:$0x3] =	sbarrier.arrive $0xFFFF;
	s2 =	simm.s32 @!p0 $0x1C03  }
0x7a: {  	[timem:s3], [sflag:s2] =	dma.local @!p0 [hbm:s0], s1  }
0x7b: {  	s0 =	simm.s32 @!p0 $0x3  }
0x7c: {  	_ =	swait.ge @!p0 [sflag:s0], s1  }
0x7d: {  	s1 =	ssub.s32 @!p0 $0x0, s1;
	[sflag:s0] =	ssyncset.done @!p0 $0x0  }
0x7e: {  	[sflag:s0] =	ssyncadd.s32 @!p0 s1  }
0x7f: {  	[bflag:$0x3] =	sbarrier.arrive $0xFFFF  }
0x80: {  	_ =	shalt  }

// kernel: kernel.13.cloned.1.call-start
scs
__scs_entry_jumppad:
0x0: {  	(pc) =	sbr.rel $0x88, $3  }
0x1: {  	(tag) =	ssettag $0x0;
	lr =	simm.s32 $0x1  }
0x2: {  	[smem:$0x3F8F] =	sst lr;
	_ =	strace $0xD0000000  }
0x3: {  	_ = 	snop  }
0x4: {  	_ = 	snop  }
0x5: {  	_ = 	snop  }
0x6: {  	_ = 	snop  }
0x7: {  	_ = 	snop  }
__scs_overlays_trampoline_lowered:
0x8: {  	[smem:$0x3F9E] =	sst s0  }
0x9: {  	[smem:$0x3F9F] =	sst s1  }
0xa: {  	[smem:$0x3FA0] =	sst s2  }
0xb: {  	[smem:$0x3FA1] =	sst s3  }
0xc: {  	[smem:$0x3FA2] =	sst s4  }
0xd: {  	[smem:$0x3FA3] =	sst s5  }
0xe: {  	[smem:$0x3FA4] =	sst s6  }
0xf: {  	[smem:$0x3FA5] =	sst s7  }
0x10: {  	[smem:$0x3FA6] =	sst s8  }
0x11: {  	[smem:$0x3FA7] =	sst s9;
	s0 =	simm.s32 @!p0 $0x0  }
0x12: {  	s1 =	sld [smem:$0x3F8D];
	s0 =	simm.s32 @p0 $0x1  }
0x13: {  	[smem:$0x3FA8] =	sst s0;
	s0 =	simm.s32 @!p1 $0x0  }
0x14: {  	s2 =	sld [smem:$0x3F8C];
	s0 =	simm.s32 @p1 $0x1  }
0x15: {  	[smem:$0x3FA9] =	sst s0;
	s0 =	simm.s32 @!p2 $0x0  }
0x16: {  	s3 =	sld [smem:$0x3FDB];
	s0 =	simm.s32 @p2 $0x1  }
0x17: {  	s4 =	simm.s32 $0x1BF5;
	[smem:$0x3FAB] =	sst s0  }
0x18: {  	s0 =	sld [smem:$0x3F8E];
	_ =	swait.ge [sflag:s4], $0x0  }
0x19: {  	s7 =	sld [smem:$0x3F8F]  }
0x1a: {  	s8 =	sadd.s32 $0xFFFFE003, lr  }
0x1b: {  	s9 =	sadd.s32 $0xFFFFFEF7, lr;
	s5 =	simm.s32 $0xFFFFFFFF;
	p2 =	slt.u32 s8, $0xFFFFF086  }
0x1c: {  	p1 =	slt.u32 s9, $0xF7A;
	s5 =	simm.s32 @!p2 $0x0  }
0x1d: {  	s5 =	simm.s32 @p1 $0x1;
	p0 =	seq.s32 s7, s2  }
0x1e: {  	s7 =	smul.u32 @!p0 $0xF7A, s2;
	p2 =	seq.s32 @!p0 s5, $0x0  }
0x1f: {  	s9 =	smul.u32 $0xF7A, s1;
	s8 =	simm.s32 @!p0 $0x1BF5;
	p2 =	por !p2, p0  }
0x20: {  	[sflag:s8] =	ssyncset.s32 @!p0 $0xFFFFF086;
	s6 =	sadd.s32 @!p0 s3, s7;
	s7 =	simm.s32 @!p0 $0x108  }
0x21: {  	s3 =	sadd.s32 s3, s9;
	s6 =	sadd.s32 @!p0 $0x88, s6;
	s7 =	simm.s32 @p2 $0x1082  }
0x22: {  	[simem:s7], [sflag:s8] =	dma.local @!p0 [hbm:s6], $0xF7A  }
0x23: {  	s9 =	sor.u32 $0xD0000000, s2;
	s6 =	simm.s32 $0x108;
	_ =	swait.ge @!p0 [sflag:s8], $0x0  }
0x24: {  	s3 =	sadd.s32 $0x88, s3;
	s6 =	simm.s32 @!p1 $0x1082;
	[sflag:s4] =	ssyncset.s32 $0xFFFFF086  }
0x25: {  	[simem:s6], [sflag:s4] =	dma.local [hbm:s3], $0xF7A  }
0x26: {  	[smem:$0x3F8F] =	sst s1;
	(tag) =	ssettag s2;
	_ =	strace s9  }
0x27: {  	s1 =	sld [smem:$0x3F9F]  }
0x28: {  	s2 =	sld [smem:$0x3FA0]  }
0x29: {  	s4 =	sld [smem:$0x3FA2]  }
0x2a: {  	p0 =	seq.s32 s5, $0x0;
	s5 =	sld [smem:$0x3FA3]  }
0x2b: {  	s6 =	sld [smem:$0x3FA4]  }
0x2c: {  	s7 =	sld [smem:$0x3FA5]  }
0x2d: {  	s3 =	simm.s32 $0x108;
	s8 =	sld [smem:$0x3FA6]  }
0x2e: {  	s3 =	simm.s32 @!p0 $0x1082;
	s9 =	sld [smem:$0x3FA7]  }
0x2f: {  	lr =	sadd.s32 s0, s3;
	s0 =	sld [smem:$0x3F9E]  }
0x30: {  	s3 =	sld [smem:$0x3FA1]  }
0x31: {  	[smem:$0x3FAA] =	sst s10  }
0x32: {  	s10 =	sld [smem:$0x3FA8];
	_ =	sdelay $0x3  }
0x33: {  	p0 =	seq.s32 s10, $0x1;
	s10 =	sld [smem:$0x3FAA];
	_ =	sdelay $0x3  }
0x34: {  	[smem:$0x3FAA] =	sst s10  }
0x35: {  	s10 =	sld [smem:$0x3FA9];
	_ =	sdelay $0x3  }
0x36: {  	p1 =	seq.s32 s10, $0x1;
	s10 =	sld [smem:$0x3FAA];
	_ =	sdelay $0x3  }
0x37: {  	[smem:$0x3FAA] =	sst s10  }
0x38: {  	s10 =	sld [smem:$0x3FAB]  }
0x39: {  	_ = 	snop;
	(pc) =	sbr.ind lr, $3  }
0x3a: {  	_ = 	snop  }
0x3b: {  	_ = 	snop  }
0x3c: {  	p2 =	seq.s32 s10, $0x1;
	s10 =	sld [smem:$0x3FAA]  }
0x3d: {  	_ =	shalt  }
0x3e: {  	_ =	shalt  }
0x3f: {  	_ =	shalt  }
0x40: {  	_ =	shalt  }
0x41: {  	_ =	shalt  }
0x42: {  	_ =	shalt  }
0x43: {  	_ =	shalt  }
0x44: {  	_ =	shalt  }
0x45: {  	_ =	shalt  }
0x46: {  	_ =	shalt  }
0x47: {  	_ =	shalt  }
0x48: {  	_ =	shalt  }
0x49: {  	_ =	shalt  }
0x4a: {  	_ =	shalt  }
0x4b: {  	_ =	shalt  }
0x4c: {  	_ =	shalt  }
0x4d: {  	_ =	shalt  }
0x4e: {  	_ =	shalt  }
0x4f: {  	_ =	shalt  }
0x50: {  	_ =	shalt  }
0x51: {  	_ =	shalt  }
0x52: {  	_ =	shalt  }
0x53: {  	_ =	shalt  }
0x54: {  	_ =	shalt  }
0x55: {  	_ =	shalt  }
0x56: {  	_ =	shalt  }
0x57: {  	_ =	shalt  }
0x58: {  	_ =	shalt  }
0x59: {  	_ =	shalt  }
0x5a: {  	_ =	shalt  }
0x5b: {  	_ =	shalt  }
0x5c: {  	_ =	shalt  }
0x5d: {  	_ =	shalt  }
0x5e: {  	_ =	shalt  }
0x5f: {  	_ =	shalt  }
0x60: {  	_ =	shalt  }
0x61: {  	_ =	shalt  }
0x62: {  	_ =	shalt  }
0x63: {  	_ =	shalt  }
0x64: {  	_ =	shalt  }
0x65: {  	_ =	shalt  }
0x66: {  	_ =	shalt  }
0x67: {  	_ =	shalt  }
0x68: {  	_ =	shalt  }
0x69: {  	_ =	shalt  }
0x6a: {  	_ =	shalt  }
0x6b: {  	_ =	shalt  }
0x6c: {  	_ =	shalt  }
0x6d: {  	_ =	shalt  }
0x6e: {  	_ =	shalt  }
0x6f: {  	_ =	shalt  }
0x70: {  	_ =	shalt  }
0x71: {  	_ =	shalt  }
0x72: {  	_ =	shalt  }
0x73: {  	_ =	shalt  }
0x74: {  	_ =	shalt  }
0x75: {  	_ =	shalt  }
0x76: {  	_ =	shalt  }
0x77: {  	_ =	shalt  }
0x78: {  	_ =	shalt  }
0x79: {  	_ =	shalt  }
0x7a: {  	_ =	shalt  }
0x7b: {  	_ =	shalt  }
0x7c: {  	_ =	shalt  }
0x7d: {  	_ =	shalt  }
0x7e: {  	_ =	shalt  }
0x7f: {  	_ =	shalt  }
0x80: {  	_ =	shalt  }
0x81: {  	_ =	shalt  }
0x82: {  	_ =	shalt  }
0x83: {  	_ =	shalt  }
0x84: {  	_ =	shalt  }
0x85: {  	_ =	shalt  }
0x86: {  	_ =	shalt  }
0x87: {  	_ =	shalt  }
.Lfunc_end0:
.L_simem_size_0:
called_computation.1_lowered:
.L_overlay_start_0:
0x88: {  	s2 =	sld [smem:$0x3FD9]  }
0x89: {  	s3 =	sld [smem:$0x3FFE];
	_ =	sdelay $0x1  }
0x8a: {  	s1 =	srdreg.scid  }
0x8b: {  	s0 =	sand.u32 $0x1, s1  }
0x8c: {  	s16 =	sshll.u32 s0, $0xA;
	s2 =	sadd.s32 s3, s2  }
0x8d: {  	s2 =	sadd.s32 s2, s16  }
0x8e: {  	[smem:$0x3FB6] =	sst s2  }
0x8f: {  	_ = 	snop  }
0x90: {  	(tm) =	ssettm $0x1  }
0x91: {  	s17 =	sld [smem:$0x3FFB];
	_ =	sdelay $0x3  }
0x92: {  	_ =	strace s17  }
0x93: {  	s2 =	sld [smem:$0x3FFC];
	_ =	sdelay $0x3  }
0x94: {  	_ =	strace s2  }
0x95: {  	s2 =	sld [smem:$0x3FFD];
	_ =	sdelay $0x3  }
0x96: {  	_ =	strace s2  }
0x97: {  	_ =	strace $0x8FFFFFFF  }
0x98: {  	s18 =	sld [smem:$0x3FDB];
	_ =	sdelay $0x1  }
0x99: {  	s19 =	simm.s32 $_scs_section_size  }
0x9a: {  	s4 =	simm.s32 $_size__tile_overlayer_lowered;
	s5 =	simm.s32 $_tile_overlayer_lowered  }
0x9b: {  	s22 =	simm.s32 $0x1BFF;
	s21 =	sshll.u32 s5, $0x1;
	s2 =	sadd.s32 s19, s18  }
0x9c: {  	s6 =	simm.s32 $0x0;
	s20 =	sshll.u32 s4, $0x1;
	s4 =	sadd.s32 s21, s2  }
0x9d: {  	[timem:s6], [sflag:s22] =	dma.local [hbm:s4], s20  }
0x9e: {  	_ =	swait.ge [sflag:s22], s20  }
0x9f: {  	s3 =	ssub.s32 $0x0, s20;
	[sflag:s22] =	ssyncset.done $0x0  }
0xa0: {  	[sflag:s22] =	ssyncadd.s32 s3;
	_ =	sdelay $0x1  }
0xa1: {  	s23 =	simm.s32 $0x1B8B  }
0xa2: {  	_ =	swait.ge [sflag:s23], $0x1  }
0xa3: {  	[sflag:s23] =	ssyncset.done $0x0  }
0xa4: {  	s25 =	simm.s32 $0x1B8E;
	s24 =	sld [smem:$0x3FFE];
	[sflag:s23] =	ssyncadd.s32 $0xFFFFFFFF  }
0xa5: {  	s26 =	simm.s32 $execute0_lowered;
	[smem:$0x3FD2] =	sst s25  }
0xa6: {  	s4 =	sshll.u32 s26, $0x1;
	_ =	strace $0x80000049;
	[dreg:$0x1] =	wrdreg $0xFFFFFFFF  }
0xa7: {  	s28 =	simm.s32 $_size_execute0_lowered;
	s2 =	sadd.s32 s2, s4;
	[dreg:$0x0] =	wrdreg $0x0  }
0xa8: {  	s4 =	sshll.u32 s28, $0x1;
	[dreg:$0x2] =	wrdreg s2  }
0xa9: {  	[dreg:$0x3] =	wrdreg s4  }
0xaa: {  	[dreg:$0x4] =	wrdreg $0xC0  }
0xab: {  	_ =	task [dreg:s6], $0x5FFFF  }
0xac: {  	[dreg:$0x1] =	wrdreg $0xFFFFFFFF  }
0xad: {  	[dreg:$0x0] =	wrdreg $0x60  }
0xae: {  	[dreg:$0x2] =	wrdreg s24  }
0xaf: {  	[dreg:$0x3] =	wrdreg $0xB1000  }
0xb0: {  	[dreg:$0x4] =	wrdreg $0x9  }
0xb1: {  	_ =	task.clear_ibuf [dreg:s6], $0x5FFFF;
	_ =	strace $0x90000049  }
0xb2: {  	s29 =	simm.s32 $0x9;
	_ =	strace $0x8000004B  }
0xb3: {  	_ =	swait.ge [sflag:s29], $0x1  }
0xb4: {  	[sflag:s29] =	ssyncadd.s32 $0xFFFFFFFF  }
0xb5: {  	_ =	strace $0x9000004B  }
0xb6: {  	_ =	sfence  }
0xb7: {  	s30 =	sld [smem:$0x0];
	_ =	sdelay $0x2  }
0xb8: {  	s31 =	sshll.u32 s1, $0xD;
	s1 =	sshrl.u32 s1, $0x2  }
0xb9: {  	s3 =	sand.u32 $0x4000, s31;
	s1 =	sadd.s32 s1, s30  }
0xba: {  	s0 =	sor.u32 s3, s0;
	s1 =	sshll.u32 s1, $0x11  }
0xbb: {  	s0 =	sor.u32 s1, s0  }
0xbc: {  	s0 =	sadd.s32 $0x8F2B, s0  }
0xbd: {  	[sflag:s0] =	ssyncadd.remote.s32 $0x1  }
0xbe: {  	_ =	sfence.sel $0xFFFF  }
0xbf: {  	[dreg:$0x0] =	wrdreg $0xFFFFFFFF;
	(pc) =	sbr.abs _section_cstart, $3  }
0xc0: {  	[dreg:$0x1] =	wrdreg $0xFFFFFFFF  }
0xc1: {  	_ =	task.clear_ibuf [dreg:s6], $0x2FFFF;
	_ =	strace $0x9FFFFFFF  }
0xc2: {  	(tm) =	ssettm $0x7FFFFFFF  }
0xc3: {  	_ =	shalt  }
tec
execute0_lowered:
.L_overlay_start_1:
0x0: {  	(tag) =	ssettag $0x1  }
0x1: {  	s0 =	srdreg.scid;
	s7 =	rddreg [dreg:$0x0]  }
0x2: {  	s12 =	stileid.u32;
	s2 =	rddreg [dreg:$0x1]  }
0x3: {  	s4 =	simm.s32 $0x0;
	s18 =	simm.s32 $0x4;
	s19 =	simm.s32 $0x3100  }
0x4: {  	s20 =	simm.s32 $0x3000;
	s21 =	simm.s32 $0x80;
	s24 =	simm.s32 $0x1  }
0x5: {  	s25 =	simm.s32 $0x3;
	s28 =	simm.s32 $0x0;
	s0 =	sand.u32 $0x1, s0  }
0x6: {  	[smem:$0x7FF] =	sst s4;
	s6 =	smul.u32 $0x14000, s12;
	s5 =	sadd.s32 $0x18E00, s7  }
0x7: {  	s1 =	sshll.u32 s0, $0x4;
	s26 =	smul.u32 $0x140000, s0;
	_ =	strace $0x8000004A  }
0x8: {  	s10 =	ssub.s32 $0x2, s0;
	s1 =	sor.u32 s12, s1;
	s12 =	smul.u32 $0x50000, s12  }
0x9: {  	p0 =	seq.s32 s0, $0x0;
	s11 =	sshrl.u32 s10, $0x1;
	s3 =	smul.u32 $0x3000, s1  }
0xa: {  	s1 =	sadd.s32 s6, s26;
	s6 =	sadd.s32 $0x30E00, s7;
	s11 =	ssub.s32 s10, s11  }
0xb: {  	s26 =	simm.s32 $0x2;
	s1 =	sshrl.u32 s1, $0x3;
	s29 =	sshrl.u32 s12, $0x2  }
0xc: {  	s31 =	smax.u32 s11, $0x1;
	s8 =	sshrl.u32 s3, $0x3;
	s1 =	sadd.s32 s1, s7  }
0xd: {  	[dreg:$0x5] =	wrdreg s31;
	s9 =	sadd.s32 s8, s7;
	s7 =	simm.s32 $0x60  }
0xe: {  	s10 =	sadd.s32 s5, s8;
	s30 =	sadd.s32 $0x58E00, s1;
	s9 =	sadd.s32 $0x24E00, s9  }
0xf: {  	s7 =	simm.s32 @!p0 $0x3E;
	[dreg:$0x3] =	wrdreg s9;
	s9 =	sadd.s32 s29, s2  }
0x10: {  	[dreg:$0x4] =	wrdreg s30;
	s17 =	sadd.s32 $0x10, s10;
	s13 =	sadd.s32 $0x4000, s9  }
0x11: {  	v0 =	vimm.f32 $0.0e+00;
	s14 =	sadd.s32 $0x8000, s9;
	s15 =	sadd.s32 $0xC000, s9;
	s16 =	sadd.s32 $0x10000, s9  }
.LBB2_1:
0x12: {  	s0 =	rddreg [dreg:$0x3]  }
0x13: {  	[tilespmem:s4], [sflag:$0x4] =	stream.linear.gather [hbm4b:s0+s4], $0x3000, $0x38;
	[tilespmem:$0x1F100] =	vst v63  }
0x14: {  	_ =	swait.ge [sflag:s18], $0x3000  }
0x15: {  	[sflag:s18] =	ssyncset.done $0x0  }
0x16: {  	s1 =	simm.s32 $0x200;
	s0 =	simm.s32 $0x0;
	[sflag:s18] =	ssyncadd.s32 $0xFFFFD000  }
.LBB2_2:
0x17: {  	p0 =	sne.s32 s1, $0xFE00;
	[tilespmem:s0+$0x3170] =	vst v0  }
0x18: {  	[tilespmem:s0+$0x3100] =	vst v0  }
0x19: {  	[tilespmem:s0+$0x3110] =	vst v0  }
.Ltmp0:
0x1a: {  	[tilespmem:s0+$0x3120] =	vst v0;
	(pc) =	sbr.rel @p0 .LBB2_2-.Ltmp0, $4  }
0x1b: {  	[tilespmem:s0+$0x3130] =	vst v0  }
0x1c: {  	[tilespmem:s0+$0x3140] =	vst v0  }
0x1d: {  	[tilespmem:s0+$0x3150] =	vst v0  }
0x1e: {  	[tilespmem:s0+$0x3160] =	vst v0;
	s0 =	sshra.s32 s1, $0x2;
	s1 =	sadd.s32 $0x200, s1  }
0x1f: {  	[tilespmem:s0+$0x3170] =	vst v0  }
0x20: {  	[tilespmem:s0+$0x3100] =	vst v0  }
0x21: {  	[tilespmem:s0+$0x3110] =	vst v0  }
0x22: {  	[tilespmem:s0+$0x3120] =	vst v0  }
0x23: {  	[tilespmem:s0+$0x3130] =	vst v0  }
0x24: {  	[tilespmem:s0+$0x3140] =	vst v0  }
0x25: {  	[tilespmem:s0+$0x3150] =	vst v0  }
0x26: {  	[tilespmem:s0+$0x3160] =	vst v0  }
0x27: {  	[spmem:s9] =	stream.linear.scatter [tilespmem:s19], [sflag:$0x4], $0x4000, $0x38;
	[tilespmem:$0x1F100] =	vst v63  }
0x28: {  	_ =	swait.ge [sflag:s18], $0x4000  }
0x29: {  	[sflag:s18] =	ssyncset.done $0x0  }
0x2a: {  	[sflag:s18] =	ssyncadd.s32 $0xFFFFC000  }
0x2b: {  	[spmem:s13] =	stream.linear.scatter [tilespmem:s19], [sflag:$0x4], $0x4000, $0x38;
	[tilespmem:$0x1F100] =	vst v63  }
0x2c: {  	_ =	swait.ge [sflag:s18], $0x4000  }
0x2d: {  	[sflag:s18] =	ssyncset.done $0x0  }
0x2e: {  	[sflag:s18] =	ssyncadd.s32 $0xFFFFC000  }
0x2f: {  	[spmem:s14] =	stream.linear.scatter [tilespmem:s19], [sflag:$0x4], $0x4000, $0x38;
	[tilespmem:$0x1F100] =	vst v63  }
0x30: {  	_ =	swait.ge [sflag:s18], $0x4000  }
0x31: {  	[sflag:s18] =	ssyncset.done $0x0  }
0x32: {  	[sflag:s18] =	ssyncadd.s32 $0xFFFFC000  }
0x33: {  	[spmem:s15] =	stream.linear.scatter [tilespmem:s19], [sflag:$0x4], $0x4000, $0x38;
	[tilespmem:$0x1F100] =	vst v63  }
0x34: {  	_ =	swait.ge [sflag:s18], $0x4000  }
0x35: {  	[sflag:s18] =	ssyncset.done $0x0  }
0x36: {  	[sflag:s18] =	ssyncadd.s32 $0xFFFFC000  }
0x37: {  	[spmem:s16] =	stream.linear.scatter [tilespmem:s19], [sflag:$0x4], $0x4000, $0x38;
	[tilespmem:$0x1F100] =	vst v63  }
0x38: {  	_ =	swait.ge [sflag:s18], $0x4000  }
0x39: {  	[sflag:s18] =	ssyncset.done $0x0  }
0x3a: {  	[sflag:s18] =	ssyncadd.s32 $0xFFFFC000  }
0x3b: {  	[bflag:$0x0] =	sbarrier.arrive $0xFFFF  }
0x3c: {  	[tilespmem:s20], [sflag:$0x2] =	stream.linear.gather [hbm4b:s10+s4], $0x80, $0x38;
	[tilespmem:$0x1F100] =	vst v63  }
0x3d: {  	_ = 	snop  }
0x3e: {  	[tilespmem:s19], [sflag:$0x1] =	stream.indirect.gather [hbm4b:s6+s21], $0x80, s4, s21, $0xb8;
	[tilespmem:$0x1F100] =	vst v63  }
0x3f: {  	s22 =	simm.s32 $0x3080  }
0x40: {  	[tilespmem:s22], [sflag:$0x2] =	stream.linear.gather [hbm4b:s17+s4], $0x80, $0x38;
	[tilespmem:$0x1F100] =	vst v63  }
0x41: {  	s23 =	simm.s32 $0x7100  }
0x42: {  	[tilespmem:s23], [sflag:$0x1] =	stream.indirect.gather [hbm4b:s6+s21], $0x80, s21, s21, $0xb8;
	[tilespmem:$0x1F100] =	vst v63  }
0x43: {  	_ =	swait.ge [sflag:s24], $0x4000  }
0x44: {  	s8 =	simm.s32 $0x2;
	p1 =	sne.s32 s7, $0x3;
	[sflag:s24] =	ssyncset.done $0x0  }
.Ltmp1:
0x45: {  	s1 =	simm.s32 $0x100;
	[sflag:s24] =	ssyncadd.s32 $0xFFFFC000;
	(pc) =	sbr.rel @!p1 .LBB2_4-.Ltmp1, $4  }
0x46: {  	s0 =	simm.s32 $0x3;
	s30 =	simm.s32 $0x180;
	_ =	swait.ge [sflag:s8], $0x80  }
0x47: {  	p0 =	por $0x0, $0x0;
	s31 =	sand.u32 $0x7FFFFC00, s1;
	[sflag:s8] =	ssyncset.done $0x0  }
0x48: {  	s29 =	sand.u32 $0x1, s8;
	s23 =	sand.u32 $0x380, s1;
	[sflag:s8] =	ssyncadd.s32 $0xFFFFFF80  }
0x49: {  	[spmem:s2] =	stream.indirect.scatter.add.f32 [tilespmem:s19], [sflag:$0x3], $0x80, s20, s21, $0xb8;
	[tilespmem:$0x1F100] =	vst v63  }
0x4a: {  	s8 =	sadd.s32 s3, s31  }
0x4b: {  	s11 =	sshll.u32 s29, $0xE;
	_ =	swait.ge [sflag:s25], $0x4000;
	s8 =	sor.u32 s23, s8  }
0x4c: {  	s22 =	sshll.u32 s29, $0x7;
	[sflag:s25] =	ssyncset.done $0x0;
	s8 =	sshrl.u32 s8, $0x3  }
0x4d: {  	s22 =	sor.u32 $0x3000, s22;
	[sflag:s25] =	ssyncadd.s32 $0xFFFFC000;
	s8 =	sadd.s32 s5, s8  }
0x4e: {  	[tilespmem:s22], [sflag:$0x2] =	stream.linear.gather [hbm4b:s8+s4], $0x80, $0x38;
	[tilespmem:$0x1F100] =	vst v63  }
0x4f: {  	s23 =	sor.u32 $0x3100, s11  }
0x50: {  	[tilespmem:s23], [sflag:$0x1] =	stream.indirect.gather [hbm4b:s6+s21], $0x80, s1, s21, $0xb8;
	[tilespmem:$0x1F100] =	vst v63  }
0x51: {  	s31 =	sand.u32 $0x7FFFFC00, s30;
	p1 =	sne.s32 s7, $0x4;
	_ =	swait.ge [sflag:s24], $0x4000  }
.Ltmp2:
0x52: {  	p0 =	por $0x1, $0x1;
	[sflag:s24] =	ssyncset.done $0x0;
	(pc) =	sbr.rel @!p1 .LBB2_6-.Ltmp2, $4  }
0x53: {  	s11 =	sxor.u32 $0x1, s29;
	s29 =	sand.u32 $0x1, s0;
	[sflag:s24] =	ssyncadd.s32 $0xFFFFC000  }
0x54: {  	s12 =	sshll.u32 s11, $0x7;
	s22 =	simm.s32 $0x200;
	_ =	swait.ge [sflag:s26], $0x80  }
0x55: {  	s8 =	sshll.u32 s11, $0xE;
	s11 =	sor.u32 $0x3000, s12;
	[sflag:s26] =	ssyncset.done $0x0  }
0x56: {  	s1 =	simm.s32 $0x4;
	s23 =	sand.u32 $0x380, s30;
	[sflag:s26] =	ssyncadd.s32 $0xFFFFFF80  }
.LBB2_7:
0x57: {  	s0 =	sadd.s32 s3, s31;
	s12 =	sshll.u32 s29, $0xE;
	s8 =	sor.u32 $0x3100, s8  }
0x58: {  	[spmem:s2] =	stream.indirect.scatter.add.f32 [tilespmem:s8], [sflag:$0x3], $0x80, s11, s21, $0xb8;
	[tilespmem:$0x1F100] =	vst v63  }
0x59: {  	s31 =	sand.u32 $0x7FFFFC00, s22;
	s0 =	sor.u32 s23, s0;
	_ =	swait.ge [sflag:s25], $0x4000  }
0x5a: {  	s8 =	sshll.u32 s29, $0x7;
	s0 =	sshrl.u32 s0, $0x3;
	[sflag:s25] =	ssyncset.done $0x0  }
0x5b: {  	s8 =	sor.u32 $0x3000, s8;
	s0 =	sadd.s32 s5, s0;
	[sflag:s25] =	ssyncadd.s32 $0xFFFFC000  }
0x5c: {  	[tilespmem:s8], [sflag:$0x2] =	stream.linear.gather [hbm4b:s0+s4], $0x80, $0x38;
	[tilespmem:$0x1F100] =	vst v63  }
0x5d: {  	s11 =	smov.u32 s1;
	s1 =	sadd.s32 $0x1, s1;
	s0 =	sor.u32 $0x3100, s12  }
0x5e: {  	[tilespmem:s0], [sflag:$0x1] =	stream.indirect.gather [hbm4b:s6+s21], $0x80, s30, s21, $0xb8;
	[tilespmem:$0x1F100] =	vst v63  }
0x5f: {  	p1 =	sne.s32 s7, s1;
	s0 =	smov.u32 s22;
	_ =	swait.ge [sflag:s24], $0x4000  }
.Ltmp3:
0x60: {  	[sflag:s24] =	ssyncset.done $0x0;
	(pc) =	sbr.rel @p1 .LBB2_7-.Ltmp3, $4  }
0x61: {  	s22 =	sadd.s32 $0x80, s22;
	s30 =	sadd.s32 $0x80, s30;
	[sflag:s24] =	ssyncadd.s32 $0xFFFFC000  }
0x62: {  	s23 =	sand.u32 $0x380, s0;
	s0 =	sxor.u32 $0x1, s29;
	_ =	swait.ge [sflag:s26], $0x80  }
0x63: {  	s12 =	sshll.u32 s0, $0x7;
	s8 =	sshll.u32 s0, $0xE;
	[sflag:s26] =	ssyncset.done $0x0  }
0x64: {  	s29 =	sand.u32 $0x1, s11;
	s11 =	sor.u32 $0x3000, s12;
	[sflag:s26] =	ssyncadd.s32 $0xFFFFFF80  }
0x65: {  	s0 =	smov.u32 s1;
	s1 =	smov.u32 s30  }
.LBB2_9:
0x66: {  	s12 =	sadd.s32 s3, s31;
	s8 =	sor.u32 @p0 $0x3100, s8  }
0x67: {  	[spmem:s2] =	stream.indirect.scatter.add.f32 @p0 [tilespmem:s8], [sflag:$0x3], $0x80, s11, s21, $0xb8;
	[tilespmem:$0x1F100] =	vst v63  }
0x68: {  	s22 =	sshll.u32 s29, $0xE;
	s30 =	sor.u32 s23, s12;
	_ =	swait.ge [sflag:s25], $0x4000  }
0x69: {  	s31 =	sshll.u32 s29, $0x7;
	s11 =	sshrl.u32 s30, $0x3;
	[sflag:s25] =	ssyncset.done $0x0  }
0x6a: {  	s12 =	sor.u32 $0x3000, s31;
	s11 =	sadd.s32 s5, s11;
	[sflag:s25] =	ssyncadd.s32 $0xFFFFC000  }
0x6b: {  	[tilespmem:s12], [sflag:$0x2] =	stream.linear.gather [hbm4b:s11+s4], $0x80, $0x38;
	[tilespmem:$0x1F100] =	vst v63  }
0x6c: {  	s8 =	sor.u32 $0x3100, s22  }
0x6d: {  	[tilespmem:s8], [sflag:$0x1] =	stream.indirect.gather [hbm4b:s6+s21], $0x80, s1, s21, $0xb8;
	[tilespmem:$0x1F100] =	vst v63  }
0x6e: {  	_ =	swait.ge [sflag:s24], $0x4000  }
0x6f: {  	[sflag:s24] =	ssyncset.done $0x0  }
0x70: {  	[sflag:s24] =	ssyncadd.s32 $0xFFFFC000  }
0x71: {  	s11 =	sxor.u32 $0x1, s29;
	_ =	swait.ge [sflag:s26], $0x80  }
0x72: {  	s12 =	sshll.u32 s11, $0x7;
	s1 =	sshll.u32 s11, $0xE;
	[sflag:s26] =	ssyncset.done $0x0  }
0x73: {  	s8 =	sor.u32 $0x3000, s12;
	s1 =	sor.u32 $0x3100, s1;
	[sflag:s26] =	ssyncadd.s32 $0xFFFFFF80  }
0x74: {  	[spmem:s2] =	stream.indirect.scatter.add.f32 [tilespmem:s1], [sflag:$0x3], $0x80, s8, s21, $0xb8;
	[tilespmem:$0x1F100] =	vst v63  }
0x75: {  	_ =	swait.ge [sflag:s24], $0x4000  }
0x76: {  	[sflag:s24] =	ssyncset.done $0x0  }
0x77: {  	s0 =	sxor.u32 $0xFFFFFFFF, s0;
	[sflag:s24] =	ssyncadd.s32 $0xFFFFC000  }
0x78: {  	s0 =	sand.u32 $0x1, s0;
	_ =	swait.ge [sflag:s26], $0x80  }
0x79: {  	s22 =	sshll.u32 s0, $0x7;
	s0 =	sshll.u32 s0, $0xE;
	[sflag:s26] =	ssyncset.done $0x0  }
0x7a: {  	s0 =	sor.u32 $0x3100, s0;
	s1 =	sor.u32 $0x3000, s22;
	[sflag:s26] =	ssyncadd.s32 $0xFFFFFF80  }
0x7b: {  	[spmem:s2] =	stream.indirect.scatter.add.f32 [tilespmem:s0], [sflag:$0x3], $0x80, s1, s21, $0xb8;
	[tilespmem:$0x1F100] =	vst v63  }
0x7c: {  	_ =	swait.ge [sflag:s25], $0x4000  }
0x7d: {  	[sflag:s25] =	ssyncset.done $0x0  }
0x7e: {  	[sflag:s25] =	ssyncadd.s32 $0xFFFFC000  }
0x7f: {  	_ =	swait.ge [sflag:s25], $0x4000  }
0x80: {  	[sflag:s25] =	ssyncset.done $0x0  }
0x81: {  	s23 =	stileid.u32;
	[sflag:s25] =	ssyncadd.s32 $0xFFFFC000  }
0x82: {  	s0 =	sshll.u32 s23, $0x6;
	[bflag:$0x0] =	sbarrier.arrive $0xFFFF  }
0x83: {  	s29 =	sshrl.u32 s9, $0x3;
	s0 =	sor.u32 $0x1C04, s0;
	s30 =	rddreg [dreg:$0x4]  }
0x84: {  	[hbm:s30], [sflag:s0] =	dma.local [spmem:s29], $0x2800  }
0x85: {  	_ =	swait.ge [sflag:s18], $0x2800  }
0x86: {  	s28 =	sadd.s32 $0x1, s28;
	s31 =	rddreg [dreg:$0x5]  }
0x87: {  	p0 =	sne.s32 s28, s31  }
.Ltmp4:
0x88: {  	_ = 	snop;
	(pc) =	sbr.rel @p0 .LBB2_1-.Ltmp4, $4  }
.Ltmp5:
0x89: {  	_ = 	snop;
	(pc) =	sbr.rel @!p0 .LBB2_10-.Ltmp5, $4  }
0x8a: {  	_ = 	snop  }
0x8b: {  	[sflag:s18] =	ssyncset.done $0x0  }
0x8c: {  	[sflag:s18] =	ssyncadd.s32 $0xFFFFD800  }
0x8d: {  	_ = 	snop  }
.LBB2_4:
.Ltmp6:
0x8e: {  	(pc) =	sbr.rel .LBB2_9-.Ltmp6, $2  }
0x8f: {  	_ =	sdelay $0x2  }
0x90: {  	_ = 	snop  }
.LBB2_6:
.Ltmp7:
0x91: {  	(pc) =	sbr.rel .LBB2_9-.Ltmp7, $2  }
0x92: {  	_ =	sdelay $0x2  }
0x93: {  	s0 =	simm.s32 $0x4;
	s1 =	simm.s32 $0x180  }
.LBB2_10:
0x94: {  	_ =	sfence.sel $0x180000  }
0x95: {  	[bflag:$0x0] =	sbarrier.arrive $0xFFFF  }
0x96: {  	_ =	strace $0x9000004A  }
0x97: {  	s0 =	stileid.u32;
	[bflag:$0x2] =	sbarrier.arrive $0xFFFF  }
0x98: {  	p0 =	sne.s32 s0, $0x0;
	s0 =	rddreg [dreg:$0x2]  }
0x99: {  	s0 =	sadd.s32 @!p0 $0x100000, s0  }
0x9a: {  	[sflag:s0] =	ssyncadd.tile.s32 @!p0 $0x1;
	_ =	shalt  }
.Lfunc_end2:
_tile_overlayer_lowered:
.L_overlay_start_2:
0x9b: {  	(tag) =	ssettag $0x2  }
0x9c: {  	s0 =	rddreg [dreg:$0x0];
	s2 =	stileid.u32  }
0x9d: {  	s1 =	rddreg [dreg:$0x1];
	p0 =	sne.s32 s2, $0x0  }
0x9e: {  	s3 =	rddreg [dreg:$0x2];
	[bflag:$0x3] =	sbarrier.arrive $0xFFFF;
	s2 =	simm.s32 @!p0 $0x1C04  }
0x9f: {  	[timem:s3], [sflag:s2] =	dma.local @!p0 [hbm:s0], s1  }
0xa0: {  	s0 =	simm.s32 @!p0 $0x4  }
0xa1: {  	_ =	swait.ge @!p0 [sflag:s0], s1  }
0xa2: {  	s1 =	ssub.s32 @!p0 $0x0, s1;
	[sflag:s0] =	ssyncset.done @!p0 $0x0  }
0xa3: {  	[sflag:s0] =	ssyncadd.s32 @!p0 s1  }
0xa4: {  	[bflag:$0x3] =	sbarrier.arrive $0xFFFF  }
0xa5: {  	_ =	shalt  }

// kernel: kernel.16.cloned.1.call-start
scs
__scs_entry_jumppad:
0x0: {  	(pc) =	sbr.rel $0x88, $3  }
0x1: {  	(tag) =	ssettag $0x0;
	lr =	simm.s32 $0x1  }
0x2: {  	[smem:$0x3F8F] =	sst lr;
	_ =	strace $0xD0000000  }
0x3: {  	_ = 	snop  }
0x4: {  	_ = 	snop  }
0x5: {  	_ = 	snop  }
0x6: {  	_ = 	snop  }
0x7: {  	_ = 	snop  }
__scs_overlays_trampoline_lowered:
0x8: {  	[smem:$0x3F9E] =	sst s0  }
0x9: {  	[smem:$0x3F9F] =	sst s1  }
0xa: {  	[smem:$0x3FA0] =	sst s2  }
0xb: {  	[smem:$0x3FA1] =	sst s3  }
0xc: {  	[smem:$0x3FA2] =	sst s4  }
0xd: {  	[smem:$0x3FA3] =	sst s5  }
0xe: {  	[smem:$0x3FA4] =	sst s6  }
0xf: {  	[smem:$0x3FA5] =	sst s7  }
0x10: {  	[smem:$0x3FA6] =	sst s8  }
0x11: {  	[smem:$0x3FA7] =	sst s9;
	s0 =	simm.s32 @!p0 $0x0  }
0x12: {  	s1 =	sld [smem:$0x3F8D];
	s0 =	simm.s32 @p0 $0x1  }
0x13: {  	[smem:$0x3FA8] =	sst s0;
	s0 =	simm.s32 @!p1 $0x0  }
0x14: {  	s2 =	sld [smem:$0x3F8C];
	s0 =	simm.s32 @p1 $0x1  }
0x15: {  	[smem:$0x3FA9] =	sst s0;
	s0 =	simm.s32 @!p2 $0x0  }
0x16: {  	s3 =	sld [smem:$0x3FDB];
	s0 =	simm.s32 @p2 $0x1  }
0x17: {  	s4 =	simm.s32 $0x1BF5;
	[smem:$0x3FAB] =	sst s0  }
0x18: {  	s0 =	sld [smem:$0x3F8E];
	_ =	swait.ge [sflag:s4], $0x0  }
0x19: {  	s7 =	sld [smem:$0x3F8F]  }
0x1a: {  	s8 =	sadd.s32 $0xFFFFE003, lr  }
0x1b: {  	s9 =	sadd.s32 $0xFFFFFEF7, lr;
	s5 =	simm.s32 $0xFFFFFFFF;
	p2 =	slt.u32 s8, $0xFFFFF086  }
0x1c: {  	p1 =	slt.u32 s9, $0xF7A;
	s5 =	simm.s32 @!p2 $0x0  }
0x1d: {  	s5 =	simm.s32 @p1 $0x1;
	p0 =	seq.s32 s7, s2  }
0x1e: {  	s7 =	smul.u32 @!p0 $0xF7A, s2;
	p2 =	seq.s32 @!p0 s5, $0x0  }
0x1f: {  	s9 =	smul.u32 $0xF7A, s1;
	s8 =	simm.s32 @!p0 $0x1BF5;
	p2 =	por !p2, p0  }
0x20: {  	[sflag:s8] =	ssyncset.s32 @!p0 $0xFFFFF086;
	s6 =	sadd.s32 @!p0 s3, s7;
	s7 =	simm.s32 @!p0 $0x108  }
0x21: {  	s3 =	sadd.s32 s3, s9;
	s6 =	sadd.s32 @!p0 $0x88, s6;
	s7 =	simm.s32 @p2 $0x1082  }
0x22: {  	[simem:s7], [sflag:s8] =	dma.local @!p0 [hbm:s6], $0xF7A  }
0x23: {  	s9 =	sor.u32 $0xD0000000, s2;
	s6 =	simm.s32 $0x108;
	_ =	swait.ge @!p0 [sflag:s8], $0x0  }
0x24: {  	s3 =	sadd.s32 $0x88, s3;
	s6 =	simm.s32 @!p1 $0x1082;
	[sflag:s4] =	ssyncset.s32 $0xFFFFF086  }
0x25: {  	[simem:s6], [sflag:s4] =	dma.local [hbm:s3], $0xF7A  }
0x26: {  	[smem:$0x3F8F] =	sst s1;
	(tag) =	ssettag s2;
	_ =	strace s9  }
0x27: {  	s1 =	sld [smem:$0x3F9F]  }
0x28: {  	s2 =	sld [smem:$0x3FA0]  }
0x29: {  	s4 =	sld [smem:$0x3FA2]  }
0x2a: {  	p0 =	seq.s32 s5, $0x0;
	s5 =	sld [smem:$0x3FA3]  }
0x2b: {  	s6 =	sld [smem:$0x3FA4]  }
0x2c: {  	s7 =	sld [smem:$0x3FA5]  }
0x2d: {  	s3 =	simm.s32 $0x108;
	s8 =	sld [smem:$0x3FA6]  }
0x2e: {  	s3 =	simm.s32 @!p0 $0x1082;
	s9 =	sld [smem:$0x3FA7]  }
0x2f: {  	lr =	sadd.s32 s0, s3;
	s0 =	sld [smem:$0x3F9E]  }
0x30: {  	s3 =	sld [smem:$0x3FA1]  }
0x31: {  	[smem:$0x3FAA] =	sst s10  }
0x32: {  	s10 =	sld [smem:$0x3FA8];
	_ =	sdelay $0x3  }
0x33: {  	p0 =	seq.s32 s10, $0x1;
	s10 =	sld [smem:$0x3FAA];
	_ =	sdelay $0x3  }
0x34: {  	[smem:$0x3FAA] =	sst s10  }
0x35: {  	s10 =	sld [smem:$0x3FA9];
	_ =	sdelay $0x3  }
0x36: {  	p1 =	seq.s32 s10, $0x1;
	s10 =	sld [smem:$0x3FAA];
	_ =	sdelay $0x3  }
0x37: {  	[smem:$0x3FAA] =	sst s10  }
0x38: {  	s10 =	sld [smem:$0x3FAB]  }
0x39: {  	_ = 	snop;
	(pc) =	sbr.ind lr, $3  }
0x3a: {  	_ = 	snop  }
0x3b: {  	_ = 	snop  }
0x3c: {  	p2 =	seq.s32 s10, $0x1;
	s10 =	sld [smem:$0x3FAA]  }
0x3d: {  	_ =	shalt  }
0x3e: {  	_ =	shalt  }
0x3f: {  	_ =	shalt  }
0x40: {  	_ =	shalt  }
0x41: {  	_ =	shalt  }
0x42: {  	_ =	shalt  }
0x43: {  	_ =	shalt  }
0x44: {  	_ =	shalt  }
0x45: {  	_ =	shalt  }
0x46: {  	_ =	shalt  }
0x47: {  	_ =	shalt  }
0x48: {  	_ =	shalt  }
0x49: {  	_ =	shalt  }
0x4a: {  	_ =	shalt  }
0x4b: {  	_ =	shalt  }
0x4c: {  	_ =	shalt  }
0x4d: {  	_ =	shalt  }
0x4e: {  	_ =	shalt  }
0x4f: {  	_ =	shalt  }
0x50: {  	_ =	shalt  }
0x51: {  	_ =	shalt  }
0x52: {  	_ =	shalt  }
0x53: {  	_ =	shalt  }
0x54: {  	_ =	shalt  }
0x55: {  	_ =	shalt  }
0x56: {  	_ =	shalt  }
0x57: {  	_ =	shalt  }
0x58: {  	_ =	shalt  }
0x59: {  	_ =	shalt  }
0x5a: {  	_ =	shalt  }
0x5b: {  	_ =	shalt  }
0x5c: {  	_ =	shalt  }
0x5d: {  	_ =	shalt  }
0x5e: {  	_ =	shalt  }
0x5f: {  	_ =	shalt  }
0x60: {  	_ =	shalt  }
0x61: {  	_ =	shalt  }
0x62: {  	_ =	shalt  }
0x63: {  	_ =	shalt  }
0x64: {  	_ =	shalt  }
0x65: {  	_ =	shalt  }
0x66: {  	_ =	shalt  }
0x67: {  	_ =	shalt  }
0x68: {  	_ =	shalt  }
0x69: {  	_ =	shalt  }
0x6a: {  	_ =	shalt  }
0x6b: {  	_ =	shalt  }
0x6c: {  	_ =	shalt  }
0x6d: {  	_ =	shalt  }
0x6e: {  	_ =	shalt  }
0x6f: {  	_ =	shalt  }
0x70: {  	_ =	shalt  }
0x71: {  	_ =	shalt  }
0x72: {  	_ =	shalt  }
0x73: {  	_ =	shalt  }
0x74: {  	_ =	shalt  }
0x75: {  	_ =	shalt  }
0x76: {  	_ =	shalt  }
0x77: {  	_ =	shalt  }
0x78: {  	_ =	shalt  }
0x79: {  	_ =	shalt  }
0x7a: {  	_ =	shalt  }
0x7b: {  	_ =	shalt  }
0x7c: {  	_ =	shalt  }
0x7d: {  	_ =	shalt  }
0x7e: {  	_ =	shalt  }
0x7f: {  	_ =	shalt  }
0x80: {  	_ =	shalt  }
0x81: {  	_ =	shalt  }
0x82: {  	_ =	shalt  }
0x83: {  	_ =	shalt  }
0x84: {  	_ =	shalt  }
0x85: {  	_ =	shalt  }
0x86: {  	_ =	shalt  }
0x87: {  	_ =	shalt  }
.Lfunc_end0:
.L_simem_size_0:
called_computation.2_lowered:
.L_overlay_start_0:
0x88: {  	s2 =	sld [smem:$0x3FD9]  }
0x89: {  	s3 =	sld [smem:$0x3FFE];
	_ =	sdelay $0x1  }
0x8a: {  	s1 =	srdreg.scid  }
0x8b: {  	s0 =	sand.u32 $0x1, s1  }
0x8c: {  	s16 =	sshll.u32 s0, $0xA;
	s2 =	sadd.s32 s3, s2  }
0x8d: {  	s2 =	sadd.s32 s2, s16  }
0x8e: {  	[smem:$0x3FB6] =	sst s2  }
0x8f: {  	_ = 	snop  }
0x90: {  	(tm) =	ssettm $0x1  }
0x91: {  	s17 =	sld [smem:$0x3FFB];
	_ =	sdelay $0x3  }
0x92: {  	_ =	strace s17  }
0x93: {  	s2 =	sld [smem:$0x3FFC];
	_ =	sdelay $0x3  }
0x94: {  	_ =	strace s2  }
0x95: {  	s2 =	sld [smem:$0x3FFD];
	_ =	sdelay $0x3  }
0x96: {  	_ =	strace s2  }
0x97: {  	_ =	strace $0x8FFFFFFF  }
0x98: {  	s18 =	sld [smem:$0x3FDB];
	_ =	sdelay $0x1  }
0x99: {  	s19 =	simm.s32 $_scs_section_size  }
0x9a: {  	s4 =	simm.s32 $_size__tile_overlayer_lowered;
	s5 =	simm.s32 $_tile_overlayer_lowered  }
0x9b: {  	s22 =	simm.s32 $0x1BFF;
	s21 =	sshll.u32 s5, $0x1;
	s2 =	sadd.s32 s19, s18  }
0x9c: {  	s6 =	simm.s32 $0x0;
	s20 =	sshll.u32 s4, $0x1;
	s4 =	sadd.s32 s21, s2  }
0x9d: {  	[timem:s6], [sflag:s22] =	dma.local [hbm:s4], s20  }
0x9e: {  	_ =	swait.ge [sflag:s22], s20  }
0x9f: {  	s3 =	ssub.s32 $0x0, s20;
	[sflag:s22] =	ssyncset.done $0x0  }
0xa0: {  	[sflag:s22] =	ssyncadd.s32 s3;
	_ =	sdelay $0x1  }
0xa1: {  	s23 =	simm.s32 $0x1B8B  }
0xa2: {  	_ =	swait.ge [sflag:s23], $0x1  }
0xa3: {  	[sflag:s23] =	ssyncset.done $0x0  }
0xa4: {  	s25 =	simm.s32 $0x1B8E;
	s24 =	sld [smem:$0x3FFE];
	[sflag:s23] =	ssyncadd.s32 $0xFFFFFFFF  }
0xa5: {  	s26 =	simm.s32 $execute0_lowered;
	[smem:$0x3FD2] =	sst s25  }
0xa6: {  	s4 =	sshll.u32 s26, $0x1;
	_ =	strace $0x8000004C;
	[dreg:$0x1] =	wrdreg $0xFFFFFFFF  }
0xa7: {  	s28 =	simm.s32 $_size_execute0_lowered;
	s2 =	sadd.s32 s2, s4;
	[dreg:$0x0] =	wrdreg $0x0  }
0xa8: {  	s4 =	sshll.u32 s28, $0x1;
	[dreg:$0x2] =	wrdreg s2  }
0xa9: {  	[dreg:$0x3] =	wrdreg s4  }
0xaa: {  	[dreg:$0x4] =	wrdreg $0xC0  }
0xab: {  	_ =	task [dreg:s6], $0x5FFFF  }
0xac: {  	[dreg:$0x1] =	wrdreg $0xFFFFFFFF  }
0xad: {  	[dreg:$0x0] =	wrdreg $0x60  }
0xae: {  	[dreg:$0x2] =	wrdreg s24  }
0xaf: {  	[dreg:$0x3] =	wrdreg $0xA2800  }
0xb0: {  	[dreg:$0x4] =	wrdreg $0x9  }
0xb1: {  	_ =	task.clear_ibuf [dreg:s6], $0x5FFFF;
	_ =	strace $0x9000004C  }
0xb2: {  	s29 =	simm.s32 $0x9;
	_ =	strace $0x8000004E  }
0xb3: {  	_ =	swait.ge [sflag:s29], $0x1  }
0xb4: {  	[sflag:s29] =	ssyncadd.s32 $0xFFFFFFFF  }
0xb5: {  	_ =	strace $0x9000004E  }
0xb6: {  	_ =	sfence  }
0xb7: {  	s30 =	sld [smem:$0x0];
	_ =	sdelay $0x2  }
0xb8: {  	s31 =	sshll.u32 s1, $0xD;
	s1 =	sshrl.u32 s1, $0x2  }
0xb9: {  	s3 =	sand.u32 $0x4000, s31;
	s1 =	sadd.s32 s1, s30  }
0xba: {  	s0 =	sor.u32 s3, s0;
	s1 =	sshll.u32 s1, $0x11  }
0xbb: {  	s0 =	sor.u32 s1, s0  }
0xbc: {  	s0 =	sadd.s32 $0x8F2B, s0  }
0xbd: {  	[sflag:s0] =	ssyncadd.remote.s32 $0x1  }
0xbe: {  	_ =	sfence.sel $0xFFFF  }
0xbf: {  	[dreg:$0x0] =	wrdreg $0xFFFFFFFF;
	(pc) =	sbr.abs _section_cstart, $3  }
0xc0: {  	[dreg:$0x1] =	wrdreg $0xFFFFFFFF  }
0xc1: {  	_ =	task.clear_ibuf [dreg:s6], $0x2FFFF;
	_ =	strace $0x9FFFFFFF  }
0xc2: {  	(tm) =	ssettm $0x7FFFFFFF  }
0xc3: {  	_ =	shalt  }
tec
execute0_lowered:
.L_overlay_start_1:
0x0: {  	(tag) =	ssettag $0x1  }
0x1: {  	s0 =	srdreg.scid;
	s6 =	rddreg [dreg:$0x0]  }
0x2: {  	s2 =	rddreg [dreg:$0x1];
	s3 =	simm.s32 $0x0;
	s12 =	simm.s32 $0x2800  }
0x3: {  	s13 =	simm.s32 $0x5000;
	s14 =	simm.s32 $0x80;
	s15 =	simm.s32 $0x1  }
0x4: {  	s18 =	simm.s32 $0x20;
	s19 =	simm.s32 $0x10;
	s20 =	simm.s32 $0x0  }
0x5: {  	s5 =	sand.u32 $0x1, s0;
	s0 =	stileid.u32;
	[smem:$0x7FF] =	sst s3  }
0x6: {  	s1 =	sshll.u32 s5, $0x4;
	s7 =	smul.u32 $0x500, s0;
	s8 =	sshll.u32 s5, $0x7  }
0x7: {  	s29 =	smul.u32 $0xA00, s0;
	s5 =	ssub.s32 $0x2, s5;
	s16 =	sshll.u32 s0, $0x6  }
0x8: {  	s4 =	sor.u32 s0, s1;
	s1 =	rddreg [dreg:$0x2];
	_ =	strace $0x8000004D  }
0x9: {  	s30 =	sshrl.u32 s5, $0x1;
	s16 =	sor.u32 $0x1C02, s16;
	s4 =	smul.u32 $0x500, s4  }
0xa: {  	s7 =	sor.u32 s8, s7;
	s31 =	sshrl.u32 s29, $0x2;
	s11 =	ssub.s32 s5, s30  }
0xb: {  	s7 =	sshrl.u32 s7, $0x3;
	s5 =	sadd.s32 s31, s2;
	s9 =	sadd.s32 s4, s6  }
0xc: {  	s4 =	sadd.s32 $0x17A00, s6;
	s10 =	sadd.s32 s7, s6;
	s17 =	sshrl.u32 s5, $0x3  }
0xd: {  	s6 =	sadd.s32 $0x3A00, s9;
	s7 =	sadd.s32 $0xDA00, s9;
	s8 =	sadd.s32 $0x18000, s10  }
0xe: {  	v0 =	vimm.f32 $0.0e+00;
	s9 =	smax.u32 s11, $0x1;
	s10 =	simm.s32 $0xA000;
	s11 =	simm.s32 $0x2  }
.LBB2_1:
0xf: {  	[tilespmem:$0xA000] =	vst v0  }
0x10: {  	[tilespmem:$0xA010] =	vst v0  }
0x11: {  	[tilespmem:$0xA020] =	vst v0  }
0x12: {  	[tilespmem:$0xA030] =	vst v0  }
0x13: {  	[tilespmem:$0xA040] =	vst v0  }
0x14: {  	[tilespmem:$0xA050] =	vst v0  }
0x15: {  	[tilespmem:$0xA060] =	vst v0  }
0x16: {  	[tilespmem:$0xA070] =	vst v0  }
0x17: {  	[tilespmem:$0xA080] =	vst v0  }
0x18: {  	[tilespmem:$0xA090] =	vst v0  }
0x19: {  	[tilespmem:$0xA0A0] =	vst v0  }
0x1a: {  	[tilespmem:$0xA0B0] =	vst v0  }
0x1b: {  	[tilespmem:$0xA0C0] =	vst v0  }
0x1c: {  	[tilespmem:$0xA0D0] =	vst v0  }
0x1d: {  	[tilespmem:$0xA0E0] =	vst v0  }
0x1e: {  	[tilespmem:$0xA0F0] =	vst v0  }
0x1f: {  	[tilespmem:$0xA100] =	vst v0  }
0x20: {  	[tilespmem:$0xA110] =	vst v0  }
0x21: {  	[tilespmem:$0xA120] =	vst v0  }
0x22: {  	[tilespmem:$0xA130] =	vst v0  }
0x23: {  	[tilespmem:$0xA140] =	vst v0  }
0x24: {  	[tilespmem:$0xA150] =	vst v0  }
0x25: {  	[tilespmem:$0xA160] =	vst v0  }
0x26: {  	[tilespmem:$0xA170] =	vst v0  }
0x27: {  	[tilespmem:$0xA180] =	vst v0  }
0x28: {  	[tilespmem:$0xA190] =	vst v0  }
0x29: {  	[tilespmem:$0xA1A0] =	vst v0  }
0x2a: {  	[tilespmem:$0xA1B0] =	vst v0  }
0x2b: {  	[tilespmem:$0xA1C0] =	vst v0  }
0x2c: {  	[tilespmem:$0xA1D0] =	vst v0  }
0x2d: {  	[tilespmem:$0xA1E0] =	vst v0  }
0x2e: {  	[tilespmem:$0xA1F0] =	vst v0  }
0x2f: {  	[tilespmem:$0xA200] =	vst v0  }
0x30: {  	[tilespmem:$0xA210] =	vst v0  }
0x31: {  	[tilespmem:$0xA220] =	vst v0  }
0x32: {  	[tilespmem:$0xA230] =	vst v0  }
0x33: {  	[tilespmem:$0xA240] =	vst v0  }
0x34: {  	[tilespmem:$0xA250] =	vst v0  }
0x35: {  	[tilespmem:$0xA260] =	vst v0  }
0x36: {  	[tilespmem:$0xA270] =	vst v0  }
0x37: {  	[spmem:s5] =	stream.linear.scatter [tilespmem:s10], [sflag:$0x2], $0x280, $0x38;
	[tilespmem:$0xA500] =	vst v63  }
0x38: {  	_ =	swait.ge [sflag:s11], $0x280  }
0x39: {  	[sflag:s11] =	ssyncset.done $0x0  }
0x3a: {  	[sflag:s11] =	ssyncadd.s32 $0xFFFFFD80  }
0x3b: {  	[tilespmem:s3], [sflag:$0x2] =	stream.linear.gather [hbm4b:s4+s3], $0x2800, $0x38;
	[tilespmem:$0xA500] =	vst v63  }
0x3c: {  	_ =	swait.ge [sflag:s11], $0x2800  }
0x3d: {  	[sflag:s11] =	ssyncset.done $0x0  }
0x3e: {  	[sflag:s11] =	ssyncadd.s32 $0xFFFFD800  }
0x3f: {  	[tilespmem:s12], [sflag:$0x2] =	stream.linear.gather [hbm4b:s6+s3], $0x2780, $0x38;
	[tilespmem:$0xA500] =	vst v63  }
0x40: {  	_ =	swait.ge [sflag:s11], $0x2780  }
0x41: {  	[sflag:s11] =	ssyncset.done $0x0  }
0x42: {  	[sflag:s11] =	ssyncadd.s32 $0xFFFFD880  }
0x43: {  	[tilespmem:s13], [sflag:$0x2] =	stream.linear.gather [hbm4b:s7+s3], $0x2780, $0x38;
	[tilespmem:$0xA500] =	vst v63  }
0x44: {  	_ =	swait.ge [sflag:s11], $0x2780  }
0x45: {  	[sflag:s11] =	ssyncset.done $0x0  }
0x46: {  	s21 =	simm.s32 $0x0;
	[sflag:s11] =	ssyncadd.s32 $0xFFFFD880  }
0x47: {  	v1 =	vld [tilespmem:s21+$0x2800];
	_ =	sdelay $0x7  }
0x48: {  	s22 =	simm.s32 $0x10;
	s23 =	simm.s32 $0x80;
	v1 =	vld.idx.msk [tilespmem:v1+s3+$0x0], $0xffff  }
.LBB2_2:
0x49: {  	p0 =	sne.s32 s23, $0x9DC0;
	v2 =	vld [tilespmem:s22+$0x2800];
	_ =	sdelay $0x3  }
.Ltmp0:
0x4a: {  	(pc) =	sbr.rel @p0 .LBB2_2-.Ltmp0, $2  }
0x4b: {  	[tilespmem:s21+$0x7800] =	vst v1;
	s21 =	smov.u32 s22;
	_ =	sdelay $0x2  }
0x4c: {  	s22 =	sshra.s32 s23, $0x2;
	s23 =	sadd.s32 $0x40, s23;
	v1 =	vld.idx.msk [tilespmem:v2+s3+$0x0], $0xffff  }
0x4d: {  	v2 =	vld [tilespmem:s22+$0x2800];
	_ =	sdelay $0x6  }
0x4e: {  	[tilespmem:s21+$0x7800] =	vst v1  }
0x4f: {  	v1 =	vld.idx.msk [tilespmem:v2+s3+$0x0], $0xffff;
	_ =	sdelay $0x4  }
0x50: {  	[tilespmem:s22+$0x7800] =	vst v1  }
0x51: {  	s21 =	simm.s32 $0x0;
	[bflag:$0x0] =	sbarrier.arrive $0xFFFF  }
.LBB2_4:
0x52: {  	p0 =	sne.s32 s21, $0x9C00  }
.Ltmp1:
0x53: {  	_ = 	snop;
	(pc) =	sbr.rel @p0 .LBB2_4-.Ltmp1, $4  }
0x54: {  	_ = 	snop  }
0x55: {  	s22 =	sshra.s32 s21, $0x2  }
0x56: {  	s21 =	sadd.s32 $0x200, s21;
	s23 =	sadd.s32 $0x7800, s22;
	s22 =	sadd.s32 $0x5000, s22  }
0x57: {  	[spmem:s2] =	stream.indirect.scatter.add.f32 [tilespmem:s23], [sflag:$0x1], $0x1, s22, s14, $0xb8;
	[tilespmem:$0xA500] =	vst v63  }
0x58: {  	_ =	swait.ge [sflag:s15], $0x80  }
0x59: {  	s21 =	simm.s32 $0x4E;
	[sflag:s15] =	ssyncset.done $0x0  }
.LBB2_6:
0x5a: {  	p0 =	sne.s32 s21, $0x1;
	s21 =	sadd.s32 $0xFFFFFFFF, s21;
	[sflag:s15] =	ssyncadd.s32 $0xFFFFFF80  }
.Ltmp2:
0x5b: {  	(pc) =	sbr.rel @p0 .LBB2_6-.Ltmp2, $3  }
0x5c: {  	_ =	sdelay $0x1  }
0x5d: {  	_ =	swait.ge [sflag:s15], $0x80  }
0x5e: {  	[sflag:s15] =	ssyncset.done $0x0  }
0x5f: {  	s20 =	sadd.s32 $0x1, s20  }
0x60: {  	[sflag:s15] =	ssyncadd.s32 $0xFFFFFF80;
	p0 =	sne.s32 s20, s9  }
.Ltmp3:
0x61: {  	[bflag:$0x0] =	sbarrier.arrive $0xFFFF;
	(pc) =	sbr.rel @p0 .LBB2_1-.Ltmp3, $4  }
0x62: {  	[hbm:s8@s18], [sflag:s16] =	dma.strided [spmem:s17@s19], $0x50, s15, $0x10   }
0x63: {  	_ =	swait.ge [sflag:s11], $0x50  }
0x64: {  	[sflag:s11] =	ssyncset.done $0x0  }
0x65: {  	[sflag:s11] =	ssyncadd.s32 $0xFFFFFFB0  }
0x66: {  	_ =	sfence.sel $0x180000  }
0x67: {  	[bflag:$0x0] =	sbarrier.arrive $0xFFFF  }
0x68: {  	p0 =	sne.s32 s0, $0x0;
	_ =	strace $0x9000004D  }
0x69: {  	s0 =	sadd.s32 @!p0 $0x100000, s1;
	[bflag:$0x2] =	sbarrier.arrive $0xFFFF  }
0x6a: {  	[sflag:s0] =	ssyncadd.tile.s32 @!p0 $0x1;
	_ =	shalt  }
.Lfunc_end2:
_tile_overlayer_lowered:
.L_overlay_start_2:
0x6b: {  	(tag) =	ssettag $0x2  }
0x6c: {  	s0 =	rddreg [dreg:$0x0];
	s2 =	stileid.u32  }
0x6d: {  	s1 =	rddreg [dreg:$0x1];
	p0 =	sne.s32 s2, $0x0  }
0x6e: {  	s3 =	rddreg [dreg:$0x2];
	[bflag:$0x3] =	sbarrier.arrive $0xFFFF;
	s2 =	simm.s32 @!p0 $0x1C02  }
0x6f: {  	[timem:s3], [sflag:s2] =	dma.local @!p0 [hbm:s0], s1  }
0x70: {  	s0 =	simm.s32 @!p0 $0x2  }
0x71: {  	_ =	swait.ge @!p0 [sflag:s0], s1  }
0x72: {  	s1 =	ssub.s32 @!p0 $0x0, s1;
	[sflag:s0] =	ssyncset.done @!p0 $0x0  }
0x73: {  	[sflag:s0] =	ssyncadd.s32 @!p0 s1  }
0x74: {  	[bflag:$0x3] =	sbarrier.arrive $0xFFFF  }
0x75: {  	_ =	shalt  }

// kernel: kernel.19.cloned.1.call-start
scs
__scs_entry_jumppad:
0x0: {  	(pc) =	sbr.rel $0x88, $3  }
0x1: {  	(tag) =	ssettag $0x0;
	lr =	simm.s32 $0x1  }
0x2: {  	[smem:$0x3F8F] =	sst lr;
	_ =	strace $0xD0000000  }
0x3: {  	_ = 	snop  }
0x4: {  	_ = 	snop  }
0x5: {  	_ = 	snop  }
0x6: {  	_ = 	snop  }
0x7: {  	_ = 	snop  }
__scs_overlays_trampoline_lowered:
0x8: {  	[smem:$0x3F9E] =	sst s0  }
0x9: {  	[smem:$0x3F9F] =	sst s1  }
0xa: {  	[smem:$0x3FA0] =	sst s2  }
0xb: {  	[smem:$0x3FA1] =	sst s3  }
0xc: {  	[smem:$0x3FA2] =	sst s4  }
0xd: {  	[smem:$0x3FA3] =	sst s5  }
0xe: {  	[smem:$0x3FA4] =	sst s6  }
0xf: {  	[smem:$0x3FA5] =	sst s7  }
0x10: {  	[smem:$0x3FA6] =	sst s8  }
0x11: {  	[smem:$0x3FA7] =	sst s9;
	s0 =	simm.s32 @!p0 $0x0  }
0x12: {  	s1 =	sld [smem:$0x3F8D];
	s0 =	simm.s32 @p0 $0x1  }
0x13: {  	[smem:$0x3FA8] =	sst s0;
	s0 =	simm.s32 @!p1 $0x0  }
0x14: {  	s2 =	sld [smem:$0x3F8C];
	s0 =	simm.s32 @p1 $0x1  }
0x15: {  	[smem:$0x3FA9] =	sst s0;
	s0 =	simm.s32 @!p2 $0x0  }
0x16: {  	s3 =	sld [smem:$0x3FDB];
	s0 =	simm.s32 @p2 $0x1  }
0x17: {  	s4 =	simm.s32 $0x1BF5;
	[smem:$0x3FAB] =	sst s0  }
0x18: {  	s0 =	sld [smem:$0x3F8E];
	_ =	swait.ge [sflag:s4], $0x0  }
0x19: {  	s7 =	sld [smem:$0x3F8F]  }
0x1a: {  	s8 =	sadd.s32 $0xFFFFE003, lr  }
0x1b: {  	s9 =	sadd.s32 $0xFFFFFEF7, lr;
	s5 =	simm.s32 $0xFFFFFFFF;
	p2 =	slt.u32 s8, $0xFFFFF086  }
0x1c: {  	p1 =	slt.u32 s9, $0xF7A;
	s5 =	simm.s32 @!p2 $0x0  }
0x1d: {  	s5 =	simm.s32 @p1 $0x1;
	p0 =	seq.s32 s7, s2  }
0x1e: {  	s7 =	smul.u32 @!p0 $0xF7A, s2;
	p2 =	seq.s32 @!p0 s5, $0x0  }
0x1f: {  	s9 =	smul.u32 $0xF7A, s1;
	s8 =	simm.s32 @!p0 $0x1BF5;
	p2 =	por !p2, p0  }
0x20: {  	[sflag:s8] =	ssyncset.s32 @!p0 $0xFFFFF086;
	s6 =	sadd.s32 @!p0 s3, s7;
	s7 =	simm.s32 @!p0 $0x108  }
0x21: {  	s3 =	sadd.s32 s3, s9;
	s6 =	sadd.s32 @!p0 $0x88, s6;
	s7 =	simm.s32 @p2 $0x1082  }
0x22: {  	[simem:s7], [sflag:s8] =	dma.local @!p0 [hbm:s6], $0xF7A  }
0x23: {  	s9 =	sor.u32 $0xD0000000, s2;
	s6 =	simm.s32 $0x108;
	_ =	swait.ge @!p0 [sflag:s8], $0x0  }
0x24: {  	s3 =	sadd.s32 $0x88, s3;
	s6 =	simm.s32 @!p1 $0x1082;
	[sflag:s4] =	ssyncset.s32 $0xFFFFF086  }
0x25: {  	[simem:s6], [sflag:s4] =	dma.local [hbm:s3], $0xF7A  }
0x26: {  	[smem:$0x3F8F] =	sst s1;
	(tag) =	ssettag s2;
	_ =	strace s9  }
0x27: {  	s1 =	sld [smem:$0x3F9F]  }
0x28: {  	s2 =	sld [smem:$0x3FA0]  }
0x29: {  	s4 =	sld [smem:$0x3FA2]  }
0x2a: {  	p0 =	seq.s32 s5, $0x0;
	s5 =	sld [smem:$0x3FA3]  }
0x2b: {  	s6 =	sld [smem:$0x3FA4]  }
0x2c: {  	s7 =	sld [smem:$0x3FA5]  }
0x2d: {  	s3 =	simm.s32 $0x108;
	s8 =	sld [smem:$0x3FA6]  }
0x2e: {  	s3 =	simm.s32 @!p0 $0x1082;
	s9 =	sld [smem:$0x3FA7]  }
0x2f: {  	lr =	sadd.s32 s0, s3;
	s0 =	sld [smem:$0x3F9E]  }
0x30: {  	s3 =	sld [smem:$0x3FA1]  }
0x31: {  	[smem:$0x3FAA] =	sst s10  }
0x32: {  	s10 =	sld [smem:$0x3FA8];
	_ =	sdelay $0x3  }
0x33: {  	p0 =	seq.s32 s10, $0x1;
	s10 =	sld [smem:$0x3FAA];
	_ =	sdelay $0x3  }
0x34: {  	[smem:$0x3FAA] =	sst s10  }
0x35: {  	s10 =	sld [smem:$0x3FA9];
	_ =	sdelay $0x3  }
0x36: {  	p1 =	seq.s32 s10, $0x1;
	s10 =	sld [smem:$0x3FAA];
	_ =	sdelay $0x3  }
0x37: {  	[smem:$0x3FAA] =	sst s10  }
0x38: {  	s10 =	sld [smem:$0x3FAB]  }
0x39: {  	_ = 	snop;
	(pc) =	sbr.ind lr, $3  }
0x3a: {  	_ = 	snop  }
0x3b: {  	_ = 	snop  }
0x3c: {  	p2 =	seq.s32 s10, $0x1;
	s10 =	sld [smem:$0x3FAA]  }
0x3d: {  	_ =	shalt  }
0x3e: {  	_ =	shalt  }
0x3f: {  	_ =	shalt  }
0x40: {  	_ =	shalt  }
0x41: {  	_ =	shalt  }
0x42: {  	_ =	shalt  }
0x43: {  	_ =	shalt  }
0x44: {  	_ =	shalt  }
0x45: {  	_ =	shalt  }
0x46: {  	_ =	shalt  }
0x47: {  	_ =	shalt  }
0x48: {  	_ =	shalt  }
0x49: {  	_ =	shalt  }
0x4a: {  	_ =	shalt  }
0x4b: {  	_ =	shalt  }
0x4c: {  	_ =	shalt  }
0x4d: {  	_ =	shalt  }
0x4e: {  	_ =	shalt  }
0x4f: {  	_ =	shalt  }
0x50: {  	_ =	shalt  }
0x51: {  	_ =	shalt  }
0x52: {  	_ =	shalt  }
0x53: {  	_ =	shalt  }
0x54: {  	_ =	shalt  }
0x55: {  	_ =	shalt  }
0x56: {  	_ =	shalt  }
0x57: {  	_ =	shalt  }
0x58: {  	_ =	shalt  }
0x59: {  	_ =	shalt  }
0x5a: {  	_ =	shalt  }
0x5b: {  	_ =	shalt  }
0x5c: {  	_ =	shalt  }
0x5d: {  	_ =	shalt  }
0x5e: {  	_ =	shalt  }
0x5f: {  	_ =	shalt  }
0x60: {  	_ =	shalt  }
0x61: {  	_ =	shalt  }
0x62: {  	_ =	shalt  }
0x63: {  	_ =	shalt  }
0x64: {  	_ =	shalt  }
0x65: {  	_ =	shalt  }
0x66: {  	_ =	shalt  }
0x67: {  	_ =	shalt  }
0x68: {  	_ =	shalt  }
0x69: {  	_ =	shalt  }
0x6a: {  	_ =	shalt  }
0x6b: {  	_ =	shalt  }
0x6c: {  	_ =	shalt  }
0x6d: {  	_ =	shalt  }
0x6e: {  	_ =	shalt  }
0x6f: {  	_ =	shalt  }
0x70: {  	_ =	shalt  }
0x71: {  	_ =	shalt  }
0x72: {  	_ =	shalt  }
0x73: {  	_ =	shalt  }
0x74: {  	_ =	shalt  }
0x75: {  	_ =	shalt  }
0x76: {  	_ =	shalt  }
0x77: {  	_ =	shalt  }
0x78: {  	_ =	shalt  }
0x79: {  	_ =	shalt  }
0x7a: {  	_ =	shalt  }
0x7b: {  	_ =	shalt  }
0x7c: {  	_ =	shalt  }
0x7d: {  	_ =	shalt  }
0x7e: {  	_ =	shalt  }
0x7f: {  	_ =	shalt  }
0x80: {  	_ =	shalt  }
0x81: {  	_ =	shalt  }
0x82: {  	_ =	shalt  }
0x83: {  	_ =	shalt  }
0x84: {  	_ =	shalt  }
0x85: {  	_ =	shalt  }
0x86: {  	_ =	shalt  }
0x87: {  	_ =	shalt  }
.Lfunc_end0:
.L_simem_size_0:
called_computation.3_lowered:
.L_overlay_start_0:
0x88: {  	s2 =	sld [smem:$0x3FD9]  }
0x89: {  	s3 =	sld [smem:$0x3FFE];
	_ =	sdelay $0x1  }
0x8a: {  	s1 =	srdreg.scid  }
0x8b: {  	s0 =	sand.u32 $0x1, s1  }
0x8c: {  	s17 =	sshll.u32 s0, $0xA;
	s2 =	sadd.s32 s3, s2  }
0x8d: {  	s2 =	sadd.s32 s2, s17  }
0x8e: {  	[smem:$0x3FB6] =	sst s2  }
0x8f: {  	_ = 	snop  }
0x90: {  	s2 =	sld [smem:$0x3FD0];
	(tm) =	ssettm $0x1  }
0x91: {  	s18 =	sld [smem:$0x3FFB];
	_ =	sdelay $0x3  }
0x92: {  	_ =	strace s18  }
0x93: {  	s3 =	sld [smem:$0x3FFC];
	_ =	sdelay $0x3  }
0x94: {  	_ =	strace s3  }
0x95: {  	s3 =	sld [smem:$0x3FFD];
	_ =	sdelay $0x3  }
0x96: {  	_ =	strace s3  }
0x97: {  	_ =	strace $0x8FFFFFFF  }
0x98: {  	s19 =	sld [smem:$0x3FDB];
	_ =	sdelay $0x1  }
0x99: {  	s4 =	simm.s32 $_scs_section_size  }
0x9a: {  	s5 =	simm.s32 $_size__tile_overlayer_lowered;
	s6 =	simm.s32 $_tile_overlayer_lowered  }
0x9b: {  	s22 =	simm.s32 $0x1BFF;
	s21 =	sshll.u32 s6, $0x1;
	s3 =	sadd.s32 s4, s19  }
0x9c: {  	s7 =	simm.s32 $0x0;
	s20 =	sshll.u32 s5, $0x1;
	s5 =	sadd.s32 s21, s3  }
0x9d: {  	[timem:s7], [sflag:s22] =	dma.local [hbm:s5], s20  }
0x9e: {  	_ =	swait.ge [sflag:s22], s20  }
0x9f: {  	s4 =	ssub.s32 $0x0, s20;
	[sflag:s22] =	ssyncset.done $0x0  }
0xa0: {  	[sflag:s22] =	ssyncadd.s32 s4;
	_ =	sdelay $0x1  }
0xa1: {  	s23 =	simm.s32 $0x1B8B  }
0xa2: {  	_ =	swait.ge [sflag:s23], $0x1  }
0xa3: {  	[sflag:s23] =	ssyncset.done $0x0  }
0xa4: {  	s25 =	simm.s32 $0x1B8E;
	s24 =	sld [smem:$0x3FFE];
	[sflag:s23] =	ssyncadd.s32 $0xFFFFFFFF  }
0xa5: {  	s26 =	simm.s32 $execute0_lowered;
	[smem:$0x3FD2] =	sst s25  }
0xa6: {  	s5 =	sshll.u32 s26, $0x1;
	_ =	strace $0x8000004F;
	[dreg:$0x1] =	wrdreg $0xFFFFFFFF  }
0xa7: {  	s28 =	simm.s32 $_size_execute0_lowered;
	s3 =	sadd.s32 s3, s5;
	[dreg:$0x0] =	wrdreg $0x0  }
0xa8: {  	s5 =	sshll.u32 s28, $0x1;
	[dreg:$0x2] =	wrdreg s3  }
0xa9: {  	[dreg:$0x3] =	wrdreg s5  }
0xaa: {  	[dreg:$0x4] =	wrdreg $0xC0  }
0xab: {  	_ =	task [dreg:s7], $0x5FFFF  }
0xac: {  	[dreg:$0x1] =	wrdreg $0xFFFFFFFF  }
0xad: {  	[dreg:$0x0] =	wrdreg $0x60  }
0xae: {  	[dreg:$0x2] =	wrdreg s2  }
0xaf: {  	[dreg:$0x3] =	wrdreg s24  }
0xb0: {  	[dreg:$0x4] =	wrdreg $0xDE000  }
0xb1: {  	[dreg:$0x5] =	wrdreg $0x9  }
0xb2: {  	_ =	task.clear_ibuf [dreg:s7], $0x6FFFF;
	_ =	strace $0x9000004F  }
0xb3: {  	s29 =	simm.s32 $0x9;
	_ =	strace $0x80000051  }
0xb4: {  	_ =	swait.ge [sflag:s29], $0x1  }
0xb5: {  	[sflag:s29] =	ssyncadd.s32 $0xFFFFFFFF  }
0xb6: {  	_ =	strace $0x90000051  }
0xb7: {  	_ =	sfence  }
0xb8: {  	s30 =	sld [smem:$0x0];
	_ =	sdelay $0x2  }
0xb9: {  	s31 =	sshll.u32 s1, $0xD;
	s1 =	sshrl.u32 s1, $0x2  }
0xba: {  	s3 =	sand.u32 $0x4000, s31;
	s1 =	sadd.s32 s1, s30  }
0xbb: {  	s0 =	sor.u32 s3, s0;
	s1 =	sshll.u32 s1, $0x11  }
0xbc: {  	s0 =	sor.u32 s1, s0  }
0xbd: {  	s0 =	sadd.s32 $0x8F2B, s0  }
0xbe: {  	[sflag:s0] =	ssyncadd.remote.s32 $0x1  }
0xbf: {  	_ =	sfence.sel $0xFFFF  }
0xc0: {  	[dreg:$0x0] =	wrdreg $0xFFFFFFFF;
	(pc) =	sbr.abs _section_cstart, $3  }
0xc1: {  	[dreg:$0x1] =	wrdreg $0xFFFFFFFF  }
0xc2: {  	_ =	task.clear_ibuf [dreg:s7], $0x2FFFF;
	_ =	strace $0x9FFFFFFF  }
0xc3: {  	(tm) =	ssettm $0x7FFFFFFF  }
tec
execute0_lowered:
.L_overlay_start_1:
0x0: {  	(tag) =	ssettag $0x1  }
0x1: {  	s0 =	rddreg [dreg:$0x0]  }
0x2: {  	s1 =	srdreg.scid;
	s4 =	rddreg [dreg:$0x1]  }
0x3: {  	s2 =	rddreg [dreg:$0x2];
	s5 =	stileid.u32  }
0x4: {  	s3 =	simm.s32 $0x0;
	s16 =	simm.s32 $0x5000;
	s17 =	simm.s32 $0x3  }
0x5: {  	s18 =	simm.s32 $0x1;
	s19 =	simm.s32 $0x20;
	s22 =	simm.s32 $0xCD80  }
0x6: {  	s23 =	simm.s32 $0x0;
	s1 =	sand.u32 $0x1, s1;
	[smem:$0x7FF] =	sst s3  }
0x7: {  	s28 =	sadd.s32 $0x41600, s4;
	s29 =	sadd.s32 $0x19600, s4;
	s30 =	sadd.s32 $0x18A00, s4  }
0x8: {  	s7 =	sadd.s32 $0x19000, s4;
	s9 =	sadd.s32 $0x17E00, s4;
	p0 =	seq.s32 s5, $0x4  }
0x9: {  	s10 =	sadd.s32 $0x17C00, s4;
	_ =	strace $0x80000050;
	[dreg:$0x4] =	wrdreg s28  }
0xa: {  	p2 =	seq.s32 s5, $0x5;
	p3 =	seq.s32 s5, $0x6;
	[dreg:$0x5] =	wrdreg s29  }
0xb: {  	p4 =	seq.s32 s5, $0x7;
	s8 =	sshll.u32 s1, $0x4;
	[dreg:$0x6] =	wrdreg s30  }
0xc: {  	s11 =	ssub.s32 $0x2, s1;
	p1 =	seq.s32 s1, $0x0;
	s6 =	sor.u32 s5, s8  }
0xd: {  	s14 =	sadd.s32 s8, s4;
	s8 =	sadd.s32 $0x18000, s4;
	s13 =	sshrl.u32 s11, $0x1  }
0xe: {  	p0 =	por !p1, !p0;
	p2 =	por !p1, !p2;
	p3 =	por !p1, !p3  }
0xf: {  	p1 =	por !p1, !p4;
	s6 =	smul.u32 $0x500, s6;
	s31 =	ssub.s32 s11, s13  }
.Ltmp0:
0x10: {  	p0 =	por !p0, !p0;
	p2 =	por !p2, !p2;
	(pc) =	sbr.rel .LBB2_1-.Ltmp0, $4  }
0x11: {  	p4 =	por !p3, !p3;
	p3 =	por !p1, !p1;
	s13 =	sadd.s32 $0x18200, s4  }
0x12: {  	s14 =	sadd.s32 $0x17A00, s14;
	p1 =	sne.s32 s5, $0x0;
	s15 =	smax.u32 s31, $0x1  }
0x13: {  	v0 =	vimm.f32 $0.0e+00;
	v1 =	vimm.f32 $1.000000000e+00;
	v2 =	vlaneseq.u32;
	p3 =	por @!p2 !p3, p4;
	p4 =	por !p4, p2;
	s12 =	sadd.s32 s6, s4  }
0x14: {  	v3 =	vimm.s32 $0x20;
	v5 =	vimm.s32 $0x0;
	v4 =	vor.u32 $0x10, v2;
	p3 =	por p3, p2;
	s11 =	sadd.s32 $0x3A00, s12;
	s12 =	sadd.s32 $0xDA00, s12  }
.LBB2_12:
0x15: {  	s1 =	sshrl.u32 s2, $0x3;
	s4 =	simm.s32 $0x10;
	s5 =	simm.s32 $0x1C03  }
0x16: {  	[hbm:s14@s19], [sflag:s5] =	dma.strided [spmem:s1@s4], $0x80, s18, $0x10   }
0x17: {  	_ =	swait.ge [sflag:s17], $0x80  }
0x18: {  	[sflag:s17] =	ssyncset.done $0x0  }
0x19: {  	[sflag:s17] =	ssyncadd.s32 $0xFFFFFF80  }
.LBB2_16:
0x1a: {  	s23 =	sadd.s32 $0x1, s23  }
0x1b: {  	p5 =	sne.s32 s23, s15  }
.Ltmp1:
0x1c: {  	_ = 	snop;
	(pc) =	sbr.rel @!p5 .LBB2_17-.Ltmp1, $1  }
0x1d: {  	_ =	sdelay $0x3  }
.LBB2_1:
0x1e: {  	s1 =	simm.s32 $0x40;
	s4 =	simm.s32 $0x0  }
.LBB2_2:
0x1f: {  	p5 =	sne.s32 s1, $0x11C0;
	[tilespmem:s4+$0xC900] =	vst v0;
	s4 =	smov.u32 s1;
	s1 =	sadd.s32 $0x40, s1  }
.Ltmp2:
0x20: {  	(pc) =	sbr.rel @p5 .LBB2_2-.Ltmp2, $2  }
0x21: {  	_ =	sdelay $0x2  }
0x22: {  	s4 =	sshra.s32 s4, $0x2  }
0x23: {  	[tilespmem:s4+$0xC900] =	vst v0  }
0x24: {  	[tilespmem:$0xC880] =	vst v1  }
0x25: {  	[tilespmem:$0xC890] =	vst v1  }
0x26: {  	[tilespmem:$0xC8A0] =	vst v1  }
0x27: {  	[tilespmem:$0xC8B0] =	vst v1  }
0x28: {  	[tilespmem:$0xC8C0] =	vst v1  }
0x29: {  	[tilespmem:$0xC8D0] =	vst v1  }
0x2a: {  	[tilespmem:$0xC8E0] =	vst v1  }
0x2b: {  	s1 =	simm.s32 @!p1 $0xC900;
	[tilespmem:$0xC8F0] =	vst v1  }
0x2c: {  	[spmem:s2] =	stream.linear.scatter @!p1 [tilespmem:s1], [sflag:$0x3], $0x480, $0x38;
	[tilespmem:$0xDE48] =	vst v63  }
0x2d: {  	s1 =	simm.s32 @!p1 $0x3  }
0x2e: {  	_ =	swait.ge @!p1 [sflag:s1], $0x480  }
0x2f: {  	[sflag:s1] =	ssyncset.done @!p1 $0x0  }
0x30: {  	s4 =	simm.s32 $0x0;
	[sflag:s1] =	ssyncadd.s32 @!p1 $0xFFFFFB80;
	s1 =	simm.s32 $0x40  }
.LBB2_4:
0x31: {  	p5 =	sne.s32 s1, $0x9FC0;
	[tilespmem:s4+$0x0] =	vst v3;
	s4 =	smov.u32 s1;
	s1 =	sadd.s32 $0x40, s1  }
.Ltmp3:
0x32: {  	(pc) =	sbr.rel @p5 .LBB2_4-.Ltmp3, $2  }
0x33: {  	_ =	sdelay $0x2  }
0x34: {  	s4 =	sshra.s32 s4, $0x2  }
0x35: {  	[tilespmem:s4+$0x0] =	vst v3;
	s24 =	simm.s32 $0x0  }
0x36: {  	[tilespmem:s16], [sflag:$0x3] =	stream.linear.gather [hbm4b:s0+s24], $0x80, $0x38;
	[tilespmem:$0xDE48] =	vst v63  }
0x37: {  	_ =	swait.ge [sflag:s17], $0x80  }
0x38: {  	[sflag:s17] =	ssyncset.done $0x0  }
0x39: {  	[sflag:s17] =	ssyncadd.s32 $0xFFFFFF80  }
0x3a: {  	v6 =	vld [tilespmem:$0x5000];
	_ =	sdelay $0x7  }
0x3b: {  	[tilespmem:v6+s24+$0x0] =	vst.idx.msk $0xffff, v2  }
0x3c: {  	v6 =	vld [tilespmem:$0x5010];
	_ =	sdelay $0x7  }
0x3d: {  	s25 =	simm.s32 $0x5080;
	[tilespmem:v6+s24+$0x0] =	vst.idx.msk $0xffff, v4  }
0x3e: {  	[tilespmem:s25], [sflag:$0x3] =	stream.linear.gather [hbm4b:s11+s24], $0x2780, $0x38;
	[tilespmem:$0xDE48] =	vst v63  }
0x3f: {  	_ =	swait.ge [sflag:s17], $0x2780  }
0x40: {  	[sflag:s17] =	ssyncset.done $0x0  }
0x41: {  	s26 =	simm.s32 $0x7880;
	[sflag:s17] =	ssyncadd.s32 $0xFFFFD880  }
0x42: {  	[tilespmem:s26], [sflag:$0x3] =	stream.linear.gather [hbm4b:s12+s24], $0x2780, $0x38;
	[tilespmem:$0xDE48] =	vst v63  }
0x43: {  	_ =	swait.ge [sflag:s17], $0x2780  }
0x44: {  	[sflag:s17] =	ssyncset.done $0x0  }
0x45: {  	s5 =	simm.s32 $0xA080;
	s29 =	simm.s32 $0x0;
	[sflag:s17] =	ssyncadd.s32 $0xFFFFD880  }
.LBB2_6:
0x46: {  	v6 =	vld [tilespmem:s26+$0x0]  }
0x47: {  	v7 =	vld [tilespmem:s25+$0x0];
	_ =	sdelay $0x6  }
0x48: {  	v6 =	vld.idx.msk [tilespmem:v6+s3+$0x0], $0xffff  }
0x49: {  	v7 =	vld.idx.msk [tilespmem:v7+s3+$0x0], $0xffff;
	_ =	sdelay $0x4  }
0x4a: {  	s1 =	simm.s32 $0x400;
	vm0 =	vlt.s32 v7, $0x20;
	vm1 =	vlt.s32 v6, $0x20;
	v7 =	vshll.u32 v7, $0x5  }
0x4b: {  	v8 =	vor.u32 s1, v2;
	vm0 =	vmand vm0, vm1;
	v6 =	vadd.s32 v6, v7  }
0x4c: {  	v6 =	vsel vm0, v6, v8  }
0x4d: {  	s1 =	sadd.s32 $0x10, s26;
	[tilespmem:s5+$0x0] =	vst v6  }
0x4e: {  	s20 =	sadd.s32 $0x10, s25;
	v6 =	vld [tilespmem:s1+$0x0]  }
0x4f: {  	v7 =	vld [tilespmem:s20+$0x0]  }
0x50: {  	v8 =	vsel vm0, $0x1, v5  }
0x51: {  	(xrf0) =	vadd.scan.msk.s32 $0xffff, v8;
	_ =	sdelay $0x4  }
0x52: {  	v8 =	vld.idx.msk [tilespmem:v6+s3+$0x0], $0xffff  }
0x53: {  	v6 =	vld.idx.msk [tilespmem:v7+s3+$0x0], $0xffff;
	v7, _, _ =	vpop (xrf0)  }
0x54: {  	(v2sf) =	vpush v7, $0xF;
	_ =	sdelay $0x8  }
0x55: {  	s28 =	simm.s32 $0x410;
	s21 =	simm.s32 $0x420;
	s30 =	simm.s32 $0x430;
	vm0 =	vlt.s32 v6, $0x20;
	vm1 =	vlt.s32 v8, $0x20;
	v7 =	vshll.u32 v6, $0x5  }
0x56: {  	s4 =	simm.s32 $0x440;
	s31 =	simm.s32 $0x0;
	v6 =	vor.u32 s28, v2;
	s28 =	smov.u32 s5;
	vm0 =	vmand vm0, vm1;
	v7 =	vadd.s32 v8, v7  }
.LBB2_7:
0x57: {  	p5 =	sne.s32 s4, $0x470;
	v6 =	vsel vm0, v7, v6;
	v7 =	vsel vm0, $0x1, v5;
	s28 =	sadd.s32 $0x10, s28  }
0x58: {  	s1 =	sadd.s32 $0x10, s1;
	[tilespmem:s28+$0x0] =	vst v6;
	(xrf0) =	vadd.scan.msk.s32 $0xffff, v7  }
0x59: {  	s20 =	sadd.s32 $0x10, s20;
	v6 =	vld [tilespmem:s1+$0x0]  }
0x5a: {  	v7 =	vld [tilespmem:s20+$0x0]  }
0x5b: {  	s6 =	spop (v2sf)  }
0x5c: {  	s31 =	sadd.s32 s31, s6;
	_ =	sdelay $0x1  }
0x5d: {  	v8, _, _ =	vpop (xrf0)  }
0x5e: {  	(v2sf) =	vpush v8, $0xF;
	_ =	sdelay $0x1  }
0x5f: {  	v8 =	vld.idx.msk [tilespmem:v6+s3+$0x0], $0xffff  }
0x60: {  	v6 =	vld.idx.msk [tilespmem:v7+s3+$0x0], $0xffff;
	_ =	sdelay $0x2  }
.Ltmp4:
0x61: {  	(pc) =	sbr.rel @p5 .LBB2_7-.Ltmp4, $3  }
0x62: {  	_ =	sdelay $0x1  }
0x63: {  	vm1 =	vlt.s32 v8, $0x20;
	vm0 =	vlt.s32 v6, $0x20;
	v7 =	vshll.u32 v6, $0x5  }
0x64: {  	v6 =	vor.u32 s21, v2;
	s21 =	smov.u32 s30;
	s30 =	smov.u32 s4;
	s4 =	sadd.s32 $0x10, s4;
	vm0 =	vmand vm0, vm1;
	v7 =	vadd.s32 v8, v7  }
0x65: {  	v6 =	vsel vm0, v7, v6;
	s4 =	sadd.s32 $0x10, s28  }
0x66: {  	s1 =	sadd.s32 $0x10, s1;
	[tilespmem:s4+$0x0] =	vst v6  }
0x67: {  	s6 =	sadd.s32 $0x10, s20;
	v6 =	vld [tilespmem:s1+$0x0]  }
0x68: {  	v7 =	vld [tilespmem:s6+$0x0];
	_ =	sdelay $0x6  }
0x69: {  	v6 =	vld.idx.msk [tilespmem:v6+s3+$0x0], $0xffff  }
0x6a: {  	v7 =	vld.idx.msk [tilespmem:v7+s3+$0x0], $0xffff;
	_ =	sdelay $0x4  }
0x6b: {  	vm1 =	vlt.s32 v7, $0x20;
	vm2 =	vlt.s32 v6, $0x20;
	v7 =	vshll.u32 v7, $0x5  }
0x6c: {  	v8 =	vor.u32 s21, v2;
	vm1 =	vmand vm1, vm2;
	v6 =	vadd.s32 v6, v7  }
0x6d: {  	s4 =	sadd.s32 $0x10, s4;
	v6 =	vsel vm1, v6, v8  }
0x6e: {  	s1 =	sadd.s32 $0x10, s1;
	[tilespmem:s4+$0x0] =	vst v6  }
0x6f: {  	s6 =	sadd.s32 $0x10, s6;
	v6 =	vld [tilespmem:s1+$0x0]  }
0x70: {  	v7 =	vld [tilespmem:s6+$0x0];
	_ =	sdelay $0x6  }
0x71: {  	v6 =	vld.idx.msk [tilespmem:v6+s3+$0x0], $0xffff  }
0x72: {  	v7 =	vld.idx.msk [tilespmem:v7+s3+$0x0], $0xffff;
	_ =	sdelay $0x4  }
0x73: {  	v59 =	vsel vm0, $0x1, v5;
	vm14 =	vlt.s32 v7, $0x20;
	vm15 =	vlt.s32 v6, $0x20  }
0x74: {  	(xrf0) =	vadd.scan.msk.s32 $0xffff, v59;
	v9 =	vsel vm1, $0x1, v5;
	vm0 =	vmand vm14, vm15  }
0x75: {  	(xrf0) =	vadd.scan.msk.s32 $0xffff, v9;
	v60 =	vsel vm0, $0x1, v5  }
0x76: {  	(xrf0) =	vadd.scan.msk.s32 $0xffff, v60;
	_ =	sdelay $0x3  }
0x77: {  	v61, _, _ =	vpop (xrf0)  }
0x78: {  	(v2sf) =	vpush v61, $0xF;
	v9, _, _ =	vpop (xrf0)  }
0x79: {  	(v2sf) =	vpush v9, $0xF;
	v62, _, _ =	vpop (xrf0)  }
0x7a: {  	(v2sf) =	vpush v62, $0xF;
	_ =	sdelay $0xb  }
0x7b: {  	s20 =	spop (v2sf)  }
0x7c: {  	s1 =	sadd.s32 s31, s20;
	s21 =	spop (v2sf)  }
0x7d: {  	s1 =	sadd.s32 s1, s21;
	s28 =	spop (v2sf)  }
0x7e: {  	s1 =	sadd.s32 s1, s28;
	s31 =	spop (v2sf)  }
0x7f: {  	s1 =	sadd.s32 s1, s31  }
0x80: {  	v7 =	vshll.u32 v7, $0x5;
	p5 =	slt.s32 s1, $0x1  }
0x81: {  	v63 =	vor.u32 s30, v2;
	v6 =	vadd.s32 v6, v7;
	s6 =	sshll.u32 @!p5 s29, $0x7  }
0x82: {  	s4 =	sadd.s32 $0x10, s4;
	v6 =	vsel vm0, v6, v63;
	s6 =	sand.u32 @!p5 $0x3FFFFF80, s6  }
0x83: {  	[tilespmem:s4+$0x0] =	vst v6;
	s20 =	simm.s32 @!p5 $0xC880;
	s4 =	sadd.s32 @!p5 $0xA080, s6;
	s6 =	simm.s32 @!p5 $0x80  }
0x84: {  	[spmem:s2] =	stream.indirect.scatter.add.f32 @!p5 [tilespmem:s20], [sflag:$0x2], $0x1, s4, s6, $0xb8;
	[tilespmem:$0xDE48] =	vst v63  }
0x85: {  	s29 =	sadd.s32 $0x1, s29;
	p5 =	sgt.s32 s1, $0x0;
	s1 =	simm.s32 $0x1  }
0x86: {  	s1 =	simm.s32 @!p5 $0x0;
	p5 =	sne.s32 s29, $0x4F  }
.Ltmp5:
0x87: {  	_ = 	snop;
	(pc) =	sbr.rel @p5 .LBB2_6-.Ltmp5, $3  }
0x88: {  	_ =	sdelay $0x1  }
0x89: {  	s5 =	sadd.s32 $0x80, s5  }
0x8a: {  	s26 =	sadd.s32 $0x80, s26;
	s25 =	sadd.s32 $0x80, s25;
	s24 =	sadd.s32 s1, s24  }
0x8b: {  	p5 =	sle.s32 s24, $0x0  }
0x8c: {  	s4 =	simm.s32 @!p5 $0x2  }
0x8d: {  	_ =	swait.ge @!p5 [sflag:s4], $0x80  }
0x8e: {  	s1 =	simm.s32 $0x1;
	[sflag:s4] =	ssyncset.done @!p5 $0x0  }
.LBB2_10:
0x8f: {  	[sflag:s4] =	ssyncadd.s32 @!p5 $0xFFFFFF80;
	s4 =	smov.u32 s1;
	s1 =	sadd.s32 $0x1, s1  }
0x90: {  	p6 =	sne.s32 s1, $0x4F  }
.Ltmp6:
0x91: {  	(pc) =	sbr.rel @p6 .LBB2_10-.Ltmp6, $4  }
0x92: {  	p5 =	sge.s32 s4, s24  }
0x93: {  	s4 =	simm.s32 @!p5 $0x2  }
0x94: {  	_ =	swait.ge @!p5 [sflag:s4], $0x80  }
0x95: {  	[sflag:s4] =	ssyncset.done @!p5 $0x0  }
.Ltmp7:
0x96: {  	(pc) =	sbr.rel @!p1 .LBB2_12-.Ltmp7, $3  }
0x97: {  	_ = 	snop  }
0x98: {  	[sflag:s4] =	ssyncadd.s32 @!p5 $0xFFFFFF80  }
0x99: {  	[bflag:$0x0] =	sbarrier.arrive $0xFFFF;
	_ =	sdelay $0x1  }
.Ltmp8:
0x9a: {  	(pc) =	sbr.rel @!p0 .LBB2_15-.Ltmp8, $1  }
0x9b: {  	_ =	sdelay $0x3  }
0x9c: {  	s1 =	rddreg [dreg:$0x4]  }
0x9d: {  	[tilespmem:s22], [sflag:$0x1] =	stream.indirect.gather [hbm4b:s1+s19], $0x80, s16, s19, $0xb8;
	[tilespmem:$0xDE48] =	vst v63  }
0x9e: {  	_ =	swait.ge [sflag:s18], $0x1000  }
0x9f: {  	[sflag:s18] =	ssyncset.done $0x0  }
.Ltmp9:
0xa0: {  	[sflag:s18] =	ssyncadd.s32 $0xFFFFF000;
	(pc) =	sbr.rel .LBB2_16-.Ltmp9, $4  }
0xa1: {  	[hbm4b:s8+s3] =	stream.linear.scatter [tilespmem:s22], [sflag:$0x3], $0x1000, $0x38;
	[tilespmem:$0xDE48] =	vst v63  }
0xa2: {  	_ =	swait.ge [sflag:s17], $0x1000  }
0xa3: {  	[sflag:s17] =	ssyncset.done $0x0  }
0xa4: {  	[sflag:s17] =	ssyncadd.s32 $0xFFFFF000  }
.LBB2_15:
0xa5: {  	s1 =	simm.s32 @!p3 $0x0;
	s4 =	simm.s32 @!p3 $0x2800;
	s5 =	simm.s32 @!p3 $0x3  }
0xa6: {  	[tilespmem:s4], [sflag:$0x3] =	stream.linear.gather @!p3 [hbm4b:s7+s1], $0x2800, $0x38;
	[tilespmem:$0xDE48] =	vst v63  }
0xa7: {  	_ =	swait.ge @!p3 [sflag:s5], $0x2800  }
0xa8: {  	[sflag:s5] =	ssyncset.done @!p3 $0x0  }
0xa9: {  	[sflag:s5] =	ssyncadd.s32 @!p3 $0xFFFFD800  }
0xaa: {  	v6 =	vld @!p3 [tilespmem:$0x5000];
	_ =	sdelay $0x5  }
0xab: {  	v7 =	vld @!p3 [tilespmem:$0x5010];
	_ =	sdelay $0x1  }
0xac: {  	v6 =	vld.idx.msk @!p3 [tilespmem:v6+s4+$0x0], $0xffff;
	_ =	sdelay $0x4  }
0xad: {  	[tilespmem:$0xDD80] =	vst @!p3 v6  }
0xae: {  	v6 =	vld.idx.msk @!p3 [tilespmem:v7+s4+$0x0], $0xffff;
	_ =	sdelay $0x4  }
0xaf: {  	s4 =	simm.s32 @!p3 $0xDD80;
	[tilespmem:$0xDD90] =	vst @!p3 v6  }
0xb0: {  	[hbm4b:s10+s1] =	stream.linear.scatter @!p3 [tilespmem:s4], [sflag:$0x3], $0x80, $0x38;
	[tilespmem:$0xDE48] =	vst v63  }
0xb1: {  	_ =	swait.ge @!p3 [sflag:s5], $0x80  }
0xb2: {  	s1 =	simm.s32 @!p4 $0x0;
	[sflag:s5] =	ssyncset.done @!p3 $0x0  }
0xb3: {  	s4 =	simm.s32 @!p4 $0x2800;
	[sflag:s5] =	ssyncadd.s32 @!p3 $0xFFFFFF80;
	s5 =	rddreg [dreg:$0x6]  }
0xb4: {  	[tilespmem:s4], [sflag:$0x3] =	stream.linear.gather @!p4 [hbm4b:s5+s1], $0x2800, $0x38;
	[tilespmem:$0xDE48] =	vst v63  }
0xb5: {  	s5 =	simm.s32 @!p4 $0x3  }
0xb6: {  	_ =	swait.ge @!p4 [sflag:s5], $0x2800  }
0xb7: {  	[sflag:s5] =	ssyncset.done @!p4 $0x0  }
0xb8: {  	[sflag:s5] =	ssyncadd.s32 @!p4 $0xFFFFD800  }
0xb9: {  	v6 =	vld @!p4 [tilespmem:$0x5000];
	_ =	sdelay $0x5  }
0xba: {  	v7 =	vld @!p4 [tilespmem:$0x5010];
	_ =	sdelay $0x1  }
0xbb: {  	v6 =	vld.idx.msk @!p4 [tilespmem:v6+s4+$0x0], $0xffff;
	_ =	sdelay $0x4  }
0xbc: {  	[tilespmem:$0xDD80] =	vst @!p4 v6  }
0xbd: {  	v6 =	vld.idx.msk @!p4 [tilespmem:v7+s4+$0x0], $0xffff;
	_ =	sdelay $0x4  }
0xbe: {  	s4 =	simm.s32 @!p4 $0xDD80;
	[tilespmem:$0xDD90] =	vst @!p4 v6  }
0xbf: {  	[hbm4b:s9+s1] =	stream.linear.scatter @!p4 [tilespmem:s4], [sflag:$0x3], $0x80, $0x38;
	[tilespmem:$0xDE48] =	vst v63  }
0xc0: {  	_ =	swait.ge @!p4 [sflag:s5], $0x80  }
0xc1: {  	s1 =	simm.s32 @p2 $0x20;
	s4 =	simm.s32 @p2 $0x5000;
	[sflag:s5] =	ssyncset.done @!p4 $0x0  }
0xc2: {  	s6 =	rddreg [dreg:$0x5];
	[sflag:s5] =	ssyncadd.s32 @!p4 $0xFFFFFF80;
	s5 =	simm.s32 @p2 $0xCD80  }
0xc3: {  	[tilespmem:s5], [sflag:$0x1] =	stream.indirect.gather @p2 [hbm4b:s6+s1], $0x80, s4, s1, $0xb8;
	[tilespmem:$0xDE48] =	vst v63  }
0xc4: {  	s1 =	simm.s32 @p2 $0x1  }
0xc5: {  	_ =	swait.ge @p2 [sflag:s1], $0x1000  }
0xc6: {  	[sflag:s1] =	ssyncset.done @p2 $0x0  }
0xc7: {  	[sflag:s1] =	ssyncadd.s32 @p2 $0xFFFFF000;
	s1 =	simm.s32 @p2 $0x0  }
0xc8: {  	[hbm4b:s13+s1] =	stream.linear.scatter @p2 [tilespmem:s5], [sflag:$0x3], $0x1000, $0x38;
	[tilespmem:$0xDE48] =	vst v63  }
.Ltmp10:
0xc9: {  	_ = 	snop;
	(pc) =	sbr.rel .LBB2_16-.Ltmp10, $4  }
0xca: {  	s1 =	simm.s32 @p2 $0x3  }
0xcb: {  	_ =	swait.ge @p2 [sflag:s1], $0x1000  }
0xcc: {  	[sflag:s1] =	ssyncset.done @p2 $0x0  }
0xcd: {  	[sflag:s1] =	ssyncadd.s32 @p2 $0xFFFFF000  }
.LBB2_17:
0xce: {  	_ =	sfence.sel $0x180000  }
0xcf: {  	[bflag:$0x0] =	sbarrier.arrive $0xFFFF  }
0xd0: {  	_ =	strace $0x90000050  }
0xd1: {  	[bflag:$0x2] =	sbarrier.arrive $0xFFFF  }
0xd2: {  	s0 =	rddreg [dreg:$0x3]  }
0xd3: {  	s0 =	sadd.s32 @!p1 $0x100000, s0  }
0xd4: {  	[sflag:s0] =	ssyncadd.tile.s32 @!p1 $0x1;
	_ =	shalt  }
.Lfunc_end2:
_tile_overlayer_lowered:
.L_overlay_start_2:
0xd5: {  	(tag) =	ssettag $0x2  }
0xd6: {  	s0 =	rddreg [dreg:$0x0];
	s2 =	stileid.u32  }
0xd7: {  	s1 =	rddreg [dreg:$0x1];
	p0 =	sne.s32 s2, $0x0  }
0xd8: {  	s3 =	rddreg [dreg:$0x2];
	[bflag:$0x3] =	sbarrier.arrive $0xFFFF;
	s2 =	simm.s32 @!p0 $0x1C03  }
0xd9: {  	[timem:s3], [sflag:s2] =	dma.local @!p0 [hbm:s0], s1  }
0xda: {  	s0 =	simm.s32 @!p0 $0x3  }
0xdb: {  	_ =	swait.ge @!p0 [sflag:s0], s1  }
0xdc: {  	s1 =	ssub.s32 @!p0 $0x0, s1;
	[sflag:s0] =	ssyncset.done @!p0 $0x0  }
0xdd: {  	[sflag:s0] =	ssyncadd.s32 @!p0 s1  }
0xde: {  	[bflag:$0x3] =	sbarrier.arrive $0xFFFF  }
0xdf: {  	_ =	shalt  }

</sc_bundles>
